<compile_context>
chip_gen: v7x
topology: tpu7x:2x2x1
jax: 0.10.2.dev20260603
libtpu: 0.0.44.dev20260713+nightly
codegen_flags: <defaults>
</compile_context>

<pallas_src>
import jax
import jax.numpy as jnp
from jax import lax
from jax.experimental import pallas as pl
from jax.experimental.pallas import tpu as pltpu
from jax.experimental.pallas import tpu_sc as plsc

NC = 2
NS = 16
NW = NC * NS
CHUNK = 128
B = 16
BE = 16

_MESH = plsc.VectorSubcoreMesh(core_axis_name="c", subcore_axis_name="s")
_SC_PARAMS = pltpu.CompilerParams(use_tc_tiling_on_sc=False)


def _sc_degree(dst2d, n_pad, chunks_pw):
    rows_pt = n_pad // NS
    n_outer = chunks_pw // B

    def body(dst_hbm, out_hbm, idx_v, ones_v, stage_v, isem, sem, deg_sh):
        cid = lax.axis_index("c")
        sid = lax.axis_index("s")
        wid = cid * NS + sid

        z16 = jnp.zeros((16,), jnp.float32)

        def zloop(r, carry):
            stage_v[pl.ds(r * 16, 16)] = z16
            return carry

        lax.fori_loop(0, rows_pt // 16, zloop, 0)
        for i in range(CHUNK // 16):
            ones_v[pl.ds(i * 16, 16)] = jnp.full((16,), 1.0, jnp.float32)
        pltpu.sync_copy(stage_v, deg_sh.at[pl.ds(sid * rows_pt, rows_pt)])

        def idx_rows(o):
            return pl.ds(wid * chunks_pw + o * B, B)

        pltpu.async_copy(dst_hbm.at[idx_rows(0)], idx_v.at[0], isem)
        plsc.subcore_barrier()

        def step(o, carry):
            slot = lax.rem(o, 2)
            pltpu.make_async_copy(dst_hbm.at[idx_rows(0)], idx_v.at[slot],
                                  isem).wait()

            @pl.when(o + 1 < n_outer)
            def _():
                pltpu.async_copy(dst_hbm.at[idx_rows(o + 1)], idx_v.at[1 - slot],
                                 isem)

            descs = [pltpu.async_copy(ones_v, deg_sh.at[idx_v.at[slot, b]],
                                      sem, add=True) for b in range(B)]
            for d in descs:
                d.wait()
            return carry

        lax.fori_loop(0, n_outer, step, 0)
        plsc.subcore_barrier()
        pltpu.sync_copy(deg_sh.at[pl.ds(sid * rows_pt, rows_pt)], stage_v)
        pltpu.sync_copy(stage_v,
                        out_hbm.at[pl.ds(cid * n_pad + sid * rows_pt, rows_pt)])

    return pl.kernel(
        body,
        out_type=jax.ShapeDtypeStruct((NC * n_pad,), jnp.float32),
        mesh=_MESH,
        compiler_params=_SC_PARAMS,
        scratch_types=[
            pltpu.VMEM((2, B, CHUNK), jnp.int32),
            pltpu.VMEM((CHUNK,), jnp.float32),
            pltpu.VMEM((rows_pt,), jnp.float32),
            pltpu.SemaphoreType.DMA,
            pltpu.SemaphoreType.DMA,
            pltpu.VMEM_SHARED((n_pad,), jnp.float32),
        ],
    )(dst2d)


def _sc_scatter(hs, src2d, dst2d, n_pad, d_hid, chunks_pw):
    rows_pt = n_pad // NS
    n_outer = chunks_pw // BE

    def body(hs_hbm, src_hbm, dst_hbm, out_hbm,
             idx_v, rows_v, stage_v, isem, gsem, ssem, acc_sh):
        cid = lax.axis_index("c")
        sid = lax.axis_index("s")
        wid = cid * NS + sid

        z16 = jnp.zeros((16,), jnp.float32)

        def zloop(r, carry):
            stage_v[r, pl.ds(0, 16)] = z16
            stage_v[r, pl.ds(16, 16)] = z16
            return carry

        lax.fori_loop(0, rows_pt, zloop, 0)
        pltpu.sync_copy(stage_v, acc_sh.at[pl.ds(sid * rows_pt, rows_pt)])

        def idx_rows(o):
            return pl.ds(wid * chunks_pw + o * BE, BE)

        pltpu.async_copy(src_hbm.at[idx_rows(0)], idx_v.at[0, 0], isem)
        pltpu.async_copy(dst_hbm.at[idx_rows(0)], idx_v.at[0, 1], isem)
        plsc.subcore_barrier()

        def step(o, carry):
            slot = lax.rem(o, 2)
            pltpu.make_async_copy(src_hbm.at[idx_rows(0)], idx_v.at[slot, 0],
                                  isem).wait()
            pltpu.make_async_copy(dst_hbm.at[idx_rows(0)], idx_v.at[slot, 1],
                                  isem).wait()

            @pl.when(o + 1 < n_outer)
            def _():
                pltpu.async_copy(src_hbm.at[idx_rows(o + 1)],
                                 idx_v.at[1 - slot, 0], isem)
                pltpu.async_copy(dst_hbm.at[idx_rows(o + 1)],
                                 idx_v.at[1 - slot, 1], isem)

            gds = [pltpu.async_copy(hs_hbm.at[idx_v.at[slot, 0, b]],
                                    rows_v.at[b], gsem) for b in range(BE)]
            sds = []
            for b in range(BE):
                gds[b].wait()
                sds.append(pltpu.async_copy(rows_v.at[b],
                                            acc_sh.at[idx_v.at[slot, 1, b]],
                                            ssem, add=True))
            for d in sds:
                d.wait()
            return carry

        lax.fori_loop(0, n_outer, step, 0)
        plsc.subcore_barrier()
        pltpu.sync_copy(acc_sh.at[pl.ds(sid * rows_pt, rows_pt)], stage_v)
        pltpu.sync_copy(stage_v,
                        out_hbm.at[pl.ds(cid * n_pad + sid * rows_pt, rows_pt)])

    return pl.kernel(
        body,
        out_type=jax.ShapeDtypeStruct((NC * n_pad, d_hid), jnp.float32),
        mesh=_MESH,
        compiler_params=_SC_PARAMS,
        scratch_types=[
            pltpu.VMEM((2, 2, BE, CHUNK), jnp.int32),
            pltpu.VMEM((BE, CHUNK, d_hid), jnp.float32),
            pltpu.VMEM((rows_pt, d_hid), jnp.float32),
            pltpu.SemaphoreType.DMA,
            pltpu.SemaphoreType.DMA,
            pltpu.SemaphoreType.DMA,
            pltpu.VMEM_SHARED((n_pad, d_hid), jnp.float32),
        ],
    )(hs, src2d, dst2d)


def _tc_prescale(degp, x, W1, n, n_pad, d_hid, pad_edges):
    q, r = divmod(pad_edges, n_pad)

    def body(degp_ref, x_ref, w_ref, hs_ref, dinv_ref):
        rows = lax.broadcasted_iota(jnp.int32, (n_pad, 1), 0)
        contam = q + jnp.where(rows < r, 1.0, 0.0)
        deg = (degp_ref[pl.ds(0, n_pad)] + degp_ref[pl.ds(n_pad, n_pad)]
               )[:, None] + 1.0 - contam
        dinv = jnp.where(rows < n, lax.rsqrt(deg), 0.0)
        h = jnp.dot(x_ref[...], w_ref[...], preferred_element_type=jnp.float32)
        hs_ref[pl.ds(0, n), :] = h * dinv[:n, :]
        hs_ref[pl.ds(n, n_pad - n), :] = jnp.zeros((n_pad - n, d_hid), jnp.float32)
        dinv_ref[...] = dinv

    return pl.pallas_call(
        body,
        out_shape=[jax.ShapeDtypeStruct((n_pad, d_hid), jnp.float32),
                   jax.ShapeDtypeStruct((n_pad, 1), jnp.float32)],
    )(degp, x, W1)


def _tc_mid(accp, hs1, dinv, W2, b1, n_pad, d_hid):

    def body(accp_ref, hs_ref, dinv_ref, w_ref, b_ref, out_ref):
        acc = accp_ref[pl.ds(0, n_pad), :] + accp_ref[pl.ds(n_pad, n_pad), :]
        h1 = jnp.maximum((acc + hs_ref[...]) * dinv_ref[...] + b_ref[...], 0.0)
        out_ref[...] = jnp.dot(h1, w_ref[...],
                               preferred_element_type=jnp.float32) * dinv_ref[...]

    return pl.pallas_call(
        body,
        out_shape=jax.ShapeDtypeStruct((n_pad, d_hid), jnp.float32),
    )(accp, hs1, dinv, W2, b1)


def _tc_final(accp, hs2, dinv, b2, batch_p, W_out, b_out, n_pad, n_graphs):

    def body(accp_ref, hs_ref, dinv_ref, b2_ref, batch_ref, wo_ref, bo_ref, out_ref):
        acc = accp_ref[pl.ds(0, n_pad), :] + accp_ref[pl.ds(n_pad, n_pad), :]
        h2 = jnp.maximum((acc + hs_ref[...]) * dinv_ref[...] + b2_ref[...], 0.0)
        seg = lax.broadcasted_iota(jnp.int32, (n_graphs, n_pad), 0)
        oh = (batch_ref[...] == seg).astype(jnp.float32)
        pooled = jnp.dot(oh, h2, preferred_element_type=jnp.float32)
        out_ref[...] = jnp.dot(pooled, wo_ref[...],
                               preferred_element_type=jnp.float32) + bo_ref[...]

    return pl.pallas_call(
        body,
        out_shape=jax.ShapeDtypeStruct((n_graphs, W_out.shape[1]), jnp.float32),
    )(accp, hs2, dinv, b2, batch_p, W_out, b_out)


def kernel(x, edge_index, batch, W1, b1, W2, b2, W_out, b_out):
    n, d_in = x.shape
    d_hid = W1.shape[1]
    n_graphs = 64
    e = edge_index.shape[1]

    chunks_pw = -(-(-(-e // (NW * CHUNK))) // B) * B
    e_pad = NW * chunks_pw * CHUNK
    n_pad = -(-(n + 1) // (NS * 16)) * (NS * 16)

    pad = jnp.arange(e_pad - e, dtype=jnp.int32)
    src2d = jnp.concatenate([edge_index[0],
                             n + pad % (n_pad - n)]).reshape(-1, CHUNK)
    dst2d = jnp.concatenate([edge_index[1], pad % n_pad]).reshape(-1, CHUNK)
    batch_p = jnp.concatenate(
        [batch, jnp.full((n_pad - n,), n_graphs, jnp.int32)])[None, :]

    degp = _sc_degree(dst2d, n_pad, chunks_pw)
    hs1, dinv = _tc_prescale(degp, x, W1, n, n_pad, d_hid, e_pad - e)
    acc1 = _sc_scatter(hs1, src2d, dst2d, n_pad, d_hid, chunks_pw)
    hs2 = _tc_mid(acc1, hs1, dinv, W2, b1.reshape(1, d_hid), n_pad, d_hid)
    acc2 = _sc_scatter(hs2, src2d, dst2d, n_pad, d_hid, chunks_pw)
    return _tc_final(acc2, hs2, dinv, b2.reshape(1, d_hid), batch_p,
                     W_out, b_out.reshape(1, 1), n_pad, n_graphs)

# --- scband reference (transcript-rebuilt; emitter-appended) ---
"""Pipeline reference for scband-gcn-3530463118085 (READ-ONLY COPY).

The authoritative reference and input builder live on the scoring server;
editing this copy changes nothing except your own understanding.
"""

import jax, jax.numpy as jnp
import numpy as np

N_NODES = 10000
N_EDGES = 640000
N_GRAPHS = 64
D_IN = 128
D_HID = 32


def _gcn_conv(x, src, dst, W, b, n_nodes):
    # GCNConv: x' = D^{-1/2} (A + I) D^{-1/2} X W + b
    h = x @ W
    loop = jnp.arange(n_nodes, dtype=src.dtype)
    s = jnp.concatenate([src, loop])
    d = jnp.concatenate([dst, loop])
    deg = jnp.zeros((n_nodes,), dtype=h.dtype).at[d].add(1.0)
    dinv = jnp.where(deg > 0, jax.lax.rsqrt(jnp.maximum(deg, 1e-12)), 0.0)
    norm = dinv[s] * dinv[d]
    msg = h[s] * norm[:, None]
    out = jnp.zeros((n_nodes, h.shape[1]), dtype=h.dtype).at[d].add(msg)
    return out + b


def setup_inputs(seed: int = 0) -> dict:
    key = jax.random.key(seed)
    ks = jax.random.split(key, 9)
    x = jax.random.normal(ks[0], (N_NODES, D_IN), dtype=jnp.float32)
    edge_index = jax.random.randint(ks[1], (2, N_EDGES), 0, N_NODES, dtype=jnp.int32)
    batch = jnp.sort(jax.random.randint(ks[2], (N_NODES,), 0, N_GRAPHS, dtype=jnp.int32))
    W1 = jax.random.normal(ks[3], (D_IN, D_HID), dtype=jnp.float32) * (1.0 / np.sqrt(D_IN))
    b1 = jnp.zeros((D_HID,), dtype=jnp.float32)
    W2 = jax.random.normal(ks[4], (D_HID, D_HID), dtype=jnp.float32) * (1.0 / np.sqrt(D_HID))
    b2 = jnp.zeros((D_HID,), dtype=jnp.float32)
    W_out = jax.random.normal(ks[5], (D_HID, 1), dtype=jnp.float32) * (1.0 / np.sqrt(D_HID))
    b_out = jnp.zeros((1,), dtype=jnp.float32)
    return {"x": x, "edge_index": edge_index, "batch": batch,
            "W1": W1, "b1": b1, "W2": W2, "b2": b2,
            "W_out": W_out, "b_out": b_out}


def reference(x, edge_index, batch, W1, b1, W2, b2, W_out, b_out):
    src, dst = edge_index[0], edge_index[1]
    h = _gcn_conv(x, src, dst, W1, b1, N_NODES)
    h = jax.nn.relu(h)
    h = _gcn_conv(h, src, dst, W2, b2, N_NODES)
    h = jax.nn.relu(h)
    pooled = jax.ops.segment_sum(h, batch, num_segments=N_GRAPHS)
    return pooled @ W_out + b_out

if __name__ == "__main__":
    import jax
    _d = setup_inputs()
    print(jax.jit(kernel)(*tuple(_d.values())))

</pallas_src>

<mosaic_0001>
#map = affine_map<(d0, d1) -> (0, 0)>
#map1 = affine_map<(d0, d1) -> (0)>
module attributes {stable_mosaic.version = 14 : i64} {
  func.func @body(%arg0: i32, %arg1: i32, %arg2: memref<5120x128xi32, #tpu.memory_space<hbm>>, %arg3: memref<20480xf32, #tpu.memory_space<hbm>>, %arg4: memref<2x16x128xi32, #tpu.memory_space<vmem>>, %arg5: memref<128xf32, #tpu.memory_space<vmem>>, %arg6: memref<640xf32, #tpu.memory_space<vmem>>, %arg7: memref<!tpu.dma_semaphore, #tpu.memory_space<semaphore_mem>>, %arg8: memref<!tpu.dma_semaphore, #tpu.memory_space<semaphore_mem>>, %arg9: memref<10240xf32, #tpu.memory_space<vmem_shared>>) attributes {dimension_semantics = [#tpu.dimension_semantics<core_parallel>, #tpu.dimension_semantics<subcore_parallel>], iteration_bounds = array<i64: 2, 16>, scalar_prefetch = 0 : i64, scratch_operands = 6 : i64, tpu.core_type = #tpu.core_type<sc_vector_subcore>, window_params = [{transform_indices = #map}, {transform_indices = #map1}]} {
    %mul3A = arith.constant 16 : i32
    %mul3A_0 = arith.muli %arg0, %mul3A : i32
    %add3A = arith.addi %mul3A_0, %arg1 : i32
    %broadcast_in_dim3A = arith.constant 0.000000e+00 : f32
    %broadcast_in_dim3A_1 = vector.broadcast %broadcast_in_dim3A : f32 to vector<16xf32>
    %scan3A = arith.constant 0 : i32
    %scan3A_2 = arith.constant 0 : i32
    %scan3A_3 = arith.constant 40 : i32
    %scan3A_4 = arith.addi %scan3A_2, %scan3A_3 : i32
    %scan3A_5 = arith.constant 1 : i32
    scf.for %scan3A_86 = %scan3A_2 to %scan3A_4 step %scan3A_5  : i32 {
      %mul3A_87 = arith.constant 16 : i32
      %mul3A_88 = arith.muli %scan3A_86, %mul3A_87 : i32
      %swap3A_89 = arith.index_cast %mul3A_88 : i32 to index
      %swap3A_90 = tpu.vector_load %arg6[%swap3A_89] {strides = array<i32>} : memref<640xf32, #tpu.memory_space<vmem>>, vector<16xf32>,
      %swap3A_91 = vector.shape_cast %swap3A_90 : vector<16xf32> to vector<16xf32>
      %swap3A_92 = vector.shape_cast %broadcast_in_dim3A_1 : vector<16xf32> to vector<16xf32>
      tpu.vector_store %arg6[%swap3A_89], %swap3A_92 {strides = array<i32>} : memref<640xf32, #tpu.memory_space<vmem>>, vector<16xf32>,
    }
    %scan3A_6 = arith.constant 40 : i32
    %broadcast_in_dim3A_7 = arith.constant 1.000000e+00 : f32
    %broadcast_in_dim3A_8 = vector.broadcast %broadcast_in_dim3A_7 : f32 to vector<16xf32>
    %swap3A = arith.constant 0 : index
    %swap3A_9 = tpu.vector_load %arg5[%swap3A] {strides = array<i32>} : memref<128xf32, #tpu.memory_space<vmem>>, vector<16xf32>,
    %swap3A_10 = vector.shape_cast %swap3A_9 : vector<16xf32> to vector<16xf32>
    %swap3A_11 = vector.shape_cast %broadcast_in_dim3A_8 : vector<16xf32> to vector<16xf32>
    tpu.vector_store %arg5[%swap3A], %swap3A_11 {strides = array<i32>} : memref<128xf32, #tpu.memory_space<vmem>>, vector<16xf32>,
    %broadcast_in_dim3A_12 = arith.constant 1.000000e+00 : f32
    %broadcast_in_dim3A_13 = vector.broadcast %broadcast_in_dim3A_12 : f32 to vector<16xf32>
    %swap3A_14 = arith.constant 16 : index
    %swap3A_15 = tpu.vector_load %arg5[%swap3A_14] {strides = array<i32>} : memref<128xf32, #tpu.memory_space<vmem>>, vector<16xf32>,
    %swap3A_16 = vector.shape_cast %swap3A_15 : vector<16xf32> to vector<16xf32>
    %swap3A_17 = vector.shape_cast %broadcast_in_dim3A_13 : vector<16xf32> to vector<16xf32>
    tpu.vector_store %arg5[%swap3A_14], %swap3A_17 {strides = array<i32>} : memref<128xf32, #tpu.memory_space<vmem>>, vector<16xf32>,
    %broadcast_in_dim3A_18 = arith.constant 1.000000e+00 : f32
    %broadcast_in_dim3A_19 = vector.broadcast %broadcast_in_dim3A_18 : f32 to vector<16xf32>
    %swap3A_20 = arith.constant 32 : index
    %swap3A_21 = tpu.vector_load %arg5[%swap3A_20] {strides = array<i32>} : memref<128xf32, #tpu.memory_space<vmem>>, vector<16xf32>,
    %swap3A_22 = vector.shape_cast %swap3A_21 : vector<16xf32> to vector<16xf32>
    %swap3A_23 = vector.shape_cast %broadcast_in_dim3A_19 : vector<16xf32> to vector<16xf32>
    tpu.vector_store %arg5[%swap3A_20], %swap3A_23 {strides = array<i32>} : memref<128xf32, #tpu.memory_space<vmem>>, vector<16xf32>,
    %broadcast_in_dim3A_24 = arith.constant 1.000000e+00 : f32
    %broadcast_in_dim3A_25 = vector.broadcast %broadcast_in_dim3A_24 : f32 to vector<16xf32>
    %swap3A_26 = arith.constant 48 : index
    %swap3A_27 = tpu.vector_load %arg5[%swap3A_26] {strides = array<i32>} : memref<128xf32, #tpu.memory_space<vmem>>, vector<16xf32>,
    %swap3A_28 = vector.shape_cast %swap3A_27 : vector<16xf32> to vector<16xf32>
    %swap3A_29 = vector.shape_cast %broadcast_in_dim3A_25 : vector<16xf32> to vector<16xf32>
    tpu.vector_store %arg5[%swap3A_26], %swap3A_29 {strides = array<i32>} : memref<128xf32, #tpu.memory_space<vmem>>, vector<16xf32>,
    %broadcast_in_dim3A_30 = arith.constant 1.000000e+00 : f32
    %broadcast_in_dim3A_31 = vector.broadcast %broadcast_in_dim3A_30 : f32 to vector<16xf32>
    %swap3A_32 = arith.constant 64 : index
    %swap3A_33 = tpu.vector_load %arg5[%swap3A_32] {strides = array<i32>} : memref<128xf32, #tpu.memory_space<vmem>>, vector<16xf32>,
    %swap3A_34 = vector.shape_cast %swap3A_33 : vector<16xf32> to vector<16xf32>
    %swap3A_35 = vector.shape_cast %broadcast_in_dim3A_31 : vector<16xf32> to vector<16xf32>
    tpu.vector_store %arg5[%swap3A_32], %swap3A_35 {strides = array<i32>} : memref<128xf32, #tpu.memory_space<vmem>>, vector<16xf32>,
    %broadcast_in_dim3A_36 = arith.constant 1.000000e+00 : f32
    %broadcast_in_dim3A_37 = vector.broadcast %broadcast_in_dim3A_36 : f32 to vector<16xf32>
    %swap3A_38 = arith.constant 80 : index
    %swap3A_39 = tpu.vector_load %arg5[%swap3A_38] {strides = array<i32>} : memref<128xf32, #tpu.memory_space<vmem>>, vector<16xf32>,
    %swap3A_40 = vector.shape_cast %swap3A_39 : vector<16xf32> to vector<16xf32>
    %swap3A_41 = vector.shape_cast %broadcast_in_dim3A_37 : vector<16xf32> to vector<16xf32>
    tpu.vector_store %arg5[%swap3A_38], %swap3A_41 {strides = array<i32>} : memref<128xf32, #tpu.memory_space<vmem>>, vector<16xf32>,
    %broadcast_in_dim3A_42 = arith.constant 1.000000e+00 : f32
    %broadcast_in_dim3A_43 = vector.broadcast %broadcast_in_dim3A_42 : f32 to vector<16xf32>
    %swap3A_44 = arith.constant 96 : index
    %swap3A_45 = tpu.vector_load %arg5[%swap3A_44] {strides = array<i32>} : memref<128xf32, #tpu.memory_space<vmem>>, vector<16xf32>,
    %swap3A_46 = vector.shape_cast %swap3A_45 : vector<16xf32> to vector<16xf32>
    %swap3A_47 = vector.shape_cast %broadcast_in_dim3A_43 : vector<16xf32> to vector<16xf32>
    tpu.vector_store %arg5[%swap3A_44], %swap3A_47 {strides = array<i32>} : memref<128xf32, #tpu.memory_space<vmem>>, vector<16xf32>,
    %broadcast_in_dim3A_48 = arith.constant 1.000000e+00 : f32
    %broadcast_in_dim3A_49 = vector.broadcast %broadcast_in_dim3A_48 : f32 to vector<16xf32>
    %swap3A_50 = arith.constant 112 : index
    %swap3A_51 = tpu.vector_load %arg5[%swap3A_50] {strides = array<i32>} : memref<128xf32, #tpu.memory_space<vmem>>, vector<16xf32>,
    %swap3A_52 = vector.shape_cast %swap3A_51 : vector<16xf32> to vector<16xf32>
    %swap3A_53 = vector.shape_cast %broadcast_in_dim3A_49 : vector<16xf32> to vector<16xf32>
    tpu.vector_store %arg5[%swap3A_50], %swap3A_53 {strides = array<i32>} : memref<128xf32, #tpu.memory_space<vmem>>, vector<16xf32>,
    %mul3A_54 = arith.constant 640 : i32
    %mul3A_55 = arith.muli %arg1, %mul3A_54 : i32
    "tpu.region"() ({
      %run_scoped3A = tpu.sem_alloc : memref<!tpu.dma_semaphore, #tpu.memory_space<semaphore_mem>>
      %dma_start3A_86 = tpu.memref_slice %arg9[%mul3A_55] : memref<10240xf32, #tpu.memory_space<vmem_shared>> -> memref<640xf32, #tpu.memory_space<vmem_shared>>
      %dma_start3A_87 = tpu.memref_slice %arg9[%mul3A_55] : memref<10240xf32, #tpu.memory_space<vmem_shared>> -> memref<640xf32, #tpu.memory_space<vmem_shared>>
      tpu.enqueue_dma source(%arg6 : memref<640xf32, #tpu.memory_space<vmem>>) target(%dma_start3A_87 : memref<640xf32, #tpu.memory_space<vmem_shared>>) target_semaphore(%run_scoped3A : memref<!tpu.dma_semaphore, #tpu.memory_space<semaphore_mem>>)
      %dma_wait3A = tpu.memref_slice %arg9[%mul3A_55] : memref<10240xf32, #tpu.memory_space<vmem_shared>> -> memref<640xf32, #tpu.memory_space<vmem_shared>>
      %dma_wait3A_88 = tpu.memref_slice %arg9[%mul3A_55] : memref<10240xf32, #tpu.memory_space<vmem_shared>> -> memref<640xf32, #tpu.memory_space<vmem_shared>>
      tpu.wait_dma2 semaphore(%run_scoped3A : memref<!tpu.dma_semaphore, #tpu.memory_space<semaphore_mem>>) src(%arg6 : memref<640xf32, #tpu.memory_space<vmem>>) dst(%dma_wait3A_88 : memref<640xf32, #tpu.memory_space<vmem_shared>>)
      tpu.yield
    }) : () -> ()
    %mul3A_56 = arith.constant 160 : i32
    %mul3A_57 = arith.muli %add3A, %mul3A_56 : i32
    %add3A_58 = arith.constant 0 : i32
    %add3A_59 = arith.addi %mul3A_57, %add3A_58 : i32
    %dma_start3A = arith.constant 0 : i32
    %dma_start3A_60 = arith.constant 0 : i32
    %dma_start3A_61 = arith.constant 0 : i32
    %dma_start3A_62 = tpu.memref_slice %arg4[%dma_start3A, %dma_start3A_60, %dma_start3A_61] : memref<2x16x128xi32, #tpu.memory_space<vmem>> -> memref<1x16x128xi32, #tpu.memory_space<vmem>>
    %dma_start3A_63 = tpu.memref_squeeze %dma_start3A_62 : memref<1x16x128xi32, #tpu.memory_space<vmem>> -> memref<16x128xi32, #tpu.memory_space<vmem>>
    %dma_start3A_64 = arith.constant 0 : i32
    %dma_start3A_65 = tpu.memref_slice %arg2[%add3A_59, %dma_start3A_64] : memref<5120x128xi32, #tpu.memory_space<hbm>> -> memref<16x128xi32, #tpu.memory_space<hbm>>
    %dma_start3A_66 = arith.constant 0 : i32
    %dma_start3A_67 = arith.constant 0 : i32
    %dma_start3A_68 = tpu.memref_slice %arg4[%dma_start3A, %dma_start3A_66, %dma_start3A_67] : memref<2x16x128xi32, #tpu.memory_space<vmem>> -> memref<1x16x128xi32, #tpu.memory_space<vmem>>
    %dma_start3A_69 = tpu.memref_squeeze %dma_start3A_68 : memref<1x16x128xi32, #tpu.memory_space<vmem>> -> memref<16x128xi32, #tpu.memory_space<vmem>>
    %dma_start3A_70 = arith.constant 0 : i32
    %dma_start3A_71 = tpu.memref_slice %arg2[%add3A_59, %dma_start3A_70] : memref<5120x128xi32, #tpu.memory_space<hbm>> -> memref<16x128xi32, #tpu.memory_space<hbm>>
    tpu.enqueue_dma source(%dma_start3A_71 : memref<16x128xi32, #tpu.memory_space<hbm>>) target(%dma_start3A_69 : memref<16x128xi32, #tpu.memory_space<vmem>>) target_semaphore(%arg7 : memref<!tpu.dma_semaphore, #tpu.memory_space<semaphore_mem>>)
    %barrier3A = arith.constant 0 : index
    tpu.barrier barrier_id(%barrier3A)
    %scan3A_72 = arith.constant 0 : i32
    %scan3A_73 = arith.constant 0 : i32
    %scan3A_74 = arith.constant 10 : i32
    %scan3A_75 = arith.addi %scan3A_73, %scan3A_74 : i32
    %scan3A_76 = arith.constant 1 : i32
    scf.for %scan3A_86 = %scan3A_73 to %scan3A_75 step %scan3A_76  : i32 {
      %rem3A = arith.constant 2 : i32
      %rem3A_87 = arith.remsi %scan3A_86, %rem3A : i32
      %mul3A_88 = arith.constant 160 : i32
      %mul3A_89 = arith.muli %add3A, %mul3A_88 : i32
      %add3A_90 = arith.constant 0 : i32
      %add3A_91 = arith.addi %mul3A_89, %add3A_90 : i32
      %dma_wait3A = arith.constant 0 : i32
      %dma_wait3A_92 = arith.constant 0 : i32
      %dma_wait3A_93 = tpu.memref_slice %arg4[%rem3A_87, %dma_wait3A, %dma_wait3A_92] : memref<2x16x128xi32, #tpu.memory_space<vmem>> -> memref<1x16x128xi32, #tpu.memory_space<vmem>>
      %dma_wait3A_94 = tpu.memref_squeeze %dma_wait3A_93 : memref<1x16x128xi32, #tpu.memory_space<vmem>> -> memref<16x128xi32, #tpu.memory_space<vmem>>
      %dma_wait3A_95 = arith.constant 0 : i32
      %dma_wait3A_96 = tpu.memref_slice %arg2[%add3A_91, %dma_wait3A_95] : memref<5120x128xi32, #tpu.memory_space<hbm>> -> memref<16x128xi32, #tpu.memory_space<hbm>>
      %dma_wait3A_97 = arith.constant 0 : i32
      %dma_wait3A_98 = arith.constant 0 : i32
      %dma_wait3A_99 = tpu.memref_slice %arg4[%rem3A_87, %dma_wait3A_97, %dma_wait3A_98] : memref<2x16x128xi32, #tpu.memory_space<vmem>> -> memref<1x16x128xi32, #tpu.memory_space<vmem>>
      %dma_wait3A_100 = tpu.memref_squeeze %dma_wait3A_99 : memref<1x16x128xi32, #tpu.memory_space<vmem>> -> memref<16x128xi32, #tpu.memory_space<vmem>>
      %dma_wait3A_101 = arith.constant 0 : i32
      %dma_wait3A_102 = tpu.memref_slice %arg2[%add3A_91, %dma_wait3A_101] : memref<5120x128xi32, #tpu.memory_space<hbm>> -> memref<16x128xi32, #tpu.memory_space<hbm>>
      tpu.wait_dma2 semaphore(%arg7 : memref<!tpu.dma_semaphore, #tpu.memory_space<semaphore_mem>>) src(%dma_wait3A_102 : memref<16x128xi32, #tpu.memory_space<hbm>>) dst(%dma_wait3A_100 : memref<16x128xi32, #tpu.memory_space<vmem>>)
      %add3A_103 = arith.constant 1 : i32
      %add3A_104 = arith.addi %scan3A_86, %add3A_103 : i32
      %lt3A = arith.constant 10 : i32
      %lt3A_105 = arith.cmpi slt, %add3A_104, %lt3A : i32
      %convert_element_type3A = arith.extui %lt3A_105 : i1 to i32
      %cond3A = arith.constant 0 : i32
      %cond3A_106 = arith.cmpi ne, %convert_element_type3A, %cond3A : i32
      scf.if %cond3A_106 {
        %add3A_299 = arith.constant 1 : i32
        %add3A_300 = arith.addi %scan3A_86, %add3A_299 : i32
        %mul3A_301 = arith.constant 160 : i32
        %mul3A_302 = arith.muli %add3A, %mul3A_301 : i32
        %mul3A_303 = arith.constant 16 : i32
        %mul3A_304 = arith.muli %add3A_300, %mul3A_303 : i32
        %add3A_305 = arith.addi %mul3A_302, %mul3A_304 : i32
        %sub3A = arith.constant 1 : i32
        %sub3A_306 = arith.subi %sub3A, %rem3A_87 : i32
        %dma_start3A_307 = arith.constant 0 : i32
        %dma_start3A_308 = arith.constant 0 : i32
        %dma_start3A_309 = tpu.memref_slice %arg4[%sub3A_306, %dma_start3A_307, %dma_start3A_308] : memref<2x16x128xi32, #tpu.memory_space<vmem>> -> memref<1x16x128xi32, #tpu.memory_space<vmem>>
        %dma_start3A_310 = tpu.memref_squeeze %dma_start3A_309 : memref<1x16x128xi32, #tpu.memory_space<vmem>> -> memref<16x128xi32, #tpu.memory_space<vmem>>
        %dma_start3A_311 = arith.constant 0 : i32
        %dma_start3A_312 = tpu.memref_slice %arg2[%add3A_305, %dma_start3A_311] : memref<5120x128xi32, #tpu.memory_space<hbm>> -> memref<16x128xi32, #tpu.memory_space<hbm>>
        %dma_start3A_313 = arith.constant 0 : i32
        %dma_start3A_314 = arith.constant 0 : i32
        %dma_start3A_315 = tpu.memref_slice %arg4[%sub3A_306, %dma_start3A_313, %dma_start3A_314] : memref<2x16x128xi32, #tpu.memory_space<vmem>> -> memref<1x16x128xi32, #tpu.memory_space<vmem>>
        %dma_start3A_316 = tpu.memref_squeeze %dma_start3A_315 : memref<1x16x128xi32, #tpu.memory_space<vmem>> -> memref<16x128xi32, #tpu.memory_space<vmem>>
        %dma_start3A_317 = arith.constant 0 : i32
        %dma_start3A_318 = tpu.memref_slice %arg2[%add3A_305, %dma_start3A_317] : memref<5120x128xi32, #tpu.memory_space<hbm>> -> memref<16x128xi32, #tpu.memory_space<hbm>>
        tpu.enqueue_dma source(%dma_start3A_318 : memref<16x128xi32, #tpu.memory_space<hbm>>) target(%dma_start3A_316 : memref<16x128xi32, #tpu.memory_space<vmem>>) target_semaphore(%arg7 : memref<!tpu.dma_semaphore, #tpu.memory_space<semaphore_mem>>)
      } else {
      }
      %dma_start3A_107 = arith.constant 0 : i32
      %dma_start3A_108 = arith.constant 0 : i32
      %dma_start3A_109 = tpu.memref_slice %arg4[%rem3A_87, %dma_start3A_107, %dma_start3A_108] : memref<2x16x128xi32, #tpu.memory_space<vmem>> -> memref<1x1x128xi32, #tpu.memory_space<vmem>>
      %dma_start3A_110 = tpu.memref_squeeze %dma_start3A_109 : memref<1x1x128xi32, #tpu.memory_space<vmem>> -> memref<128xi32, #tpu.memory_space<vmem>>
      %dma_start3A_111 = arith.constant 0 : i32
      %dma_start3A_112 = tpu.memref_slice %arg9[%dma_start3A_111] : memref<10240xf32, #tpu.memory_space<vmem_shared>> -> memref<10240xf32, #tpu.memory_space<vmem_shared>>
      tpu.enqueue_indirect_dma source(%arg5 : memref<128xf32, #tpu.memory_space<vmem>>) target(%dma_start3A_112 : memref<10240xf32, #tpu.memory_space<vmem_shared>>) offsets(%dma_start3A_110 : memref<128xi32, #tpu.memory_space<vmem>>) semaphore(%arg8 : memref<!tpu.dma_semaphore, #tpu.memory_space<semaphore_mem>>) {add = true}
      %dma_start3A_113 = arith.constant 1 : i32
      %dma_start3A_114 = arith.constant 0 : i32
      %dma_start3A_115 = tpu.memref_slice %arg4[%rem3A_87, %dma_start3A_113, %dma_start3A_114] : memref<2x16x128xi32, #tpu.memory_space<vmem>> -> memref<1x1x128xi32, #tpu.memory_space<vmem>>
      %dma_start3A_116 = tpu.memref_squeeze %dma_start3A_115 : memref<1x1x128xi32, #tpu.memory_space<vmem>> -> memref<128xi32, #tpu.memory_space<vmem>>
      %dma_start3A_117 = arith.constant 0 : i32
      %dma_start3A_118 = tpu.memref_slice %arg9[%dma_start3A_117] : memref<10240xf32, #tpu.memory_space<vmem_shared>> -> memref<10240xf32, #tpu.memory_space<vmem_shared>>
      tpu.enqueue_indirect_dma source(%arg5 : memref<128xf32, #tpu.memory_space<vmem>>) target(%dma_start3A_118 : memref<10240xf32, #tpu.memory_space<vmem_shared>>) offsets(%dma_start3A_116 : memref<128xi32, #tpu.memory_space<vmem>>) semaphore(%arg8 : memref<!tpu.dma_semaphore, #tpu.memory_space<semaphore_mem>>) {add = true}
      %dma_start3A_119 = arith.constant 2 : i32
      %dma_start3A_120 = arith.constant 0 : i32
      %dma_start3A_121 = tpu.memref_slice %arg4[%rem3A_87, %dma_start3A_119, %dma_start3A_120] : memref<2x16x128xi32, #tpu.memory_space<vmem>> -> memref<1x1x128xi32, #tpu.memory_space<vmem>>
      %dma_start3A_122 = tpu.memref_squeeze %dma_start3A_121 : memref<1x1x128xi32, #tpu.memory_space<vmem>> -> memref<128xi32, #tpu.memory_space<vmem>>
      %dma_start3A_123 = arith.constant 0 : i32
      %dma_start3A_124 = tpu.memref_slice %arg9[%dma_start3A_123] : memref<10240xf32, #tpu.memory_space<vmem_shared>> -> memref<10240xf32, #tpu.memory_space<vmem_shared>>
      tpu.enqueue_indirect_dma source(%arg5 : memref<128xf32, #tpu.memory_space<vmem>>) target(%dma_start3A_124 : memref<10240xf32, #tpu.memory_space<vmem_shared>>) offsets(%dma_start3A_122 : memref<128xi32, #tpu.memory_space<vmem>>) semaphore(%arg8 : memref<!tpu.dma_semaphore, #tpu.memory_space<semaphore_mem>>) {add = true}
      %dma_start3A_125 = arith.constant 3 : i32
      %dma_start3A_126 = arith.constant 0 : i32
      %dma_start3A_127 = tpu.memref_slice %arg4[%rem3A_87, %dma_start3A_125, %dma_start3A_126] : memref<2x16x128xi32, #tpu.memory_space<vmem>> -> memref<1x1x128xi32, #tpu.memory_space<vmem>>
      %dma_start3A_128 = tpu.memref_squeeze %dma_start3A_127 : memref<1x1x128xi32, #tpu.memory_space<vmem>> -> memref<128xi32, #tpu.memory_space<vmem>>
      %dma_start3A_129 = arith.constant 0 : i32
      %dma_start3A_130 = tpu.memref_slice %arg9[%dma_start3A_129] : memref<10240xf32, #tpu.memory_space<vmem_shared>> -> memref<10240xf32, #tpu.memory_space<vmem_shared>>
      tpu.enqueue_indirect_dma source(%arg5 : memref<128xf32, #tpu.memory_space<vmem>>) target(%dma_start3A_130 : memref<10240xf32, #tpu.memory_space<vmem_shared>>) offsets(%dma_start3A_128 : memref<128xi32, #tpu.memory_space<vmem>>) semaphore(%arg8 : memref<!tpu.dma_semaphore, #tpu.memory_space<semaphore_mem>>) {add = true}
      %dma_start3A_131 = arith.constant 4 : i32
      %dma_start3A_132 = arith.constant 0 : i32
      %dma_start3A_133 = tpu.memref_slice %arg4[%rem3A_87, %dma_start3A_131, %dma_start3A_132] : memref<2x16x128xi32, #tpu.memory_space<vmem>> -> memref<1x1x128xi32, #tpu.memory_space<vmem>>
      %dma_start3A_134 = tpu.memref_squeeze %dma_start3A_133 : memref<1x1x128xi32, #tpu.memory_space<vmem>> -> memref<128xi32, #tpu.memory_space<vmem>>
      %dma_start3A_135 = arith.constant 0 : i32
      %dma_start3A_136 = tpu.memref_slice %arg9[%dma_start3A_135] : memref<10240xf32, #tpu.memory_space<vmem_shared>> -> memref<10240xf32, #tpu.memory_space<vmem_shared>>
      tpu.enqueue_indirect_dma source(%arg5 : memref<128xf32, #tpu.memory_space<vmem>>) target(%dma_start3A_136 : memref<10240xf32, #tpu.memory_space<vmem_shared>>) offsets(%dma_start3A_134 : memref<128xi32, #tpu.memory_space<vmem>>) semaphore(%arg8 : memref<!tpu.dma_semaphore, #tpu.memory_space<semaphore_mem>>) {add = true}
      %dma_start3A_137 = arith.constant 5 : i32
      %dma_start3A_138 = arith.constant 0 : i32
      %dma_start3A_139 = tpu.memref_slice %arg4[%rem3A_87, %dma_start3A_137, %dma_start3A_138] : memref<2x16x128xi32, #tpu.memory_space<vmem>> -> memref<1x1x128xi32, #tpu.memory_space<vmem>>
      %dma_start3A_140 = tpu.memref_squeeze %dma_start3A_139 : memref<1x1x128xi32, #tpu.memory_space<vmem>> -> memref<128xi32, #tpu.memory_space<vmem>>
      %dma_start3A_141 = arith.constant 0 : i32
      %dma_start3A_142 = tpu.memref_slice %arg9[%dma_start3A_141] : memref<10240xf32, #tpu.memory_space<vmem_shared>> -> memref<10240xf32, #tpu.memory_space<vmem_shared>>
      tpu.enqueue_indirect_dma source(%arg5 : memref<128xf32, #tpu.memory_space<vmem>>) target(%dma_start3A_142 : memref<10240xf32, #tpu.memory_space<vmem_shared>>) offsets(%dma_start3A_140 : memref<128xi32, #tpu.memory_space<vmem>>) semaphore(%arg8 : memref<!tpu.dma_semaphore, #tpu.memory_space<semaphore_mem>>) {add = true}
      %dma_start3A_143 = arith.constant 6 : i32
      %dma_start3A_144 = arith.constant 0 : i32
      %dma_start3A_145 = tpu.memref_slice %arg4[%rem3A_87, %dma_start3A_143, %dma_start3A_144] : memref<2x16x128xi32, #tpu.memory_space<vmem>> -> memref<1x1x128xi32, #tpu.memory_space<vmem>>
      %dma_start3A_146 = tpu.memref_squeeze %dma_start3A_145 : memref<1x1x128xi32, #tpu.memory_space<vmem>> -> memref<128xi32, #tpu.memory_space<vmem>>
      %dma_start3A_147 = arith.constant 0 : i32
      %dma_start3A_148 = tpu.memref_slice %arg9[%dma_start3A_147] : memref<10240xf32, #tpu.memory_space<vmem_shared>> -> memref<10240xf32, #tpu.memory_space<vmem_shared>>
      tpu.enqueue_indirect_dma source(%arg5 : memref<128xf32, #tpu.memory_space<vmem>>) target(%dma_start3A_148 : memref<10240xf32, #tpu.memory_space<vmem_shared>>) offsets(%dma_start3A_146 : memref<128xi32, #tpu.memory_space<vmem>>) semaphore(%arg8 : memref<!tpu.dma_semaphore, #tpu.memory_space<semaphore_mem>>) {add = true}
      %dma_start3A_149 = arith.constant 7 : i32
      %dma_start3A_150 = arith.constant 0 : i32
      %dma_start3A_151 = tpu.memref_slice %arg4[%rem3A_87, %dma_start3A_149, %dma_start3A_150] : memref<2x16x128xi32, #tpu.memory_space<vmem>> -> memref<1x1x128xi32, #tpu.memory_space<vmem>>
      %dma_start3A_152 = tpu.memref_squeeze %dma_start3A_151 : memref<1x1x128xi32, #tpu.memory_space<vmem>> -> memref<128xi32, #tpu.memory_space<vmem>>
      %dma_start3A_153 = arith.constant 0 : i32
      %dma_start3A_154 = tpu.memref_slice %arg9[%dma_start3A_153] : memref<10240xf32, #tpu.memory_space<vmem_shared>> -> memref<10240xf32, #tpu.memory_space<vmem_shared>>
      tpu.enqueue_indirect_dma source(%arg5 : memref<128xf32, #tpu.memory_space<vmem>>) target(%dma_start3A_154 : memref<10240xf32, #tpu.memory_space<vmem_shared>>) offsets(%dma_start3A_152 : memref<128xi32, #tpu.memory_space<vmem>>) semaphore(%arg8 : memref<!tpu.dma_semaphore, #tpu.memory_space<semaphore_mem>>) {add = true}
      %dma_start3A_155 = arith.constant 8 : i32
      %dma_start3A_156 = arith.constant 0 : i32
      %dma_start3A_157 = tpu.memref_slice %arg4[%rem3A_87, %dma_start3A_155, %dma_start3A_156] : memref<2x16x128xi32, #tpu.memory_space<vmem>> -> memref<1x1x128xi32, #tpu.memory_space<vmem>>
      %dma_start3A_158 = tpu.memref_squeeze %dma_start3A_157 : memref<1x1x128xi32, #tpu.memory_space<vmem>> -> memref<128xi32, #tpu.memory_space<vmem>>
      %dma_start3A_159 = arith.constant 0 : i32
      %dma_start3A_160 = tpu.memref_slice %arg9[%dma_start3A_159] : memref<10240xf32, #tpu.memory_space<vmem_shared>> -> memref<10240xf32, #tpu.memory_space<vmem_shared>>
      tpu.enqueue_indirect_dma source(%arg5 : memref<128xf32, #tpu.memory_space<vmem>>) target(%dma_start3A_160 : memref<10240xf32, #tpu.memory_space<vmem_shared>>) offsets(%dma_start3A_158 : memref<128xi32, #tpu.memory_space<vmem>>) semaphore(%arg8 : memref<!tpu.dma_semaphore, #tpu.memory_space<semaphore_mem>>) {add = true}
      %dma_start3A_161 = arith.constant 9 : i32
      %dma_start3A_162 = arith.constant 0 : i32
      %dma_start3A_163 = tpu.memref_slice %arg4[%rem3A_87, %dma_start3A_161, %dma_start3A_162] : memref<2x16x128xi32, #tpu.memory_space<vmem>> -> memref<1x1x128xi32, #tpu.memory_space<vmem>>
      %dma_start3A_164 = tpu.memref_squeeze %dma_start3A_163 : memref<1x1x128xi32, #tpu.memory_space<vmem>> -> memref<128xi32, #tpu.memory_space<vmem>>
      %dma_start3A_165 = arith.constant 0 : i32
      %dma_start3A_166 = tpu.memref_slice %arg9[%dma_start3A_165] : memref<10240xf32, #tpu.memory_space<vmem_shared>> -> memref<10240xf32, #tpu.memory_space<vmem_shared>>
      tpu.enqueue_indirect_dma source(%arg5 : memref<128xf32, #tpu.memory_space<vmem>>) target(%dma_start3A_166 : memref<10240xf32, #tpu.memory_space<vmem_shared>>) offsets(%dma_start3A_164 : memref<128xi32, #tpu.memory_space<vmem>>) semaphore(%arg8 : memref<!tpu.dma_semaphore, #tpu.memory_space<semaphore_mem>>) {add = true}
      %dma_start3A_167 = arith.constant 10 : i32
      %dma_start3A_168 = arith.constant 0 : i32
      %dma_start3A_169 = tpu.memref_slice %arg4[%rem3A_87, %dma_start3A_167, %dma_start3A_168] : memref<2x16x128xi32, #tpu.memory_space<vmem>> -> memref<1x1x128xi32, #tpu.memory_space<vmem>>
      %dma_start3A_170 = tpu.memref_squeeze %dma_start3A_169 : memref<1x1x128xi32, #tpu.memory_space<vmem>> -> memref<128xi32, #tpu.memory_space<vmem>>
      %dma_start3A_171 = arith.constant 0 : i32
      %dma_start3A_172 = tpu.memref_slice %arg9[%dma_start3A_171] : memref<10240xf32, #tpu.memory_space<vmem_shared>> -> memref<10240xf32, #tpu.memory_space<vmem_shared>>
      tpu.enqueue_indirect_dma source(%arg5 : memref<128xf32, #tpu.memory_space<vmem>>) target(%dma_start3A_172 : memref<10240xf32, #tpu.memory_space<vmem_shared>>) offsets(%dma_start3A_170 : memref<128xi32, #tpu.memory_space<vmem>>) semaphore(%arg8 : memref<!tpu.dma_semaphore, #tpu.memory_space<semaphore_mem>>) {add = true}
      %dma_start3A_173 = arith.constant 11 : i32
      %dma_start3A_174 = arith.constant 0 : i32
      %dma_start3A_175 = tpu.memref_slice %arg4[%rem3A_87, %dma_start3A_173, %dma_start3A_174] : memref<2x16x128xi32, #tpu.memory_space<vmem>> -> memref<1x1x128xi32, #tpu.memory_space<vmem>>
      %dma_start3A_176 = tpu.memref_squeeze %dma_start3A_175 : memref<1x1x128xi32, #tpu.memory_space<vmem>> -> memref<128xi32, #tpu.memory_space<vmem>>
      %dma_start3A_177 = arith.constant 0 : i32
      %dma_start3A_178 = tpu.memref_slice %arg9[%dma_start3A_177] : memref<10240xf32, #tpu.memory_space<vmem_shared>> -> memref<10240xf32, #tpu.memory_space<vmem_shared>>
      tpu.enqueue_indirect_dma source(%arg5 : memref<128xf32, #tpu.memory_space<vmem>>) target(%dma_start3A_178 : memref<10240xf32, #tpu.memory_space<vmem_shared>>) offsets(%dma_start3A_176 : memref<128xi32, #tpu.memory_space<vmem>>) semaphore(%arg8 : memref<!tpu.dma_semaphore, #tpu.memory_space<semaphore_mem>>) {add = true}
      %dma_start3A_179 = arith.constant 12 : i32
      %dma_start3A_180 = arith.constant 0 : i32
      %dma_start3A_181 = tpu.memref_slice %arg4[%rem3A_87, %dma_start3A_179, %dma_start3A_180] : memref<2x16x128xi32, #tpu.memory_space<vmem>> -> memref<1x1x128xi32, #tpu.memory_space<vmem>>
      %dma_start3A_182 = tpu.memref_squeeze %dma_start3A_181 : memref<1x1x128xi32, #tpu.memory_space<vmem>> -> memref<128xi32, #tpu.memory_space<vmem>>
      %dma_start3A_183 = arith.constant 0 : i32
      %dma_start3A_184 = tpu.memref_slice %arg9[%dma_start3A_183] : memref<10240xf32, #tpu.memory_space<vmem_shared>> -> memref<10240xf32, #tpu.memory_space<vmem_shared>>
      tpu.enqueue_indirect_dma source(%arg5 : memref<128xf32, #tpu.memory_space<vmem>>) target(%dma_start3A_184 : memref<10240xf32, #tpu.memory_space<vmem_shared>>) offsets(%dma_start3A_182 : memref<128xi32, #tpu.memory_space<vmem>>) semaphore(%arg8 : memref<!tpu.dma_semaphore, #tpu.memory_space<semaphore_mem>>) {add = true}
      %dma_start3A_185 = arith.constant 13 : i32
      %dma_start3A_186 = arith.constant 0 : i32
      %dma_start3A_187 = tpu.memref_slice %arg4[%rem3A_87, %dma_start3A_185, %dma_start3A_186] : memref<2x16x128xi32, #tpu.memory_space<vmem>> -> memref<1x1x128xi32, #tpu.memory_space<vmem>>
      %dma_start3A_188 = tpu.memref_squeeze %dma_start3A_187 : memref<1x1x128xi32, #tpu.memory_space<vmem>> -> memref<128xi32, #tpu.memory_space<vmem>>
      %dma_start3A_189 = arith.constant 0 : i32
      %dma_start3A_190 = tpu.memref_slice %arg9[%dma_start3A_189] : memref<10240xf32, #tpu.memory_space<vmem_shared>> -> memref<10240xf32, #tpu.memory_space<vmem_shared>>
      tpu.enqueue_indirect_dma source(%arg5 : memref<128xf32, #tpu.memory_space<vmem>>) target(%dma_start3A_190 : memref<10240xf32, #tpu.memory_space<vmem_shared>>) offsets(%dma_start3A_188 : memref<128xi32, #tpu.memory_space<vmem>>) semaphore(%arg8 : memref<!tpu.dma_semaphore, #tpu.memory_space<semaphore_mem>>) {add = true}
      %dma_start3A_191 = arith.constant 14 : i32
      %dma_start3A_192 = arith.constant 0 : i32
      %dma_start3A_193 = tpu.memref_slice %arg4[%rem3A_87, %dma_start3A_191, %dma_start3A_192] : memref<2x16x128xi32, #tpu.memory_space<vmem>> -> memref<1x1x128xi32, #tpu.memory_space<vmem>>
      %dma_start3A_194 = tpu.memref_squeeze %dma_start3A_193 : memref<1x1x128xi32, #tpu.memory_space<vmem>> -> memref<128xi32, #tpu.memory_space<vmem>>
      %dma_start3A_195 = arith.constant 0 : i32
      %dma_start3A_196 = tpu.memref_slice %arg9[%dma_start3A_195] : memref<10240xf32, #tpu.memory_space<vmem_shared>> -> memref<10240xf32, #tpu.memory_space<vmem_shared>>
      tpu.enqueue_indirect_dma source(%arg5 : memref<128xf32, #tpu.memory_space<vmem>>) target(%dma_start3A_196 : memref<10240xf32, #tpu.memory_space<vmem_shared>>) offsets(%dma_start3A_194 : memref<128xi32, #tpu.memory_space<vmem>>) semaphore(%arg8 : memref<!tpu.dma_semaphore, #tpu.memory_space<semaphore_mem>>) {add = true}
      %dma_start3A_197 = arith.constant 15 : i32
      %dma_start3A_198 = arith.constant 0 : i32
      %dma_start3A_199 = tpu.memref_slice %arg4[%rem3A_87, %dma_start3A_197, %dma_start3A_198] : memref<2x16x128xi32, #tpu.memory_space<vmem>> -> memref<1x1x128xi32, #tpu.memory_space<vmem>>
      %dma_start3A_200 = tpu.memref_squeeze %dma_start3A_199 : memref<1x1x128xi32, #tpu.memory_space<vmem>> -> memref<128xi32, #tpu.memory_space<vmem>>
      %dma_start3A_201 = arith.constant 0 : i32
      %dma_start3A_202 = tpu.memref_slice %arg9[%dma_start3A_201] : memref<10240xf32, #tpu.memory_space<vmem_shared>> -> memref<10240xf32, #tpu.memory_space<vmem_shared>>
      tpu.enqueue_indirect_dma source(%arg5 : memref<128xf32, #tpu.memory_space<vmem>>) target(%dma_start3A_202 : memref<10240xf32, #tpu.memory_space<vmem_shared>>) offsets(%dma_start3A_200 : memref<128xi32, #tpu.memory_space<vmem>>) semaphore(%arg8 : memref<!tpu.dma_semaphore, #tpu.memory_space<semaphore_mem>>) {add = true}
      %dma_wait3A_203 = arith.constant 0 : i32
      %dma_wait3A_204 = arith.constant 0 : i32
      %dma_wait3A_205 = tpu.memref_slice %arg4[%rem3A_87, %dma_wait3A_203, %dma_wait3A_204] : memref<2x16x128xi32, #tpu.memory_space<vmem>> -> memref<1x1x128xi32, #tpu.memory_space<vmem>>
      %dma_wait3A_206 = tpu.memref_squeeze %dma_wait3A_205 : memref<1x1x128xi32, #tpu.memory_space<vmem>> -> memref<128xi32, #tpu.memory_space<vmem>>
      %dma_wait3A_207 = arith.constant 0 : i32
      %dma_wait3A_208 = tpu.memref_slice %arg9[%dma_wait3A_207] : memref<10240xf32, #tpu.memory_space<vmem_shared>> -> memref<10240xf32, #tpu.memory_space<vmem_shared>>
      tpu.wait_indirect_dma semaphore(%arg8 : memref<!tpu.dma_semaphore, #tpu.memory_space<semaphore_mem>>) src(%arg5 : memref<128xf32, #tpu.memory_space<vmem>>) dst(%dma_wait3A_208 : memref<10240xf32, #tpu.memory_space<vmem_shared>>)
      %dma_wait3A_209 = arith.constant 1 : i32
      %dma_wait3A_210 = arith.constant 0 : i32
      %dma_wait3A_211 = tpu.memref_slice %arg4[%rem3A_87, %dma_wait3A_209, %dma_wait3A_210] : memref<2x16x128xi32, #tpu.memory_space<vmem>> -> memref<1x1x128xi32, #tpu.memory_space<vmem>>
      %dma_wait3A_212 = tpu.memref_squeeze %dma_wait3A_211 : memref<1x1x128xi32, #tpu.memory_space<vmem>> -> memref<128xi32, #tpu.memory_space<vmem>>
      %dma_wait3A_213 = arith.constant 0 : i32
      %dma_wait3A_214 = tpu.memref_slice %arg9[%dma_wait3A_213] : memref<10240xf32, #tpu.memory_space<vmem_shared>> -> memref<10240xf32, #tpu.memory_space<vmem_shared>>
      tpu.wait_indirect_dma semaphore(%arg8 : memref<!tpu.dma_semaphore, #tpu.memory_space<semaphore_mem>>) src(%arg5 : memref<128xf32, #tpu.memory_space<vmem>>) dst(%dma_wait3A_214 : memref<10240xf32, #tpu.memory_space<vmem_shared>>)
      %dma_wait3A_215 = arith.constant 2 : i32
      %dma_wait3A_216 = arith.constant 0 : i32
      %dma_wait3A_217 = tpu.memref_slice %arg4[%rem3A_87, %dma_wait3A_215, %dma_wait3A_216] : memref<2x16x128xi32, #tpu.memory_space<vmem>> -> memref<1x1x128xi32, #tpu.memory_space<vmem>>
      %dma_wait3A_218 = tpu.memref_squeeze %dma_wait3A_217 : memref<1x1x128xi32, #tpu.memory_space<vmem>> -> memref<128xi32, #tpu.memory_space<vmem>>
      %dma_wait3A_219 = arith.constant 0 : i32
      %dma_wait3A_220 = tpu.memref_slice %arg9[%dma_wait3A_219] : memref<10240xf32, #tpu.memory_space<vmem_shared>> -> memref<10240xf32, #tpu.memory_space<vmem_shared>>
      tpu.wait_indirect_dma semaphore(%arg8 : memref<!tpu.dma_semaphore, #tpu.memory_space<semaphore_mem>>) src(%arg5 : memref<128xf32, #tpu.memory_space<vmem>>) dst(%dma_wait3A_220 : memref<10240xf32, #tpu.memory_space<vmem_shared>>)
      %dma_wait3A_221 = arith.constant 3 : i32
      %dma_wait3A_222 = arith.constant 0 : i32
      %dma_wait3A_223 = tpu.memref_slice %arg4[%rem3A_87, %dma_wait3A_221, %dma_wait3A_222] : memref<2x16x128xi32, #tpu.memory_space<vmem>> -> memref<1x1x128xi32, #tpu.memory_space<vmem>>
      %dma_wait3A_224 = tpu.memref_squeeze %dma_wait3A_223 : memref<1x1x128xi32, #tpu.memory_space<vmem>> -> memref<128xi32, #tpu.memory_space<vmem>>
      %dma_wait3A_225 = arith.constant 0 : i32
      %dma_wait3A_226 = tpu.memref_slice %arg9[%dma_wait3A_225] : memref<10240xf32, #tpu.memory_space<vmem_shared>> -> memref<10240xf32, #tpu.memory_space<vmem_shared>>
      tpu.wait_indirect_dma semaphore(%arg8 : memref<!tpu.dma_semaphore, #tpu.memory_space<semaphore_mem>>) src(%arg5 : memref<128xf32, #tpu.memory_space<vmem>>) dst(%dma_wait3A_226 : memref<10240xf32, #tpu.memory_space<vmem_shared>>)
      %dma_wait3A_227 = arith.constant 4 : i32
      %dma_wait3A_228 = arith.constant 0 : i32
      %dma_wait3A_229 = tpu.memref_slice %arg4[%rem3A_87, %dma_wait3A_227, %dma_wait3A_228] : memref<2x16x128xi32, #tpu.memory_space<vmem>> -> memref<1x1x128xi32, #tpu.memory_space<vmem>>
      %dma_wait3A_230 = tpu.memref_squeeze %dma_wait3A_229 : memref<1x1x128xi32, #tpu.memory_space<vmem>> -> memref<128xi32, #tpu.memory_space<vmem>>
      %dma_wait3A_231 = arith.constant 0 : i32
      %dma_wait3A_232 = tpu.memref_slice %arg9[%dma_wait3A_231] : memref<10240xf32, #tpu.memory_space<vmem_shared>> -> memref<10240xf32, #tpu.memory_space<vmem_shared>>
      tpu.wait_indirect_dma semaphore(%arg8 : memref<!tpu.dma_semaphore, #tpu.memory_space<semaphore_mem>>) src(%arg5 : memref<128xf32, #tpu.memory_space<vmem>>) dst(%dma_wait3A_232 : memref<10240xf32, #tpu.memory_space<vmem_shared>>)
      %dma_wait3A_233 = arith.constant 5 : i32
      %dma_wait3A_234 = arith.constant 0 : i32
      %dma_wait3A_235 = tpu.memref_slice %arg4[%rem3A_87, %dma_wait3A_233, %dma_wait3A_234] : memref<2x16x128xi32, #tpu.memory_space<vmem>> -> memref<1x1x128xi32, #tpu.memory_space<vmem>>
      %dma_wait3A_236 = tpu.memref_squeeze %dma_wait3A_235 : memref<1x1x128xi32, #tpu.memory_space<vmem>> -> memref<128xi32, #tpu.memory_space<vmem>>
      %dma_wait3A_237 = arith.constant 0 : i32
      %dma_wait3A_238 = tpu.memref_slice %arg9[%dma_wait3A_237] : memref<10240xf32, #tpu.memory_space<vmem_shared>> -> memref<10240xf32, #tpu.memory_space<vmem_shared>>
      tpu.wait_indirect_dma semaphore(%arg8 : memref<!tpu.dma_semaphore, #tpu.memory_space<semaphore_mem>>) src(%arg5 : memref<128xf32, #tpu.memory_space<vmem>>) dst(%dma_wait3A_238 : memref<10240xf32, #tpu.memory_space<vmem_shared>>)
      %dma_wait3A_239 = arith.constant 6 : i32
      %dma_wait3A_240 = arith.constant 0 : i32
      %dma_wait3A_241 = tpu.memref_slice %arg4[%rem3A_87, %dma_wait3A_239, %dma_wait3A_240] : memref<2x16x128xi32, #tpu.memory_space<vmem>> -> memref<1x1x128xi32, #tpu.memory_space<vmem>>
      %dma_wait3A_242 = tpu.memref_squeeze %dma_wait3A_241 : memref<1x1x128xi32, #tpu.memory_space<vmem>> -> memref<128xi32, #tpu.memory_space<vmem>>
      %dma_wait3A_243 = arith.constant 0 : i32
      %dma_wait3A_244 = tpu.memref_slice %arg9[%dma_wait3A_243] : memref<10240xf32, #tpu.memory_space<vmem_shared>> -> memref<10240xf32, #tpu.memory_space<vmem_shared>>
      tpu.wait_indirect_dma semaphore(%arg8 : memref<!tpu.dma_semaphore, #tpu.memory_space<semaphore_mem>>) src(%arg5 : memref<128xf32, #tpu.memory_space<vmem>>) dst(%dma_wait3A_244 : memref<10240xf32, #tpu.memory_space<vmem_shared>>)
      %dma_wait3A_245 = arith.constant 7 : i32
      %dma_wait3A_246 = arith.constant 0 : i32
      %dma_wait3A_247 = tpu.memref_slice %arg4[%rem3A_87, %dma_wait3A_245, %dma_wait3A_246] : memref<2x16x128xi32, #tpu.memory_space<vmem>> -> memref<1x1x128xi32, #tpu.memory_space<vmem>>
      %dma_wait3A_248 = tpu.memref_squeeze %dma_wait3A_247 : memref<1x1x128xi32, #tpu.memory_space<vmem>> -> memref<128xi32, #tpu.memory_space<vmem>>
      %dma_wait3A_249 = arith.constant 0 : i32
      %dma_wait3A_250 = tpu.memref_slice %arg9[%dma_wait3A_249] : memref<10240xf32, #tpu.memory_space<vmem_shared>> -> memref<10240xf32, #tpu.memory_space<vmem_shared>>
      tpu.wait_indirect_dma semaphore(%arg8 : memref<!tpu.dma_semaphore, #tpu.memory_space<semaphore_mem>>) src(%arg5 : memref<128xf32, #tpu.memory_space<vmem>>) dst(%dma_wait3A_250 : memref<10240xf32, #tpu.memory_space<vmem_shared>>)
      %dma_wait3A_251 = arith.constant 8 : i32
      %dma_wait3A_252 = arith.constant 0 : i32
      %dma_wait3A_253 = tpu.memref_slice %arg4[%rem3A_87, %dma_wait3A_251, %dma_wait3A_252] : memref<2x16x128xi32, #tpu.memory_space<vmem>> -> memref<1x1x128xi32, #tpu.memory_space<vmem>>
      %dma_wait3A_254 = tpu.memref_squeeze %dma_wait3A_253 : memref<1x1x128xi32, #tpu.memory_space<vmem>> -> memref<128xi32, #tpu.memory_space<vmem>>
      %dma_wait3A_255 = arith.constant 0 : i32
      %dma_wait3A_256 = tpu.memref_slice %arg9[%dma_wait3A_255] : memref<10240xf32, #tpu.memory_space<vmem_shared>> -> memref<10240xf32, #tpu.memory_space<vmem_shared>>
      tpu.wait_indirect_dma semaphore(%arg8 : memref<!tpu.dma_semaphore, #tpu.memory_space<semaphore_mem>>) src(%arg5 : memref<128xf32, #tpu.memory_space<vmem>>) dst(%dma_wait3A_256 : memref<10240xf32, #tpu.memory_space<vmem_shared>>)
      %dma_wait3A_257 = arith.constant 9 : i32
      %dma_wait3A_258 = arith.constant 0 : i32
      %dma_wait3A_259 = tpu.memref_slice %arg4[%rem3A_87, %dma_wait3A_257, %dma_wait3A_258] : memref<2x16x128xi32, #tpu.memory_space<vmem>> -> memref<1x1x128xi32, #tpu.memory_space<vmem>>
      %dma_wait3A_260 = tpu.memref_squeeze %dma_wait3A_259 : memref<1x1x128xi32, #tpu.memory_space<vmem>> -> memref<128xi32, #tpu.memory_space<vmem>>
      %dma_wait3A_261 = arith.constant 0 : i32
      %dma_wait3A_262 = tpu.memref_slice %arg9[%dma_wait3A_261] : memref<10240xf32, #tpu.memory_space<vmem_shared>> -> memref<10240xf32, #tpu.memory_space<vmem_shared>>
      tpu.wait_indirect_dma semaphore(%arg8 : memref<!tpu.dma_semaphore, #tpu.memory_space<semaphore_mem>>) src(%arg5 : memref<128xf32, #tpu.memory_space<vmem>>) dst(%dma_wait3A_262 : memref<10240xf32, #tpu.memory_space<vmem_shared>>)
      %dma_wait3A_263 = arith.constant 10 : i32
      %dma_wait3A_264 = arith.constant 0 : i32
      %dma_wait3A_265 = tpu.memref_slice %arg4[%rem3A_87, %dma_wait3A_263, %dma_wait3A_264] : memref<2x16x128xi32, #tpu.memory_space<vmem>> -> memref<1x1x128xi32, #tpu.memory_space<vmem>>
      %dma_wait3A_266 = tpu.memref_squeeze %dma_wait3A_265 : memref<1x1x128xi32, #tpu.memory_space<vmem>> -> memref<128xi32, #tpu.memory_space<vmem>>
      %dma_wait3A_267 = arith.constant 0 : i32
      %dma_wait3A_268 = tpu.memref_slice %arg9[%dma_wait3A_267] : memref<10240xf32, #tpu.memory_space<vmem_shared>> -> memref<10240xf32, #tpu.memory_space<vmem_shared>>
      tpu.wait_indirect_dma semaphore(%arg8 : memref<!tpu.dma_semaphore, #tpu.memory_space<semaphore_mem>>) src(%arg5 : memref<128xf32, #tpu.memory_space<vmem>>) dst(%dma_wait3A_268 : memref<10240xf32, #tpu.memory_space<vmem_shared>>)
      %dma_wait3A_269 = arith.constant 11 : i32
      %dma_wait3A_270 = arith.constant 0 : i32
      %dma_wait3A_271 = tpu.memref_slice %arg4[%rem3A_87, %dma_wait3A_269, %dma_wait3A_270] : memref<2x16x128xi32, #tpu.memory_space<vmem>> -> memref<1x1x128xi32, #tpu.memory_space<vmem>>
      %dma_wait3A_272 = tpu.memref_squeeze %dma_wait3A_271 : memref<1x1x128xi32, #tpu.memory_space<vmem>> -> memref<128xi32, #tpu.memory_space<vmem>>
      %dma_wait3A_273 = arith.constant 0 : i32
      %dma_wait3A_274 = tpu.memref_slice %arg9[%dma_wait3A_273] : memref<10240xf32, #tpu.memory_space<vmem_shared>> -> memref<10240xf32, #tpu.memory_space<vmem_shared>>
      tpu.wait_indirect_dma semaphore(%arg8 : memref<!tpu.dma_semaphore, #tpu.memory_space<semaphore_mem>>) src(%arg5 : memref<128xf32, #tpu.memory_space<vmem>>) dst(%dma_wait3A_274 : memref<10240xf32, #tpu.memory_space<vmem_shared>>)
      %dma_wait3A_275 = arith.constant 12 : i32
      %dma_wait3A_276 = arith.constant 0 : i32
      %dma_wait3A_277 = tpu.memref_slice %arg4[%rem3A_87, %dma_wait3A_275, %dma_wait3A_276] : memref<2x16x128xi32, #tpu.memory_space<vmem>> -> memref<1x1x128xi32, #tpu.memory_space<vmem>>
      %dma_wait3A_278 = tpu.memref_squeeze %dma_wait3A_277 : memref<1x1x128xi32, #tpu.memory_space<vmem>> -> memref<128xi32, #tpu.memory_space<vmem>>
      %dma_wait3A_279 = arith.constant 0 : i32
      %dma_wait3A_280 = tpu.memref_slice %arg9[%dma_wait3A_279] : memref<10240xf32, #tpu.memory_space<vmem_shared>> -> memref<10240xf32, #tpu.memory_space<vmem_shared>>
      tpu.wait_indirect_dma semaphore(%arg8 : memref<!tpu.dma_semaphore, #tpu.memory_space<semaphore_mem>>) src(%arg5 : memref<128xf32, #tpu.memory_space<vmem>>) dst(%dma_wait3A_280 : memref<10240xf32, #tpu.memory_space<vmem_shared>>)
      %dma_wait3A_281 = arith.constant 13 : i32
      %dma_wait3A_282 = arith.constant 0 : i32
      %dma_wait3A_283 = tpu.memref_slice %arg4[%rem3A_87, %dma_wait3A_281, %dma_wait3A_282] : memref<2x16x128xi32, #tpu.memory_space<vmem>> -> memref<1x1x128xi32, #tpu.memory_space<vmem>>
      %dma_wait3A_284 = tpu.memref_squeeze %dma_wait3A_283 : memref<1x1x128xi32, #tpu.memory_space<vmem>> -> memref<128xi32, #tpu.memory_space<vmem>>
      %dma_wait3A_285 = arith.constant 0 : i32
      %dma_wait3A_286 = tpu.memref_slice %arg9[%dma_wait3A_285] : memref<10240xf32, #tpu.memory_space<vmem_shared>> -> memref<10240xf32, #tpu.memory_space<vmem_shared>>
      tpu.wait_indirect_dma semaphore(%arg8 : memref<!tpu.dma_semaphore, #tpu.memory_space<semaphore_mem>>) src(%arg5 : memref<128xf32, #tpu.memory_space<vmem>>) dst(%dma_wait3A_286 : memref<10240xf32, #tpu.memory_space<vmem_shared>>)
      %dma_wait3A_287 = arith.constant 14 : i32
      %dma_wait3A_288 = arith.constant 0 : i32
      %dma_wait3A_289 = tpu.memref_slice %arg4[%rem3A_87, %dma_wait3A_287, %dma_wait3A_288] : memref<2x16x128xi32, #tpu.memory_space<vmem>> -> memref<1x1x128xi32, #tpu.memory_space<vmem>>
      %dma_wait3A_290 = tpu.memref_squeeze %dma_wait3A_289 : memref<1x1x128xi32, #tpu.memory_space<vmem>> -> memref<128xi32, #tpu.memory_space<vmem>>
      %dma_wait3A_291 = arith.constant 0 : i32
      %dma_wait3A_292 = tpu.memref_slice %arg9[%dma_wait3A_291] : memref<10240xf32, #tpu.memory_space<vmem_shared>> -> memref<10240xf32, #tpu.memory_space<vmem_shared>>
      tpu.wait_indirect_dma semaphore(%arg8 : memref<!tpu.dma_semaphore, #tpu.memory_space<semaphore_mem>>) src(%arg5 : memref<128xf32, #tpu.memory_space<vmem>>) dst(%dma_wait3A_292 : memref<10240xf32, #tpu.memory_space<vmem_shared>>)
      %dma_wait3A_293 = arith.constant 15 : i32
      %dma_wait3A_294 = arith.constant 0 : i32
      %dma_wait3A_295 = tpu.memref_slice %arg4[%rem3A_87, %dma_wait3A_293, %dma_wait3A_294] : memref<2x16x128xi32, #tpu.memory_space<vmem>> -> memref<1x1x128xi32, #tpu.memory_space<vmem>>
      %dma_wait3A_296 = tpu.memref_squeeze %dma_wait3A_295 : memref<1x1x128xi32, #tpu.memory_space<vmem>> -> memref<128xi32, #tpu.memory_space<vmem>>
      %dma_wait3A_297 = arith.constant 0 : i32
      %dma_wait3A_298 = tpu.memref_slice %arg9[%dma_wait3A_297] : memref<10240xf32, #tpu.memory_space<vmem_shared>> -> memref<10240xf32, #tpu.memory_space<vmem_shared>>
      tpu.wait_indirect_dma semaphore(%arg8 : memref<!tpu.dma_semaphore, #tpu.memory_space<semaphore_mem>>) src(%arg5 : memref<128xf32, #tpu.memory_space<vmem>>) dst(%dma_wait3A_298 : memref<10240xf32, #tpu.memory_space<vmem_shared>>)
    }
    %scan3A_77 = arith.constant 10 : i32
    %barrier3A_78 = arith.constant 0 : index
    tpu.barrier barrier_id(%barrier3A_78)
    %mul3A_79 = arith.constant 640 : i32
    %mul3A_80 = arith.muli %arg1, %mul3A_79 : i32
    "tpu.region"() ({
      %run_scoped3A = tpu.sem_alloc : memref<!tpu.dma_semaphore, #tpu.memory_space<semaphore_mem>>
      %dma_start3A_86 = tpu.memref_slice %arg9[%mul3A_80] : memref<10240xf32, #tpu.memory_space<vmem_shared>> -> memref<640xf32, #tpu.memory_space<vmem_shared>>
      %dma_start3A_87 = tpu.memref_slice %arg9[%mul3A_80] : memref<10240xf32, #tpu.memory_space<vmem_shared>> -> memref<640xf32, #tpu.memory_space<vmem_shared>>
      tpu.enqueue_dma source(%dma_start3A_87 : memref<640xf32, #tpu.memory_space<vmem_shared>>) target(%arg6 : memref<640xf32, #tpu.memory_space<vmem>>) target_semaphore(%run_scoped3A : memref<!tpu.dma_semaphore, #tpu.memory_space<semaphore_mem>>)
      %dma_wait3A = tpu.memref_slice %arg9[%mul3A_80] : memref<10240xf32, #tpu.memory_space<vmem_shared>> -> memref<640xf32, #tpu.memory_space<vmem_shared>>
      %dma_wait3A_88 = tpu.memref_slice %arg9[%mul3A_80] : memref<10240xf32, #tpu.memory_space<vmem_shared>> -> memref<640xf32, #tpu.memory_space<vmem_shared>>
      tpu.wait_dma2 semaphore(%run_scoped3A : memref<!tpu.dma_semaphore, #tpu.memory_space<semaphore_mem>>) src(%dma_wait3A_88 : memref<640xf32, #tpu.memory_space<vmem_shared>>) dst(%arg6 : memref<640xf32, #tpu.memory_space<vmem>>)
      tpu.yield
    }) : () -> ()
    %mul3A_81 = arith.constant 10240 : i32
    %mul3A_82 = arith.muli %arg0, %mul3A_81 : i32
    %mul3A_83 = arith.constant 640 : i32
    %mul3A_84 = arith.muli %arg1, %mul3A_83 : i32
    %add3A_85 = arith.addi %mul3A_82, %mul3A_84 : i32
    "tpu.region"() ({
      %run_scoped3A = tpu.sem_alloc : memref<!tpu.dma_semaphore, #tpu.memory_space<semaphore_mem>>
      %dma_start3A_86 = tpu.memref_slice %arg3[%add3A_85] : memref<20480xf32, #tpu.memory_space<hbm>> -> memref<640xf32, #tpu.memory_space<hbm>>
      %dma_start3A_87 = tpu.memref_slice %arg3[%add3A_85] : memref<20480xf32, #tpu.memory_space<hbm>> -> memref<640xf32, #tpu.memory_space<hbm>>
      tpu.enqueue_dma source(%arg6 : memref<640xf32, #tpu.memory_space<vmem>>) target(%dma_start3A_87 : memref<640xf32, #tpu.memory_space<hbm>>) target_semaphore(%run_scoped3A : memref<!tpu.dma_semaphore, #tpu.memory_space<semaphore_mem>>)
      %dma_wait3A = tpu.memref_slice %arg3[%add3A_85] : memref<20480xf32, #tpu.memory_space<hbm>> -> memref<640xf32, #tpu.memory_space<hbm>>
      %dma_wait3A_88 = tpu.memref_slice %arg3[%add3A_85] : memref<20480xf32, #tpu.memory_space<hbm>> -> memref<640xf32, #tpu.memory_space<hbm>>
      tpu.wait_dma2 semaphore(%run_scoped3A : memref<!tpu.dma_semaphore, #tpu.memory_space<semaphore_mem>>) src(%arg6 : memref<640xf32, #tpu.memory_space<vmem>>) dst(%dma_wait3A_88 : memref<640xf32, #tpu.memory_space<hbm>>)
      tpu.yield
    }) : () -> ()
    return
  }
}

#map = affine_map<(d0, d1) -> (0, 0)>
module attributes {stable_mosaic.version = 14 : i64} {
  func.func @body(%arg0: i32, %arg1: i32, %arg2: memref<10240x32xf32, #tpu.memory_space<hbm>>, %arg3: memref<5120x128xi32, #tpu.memory_space<hbm>>, %arg4: memref<5120x128xi32, #tpu.memory_space<hbm>>, %arg5: memref<20480x32xf32, #tpu.memory_space<hbm>>, %arg6: memref<2x2x16x128xi32, #tpu.memory_space<vmem>>, %arg7: memref<16x128x32xf32, #tpu.memory_space<vmem>>, %arg8: memref<640x32xf32, #tpu.memory_space<vmem>>, %arg9: memref<!tpu.dma_semaphore, #tpu.memory_space<semaphore_mem>>, %arg10: memref<!tpu.dma_semaphore, #tpu.memory_space<semaphore_mem>>, %arg11: memref<!tpu.dma_semaphore, #tpu.memory_space<semaphore_mem>>, %arg12: memref<10240x32xf32, #tpu.memory_space<vmem_shared>>) attributes {dimension_semantics = [#tpu.dimension_semantics<core_parallel>, #tpu.dimension_semantics<subcore_parallel>], iteration_bounds = array<i64: 2, 16>, scalar_prefetch = 0 : i64, scratch_operands = 7 : i64, tpu.core_type = #tpu.core_type<sc_vector_subcore>, window_params = [{transform_indices = #map}, {transform_indices = #map}, {transform_indices = #map}, {transform_indices = #map}]} {
    %mul3A = arith.constant 16 : i32
    %mul3A_0 = arith.muli %arg0, %mul3A : i32
    %add3A = arith.addi %mul3A_0, %arg1 : i32
    %broadcast_in_dim3A = arith.constant 0.000000e+00 : f32
    %broadcast_in_dim3A_1 = vector.broadcast %broadcast_in_dim3A : f32 to vector<16xf32>
    %scan3A = arith.constant 0 : i32
    %scan3A_2 = arith.constant 0 : i32
    %scan3A_3 = arith.constant 640 : i32
    %scan3A_4 = arith.addi %scan3A_2, %scan3A_3 : i32
    %scan3A_5 = arith.constant 1 : i32
    scf.for %scan3A_58 = %scan3A_2 to %scan3A_4 step %scan3A_5  : i32 {
      %swap3A = arith.index_cast %scan3A_58 : i32 to index
      %swap3A_59 = arith.constant 0 : index
      %swap3A_60 = tpu.vector_load %arg8[%swap3A, %swap3A_59] {strides = array<i32>} : memref<640x32xf32, #tpu.memory_space<vmem>>, vector<1x16xf32>,
      %swap3A_61 = vector.shape_cast %swap3A_60 : vector<1x16xf32> to vector<16xf32>
      %swap3A_62 = vector.shape_cast %broadcast_in_dim3A_1 : vector<16xf32> to vector<1x16xf32>
      tpu.vector_store %arg8[%swap3A, %swap3A_59], %swap3A_62 {strides = array<i32>} : memref<640x32xf32, #tpu.memory_space<vmem>>, vector<1x16xf32>,
      %swap3A_63 = arith.index_cast %scan3A_58 : i32 to index
      %swap3A_64 = arith.constant 16 : index
      %swap3A_65 = tpu.vector_load %arg8[%swap3A_63, %swap3A_64] {strides = array<i32>} : memref<640x32xf32, #tpu.memory_space<vmem>>, vector<1x16xf32>,
      %swap3A_66 = vector.shape_cast %swap3A_65 : vector<1x16xf32> to vector<16xf32>
      %swap3A_67 = vector.shape_cast %broadcast_in_dim3A_1 : vector<16xf32> to vector<1x16xf32>
      tpu.vector_store %arg8[%swap3A_63, %swap3A_64], %swap3A_67 {strides = array<i32>} : memref<640x32xf32, #tpu.memory_space<vmem>>, vector<1x16xf32>,
    }
    %scan3A_6 = arith.constant 640 : i32
    %mul3A_7 = arith.constant 640 : i32
    %mul3A_8 = arith.muli %arg1, %mul3A_7 : i32
    "tpu.region"() ({
      %run_scoped3A = tpu.sem_alloc : memref<!tpu.dma_semaphore, #tpu.memory_space<semaphore_mem>>
      %dma_start3A_58 = arith.constant 0 : i32
      %dma_start3A_59 = tpu.memref_slice %arg12[%mul3A_8, %dma_start3A_58] : memref<10240x32xf32, #tpu.memory_space<vmem_shared>> -> memref<640x32xf32, #tpu.memory_space<vmem_shared>>
      %dma_start3A_60 = arith.constant 0 : i32
      %dma_start3A_61 = tpu.memref_slice %arg12[%mul3A_8, %dma_start3A_60] : memref<10240x32xf32, #tpu.memory_space<vmem_shared>> -> memref<640x32xf32, #tpu.memory_space<vmem_shared>>
      tpu.enqueue_dma source(%arg8 : memref<640x32xf32, #tpu.memory_space<vmem>>) target(%dma_start3A_61 : memref<640x32xf32, #tpu.memory_space<vmem_shared>>) target_semaphore(%run_scoped3A : memref<!tpu.dma_semaphore, #tpu.memory_space<semaphore_mem>>)
      %dma_wait3A = arith.constant 0 : i32
      %dma_wait3A_62 = tpu.memref_slice %arg12[%mul3A_8, %dma_wait3A] : memref<10240x32xf32, #tpu.memory_space<vmem_shared>> -> memref<640x32xf32, #tpu.memory_space<vmem_shared>>
      %dma_wait3A_63 = arith.constant 0 : i32
      %dma_wait3A_64 = tpu.memref_slice %arg12[%mul3A_8, %dma_wait3A_63] : memref<10240x32xf32, #tpu.memory_space<vmem_shared>> -> memref<640x32xf32, #tpu.memory_space<vmem_shared>>
      tpu.wait_dma2 semaphore(%run_scoped3A : memref<!tpu.dma_semaphore, #tpu.memory_space<semaphore_mem>>) src(%arg8 : memref<640x32xf32, #tpu.memory_space<vmem>>) dst(%dma_wait3A_64 : memref<640x32xf32, #tpu.memory_space<vmem_shared>>)
      tpu.yield
    }) : () -> ()
    %mul3A_9 = arith.constant 160 : i32
    %mul3A_10 = arith.muli %add3A, %mul3A_9 : i32
    %add3A_11 = arith.constant 0 : i32
    %add3A_12 = arith.addi %mul3A_10, %add3A_11 : i32
    %dma_start3A = arith.constant 0 : i32
    %dma_start3A_13 = arith.constant 0 : i32
    %dma_start3A_14 = arith.constant 0 : i32
    %dma_start3A_15 = arith.constant 0 : i32
    %dma_start3A_16 = tpu.memref_slice %arg6[%dma_start3A, %dma_start3A_13, %dma_start3A_14, %dma_start3A_15] : memref<2x2x16x128xi32, #tpu.memory_space<vmem>> -> memref<1x1x16x128xi32, #tpu.memory_space<vmem>>
    %dma_start3A_17 = tpu.memref_squeeze %dma_start3A_16 : memref<1x1x16x128xi32, #tpu.memory_space<vmem>> -> memref<16x128xi32, #tpu.memory_space<vmem>>
    %dma_start3A_18 = arith.constant 0 : i32
    %dma_start3A_19 = tpu.memref_slice %arg3[%add3A_12, %dma_start3A_18] : memref<5120x128xi32, #tpu.memory_space<hbm>> -> memref<16x128xi32, #tpu.memory_space<hbm>>
    %dma_start3A_20 = arith.constant 0 : i32
    %dma_start3A_21 = arith.constant 0 : i32
    %dma_start3A_22 = tpu.memref_slice %arg6[%dma_start3A, %dma_start3A_13, %dma_start3A_20, %dma_start3A_21] : memref<2x2x16x128xi32, #tpu.memory_space<vmem>> -> memref<1x1x16x128xi32, #tpu.memory_space<vmem>>
    %dma_start3A_23 = tpu.memref_squeeze %dma_start3A_22 : memref<1x1x16x128xi32, #tpu.memory_space<vmem>> -> memref<16x128xi32, #tpu.memory_space<vmem>>
    %dma_start3A_24 = arith.constant 0 : i32
    %dma_start3A_25 = tpu.memref_slice %arg3[%add3A_12, %dma_start3A_24] : memref<5120x128xi32, #tpu.memory_space<hbm>> -> memref<16x128xi32, #tpu.memory_space<hbm>>
    tpu.enqueue_dma source(%dma_start3A_25 : memref<16x128xi32, #tpu.memory_space<hbm>>) target(%dma_start3A_23 : memref<16x128xi32, #tpu.memory_space<vmem>>) target_semaphore(%arg9 : memref<!tpu.dma_semaphore, #tpu.memory_space<semaphore_mem>>)
    %mul3A_26 = arith.constant 160 : i32
    %mul3A_27 = arith.muli %add3A, %mul3A_26 : i32
    %add3A_28 = arith.constant 0 : i32
    %add3A_29 = arith.addi %mul3A_27, %add3A_28 : i32
    %dma_start3A_30 = arith.constant 0 : i32
    %dma_start3A_31 = arith.constant 1 : i32
    %dma_start3A_32 = arith.constant 0 : i32
    %dma_start3A_33 = arith.constant 0 : i32
    %dma_start3A_34 = tpu.memref_slice %arg6[%dma_start3A_30, %dma_start3A_31, %dma_start3A_32, %dma_start3A_33] : memref<2x2x16x128xi32, #tpu.memory_space<vmem>> -> memref<1x1x16x128xi32, #tpu.memory_space<vmem>>
    %dma_start3A_35 = tpu.memref_squeeze %dma_start3A_34 : memref<1x1x16x128xi32, #tpu.memory_space<vmem>> -> memref<16x128xi32, #tpu.memory_space<vmem>>
    %dma_start3A_36 = arith.constant 0 : i32
    %dma_start3A_37 = tpu.memref_slice %arg4[%add3A_29, %dma_start3A_36] : memref<5120x128xi32, #tpu.memory_space<hbm>> -> memref<16x128xi32, #tpu.memory_space<hbm>>
    %dma_start3A_38 = arith.constant 0 : i32
    %dma_start3A_39 = arith.constant 0 : i32
    %dma_start3A_40 = tpu.memref_slice %arg6[%dma_start3A_30, %dma_start3A_31, %dma_start3A_38, %dma_start3A_39] : memref<2x2x16x128xi32, #tpu.memory_space<vmem>> -> memref<1x1x16x128xi32, #tpu.memory_space<vmem>>
    %dma_start3A_41 = tpu.memref_squeeze %dma_start3A_40 : memref<1x1x16x128xi32, #tpu.memory_space<vmem>> -> memref<16x128xi32, #tpu.memory_space<vmem>>
    %dma_start3A_42 = arith.constant 0 : i32
    %dma_start3A_43 = tpu.memref_slice %arg4[%add3A_29, %dma_start3A_42] : memref<5120x128xi32, #tpu.memory_space<hbm>> -> memref<16x128xi32, #tpu.memory_space<hbm>>
    tpu.enqueue_dma source(%dma_start3A_43 : memref<16x128xi32, #tpu.memory_space<hbm>>) target(%dma_start3A_41 : memref<16x128xi32, #tpu.memory_space<vmem>>) target_semaphore(%arg9 : memref<!tpu.dma_semaphore, #tpu.memory_space<semaphore_mem>>)
    %barrier3A = arith.constant 0 : index
    tpu.barrier barrier_id(%barrier3A)
    %scan3A_44 = arith.constant 0 : i32
    %scan3A_45 = arith.constant 0 : i32
    %scan3A_46 = arith.constant 10 : i32
    %scan3A_47 = arith.addi %scan3A_45, %scan3A_46 : i32
    %scan3A_48 = arith.constant 1 : i32
    scf.for %scan3A_58 = %scan3A_45 to %scan3A_47 step %scan3A_48  : i32 {
      %rem3A = arith.constant 2 : i32
      %rem3A_59 = arith.remsi %scan3A_58, %rem3A : i32
      %mul3A_60 = arith.constant 160 : i32
      %mul3A_61 = arith.muli %add3A, %mul3A_60 : i32
      %add3A_62 = arith.constant 0 : i32
      %add3A_63 = arith.addi %mul3A_61, %add3A_62 : i32
      %dma_wait3A = arith.constant 0 : i32
      %dma_wait3A_64 = arith.constant 0 : i32
      %dma_wait3A_65 = arith.constant 0 : i32
      %dma_wait3A_66 = tpu.memref_slice %arg6[%rem3A_59, %dma_wait3A, %dma_wait3A_64, %dma_wait3A_65] : memref<2x2x16x128xi32, #tpu.memory_space<vmem>> -> memref<1x1x16x128xi32, #tpu.memory_space<vmem>>
      %dma_wait3A_67 = tpu.memref_squeeze %dma_wait3A_66 : memref<1x1x16x128xi32, #tpu.memory_space<vmem>> -> memref<16x128xi32, #tpu.memory_space<vmem>>
      %dma_wait3A_68 = arith.constant 0 : i32
      %dma_wait3A_69 = tpu.memref_slice %arg3[%add3A_63, %dma_wait3A_68] : memref<5120x128xi32, #tpu.memory_space<hbm>> -> memref<16x128xi32, #tpu.memory_space<hbm>>
      %dma_wait3A_70 = arith.constant 0 : i32
      %dma_wait3A_71 = arith.constant 0 : i32
      %dma_wait3A_72 = tpu.memref_slice %arg6[%rem3A_59, %dma_wait3A, %dma_wait3A_70, %dma_wait3A_71] : memref<2x2x16x128xi32, #tpu.memory_space<vmem>> -> memref<1x1x16x128xi32, #tpu.memory_space<vmem>>
      %dma_wait3A_73 = tpu.memref_squeeze %dma_wait3A_72 : memref<1x1x16x128xi32, #tpu.memory_space<vmem>> -> memref<16x128xi32, #tpu.memory_space<vmem>>
      %dma_wait3A_74 = arith.constant 0 : i32
      %dma_wait3A_75 = tpu.memref_slice %arg3[%add3A_63, %dma_wait3A_74] : memref<5120x128xi32, #tpu.memory_space<hbm>> -> memref<16x128xi32, #tpu.memory_space<hbm>>
      tpu.wait_dma2 semaphore(%arg9 : memref<!tpu.dma_semaphore, #tpu.memory_space<semaphore_mem>>) src(%dma_wait3A_75 : memref<16x128xi32, #tpu.memory_space<hbm>>) dst(%dma_wait3A_73 : memref<16x128xi32, #tpu.memory_space<vmem>>)
      %mul3A_76 = arith.constant 160 : i32
      %mul3A_77 = arith.muli %add3A, %mul3A_76 : i32
      %add3A_78 = arith.constant 0 : i32
      %add3A_79 = arith.addi %mul3A_77, %add3A_78 : i32
      %dma_wait3A_80 = arith.constant 1 : i32
      %dma_wait3A_81 = arith.constant 0 : i32
      %dma_wait3A_82 = arith.constant 0 : i32
      %dma_wait3A_83 = tpu.memref_slice %arg6[%rem3A_59, %dma_wait3A_80, %dma_wait3A_81, %dma_wait3A_82] : memref<2x2x16x128xi32, #tpu.memory_space<vmem>> -> memref<1x1x16x128xi32, #tpu.memory_space<vmem>>
      %dma_wait3A_84 = tpu.memref_squeeze %dma_wait3A_83 : memref<1x1x16x128xi32, #tpu.memory_space<vmem>> -> memref<16x128xi32, #tpu.memory_space<vmem>>
      %dma_wait3A_85 = arith.constant 0 : i32
      %dma_wait3A_86 = tpu.memref_slice %arg4[%add3A_79, %dma_wait3A_85] : memref<5120x128xi32, #tpu.memory_space<hbm>> -> memref<16x128xi32, #tpu.memory_space<hbm>>
      %dma_wait3A_87 = arith.constant 0 : i32
      %dma_wait3A_88 = arith.constant 0 : i32
      %dma_wait3A_89 = tpu.memref_slice %arg6[%rem3A_59, %dma_wait3A_80, %dma_wait3A_87, %dma_wait3A_88] : memref<2x2x16x128xi32, #tpu.memory_space<vmem>> -> memref<1x1x16x128xi32, #tpu.memory_space<vmem>>
      %dma_wait3A_90 = tpu.memref_squeeze %dma_wait3A_89 : memref<1x1x16x128xi32, #tpu.memory_space<vmem>> -> memref<16x128xi32, #tpu.memory_space<vmem>>
      %dma_wait3A_91 = arith.constant 0 : i32
      %dma_wait3A_92 = tpu.memref_slice %arg4[%add3A_79, %dma_wait3A_91] : memref<5120x128xi32, #tpu.memory_space<hbm>> -> memref<16x128xi32, #tpu.memory_space<hbm>>
      tpu.wait_dma2 semaphore(%arg9 : memref<!tpu.dma_semaphore, #tpu.memory_space<semaphore_mem>>) src(%dma_wait3A_92 : memref<16x128xi32, #tpu.memory_space<hbm>>) dst(%dma_wait3A_90 : memref<16x128xi32, #tpu.memory_space<vmem>>)
      %add3A_93 = arith.constant 1 : i32
      %add3A_94 = arith.addi %scan3A_58, %add3A_93 : i32
      %lt3A = arith.constant 10 : i32
      %lt3A_95 = arith.cmpi slt, %add3A_94, %lt3A : i32
      %convert_element_type3A = arith.extui %lt3A_95 : i1 to i32
      %cond3A = arith.constant 0 : i32
      %cond3A_96 = arith.cmpi ne, %convert_element_type3A, %cond3A : i32
      scf.if %cond3A_96 {
        %add3A_929 = arith.constant 1 : i32
        %add3A_930 = arith.addi %scan3A_58, %add3A_929 : i32
        %mul3A_931 = arith.constant 160 : i32
        %mul3A_932 = arith.muli %add3A, %mul3A_931 : i32
        %mul3A_933 = arith.constant 16 : i32
        %mul3A_934 = arith.muli %add3A_930, %mul3A_933 : i32
        %add3A_935 = arith.addi %mul3A_932, %mul3A_934 : i32
        %sub3A = arith.constant 1 : i32
        %sub3A_936 = arith.subi %sub3A, %rem3A_59 : i32
        %dma_start3A_937 = arith.constant 0 : i32
        %dma_start3A_938 = arith.constant 0 : i32
        %dma_start3A_939 = arith.constant 0 : i32
        %dma_start3A_940 = tpu.memref_slice %arg6[%sub3A_936, %dma_start3A_937, %dma_start3A_938, %dma_start3A_939] : memref<2x2x16x128xi32, #tpu.memory_space<vmem>> -> memref<1x1x16x128xi32, #tpu.memory_space<vmem>>
        %dma_start3A_941 = tpu.memref_squeeze %dma_start3A_940 : memref<1x1x16x128xi32, #tpu.memory_space<vmem>> -> memref<16x128xi32, #tpu.memory_space<vmem>>
        %dma_start3A_942 = arith.constant 0 : i32
        %dma_start3A_943 = tpu.memref_slice %arg3[%add3A_935, %dma_start3A_942] : memref<5120x128xi32, #tpu.memory_space<hbm>> -> memref<16x128xi32, #tpu.memory_space<hbm>>
        %dma_start3A_944 = arith.constant 0 : i32
        %dma_start3A_945 = arith.constant 0 : i32
        %dma_start3A_946 = tpu.memref_slice %arg6[%sub3A_936, %dma_start3A_937, %dma_start3A_944, %dma_start3A_945] : memref<2x2x16x128xi32, #tpu.memory_space<vmem>> -> memref<1x1x16x128xi32, #tpu.memory_space<vmem>>
        %dma_start3A_947 = tpu.memref_squeeze %dma_start3A_946 : memref<1x1x16x128xi32, #tpu.memory_space<vmem>> -> memref<16x128xi32, #tpu.memory_space<vmem>>
        %dma_start3A_948 = arith.constant 0 : i32
        %dma_start3A_949 = tpu.memref_slice %arg3[%add3A_935, %dma_start3A_948] : memref<5120x128xi32, #tpu.memory_space<hbm>> -> memref<16x128xi32, #tpu.memory_space<hbm>>
        tpu.enqueue_dma source(%dma_start3A_949 : memref<16x128xi32, #tpu.memory_space<hbm>>) target(%dma_start3A_947 : memref<16x128xi32, #tpu.memory_space<vmem>>) target_semaphore(%arg9 : memref<!tpu.dma_semaphore, #tpu.memory_space<semaphore_mem>>)
        %add3A_950 = arith.constant 1 : i32
        %add3A_951 = arith.addi %scan3A_58, %add3A_950 : i32
        %mul3A_952 = arith.constant 160 : i32
        %mul3A_953 = arith.muli %add3A, %mul3A_952 : i32
        %mul3A_954 = arith.constant 16 : i32
        %mul3A_955 = arith.muli %add3A_951, %mul3A_954 : i32
        %add3A_956 = arith.addi %mul3A_953, %mul3A_955 : i32
        %sub3A_957 = arith.constant 1 : i32
        %sub3A_958 = arith.subi %sub3A_957, %rem3A_59 : i32
        %dma_start3A_959 = arith.constant 1 : i32
        %dma_start3A_960 = arith.constant 0 : i32
        %dma_start3A_961 = arith.constant 0 : i32
        %dma_start3A_962 = tpu.memref_slice %arg6[%sub3A_958, %dma_start3A_959, %dma_start3A_960, %dma_start3A_961] : memref<2x2x16x128xi32, #tpu.memory_space<vmem>> -> memref<1x1x16x128xi32, #tpu.memory_space<vmem>>
        %dma_start3A_963 = tpu.memref_squeeze %dma_start3A_962 : memref<1x1x16x128xi32, #tpu.memory_space<vmem>> -> memref<16x128xi32, #tpu.memory_space<vmem>>
        %dma_start3A_964 = arith.constant 0 : i32
        %dma_start3A_965 = tpu.memref_slice %arg4[%add3A_956, %dma_start3A_964] : memref<5120x128xi32, #tpu.memory_space<hbm>> -> memref<16x128xi32, #tpu.memory_space<hbm>>
        %dma_start3A_966 = arith.constant 0 : i32
        %dma_start3A_967 = arith.constant 0 : i32
        %dma_start3A_968 = tpu.memref_slice %arg6[%sub3A_958, %dma_start3A_959, %dma_start3A_966, %dma_start3A_967] : memref<2x2x16x128xi32, #tpu.memory_space<vmem>> -> memref<1x1x16x128xi32, #tpu.memory_space<vmem>>
        %dma_start3A_969 = tpu.memref_squeeze %dma_start3A_968 : memref<1x1x16x128xi32, #tpu.memory_space<vmem>> -> memref<16x128xi32, #tpu.memory_space<vmem>>
        %dma_start3A_970 = arith.constant 0 : i32
        %dma_start3A_971 = tpu.memref_slice %arg4[%add3A_956, %dma_start3A_970] : memref<5120x128xi32, #tpu.memory_space<hbm>> -> memref<16x128xi32, #tpu.memory_space<hbm>>
        tpu.enqueue_dma source(%dma_start3A_971 : memref<16x128xi32, #tpu.memory_space<hbm>>) target(%dma_start3A_969 : memref<16x128xi32, #tpu.memory_space<vmem>>) target_semaphore(%arg9 : memref<!tpu.dma_semaphore, #tpu.memory_space<semaphore_mem>>)
      } else {
      }
      %dma_start3A_97 = arith.constant 0 : i32
      %dma_start3A_98 = arith.constant 0 : i32
      %dma_start3A_99 = arith.constant 0 : i32
      %dma_start3A_100 = arith.constant 0 : i32
      %dma_start3A_101 = arith.constant 0 : i32
      %dma_start3A_102 = tpu.memref_slice %arg7[%dma_start3A_99, %dma_start3A_100, %dma_start3A_101] : memref<16x128x32xf32, #tpu.memory_space<vmem>> -> memref<1x128x32xf32, #tpu.memory_space<vmem>>
      %dma_start3A_103 = tpu.memref_squeeze %dma_start3A_102 : memref<1x128x32xf32, #tpu.memory_space<vmem>> -> memref<128x32xf32, #tpu.memory_space<vmem>>
      %dma_start3A_104 = arith.constant 0 : i32
      %dma_start3A_105 = tpu.memref_slice %arg6[%rem3A_59, %dma_start3A_97, %dma_start3A_98, %dma_start3A_104] : memref<2x2x16x128xi32, #tpu.memory_space<vmem>> -> memref<1x1x1x128xi32, #tpu.memory_space<vmem>>
      %dma_start3A_106 = tpu.memref_squeeze %dma_start3A_105 : memref<1x1x1x128xi32, #tpu.memory_space<vmem>> -> memref<128xi32, #tpu.memory_space<vmem>>
      %dma_start3A_107 = arith.constant 0 : i32
      %dma_start3A_108 = arith.constant 0 : i32
      %dma_start3A_109 = tpu.memref_slice %arg2[%dma_start3A_107, %dma_start3A_108] : memref<10240x32xf32, #tpu.memory_space<hbm>> -> memref<10240x32xf32, #tpu.memory_space<hbm>>
      tpu.enqueue_indirect_dma source(%dma_start3A_109 : memref<10240x32xf32, #tpu.memory_space<hbm>>) target(%dma_start3A_103 : memref<128x32xf32, #tpu.memory_space<vmem>>) offsets(%dma_start3A_106 : memref<128xi32, #tpu.memory_space<vmem>>) semaphore(%arg10 : memref<!tpu.dma_semaphore, #tpu.memory_space<semaphore_mem>>)
      %dma_start3A_110 = arith.constant 0 : i32
      %dma_start3A_111 = arith.constant 1 : i32
      %dma_start3A_112 = arith.constant 1 : i32
      %dma_start3A_113 = arith.constant 0 : i32
      %dma_start3A_114 = arith.constant 0 : i32
      %dma_start3A_115 = tpu.memref_slice %arg7[%dma_start3A_112, %dma_start3A_113, %dma_start3A_114] : memref<16x128x32xf32, #tpu.memory_space<vmem>> -> memref<1x128x32xf32, #tpu.memory_space<vmem>>
      %dma_start3A_116 = tpu.memref_squeeze %dma_start3A_115 : memref<1x128x32xf32, #tpu.memory_space<vmem>> -> memref<128x32xf32, #tpu.memory_space<vmem>>
      %dma_start3A_117 = arith.constant 0 : i32
      %dma_start3A_118 = tpu.memref_slice %arg6[%rem3A_59, %dma_start3A_110, %dma_start3A_111, %dma_start3A_117] : memref<2x2x16x128xi32, #tpu.memory_space<vmem>> -> memref<1x1x1x128xi32, #tpu.memory_space<vmem>>
      %dma_start3A_119 = tpu.memref_squeeze %dma_start3A_118 : memref<1x1x1x128xi32, #tpu.memory_space<vmem>> -> memref<128xi32, #tpu.memory_space<vmem>>
      %dma_start3A_120 = arith.constant 0 : i32
      %dma_start3A_121 = arith.constant 0 : i32
      %dma_start3A_122 = tpu.memref_slice %arg2[%dma_start3A_120, %dma_start3A_121] : memref<10240x32xf32, #tpu.memory_space<hbm>> -> memref<10240x32xf32, #tpu.memory_space<hbm>>
      tpu.enqueue_indirect_dma source(%dma_start3A_122 : memref<10240x32xf32, #tpu.memory_space<hbm>>) target(%dma_start3A_116 : memref<128x32xf32, #tpu.memory_space<vmem>>) offsets(%dma_start3A_119 : memref<128xi32, #tpu.memory_space<vmem>>) semaphore(%arg10 : memref<!tpu.dma_semaphore, #tpu.memory_space<semaphore_mem>>)
      %dma_start3A_123 = arith.constant 0 : i32
      %dma_start3A_124 = arith.constant 2 : i32
      %dma_start3A_125 = arith.constant 2 : i32
      %dma_start3A_126 = arith.constant 0 : i32
      %dma_start3A_127 = arith.constant 0 : i32
      %dma_start3A_128 = tpu.memref_slice %arg7[%dma_start3A_125, %dma_start3A_126, %dma_start3A_127] : memref<16x128x32xf32, #tpu.memory_space<vmem>> -> memref<1x128x32xf32, #tpu.memory_space<vmem>>
      %dma_start3A_129 = tpu.memref_squeeze %dma_start3A_128 : memref<1x128x32xf32, #tpu.memory_space<vmem>> -> memref<128x32xf32, #tpu.memory_space<vmem>>
      %dma_start3A_130 = arith.constant 0 : i32
      %dma_start3A_131 = tpu.memref_slice %arg6[%rem3A_59, %dma_start3A_123, %dma_start3A_124, %dma_start3A_130] : memref<2x2x16x128xi32, #tpu.memory_space<vmem>> -> memref<1x1x1x128xi32, #tpu.memory_space<vmem>>
      %dma_start3A_132 = tpu.memref_squeeze %dma_start3A_131 : memref<1x1x1x128xi32, #tpu.memory_space<vmem>> -> memref<128xi32, #tpu.memory_space<vmem>>
      %dma_start3A_133 = arith.constant 0 : i32
      %dma_start3A_134 = arith.constant 0 : i32
      %dma_start3A_135 = tpu.memref_slice %arg2[%dma_start3A_133, %dma_start3A_134] : memref<10240x32xf32, #tpu.memory_space<hbm>> -> memref<10240x32xf32, #tpu.memory_space<hbm>>
      tpu.enqueue_indirect_dma source(%dma_start3A_135 : memref<10240x32xf32, #tpu.memory_space<hbm>>) target(%dma_start3A_129 : memref<128x32xf32, #tpu.memory_space<vmem>>) offsets(%dma_start3A_132 : memref<128xi32, #tpu.memory_space<vmem>>) semaphore(%arg10 : memref<!tpu.dma_semaphore, #tpu.memory_space<semaphore_mem>>)
      %dma_start3A_136 = arith.constant 0 : i32
      %dma_start3A_137 = arith.constant 3 : i32
      %dma_start3A_138 = arith.constant 3 : i32
      %dma_start3A_139 = arith.constant 0 : i32
      %dma_start3A_140 = arith.constant 0 : i32
      %dma_start3A_141 = tpu.memref_slice %arg7[%dma_start3A_138, %dma_start3A_139, %dma_start3A_140] : memref<16x128x32xf32, #tpu.memory_space<vmem>> -> memref<1x128x32xf32, #tpu.memory_space<vmem>>
      %dma_start3A_142 = tpu.memref_squeeze %dma_start3A_141 : memref<1x128x32xf32, #tpu.memory_space<vmem>> -> memref<128x32xf32, #tpu.memory_space<vmem>>
      %dma_start3A_143 = arith.constant 0 : i32
      %dma_start3A_144 = tpu.memref_slice %arg6[%rem3A_59, %dma_start3A_136, %dma_start3A_137, %dma_start3A_143] : memref<2x2x16x128xi32, #tpu.memory_space<vmem>> -> memref<1x1x1x128xi32, #tpu.memory_space<vmem>>
      %dma_start3A_145 = tpu.memref_squeeze %dma_start3A_144 : memref<1x1x1x128xi32, #tpu.memory_space<vmem>> -> memref<128xi32, #tpu.memory_space<vmem>>
      %dma_start3A_146 = arith.constant 0 : i32
      %dma_start3A_147 = arith.constant 0 : i32
      %dma_start3A_148 = tpu.memref_slice %arg2[%dma_start3A_146, %dma_start3A_147] : memref<10240x32xf32, #tpu.memory_space<hbm>> -> memref<10240x32xf32, #tpu.memory_space<hbm>>
      tpu.enqueue_indirect_dma source(%dma_start3A_148 : memref<10240x32xf32, #tpu.memory_space<hbm>>) target(%dma_start3A_142 : memref<128x32xf32, #tpu.memory_space<vmem>>) offsets(%dma_start3A_145 : memref<128xi32, #tpu.memory_space<vmem>>) semaphore(%arg10 : memref<!tpu.dma_semaphore, #tpu.memory_space<semaphore_mem>>)
      %dma_start3A_149 = arith.constant 0 : i32
      %dma_start3A_150 = arith.constant 4 : i32
      %dma_start3A_151 = arith.constant 4 : i32
      %dma_start3A_152 = arith.constant 0 : i32
      %dma_start3A_153 = arith.constant 0 : i32
      %dma_start3A_154 = tpu.memref_slice %arg7[%dma_start3A_151, %dma_start3A_152, %dma_start3A_153] : memref<16x128x32xf32, #tpu.memory_space<vmem>> -> memref<1x128x32xf32, #tpu.memory_space<vmem>>
      %dma_start3A_155 = tpu.memref_squeeze %dma_start3A_154 : memref<1x128x32xf32, #tpu.memory_space<vmem>> -> memref<128x32xf32, #tpu.memory_space<vmem>>
      %dma_start3A_156 = arith.constant 0 : i32
      %dma_start3A_157 = tpu.memref_slice %arg6[%rem3A_59, %dma_start3A_149, %dma_start3A_150, %dma_start3A_156] : memref<2x2x16x128xi32, #tpu.memory_space<vmem>> -> memref<1x1x1x128xi32, #tpu.memory_space<vmem>>
      %dma_start3A_158 = tpu.memref_squeeze %dma_start3A_157 : memref<1x1x1x128xi32, #tpu.memory_space<vmem>> -> memref<128xi32, #tpu.memory_space<vmem>>
      %dma_start3A_159 = arith.constant 0 : i32
      %dma_start3A_160 = arith.constant 0 : i32
      %dma_start3A_161 = tpu.memref_slice %arg2[%dma_start3A_159, %dma_start3A_160] : memref<10240x32xf32, #tpu.memory_space<hbm>> -> memref<10240x32xf32, #tpu.memory_space<hbm>>
      tpu.enqueue_indirect_dma source(%dma_start3A_161 : memref<10240x32xf32, #tpu.memory_space<hbm>>) target(%dma_start3A_155 : memref<128x32xf32, #tpu.memory_space<vmem>>) offsets(%dma_start3A_158 : memref<128xi32, #tpu.memory_space<vmem>>) semaphore(%arg10 : memref<!tpu.dma_semaphore, #tpu.memory_space<semaphore_mem>>)
      %dma_start3A_162 = arith.constant 0 : i32
      %dma_start3A_163 = arith.constant 5 : i32
      %dma_start3A_164 = arith.constant 5 : i32
      %dma_start3A_165 = arith.constant 0 : i32
      %dma_start3A_166 = arith.constant 0 : i32
      %dma_start3A_167 = tpu.memref_slice %arg7[%dma_start3A_164, %dma_start3A_165, %dma_start3A_166] : memref<16x128x32xf32, #tpu.memory_space<vmem>> -> memref<1x128x32xf32, #tpu.memory_space<vmem>>
      %dma_start3A_168 = tpu.memref_squeeze %dma_start3A_167 : memref<1x128x32xf32, #tpu.memory_space<vmem>> -> memref<128x32xf32, #tpu.memory_space<vmem>>
      %dma_start3A_169 = arith.constant 0 : i32
      %dma_start3A_170 = tpu.memref_slice %arg6[%rem3A_59, %dma_start3A_162, %dma_start3A_163, %dma_start3A_169] : memref<2x2x16x128xi32, #tpu.memory_space<vmem>> -> memref<1x1x1x128xi32, #tpu.memory_space<vmem>>
      %dma_start3A_171 = tpu.memref_squeeze %dma_start3A_170 : memref<1x1x1x128xi32, #tpu.memory_space<vmem>> -> memref<128xi32, #tpu.memory_space<vmem>>
      %dma_start3A_172 = arith.constant 0 : i32
      %dma_start3A_173 = arith.constant 0 : i32
      %dma_start3A_174 = tpu.memref_slice %arg2[%dma_start3A_172, %dma_start3A_173] : memref<10240x32xf32, #tpu.memory_space<hbm>> -> memref<10240x32xf32, #tpu.memory_space<hbm>>
      tpu.enqueue_indirect_dma source(%dma_start3A_174 : memref<10240x32xf32, #tpu.memory_space<hbm>>) target(%dma_start3A_168 : memref<128x32xf32, #tpu.memory_space<vmem>>) offsets(%dma_start3A_171 : memref<128xi32, #tpu.memory_space<vmem>>) semaphore(%arg10 : memref<!tpu.dma_semaphore, #tpu.memory_space<semaphore_mem>>)
      %dma_start3A_175 = arith.constant 0 : i32
      %dma_start3A_176 = arith.constant 6 : i32
      %dma_start3A_177 = arith.constant 6 : i32
      %dma_start3A_178 = arith.constant 0 : i32
      %dma_start3A_179 = arith.constant 0 : i32
      %dma_start3A_180 = tpu.memref_slice %arg7[%dma_start3A_177, %dma_start3A_178, %dma_start3A_179] : memref<16x128x32xf32, #tpu.memory_space<vmem>> -> memref<1x128x32xf32, #tpu.memory_space<vmem>>
      %dma_start3A_181 = tpu.memref_squeeze %dma_start3A_180 : memref<1x128x32xf32, #tpu.memory_space<vmem>> -> memref<128x32xf32, #tpu.memory_space<vmem>>
      %dma_start3A_182 = arith.constant 0 : i32
      %dma_start3A_183 = tpu.memref_slice %arg6[%rem3A_59, %dma_start3A_175, %dma_start3A_176, %dma_start3A_182] : memref<2x2x16x128xi32, #tpu.memory_space<vmem>> -> memref<1x1x1x128xi32, #tpu.memory_space<vmem>>
      %dma_start3A_184 = tpu.memref_squeeze %dma_start3A_183 : memref<1x1x1x128xi32, #tpu.memory_space<vmem>> -> memref<128xi32, #tpu.memory_space<vmem>>
      %dma_start3A_185 = arith.constant 0 : i32
      %dma_start3A_186 = arith.constant 0 : i32
      %dma_start3A_187 = tpu.memref_slice %arg2[%dma_start3A_185, %dma_start3A_186] : memref<10240x32xf32, #tpu.memory_space<hbm>> -> memref<10240x32xf32, #tpu.memory_space<hbm>>
      tpu.enqueue_indirect_dma source(%dma_start3A_187 : memref<10240x32xf32, #tpu.memory_space<hbm>>) target(%dma_start3A_181 : memref<128x32xf32, #tpu.memory_space<vmem>>) offsets(%dma_start3A_184 : memref<128xi32, #tpu.memory_space<vmem>>) semaphore(%arg10 : memref<!tpu.dma_semaphore, #tpu.memory_space<semaphore_mem>>)
      %dma_start3A_188 = arith.constant 0 : i32
      %dma_start3A_189 = arith.constant 7 : i32
      %dma_start3A_190 = arith.constant 7 : i32
      %dma_start3A_191 = arith.constant 0 : i32
      %dma_start3A_192 = arith.constant 0 : i32
      %dma_start3A_193 = tpu.memref_slice %arg7[%dma_start3A_190, %dma_start3A_191, %dma_start3A_192] : memref<16x128x32xf32, #tpu.memory_space<vmem>> -> memref<1x128x32xf32, #tpu.memory_space<vmem>>
      %dma_start3A_194 = tpu.memref_squeeze %dma_start3A_193 : memref<1x128x32xf32, #tpu.memory_space<vmem>> -> memref<128x32xf32, #tpu.memory_space<vmem>>
      %dma_start3A_195 = arith.constant 0 : i32
      %dma_start3A_196 = tpu.memref_slice %arg6[%rem3A_59, %dma_start3A_188, %dma_start3A_189, %dma_start3A_195] : memref<2x2x16x128xi32, #tpu.memory_space<vmem>> -> memref<1x1x1x128xi32, #tpu.memory_space<vmem>>
      %dma_start3A_197 = tpu.memref_squeeze %dma_start3A_196 : memref<1x1x1x128xi32, #tpu.memory_space<vmem>> -> memref<128xi32, #tpu.memory_space<vmem>>
      %dma_start3A_198 = arith.constant 0 : i32
      %dma_start3A_199 = arith.constant 0 : i32
      %dma_start3A_200 = tpu.memref_slice %arg2[%dma_start3A_198, %dma_start3A_199] : memref<10240x32xf32, #tpu.memory_space<hbm>> -> memref<10240x32xf32, #tpu.memory_space<hbm>>
      tpu.enqueue_indirect_dma source(%dma_start3A_200 : memref<10240x32xf32, #tpu.memory_space<hbm>>) target(%dma_start3A_194 : memref<128x32xf32, #tpu.memory_space<vmem>>) offsets(%dma_start3A_197 : memref<128xi32, #tpu.memory_space<vmem>>) semaphore(%arg10 : memref<!tpu.dma_semaphore, #tpu.memory_space<semaphore_mem>>)
      %dma_start3A_201 = arith.constant 0 : i32
      %dma_start3A_202 = arith.constant 8 : i32
      %dma_start3A_203 = arith.constant 8 : i32
      %dma_start3A_204 = arith.constant 0 : i32
      %dma_start3A_205 = arith.constant 0 : i32
      %dma_start3A_206 = tpu.memref_slice %arg7[%dma_start3A_203, %dma_start3A_204, %dma_start3A_205] : memref<16x128x32xf32, #tpu.memory_space<vmem>> -> memref<1x128x32xf32, #tpu.memory_space<vmem>>
      %dma_start3A_207 = tpu.memref_squeeze %dma_start3A_206 : memref<1x128x32xf32, #tpu.memory_space<vmem>> -> memref<128x32xf32, #tpu.memory_space<vmem>>
      %dma_start3A_208 = arith.constant 0 : i32
      %dma_start3A_209 = tpu.memref_slice %arg6[%rem3A_59, %dma_start3A_201, %dma_start3A_202, %dma_start3A_208] : memref<2x2x16x128xi32, #tpu.memory_space<vmem>> -> memref<1x1x1x128xi32, #tpu.memory_space<vmem>>
      %dma_start3A_210 = tpu.memref_squeeze %dma_start3A_209 : memref<1x1x1x128xi32, #tpu.memory_space<vmem>> -> memref<128xi32, #tpu.memory_space<vmem>>
      %dma_start3A_211 = arith.constant 0 : i32
      %dma_start3A_212 = arith.constant 0 : i32
      %dma_start3A_213 = tpu.memref_slice %arg2[%dma_start3A_211, %dma_start3A_212] : memref<10240x32xf32, #tpu.memory_space<hbm>> -> memref<10240x32xf32, #tpu.memory_space<hbm>>
      tpu.enqueue_indirect_dma source(%dma_start3A_213 : memref<10240x32xf32, #tpu.memory_space<hbm>>) target(%dma_start3A_207 : memref<128x32xf32, #tpu.memory_space<vmem>>) offsets(%dma_start3A_210 : memref<128xi32, #tpu.memory_space<vmem>>) semaphore(%arg10 : memref<!tpu.dma_semaphore, #tpu.memory_space<semaphore_mem>>)
      %dma_start3A_214 = arith.constant 0 : i32
      %dma_start3A_215 = arith.constant 9 : i32
      %dma_start3A_216 = arith.constant 9 : i32
      %dma_start3A_217 = arith.constant 0 : i32
      %dma_start3A_218 = arith.constant 0 : i32
      %dma_start3A_219 = tpu.memref_slice %arg7[%dma_start3A_216, %dma_start3A_217, %dma_start3A_218] : memref<16x128x32xf32, #tpu.memory_space<vmem>> -> memref<1x128x32xf32, #tpu.memory_space<vmem>>
      %dma_start3A_220 = tpu.memref_squeeze %dma_start3A_219 : memref<1x128x32xf32, #tpu.memory_space<vmem>> -> memref<128x32xf32, #tpu.memory_space<vmem>>
      %dma_start3A_221 = arith.constant 0 : i32
      %dma_start3A_222 = tpu.memref_slice %arg6[%rem3A_59, %dma_start3A_214, %dma_start3A_215, %dma_start3A_221] : memref<2x2x16x128xi32, #tpu.memory_space<vmem>> -> memref<1x1x1x128xi32, #tpu.memory_space<vmem>>
      %dma_start3A_223 = tpu.memref_squeeze %dma_start3A_222 : memref<1x1x1x128xi32, #tpu.memory_space<vmem>> -> memref<128xi32, #tpu.memory_space<vmem>>
      %dma_start3A_224 = arith.constant 0 : i32
      %dma_start3A_225 = arith.constant 0 : i32
      %dma_start3A_226 = tpu.memref_slice %arg2[%dma_start3A_224, %dma_start3A_225] : memref<10240x32xf32, #tpu.memory_space<hbm>> -> memref<10240x32xf32, #tpu.memory_space<hbm>>
      tpu.enqueue_indirect_dma source(%dma_start3A_226 : memref<10240x32xf32, #tpu.memory_space<hbm>>) target(%dma_start3A_220 : memref<128x32xf32, #tpu.memory_space<vmem>>) offsets(%dma_start3A_223 : memref<128xi32, #tpu.memory_space<vmem>>) semaphore(%arg10 : memref<!tpu.dma_semaphore, #tpu.memory_space<semaphore_mem>>)
      %dma_start3A_227 = arith.constant 0 : i32
      %dma_start3A_228 = arith.constant 10 : i32
      %dma_start3A_229 = arith.constant 10 : i32
      %dma_start3A_230 = arith.constant 0 : i32
      %dma_start3A_231 = arith.constant 0 : i32
      %dma_start3A_232 = tpu.memref_slice %arg7[%dma_start3A_229, %dma_start3A_230, %dma_start3A_231] : memref<16x128x32xf32, #tpu.memory_space<vmem>> -> memref<1x128x32xf32, #tpu.memory_space<vmem>>
      %dma_start3A_233 = tpu.memref_squeeze %dma_start3A_232 : memref<1x128x32xf32, #tpu.memory_space<vmem>> -> memref<128x32xf32, #tpu.memory_space<vmem>>
      %dma_start3A_234 = arith.constant 0 : i32
      %dma_start3A_235 = tpu.memref_slice %arg6[%rem3A_59, %dma_start3A_227, %dma_start3A_228, %dma_start3A_234] : memref<2x2x16x128xi32, #tpu.memory_space<vmem>> -> memref<1x1x1x128xi32, #tpu.memory_space<vmem>>
      %dma_start3A_236 = tpu.memref_squeeze %dma_start3A_235 : memref<1x1x1x128xi32, #tpu.memory_space<vmem>> -> memref<128xi32, #tpu.memory_space<vmem>>
      %dma_start3A_237 = arith.constant 0 : i32
      %dma_start3A_238 = arith.constant 0 : i32
      %dma_start3A_239 = tpu.memref_slice %arg2[%dma_start3A_237, %dma_start3A_238] : memref<10240x32xf32, #tpu.memory_space<hbm>> -> memref<10240x32xf32, #tpu.memory_space<hbm>>
      tpu.enqueue_indirect_dma source(%dma_start3A_239 : memref<10240x32xf32, #tpu.memory_space<hbm>>) target(%dma_start3A_233 : memref<128x32xf32, #tpu.memory_space<vmem>>) offsets(%dma_start3A_236 : memref<128xi32, #tpu.memory_space<vmem>>) semaphore(%arg10 : memref<!tpu.dma_semaphore, #tpu.memory_space<semaphore_mem>>)
      %dma_start3A_240 = arith.constant 0 : i32
      %dma_start3A_241 = arith.constant 11 : i32
      %dma_start3A_242 = arith.constant 11 : i32
      %dma_start3A_243 = arith.constant 0 : i32
      %dma_start3A_244 = arith.constant 0 : i32
      %dma_start3A_245 = tpu.memref_slice %arg7[%dma_start3A_242, %dma_start3A_243, %dma_start3A_244] : memref<16x128x32xf32, #tpu.memory_space<vmem>> -> memref<1x128x32xf32, #tpu.memory_space<vmem>>
      %dma_start3A_246 = tpu.memref_squeeze %dma_start3A_245 : memref<1x128x32xf32, #tpu.memory_space<vmem>> -> memref<128x32xf32, #tpu.memory_space<vmem>>
      %dma_start3A_247 = arith.constant 0 : i32
      %dma_start3A_248 = tpu.memref_slice %arg6[%rem3A_59, %dma_start3A_240, %dma_start3A_241, %dma_start3A_247] : memref<2x2x16x128xi32, #tpu.memory_space<vmem>> -> memref<1x1x1x128xi32, #tpu.memory_space<vmem>>
      %dma_start3A_249 = tpu.memref_squeeze %dma_start3A_248 : memref<1x1x1x128xi32, #tpu.memory_space<vmem>> -> memref<128xi32, #tpu.memory_space<vmem>>
      %dma_start3A_250 = arith.constant 0 : i32
      %dma_start3A_251 = arith.constant 0 : i32
      %dma_start3A_252 = tpu.memref_slice %arg2[%dma_start3A_250, %dma_start3A_251] : memref<10240x32xf32, #tpu.memory_space<hbm>> -> memref<10240x32xf32, #tpu.memory_space<hbm>>
      tpu.enqueue_indirect_dma source(%dma_start3A_252 : memref<10240x32xf32, #tpu.memory_space<hbm>>) target(%dma_start3A_246 : memref<128x32xf32, #tpu.memory_space<vmem>>) offsets(%dma_start3A_249 : memref<128xi32, #tpu.memory_space<vmem>>) semaphore(%arg10 : memref<!tpu.dma_semaphore, #tpu.memory_space<semaphore_mem>>)
      %dma_start3A_253 = arith.constant 0 : i32
      %dma_start3A_254 = arith.constant 12 : i32
      %dma_start3A_255 = arith.constant 12 : i32
      %dma_start3A_256 = arith.constant 0 : i32
      %dma_start3A_257 = arith.constant 0 : i32
      %dma_start3A_258 = tpu.memref_slice %arg7[%dma_start3A_255, %dma_start3A_256, %dma_start3A_257] : memref<16x128x32xf32, #tpu.memory_space<vmem>> -> memref<1x128x32xf32, #tpu.memory_space<vmem>>
      %dma_start3A_259 = tpu.memref_squeeze %dma_start3A_258 : memref<1x128x32xf32, #tpu.memory_space<vmem>> -> memref<128x32xf32, #tpu.memory_space<vmem>>
      %dma_start3A_260 = arith.constant 0 : i32
      %dma_start3A_261 = tpu.memref_slice %arg6[%rem3A_59, %dma_start3A_253, %dma_start3A_254, %dma_start3A_260] : memref<2x2x16x128xi32, #tpu.memory_space<vmem>> -> memref<1x1x1x128xi32, #tpu.memory_space<vmem>>
      %dma_start3A_262 = tpu.memref_squeeze %dma_start3A_261 : memref<1x1x1x128xi32, #tpu.memory_space<vmem>> -> memref<128xi32, #tpu.memory_space<vmem>>
      %dma_start3A_263 = arith.constant 0 : i32
      %dma_start3A_264 = arith.constant 0 : i32
      %dma_start3A_265 = tpu.memref_slice %arg2[%dma_start3A_263, %dma_start3A_264] : memref<10240x32xf32, #tpu.memory_space<hbm>> -> memref<10240x32xf32, #tpu.memory_space<hbm>>
      tpu.enqueue_indirect_dma source(%dma_start3A_265 : memref<10240x32xf32, #tpu.memory_space<hbm>>) target(%dma_start3A_259 : memref<128x32xf32, #tpu.memory_space<vmem>>) offsets(%dma_start3A_262 : memref<128xi32, #tpu.memory_space<vmem>>) semaphore(%arg10 : memref<!tpu.dma_semaphore, #tpu.memory_space<semaphore_mem>>)
      %dma_start3A_266 = arith.constant 0 : i32
      %dma_start3A_267 = arith.constant 13 : i32
      %dma_start3A_268 = arith.constant 13 : i32
      %dma_start3A_269 = arith.constant 0 : i32
      %dma_start3A_270 = arith.constant 0 : i32
      %dma_start3A_271 = tpu.memref_slice %arg7[%dma_start3A_268, %dma_start3A_269, %dma_start3A_270] : memref<16x128x32xf32, #tpu.memory_space<vmem>> -> memref<1x128x32xf32, #tpu.memory_space<vmem>>
      %dma_start3A_272 = tpu.memref_squeeze %dma_start3A_271 : memref<1x128x32xf32, #tpu.memory_space<vmem>> -> memref<128x32xf32, #tpu.memory_space<vmem>>
      %dma_start3A_273 = arith.constant 0 : i32
      %dma_start3A_274 = tpu.memref_slice %arg6[%rem3A_59, %dma_start3A_266, %dma_start3A_267, %dma_start3A_273] : memref<2x2x16x128xi32, #tpu.memory_space<vmem>> -> memref<1x1x1x128xi32, #tpu.memory_space<vmem>>
      %dma_start3A_275 = tpu.memref_squeeze %dma_start3A_274 : memref<1x1x1x128xi32, #tpu.memory_space<vmem>> -> memref<128xi32, #tpu.memory_space<vmem>>
      %dma_start3A_276 = arith.constant 0 : i32
      %dma_start3A_277 = arith.constant 0 : i32
      %dma_start3A_278 = tpu.memref_slice %arg2[%dma_start3A_276, %dma_start3A_277] : memref<10240x32xf32, #tpu.memory_space<hbm>> -> memref<10240x32xf32, #tpu.memory_space<hbm>>
      tpu.enqueue_indirect_dma source(%dma_start3A_278 : memref<10240x32xf32, #tpu.memory_space<hbm>>) target(%dma_start3A_272 : memref<128x32xf32, #tpu.memory_space<vmem>>) offsets(%dma_start3A_275 : memref<128xi32, #tpu.memory_space<vmem>>) semaphore(%arg10 : memref<!tpu.dma_semaphore, #tpu.memory_space<semaphore_mem>>)
      %dma_start3A_279 = arith.constant 0 : i32
      %dma_start3A_280 = arith.constant 14 : i32
      %dma_start3A_281 = arith.constant 14 : i32
      %dma_start3A_282 = arith.constant 0 : i32
      %dma_start3A_283 = arith.constant 0 : i32
      %dma_start3A_284 = tpu.memref_slice %arg7[%dma_start3A_281, %dma_start3A_282, %dma_start3A_283] : memref<16x128x32xf32, #tpu.memory_space<vmem>> -> memref<1x128x32xf32, #tpu.memory_space<vmem>>
      %dma_start3A_285 = tpu.memref_squeeze %dma_start3A_284 : memref<1x128x32xf32, #tpu.memory_space<vmem>> -> memref<128x32xf32, #tpu.memory_space<vmem>>
      %dma_start3A_286 = arith.constant 0 : i32
      %dma_start3A_287 = tpu.memref_slice %arg6[%rem3A_59, %dma_start3A_279, %dma_start3A_280, %dma_start3A_286] : memref<2x2x16x128xi32, #tpu.memory_space<vmem>> -> memref<1x1x1x128xi32, #tpu.memory_space<vmem>>
      %dma_start3A_288 = tpu.memref_squeeze %dma_start3A_287 : memref<1x1x1x128xi32, #tpu.memory_space<vmem>> -> memref<128xi32, #tpu.memory_space<vmem>>
      %dma_start3A_289 = arith.constant 0 : i32
      %dma_start3A_290 = arith.constant 0 : i32
      %dma_start3A_291 = tpu.memref_slice %arg2[%dma_start3A_289, %dma_start3A_290] : memref<10240x32xf32, #tpu.memory_space<hbm>> -> memref<10240x32xf32, #tpu.memory_space<hbm>>
      tpu.enqueue_indirect_dma source(%dma_start3A_291 : memref<10240x32xf32, #tpu.memory_space<hbm>>) target(%dma_start3A_285 : memref<128x32xf32, #tpu.memory_space<vmem>>) offsets(%dma_start3A_288 : memref<128xi32, #tpu.memory_space<vmem>>) semaphore(%arg10 : memref<!tpu.dma_semaphore, #tpu.memory_space<semaphore_mem>>)
      %dma_start3A_292 = arith.constant 0 : i32
      %dma_start3A_293 = arith.constant 15 : i32
      %dma_start3A_294 = arith.constant 15 : i32
      %dma_start3A_295 = arith.constant 0 : i32
      %dma_start3A_296 = arith.constant 0 : i32
      %dma_start3A_297 = tpu.memref_slice %arg7[%dma_start3A_294, %dma_start3A_295, %dma_start3A_296] : memref<16x128x32xf32, #tpu.memory_space<vmem>> -> memref<1x128x32xf32, #tpu.memory_space<vmem>>
      %dma_start3A_298 = tpu.memref_squeeze %dma_start3A_297 : memref<1x128x32xf32, #tpu.memory_space<vmem>> -> memref<128x32xf32, #tpu.memory_space<vmem>>
      %dma_start3A_299 = arith.constant 0 : i32
      %dma_start3A_300 = tpu.memref_slice %arg6[%rem3A_59, %dma_start3A_292, %dma_start3A_293, %dma_start3A_299] : memref<2x2x16x128xi32, #tpu.memory_space<vmem>> -> memref<1x1x1x128xi32, #tpu.memory_space<vmem>>
      %dma_start3A_301 = tpu.memref_squeeze %dma_start3A_300 : memref<1x1x1x128xi32, #tpu.memory_space<vmem>> -> memref<128xi32, #tpu.memory_space<vmem>>
      %dma_start3A_302 = arith.constant 0 : i32
      %dma_start3A_303 = arith.constant 0 : i32
      %dma_start3A_304 = tpu.memref_slice %arg2[%dma_start3A_302, %dma_start3A_303] : memref<10240x32xf32, #tpu.memory_space<hbm>> -> memref<10240x32xf32, #tpu.memory_space<hbm>>
      tpu.enqueue_indirect_dma source(%dma_start3A_304 : memref<10240x32xf32, #tpu.memory_space<hbm>>) target(%dma_start3A_298 : memref<128x32xf32, #tpu.memory_space<vmem>>) offsets(%dma_start3A_301 : memref<128xi32, #tpu.memory_space<vmem>>) semaphore(%arg10 : memref<!tpu.dma_semaphore, #tpu.memory_space<semaphore_mem>>)
      %dma_wait3A_305 = arith.constant 0 : i32
      %dma_wait3A_306 = arith.constant 0 : i32
      %dma_wait3A_307 = arith.constant 0 : i32
      %dma_wait3A_308 = arith.constant 0 : i32
      %dma_wait3A_309 = arith.constant 0 : i32
      %dma_wait3A_310 = tpu.memref_slice %arg7[%dma_wait3A_307, %dma_wait3A_308, %dma_wait3A_309] : memref<16x128x32xf32, #tpu.memory_space<vmem>> -> memref<1x128x32xf32, #tpu.memory_space<vmem>>
      %dma_wait3A_311 = tpu.memref_squeeze %dma_wait3A_310 : memref<1x128x32xf32, #tpu.memory_space<vmem>> -> memref<128x32xf32, #tpu.memory_space<vmem>>
      %dma_wait3A_312 = arith.constant 0 : i32
      %dma_wait3A_313 = tpu.memref_slice %arg6[%rem3A_59, %dma_wait3A_305, %dma_wait3A_306, %dma_wait3A_312] : memref<2x2x16x128xi32, #tpu.memory_space<vmem>> -> memref<1x1x1x128xi32, #tpu.memory_space<vmem>>
      %dma_wait3A_314 = tpu.memref_squeeze %dma_wait3A_313 : memref<1x1x1x128xi32, #tpu.memory_space<vmem>> -> memref<128xi32, #tpu.memory_space<vmem>>
      %dma_wait3A_315 = arith.constant 0 : i32
      %dma_wait3A_316 = arith.constant 0 : i32
      %dma_wait3A_317 = tpu.memref_slice %arg2[%dma_wait3A_315, %dma_wait3A_316] : memref<10240x32xf32, #tpu.memory_space<hbm>> -> memref<10240x32xf32, #tpu.memory_space<hbm>>
      tpu.wait_indirect_dma semaphore(%arg10 : memref<!tpu.dma_semaphore, #tpu.memory_space<semaphore_mem>>) src(%dma_wait3A_317 : memref<10240x32xf32, #tpu.memory_space<hbm>>) dst(%dma_wait3A_311 : memref<128x32xf32, #tpu.memory_space<vmem>>)
      %dma_start3A_318 = arith.constant 0 : i32
      %dma_start3A_319 = arith.constant 1 : i32
      %dma_start3A_320 = arith.constant 0 : i32
      %dma_start3A_321 = arith.constant 0 : i32
      %dma_start3A_322 = arith.constant 0 : i32
      %dma_start3A_323 = tpu.memref_slice %arg7[%dma_start3A_318, %dma_start3A_321, %dma_start3A_322] : memref<16x128x32xf32, #tpu.memory_space<vmem>> -> memref<1x128x32xf32, #tpu.memory_space<vmem>>
      %dma_start3A_324 = tpu.memref_squeeze %dma_start3A_323 : memref<1x128x32xf32, #tpu.memory_space<vmem>> -> memref<128x32xf32, #tpu.memory_space<vmem>>
      %dma_start3A_325 = arith.constant 0 : i32
      %dma_start3A_326 = tpu.memref_slice %arg6[%rem3A_59, %dma_start3A_319, %dma_start3A_320, %dma_start3A_325] : memref<2x2x16x128xi32, #tpu.memory_space<vmem>> -> memref<1x1x1x128xi32, #tpu.memory_space<vmem>>
      %dma_start3A_327 = tpu.memref_squeeze %dma_start3A_326 : memref<1x1x1x128xi32, #tpu.memory_space<vmem>> -> memref<128xi32, #tpu.memory_space<vmem>>
      %dma_start3A_328 = arith.constant 0 : i32
      %dma_start3A_329 = arith.constant 0 : i32
      %dma_start3A_330 = tpu.memref_slice %arg12[%dma_start3A_328, %dma_start3A_329] : memref<10240x32xf32, #tpu.memory_space<vmem_shared>> -> memref<10240x32xf32, #tpu.memory_space<vmem_shared>>
      tpu.enqueue_indirect_dma source(%dma_start3A_324 : memref<128x32xf32, #tpu.memory_space<vmem>>) target(%dma_start3A_330 : memref<10240x32xf32, #tpu.memory_space<vmem_shared>>) offsets(%dma_start3A_327 : memref<128xi32, #tpu.memory_space<vmem>>) semaphore(%arg11 : memref<!tpu.dma_semaphore, #tpu.memory_space<semaphore_mem>>) {add = true}
      %dma_wait3A_331 = arith.constant 0 : i32
      %dma_wait3A_332 = arith.constant 1 : i32
      %dma_wait3A_333 = arith.constant 1 : i32
      %dma_wait3A_334 = arith.constant 0 : i32
      %dma_wait3A_335 = arith.constant 0 : i32
      %dma_wait3A_336 = tpu.memref_slice %arg7[%dma_wait3A_333, %dma_wait3A_334, %dma_wait3A_335] : memref<16x128x32xf32, #tpu.memory_space<vmem>> -> memref<1x128x32xf32, #tpu.memory_space<vmem>>
      %dma_wait3A_337 = tpu.memref_squeeze %dma_wait3A_336 : memref<1x128x32xf32, #tpu.memory_space<vmem>> -> memref<128x32xf32, #tpu.memory_space<vmem>>
      %dma_wait3A_338 = arith.constant 0 : i32
      %dma_wait3A_339 = tpu.memref_slice %arg6[%rem3A_59, %dma_wait3A_331, %dma_wait3A_332, %dma_wait3A_338] : memref<2x2x16x128xi32, #tpu.memory_space<vmem>> -> memref<1x1x1x128xi32, #tpu.memory_space<vmem>>
      %dma_wait3A_340 = tpu.memref_squeeze %dma_wait3A_339 : memref<1x1x1x128xi32, #tpu.memory_space<vmem>> -> memref<128xi32, #tpu.memory_space<vmem>>
      %dma_wait3A_341 = arith.constant 0 : i32
      %dma_wait3A_342 = arith.constant 0 : i32
      %dma_wait3A_343 = tpu.memref_slice %arg2[%dma_wait3A_341, %dma_wait3A_342] : memref<10240x32xf32, #tpu.memory_space<hbm>> -> memref<10240x32xf32, #tpu.memory_space<hbm>>
      tpu.wait_indirect_dma semaphore(%arg10 : memref<!tpu.dma_semaphore, #tpu.memory_space<semaphore_mem>>) src(%dma_wait3A_343 : memref<10240x32xf32, #tpu.memory_space<hbm>>) dst(%dma_wait3A_337 : memref<128x32xf32, #tpu.memory_space<vmem>>)
      %dma_start3A_344 = arith.constant 1 : i32
      %dma_start3A_345 = arith.constant 1 : i32
      %dma_start3A_346 = arith.constant 1 : i32
      %dma_start3A_347 = arith.constant 0 : i32
      %dma_start3A_348 = arith.constant 0 : i32
      %dma_start3A_349 = tpu.memref_slice %arg7[%dma_start3A_344, %dma_start3A_347, %dma_start3A_348] : memref<16x128x32xf32, #tpu.memory_space<vmem>> -> memref<1x128x32xf32, #tpu.memory_space<vmem>>
      %dma_start3A_350 = tpu.memref_squeeze %dma_start3A_349 : memref<1x128x32xf32, #tpu.memory_space<vmem>> -> memref<128x32xf32, #tpu.memory_space<vmem>>
      %dma_start3A_351 = arith.constant 0 : i32
      %dma_start3A_352 = tpu.memref_slice %arg6[%rem3A_59, %dma_start3A_345, %dma_start3A_346, %dma_start3A_351] : memref<2x2x16x128xi32, #tpu.memory_space<vmem>> -> memref<1x1x1x128xi32, #tpu.memory_space<vmem>>
      %dma_start3A_353 = tpu.memref_squeeze %dma_start3A_352 : memref<1x1x1x128xi32, #tpu.memory_space<vmem>> -> memref<128xi32, #tpu.memory_space<vmem>>
      %dma_start3A_354 = arith.constant 0 : i32
      %dma_start3A_355 = arith.constant 0 : i32
      %dma_start3A_356 = tpu.memref_slice %arg12[%dma_start3A_354, %dma_start3A_355] : memref<10240x32xf32, #tpu.memory_space<vmem_shared>> -> memref<10240x32xf32, #tpu.memory_space<vmem_shared>>
      tpu.enqueue_indirect_dma source(%dma_start3A_350 : memref<128x32xf32, #tpu.memory_space<vmem>>) target(%dma_start3A_356 : memref<10240x32xf32, #tpu.memory_space<vmem_shared>>) offsets(%dma_start3A_353 : memref<128xi32, #tpu.memory_space<vmem>>) semaphore(%arg11 : memref<!tpu.dma_semaphore, #tpu.memory_space<semaphore_mem>>) {add = true}
      %dma_wait3A_357 = arith.constant 0 : i32
      %dma_wait3A_358 = arith.constant 2 : i32
      %dma_wait3A_359 = arith.constant 2 : i32
      %dma_wait3A_360 = arith.constant 0 : i32
      %dma_wait3A_361 = arith.constant 0 : i32
      %dma_wait3A_362 = tpu.memref_slice %arg7[%dma_wait3A_359, %dma_wait3A_360, %dma_wait3A_361] : memref<16x128x32xf32, #tpu.memory_space<vmem>> -> memref<1x128x32xf32, #tpu.memory_space<vmem>>
      %dma_wait3A_363 = tpu.memref_squeeze %dma_wait3A_362 : memref<1x128x32xf32, #tpu.memory_space<vmem>> -> memref<128x32xf32, #tpu.memory_space<vmem>>
      %dma_wait3A_364 = arith.constant 0 : i32
      %dma_wait3A_365 = tpu.memref_slice %arg6[%rem3A_59, %dma_wait3A_357, %dma_wait3A_358, %dma_wait3A_364] : memref<2x2x16x128xi32, #tpu.memory_space<vmem>> -> memref<1x1x1x128xi32, #tpu.memory_space<vmem>>
      %dma_wait3A_366 = tpu.memref_squeeze %dma_wait3A_365 : memref<1x1x1x128xi32, #tpu.memory_space<vmem>> -> memref<128xi32, #tpu.memory_space<vmem>>
      %dma_wait3A_367 = arith.constant 0 : i32
      %dma_wait3A_368 = arith.constant 0 : i32
      %dma_wait3A_369 = tpu.memref_slice %arg2[%dma_wait3A_367, %dma_wait3A_368] : memref<10240x32xf32, #tpu.memory_space<hbm>> -> memref<10240x32xf32, #tpu.memory_space<hbm>>
      tpu.wait_indirect_dma semaphore(%arg10 : memref<!tpu.dma_semaphore, #tpu.memory_space<semaphore_mem>>) src(%dma_wait3A_369 : memref<10240x32xf32, #tpu.memory_space<hbm>>) dst(%dma_wait3A_363 : memref<128x32xf32, #tpu.memory_space<vmem>>)
      %dma_start3A_370 = arith.constant 2 : i32
      %dma_start3A_371 = arith.constant 1 : i32
      %dma_start3A_372 = arith.constant 2 : i32
      %dma_start3A_373 = arith.constant 0 : i32
      %dma_start3A_374 = arith.constant 0 : i32
      %dma_start3A_375 = tpu.memref_slice %arg7[%dma_start3A_370, %dma_start3A_373, %dma_start3A_374] : memref<16x128x32xf32, #tpu.memory_space<vmem>> -> memref<1x128x32xf32, #tpu.memory_space<vmem>>
      %dma_start3A_376 = tpu.memref_squeeze %dma_start3A_375 : memref<1x128x32xf32, #tpu.memory_space<vmem>> -> memref<128x32xf32, #tpu.memory_space<vmem>>
      %dma_start3A_377 = arith.constant 0 : i32
      %dma_start3A_378 = tpu.memref_slice %arg6[%rem3A_59, %dma_start3A_371, %dma_start3A_372, %dma_start3A_377] : memref<2x2x16x128xi32, #tpu.memory_space<vmem>> -> memref<1x1x1x128xi32, #tpu.memory_space<vmem>>
      %dma_start3A_379 = tpu.memref_squeeze %dma_start3A_378 : memref<1x1x1x128xi32, #tpu.memory_space<vmem>> -> memref<128xi32, #tpu.memory_space<vmem>>
      %dma_start3A_380 = arith.constant 0 : i32
      %dma_start3A_381 = arith.constant 0 : i32
      %dma_start3A_382 = tpu.memref_slice %arg12[%dma_start3A_380, %dma_start3A_381] : memref<10240x32xf32, #tpu.memory_space<vmem_shared>> -> memref<10240x32xf32, #tpu.memory_space<vmem_shared>>
      tpu.enqueue_indirect_dma source(%dma_start3A_376 : memref<128x32xf32, #tpu.memory_space<vmem>>) target(%dma_start3A_382 : memref<10240x32xf32, #tpu.memory_space<vmem_shared>>) offsets(%dma_start3A_379 : memref<128xi32, #tpu.memory_space<vmem>>) semaphore(%arg11 : memref<!tpu.dma_semaphore, #tpu.memory_space<semaphore_mem>>) {add = true}
      %dma_wait3A_383 = arith.constant 0 : i32
      %dma_wait3A_384 = arith.constant 3 : i32
      %dma_wait3A_385 = arith.constant 3 : i32
      %dma_wait3A_386 = arith.constant 0 : i32
      %dma_wait3A_387 = arith.constant 0 : i32
      %dma_wait3A_388 = tpu.memref_slice %arg7[%dma_wait3A_385, %dma_wait3A_386, %dma_wait3A_387] : memref<16x128x32xf32, #tpu.memory_space<vmem>> -> memref<1x128x32xf32, #tpu.memory_space<vmem>>
      %dma_wait3A_389 = tpu.memref_squeeze %dma_wait3A_388 : memref<1x128x32xf32, #tpu.memory_space<vmem>> -> memref<128x32xf32, #tpu.memory_space<vmem>>
      %dma_wait3A_390 = arith.constant 0 : i32
      %dma_wait3A_391 = tpu.memref_slice %arg6[%rem3A_59, %dma_wait3A_383, %dma_wait3A_384, %dma_wait3A_390] : memref<2x2x16x128xi32, #tpu.memory_space<vmem>> -> memref<1x1x1x128xi32, #tpu.memory_space<vmem>>
      %dma_wait3A_392 = tpu.memref_squeeze %dma_wait3A_391 : memref<1x1x1x128xi32, #tpu.memory_space<vmem>> -> memref<128xi32, #tpu.memory_space<vmem>>
      %dma_wait3A_393 = arith.constant 0 : i32
      %dma_wait3A_394 = arith.constant 0 : i32
      %dma_wait3A_395 = tpu.memref_slice %arg2[%dma_wait3A_393, %dma_wait3A_394] : memref<10240x32xf32, #tpu.memory_space<hbm>> -> memref<10240x32xf32, #tpu.memory_space<hbm>>
      tpu.wait_indirect_dma semaphore(%arg10 : memref<!tpu.dma_semaphore, #tpu.memory_space<semaphore_mem>>) src(%dma_wait3A_395 : memref<10240x32xf32, #tpu.memory_space<hbm>>) dst(%dma_wait3A_389 : memref<128x32xf32, #tpu.memory_space<vmem>>)
      %dma_start3A_396 = arith.constant 3 : i32
      %dma_start3A_397 = arith.constant 1 : i32
      %dma_start3A_398 = arith.constant 3 : i32
      %dma_start3A_399 = arith.constant 0 : i32
      %dma_start3A_400 = arith.constant 0 : i32
      %dma_start3A_401 = tpu.memref_slice %arg7[%dma_start3A_396, %dma_start3A_399, %dma_start3A_400] : memref<16x128x32xf32, #tpu.memory_space<vmem>> -> memref<1x128x32xf32, #tpu.memory_space<vmem>>
      %dma_start3A_402 = tpu.memref_squeeze %dma_start3A_401 : memref<1x128x32xf32, #tpu.memory_space<vmem>> -> memref<128x32xf32, #tpu.memory_space<vmem>>
      %dma_start3A_403 = arith.constant 0 : i32
      %dma_start3A_404 = tpu.memref_slice %arg6[%rem3A_59, %dma_start3A_397, %dma_start3A_398, %dma_start3A_403] : memref<2x2x16x128xi32, #tpu.memory_space<vmem>> -> memref<1x1x1x128xi32, #tpu.memory_space<vmem>>
      %dma_start3A_405 = tpu.memref_squeeze %dma_start3A_404 : memref<1x1x1x128xi32, #tpu.memory_space<vmem>> -> memref<128xi32, #tpu.memory_space<vmem>>
      %dma_start3A_406 = arith.constant 0 : i32
      %dma_start3A_407 = arith.constant 0 : i32
      %dma_start3A_408 = tpu.memref_slice %arg12[%dma_start3A_406, %dma_start3A_407] : memref<10240x32xf32, #tpu.memory_space<vmem_shared>> -> memref<10240x32xf32, #tpu.memory_space<vmem_shared>>
      tpu.enqueue_indirect_dma source(%dma_start3A_402 : memref<128x32xf32, #tpu.memory_space<vmem>>) target(%dma_start3A_408 : memref<10240x32xf32, #tpu.memory_space<vmem_shared>>) offsets(%dma_start3A_405 : memref<128xi32, #tpu.memory_space<vmem>>) semaphore(%arg11 : memref<!tpu.dma_semaphore, #tpu.memory_space<semaphore_mem>>) {add = true}
      %dma_wait3A_409 = arith.constant 0 : i32
      %dma_wait3A_410 = arith.constant 4 : i32
      %dma_wait3A_411 = arith.constant 4 : i32
      %dma_wait3A_412 = arith.constant 0 : i32
      %dma_wait3A_413 = arith.constant 0 : i32
      %dma_wait3A_414 = tpu.memref_slice %arg7[%dma_wait3A_411, %dma_wait3A_412, %dma_wait3A_413] : memref<16x128x32xf32, #tpu.memory_space<vmem>> -> memref<1x128x32xf32, #tpu.memory_space<vmem>>
      %dma_wait3A_415 = tpu.memref_squeeze %dma_wait3A_414 : memref<1x128x32xf32, #tpu.memory_space<vmem>> -> memref<128x32xf32, #tpu.memory_space<vmem>>
      %dma_wait3A_416 = arith.constant 0 : i32
      %dma_wait3A_417 = tpu.memref_slice %arg6[%rem3A_59, %dma_wait3A_409, %dma_wait3A_410, %dma_wait3A_416] : memref<2x2x16x128xi32, #tpu.memory_space<vmem>> -> memref<1x1x1x128xi32, #tpu.memory_space<vmem>>
      %dma_wait3A_418 = tpu.memref_squeeze %dma_wait3A_417 : memref<1x1x1x128xi32, #tpu.memory_space<vmem>> -> memref<128xi32, #tpu.memory_space<vmem>>
      %dma_wait3A_419 = arith.constant 0 : i32
      %dma_wait3A_420 = arith.constant 0 : i32
      %dma_wait3A_421 = tpu.memref_slice %arg2[%dma_wait3A_419, %dma_wait3A_420] : memref<10240x32xf32, #tpu.memory_space<hbm>> -> memref<10240x32xf32, #tpu.memory_space<hbm>>
      tpu.wait_indirect_dma semaphore(%arg10 : memref<!tpu.dma_semaphore, #tpu.memory_space<semaphore_mem>>) src(%dma_wait3A_421 : memref<10240x32xf32, #tpu.memory_space<hbm>>) dst(%dma_wait3A_415 : memref<128x32xf32, #tpu.memory_space<vmem>>)
      %dma_start3A_422 = arith.constant 4 : i32
      %dma_start3A_423 = arith.constant 1 : i32
      %dma_start3A_424 = arith.constant 4 : i32
      %dma_start3A_425 = arith.constant 0 : i32
      %dma_start3A_426 = arith.constant 0 : i32
      %dma_start3A_427 = tpu.memref_slice %arg7[%dma_start3A_422, %dma_start3A_425, %dma_start3A_426] : memref<16x128x32xf32, #tpu.memory_space<vmem>> -> memref<1x128x32xf32, #tpu.memory_space<vmem>>
      %dma_start3A_428 = tpu.memref_squeeze %dma_start3A_427 : memref<1x128x32xf32, #tpu.memory_space<vmem>> -> memref<128x32xf32, #tpu.memory_space<vmem>>
      %dma_start3A_429 = arith.constant 0 : i32
      %dma_start3A_430 = tpu.memref_slice %arg6[%rem3A_59, %dma_start3A_423, %dma_start3A_424, %dma_start3A_429] : memref<2x2x16x128xi32, #tpu.memory_space<vmem>> -> memref<1x1x1x128xi32, #tpu.memory_space<vmem>>
      %dma_start3A_431 = tpu.memref_squeeze %dma_start3A_430 : memref<1x1x1x128xi32, #tpu.memory_space<vmem>> -> memref<128xi32, #tpu.memory_space<vmem>>
      %dma_start3A_432 = arith.constant 0 : i32
      %dma_start3A_433 = arith.constant 0 : i32
      %dma_start3A_434 = tpu.memref_slice %arg12[%dma_start3A_432, %dma_start3A_433] : memref<10240x32xf32, #tpu.memory_space<vmem_shared>> -> memref<10240x32xf32, #tpu.memory_space<vmem_shared>>
      tpu.enqueue_indirect_dma source(%dma_start3A_428 : memref<128x32xf32, #tpu.memory_space<vmem>>) target(%dma_start3A_434 : memref<10240x32xf32, #tpu.memory_space<vmem_shared>>) offsets(%dma_start3A_431 : memref<128xi32, #tpu.memory_space<vmem>>) semaphore(%arg11 : memref<!tpu.dma_semaphore, #tpu.memory_space<semaphore_mem>>) {add = true}
      %dma_wait3A_435 = arith.constant 0 : i32
      %dma_wait3A_436 = arith.constant 5 : i32
      %dma_wait3A_437 = arith.constant 5 : i32
      %dma_wait3A_438 = arith.constant 0 : i32
      %dma_wait3A_439 = arith.constant 0 : i32
      %dma_wait3A_440 = tpu.memref_slice %arg7[%dma_wait3A_437, %dma_wait3A_438, %dma_wait3A_439] : memref<16x128x32xf32, #tpu.memory_space<vmem>> -> memref<1x128x32xf32, #tpu.memory_space<vmem>>
      %dma_wait3A_441 = tpu.memref_squeeze %dma_wait3A_440 : memref<1x128x32xf32, #tpu.memory_space<vmem>> -> memref<128x32xf32, #tpu.memory_space<vmem>>
      %dma_wait3A_442 = arith.constant 0 : i32
      %dma_wait3A_443 = tpu.memref_slice %arg6[%rem3A_59, %dma_wait3A_435, %dma_wait3A_436, %dma_wait3A_442] : memref<2x2x16x128xi32, #tpu.memory_space<vmem>> -> memref<1x1x1x128xi32, #tpu.memory_space<vmem>>
      %dma_wait3A_444 = tpu.memref_squeeze %dma_wait3A_443 : memref<1x1x1x128xi32, #tpu.memory_space<vmem>> -> memref<128xi32, #tpu.memory_space<vmem>>
      %dma_wait3A_445 = arith.constant 0 : i32
      %dma_wait3A_446 = arith.constant 0 : i32
      %dma_wait3A_447 = tpu.memref_slice %arg2[%dma_wait3A_445, %dma_wait3A_446] : memref<10240x32xf32, #tpu.memory_space<hbm>> -> memref<10240x32xf32, #tpu.memory_space<hbm>>
      tpu.wait_indirect_dma semaphore(%arg10 : memref<!tpu.dma_semaphore, #tpu.memory_space<semaphore_mem>>) src(%dma_wait3A_447 : memref<10240x32xf32, #tpu.memory_space<hbm>>) dst(%dma_wait3A_441 : memref<128x32xf32, #tpu.memory_space<vmem>>)
      %dma_start3A_448 = arith.constant 5 : i32
      %dma_start3A_449 = arith.constant 1 : i32
      %dma_start3A_450 = arith.constant 5 : i32
      %dma_start3A_451 = arith.constant 0 : i32
      %dma_start3A_452 = arith.constant 0 : i32
      %dma_start3A_453 = tpu.memref_slice %arg7[%dma_start3A_448, %dma_start3A_451, %dma_start3A_452] : memref<16x128x32xf32, #tpu.memory_space<vmem>> -> memref<1x128x32xf32, #tpu.memory_space<vmem>>
      %dma_start3A_454 = tpu.memref_squeeze %dma_start3A_453 : memref<1x128x32xf32, #tpu.memory_space<vmem>> -> memref<128x32xf32, #tpu.memory_space<vmem>>
      %dma_start3A_455 = arith.constant 0 : i32
      %dma_start3A_456 = tpu.memref_slice %arg6[%rem3A_59, %dma_start3A_449, %dma_start3A_450, %dma_start3A_455] : memref<2x2x16x128xi32, #tpu.memory_space<vmem>> -> memref<1x1x1x128xi32, #tpu.memory_space<vmem>>
      %dma_start3A_457 = tpu.memref_squeeze %dma_start3A_456 : memref<1x1x1x128xi32, #tpu.memory_space<vmem>> -> memref<128xi32, #tpu.memory_space<vmem>>
      %dma_start3A_458 = arith.constant 0 : i32
      %dma_start3A_459 = arith.constant 0 : i32
      %dma_start3A_460 = tpu.memref_slice %arg12[%dma_start3A_458, %dma_start3A_459] : memref<10240x32xf32, #tpu.memory_space<vmem_shared>> -> memref<10240x32xf32, #tpu.memory_space<vmem_shared>>
      tpu.enqueue_indirect_dma source(%dma_start3A_454 : memref<128x32xf32, #tpu.memory_space<vmem>>) target(%dma_start3A_460 : memref<10240x32xf32, #tpu.memory_space<vmem_shared>>) offsets(%dma_start3A_457 : memref<128xi32, #tpu.memory_space<vmem>>) semaphore(%arg11 : memref<!tpu.dma_semaphore, #tpu.memory_space<semaphore_mem>>) {add = true}
      %dma_wait3A_461 = arith.constant 0 : i32
      %dma_wait3A_462 = arith.constant 6 : i32
      %dma_wait3A_463 = arith.constant 6 : i32
      %dma_wait3A_464 = arith.constant 0 : i32
      %dma_wait3A_465 = arith.constant 0 : i32
      %dma_wait3A_466 = tpu.memref_slice %arg7[%dma_wait3A_463, %dma_wait3A_464, %dma_wait3A_465] : memref<16x128x32xf32, #tpu.memory_space<vmem>> -> memref<1x128x32xf32, #tpu.memory_space<vmem>>
      %dma_wait3A_467 = tpu.memref_squeeze %dma_wait3A_466 : memref<1x128x32xf32, #tpu.memory_space<vmem>> -> memref<128x32xf32, #tpu.memory_space<vmem>>
      %dma_wait3A_468 = arith.constant 0 : i32
      %dma_wait3A_469 = tpu.memref_slice %arg6[%rem3A_59, %dma_wait3A_461, %dma_wait3A_462, %dma_wait3A_468] : memref<2x2x16x128xi32, #tpu.memory_space<vmem>> -> memref<1x1x1x128xi32, #tpu.memory_space<vmem>>
      %dma_wait3A_470 = tpu.memref_squeeze %dma_wait3A_469 : memref<1x1x1x128xi32, #tpu.memory_space<vmem>> -> memref<128xi32, #tpu.memory_space<vmem>>
      %dma_wait3A_471 = arith.constant 0 : i32
      %dma_wait3A_472 = arith.constant 0 : i32
      %dma_wait3A_473 = tpu.memref_slice %arg2[%dma_wait3A_471, %dma_wait3A_472] : memref<10240x32xf32, #tpu.memory_space<hbm>> -> memref<10240x32xf32, #tpu.memory_space<hbm>>
      tpu.wait_indirect_dma semaphore(%arg10 : memref<!tpu.dma_semaphore, #tpu.memory_space<semaphore_mem>>) src(%dma_wait3A_473 : memref<10240x32xf32, #tpu.memory_space<hbm>>) dst(%dma_wait3A_467 : memref<128x32xf32, #tpu.memory_space<vmem>>)
      %dma_start3A_474 = arith.constant 6 : i32
      %dma_start3A_475 = arith.constant 1 : i32
      %dma_start3A_476 = arith.constant 6 : i32
      %dma_start3A_477 = arith.constant 0 : i32
      %dma_start3A_478 = arith.constant 0 : i32
      %dma_start3A_479 = tpu.memref_slice %arg7[%dma_start3A_474, %dma_start3A_477, %dma_start3A_478] : memref<16x128x32xf32, #tpu.memory_space<vmem>> -> memref<1x128x32xf32, #tpu.memory_space<vmem>>
      %dma_start3A_480 = tpu.memref_squeeze %dma_start3A_479 : memref<1x128x32xf32, #tpu.memory_space<vmem>> -> memref<128x32xf32, #tpu.memory_space<vmem>>
      %dma_start3A_481 = arith.constant 0 : i32
      %dma_start3A_482 = tpu.memref_slice %arg6[%rem3A_59, %dma_start3A_475, %dma_start3A_476, %dma_start3A_481] : memref<2x2x16x128xi32, #tpu.memory_space<vmem>> -> memref<1x1x1x128xi32, #tpu.memory_space<vmem>>
      %dma_start3A_483 = tpu.memref_squeeze %dma_start3A_482 : memref<1x1x1x128xi32, #tpu.memory_space<vmem>> -> memref<128xi32, #tpu.memory_space<vmem>>
      %dma_start3A_484 = arith.constant 0 : i32
      %dma_start3A_485 = arith.constant 0 : i32
      %dma_start3A_486 = tpu.memref_slice %arg12[%dma_start3A_484, %dma_start3A_485] : memref<10240x32xf32, #tpu.memory_space<vmem_shared>> -> memref<10240x32xf32, #tpu.memory_space<vmem_shared>>
      tpu.enqueue_indirect_dma source(%dma_start3A_480 : memref<128x32xf32, #tpu.memory_space<vmem>>) target(%dma_start3A_486 : memref<10240x32xf32, #tpu.memory_space<vmem_shared>>) offsets(%dma_start3A_483 : memref<128xi32, #tpu.memory_space<vmem>>) semaphore(%arg11 : memref<!tpu.dma_semaphore, #tpu.memory_space<semaphore_mem>>) {add = true}
      %dma_wait3A_487 = arith.constant 0 : i32
      %dma_wait3A_488 = arith.constant 7 : i32
      %dma_wait3A_489 = arith.constant 7 : i32
      %dma_wait3A_490 = arith.constant 0 : i32
      %dma_wait3A_491 = arith.constant 0 : i32
      %dma_wait3A_492 = tpu.memref_slice %arg7[%dma_wait3A_489, %dma_wait3A_490, %dma_wait3A_491] : memref<16x128x32xf32, #tpu.memory_space<vmem>> -> memref<1x128x32xf32, #tpu.memory_space<vmem>>
      %dma_wait3A_493 = tpu.memref_squeeze %dma_wait3A_492 : memref<1x128x32xf32, #tpu.memory_space<vmem>> -> memref<128x32xf32, #tpu.memory_space<vmem>>
      %dma_wait3A_494 = arith.constant 0 : i32
      %dma_wait3A_495 = tpu.memref_slice %arg6[%rem3A_59, %dma_wait3A_487, %dma_wait3A_488, %dma_wait3A_494] : memref<2x2x16x128xi32, #tpu.memory_space<vmem>> -> memref<1x1x1x128xi32, #tpu.memory_space<vmem>>
      %dma_wait3A_496 = tpu.memref_squeeze %dma_wait3A_495 : memref<1x1x1x128xi32, #tpu.memory_space<vmem>> -> memref<128xi32, #tpu.memory_space<vmem>>
      %dma_wait3A_497 = arith.constant 0 : i32
      %dma_wait3A_498 = arith.constant 0 : i32
      %dma_wait3A_499 = tpu.memref_slice %arg2[%dma_wait3A_497, %dma_wait3A_498] : memref<10240x32xf32, #tpu.memory_space<hbm>> -> memref<10240x32xf32, #tpu.memory_space<hbm>>
      tpu.wait_indirect_dma semaphore(%arg10 : memref<!tpu.dma_semaphore, #tpu.memory_space<semaphore_mem>>) src(%dma_wait3A_499 : memref<10240x32xf32, #tpu.memory_space<hbm>>) dst(%dma_wait3A_493 : memref<128x32xf32, #tpu.memory_space<vmem>>)
      %dma_start3A_500 = arith.constant 7 : i32
      %dma_start3A_501 = arith.constant 1 : i32
      %dma_start3A_502 = arith.constant 7 : i32
      %dma_start3A_503 = arith.constant 0 : i32
      %dma_start3A_504 = arith.constant 0 : i32
      %dma_start3A_505 = tpu.memref_slice %arg7[%dma_start3A_500, %dma_start3A_503, %dma_start3A_504] : memref<16x128x32xf32, #tpu.memory_space<vmem>> -> memref<1x128x32xf32, #tpu.memory_space<vmem>>
      %dma_start3A_506 = tpu.memref_squeeze %dma_start3A_505 : memref<1x128x32xf32, #tpu.memory_space<vmem>> -> memref<128x32xf32, #tpu.memory_space<vmem>>
      %dma_start3A_507 = arith.constant 0 : i32
      %dma_start3A_508 = tpu.memref_slice %arg6[%rem3A_59, %dma_start3A_501, %dma_start3A_502, %dma_start3A_507] : memref<2x2x16x128xi32, #tpu.memory_space<vmem>> -> memref<1x1x1x128xi32, #tpu.memory_space<vmem>>
      %dma_start3A_509 = tpu.memref_squeeze %dma_start3A_508 : memref<1x1x1x128xi32, #tpu.memory_space<vmem>> -> memref<128xi32, #tpu.memory_space<vmem>>
      %dma_start3A_510 = arith.constant 0 : i32
      %dma_start3A_511 = arith.constant 0 : i32
      %dma_start3A_512 = tpu.memref_slice %arg12[%dma_start3A_510, %dma_start3A_511] : memref<10240x32xf32, #tpu.memory_space<vmem_shared>> -> memref<10240x32xf32, #tpu.memory_space<vmem_shared>>
      tpu.enqueue_indirect_dma source(%dma_start3A_506 : memref<128x32xf32, #tpu.memory_space<vmem>>) target(%dma_start3A_512 : memref<10240x32xf32, #tpu.memory_space<vmem_shared>>) offsets(%dma_start3A_509 : memref<128xi32, #tpu.memory_space<vmem>>) semaphore(%arg11 : memref<!tpu.dma_semaphore, #tpu.memory_space<semaphore_mem>>) {add = true}
      %dma_wait3A_513 = arith.constant 0 : i32
      %dma_wait3A_514 = arith.constant 8 : i32
      %dma_wait3A_515 = arith.constant 8 : i32
      %dma_wait3A_516 = arith.constant 0 : i32
      %dma_wait3A_517 = arith.constant 0 : i32
      %dma_wait3A_518 = tpu.memref_slice %arg7[%dma_wait3A_515, %dma_wait3A_516, %dma_wait3A_517] : memref<16x128x32xf32, #tpu.memory_space<vmem>> -> memref<1x128x32xf32, #tpu.memory_space<vmem>>
      %dma_wait3A_519 = tpu.memref_squeeze %dma_wait3A_518 : memref<1x128x32xf32, #tpu.memory_space<vmem>> -> memref<128x32xf32, #tpu.memory_space<vmem>>
      %dma_wait3A_520 = arith.constant 0 : i32
      %dma_wait3A_521 = tpu.memref_slice %arg6[%rem3A_59, %dma_wait3A_513, %dma_wait3A_514, %dma_wait3A_520] : memref<2x2x16x128xi32, #tpu.memory_space<vmem>> -> memref<1x1x1x128xi32, #tpu.memory_space<vmem>>
      %dma_wait3A_522 = tpu.memref_squeeze %dma_wait3A_521 : memref<1x1x1x128xi32, #tpu.memory_space<vmem>> -> memref<128xi32, #tpu.memory_space<vmem>>
      %dma_wait3A_523 = arith.constant 0 : i32
      %dma_wait3A_524 = arith.constant 0 : i32
      %dma_wait3A_525 = tpu.memref_slice %arg2[%dma_wait3A_523, %dma_wait3A_524] : memref<10240x32xf32, #tpu.memory_space<hbm>> -> memref<10240x32xf32, #tpu.memory_space<hbm>>
      tpu.wait_indirect_dma semaphore(%arg10 : memref<!tpu.dma_semaphore, #tpu.memory_space<semaphore_mem>>) src(%dma_wait3A_525 : memref<10240x32xf32, #tpu.memory_space<hbm>>) dst(%dma_wait3A_519 : memref<128x32xf32, #tpu.memory_space<vmem>>)
      %dma_start3A_526 = arith.constant 8 : i32
      %dma_start3A_527 = arith.constant 1 : i32
      %dma_start3A_528 = arith.constant 8 : i32
      %dma_start3A_529 = arith.constant 0 : i32
      %dma_start3A_530 = arith.constant 0 : i32
      %dma_start3A_531 = tpu.memref_slice %arg7[%dma_start3A_526, %dma_start3A_529, %dma_start3A_530] : memref<16x128x32xf32, #tpu.memory_space<vmem>> -> memref<1x128x32xf32, #tpu.memory_space<vmem>>
      %dma_start3A_532 = tpu.memref_squeeze %dma_start3A_531 : memref<1x128x32xf32, #tpu.memory_space<vmem>> -> memref<128x32xf32, #tpu.memory_space<vmem>>
      %dma_start3A_533 = arith.constant 0 : i32
      %dma_start3A_534 = tpu.memref_slice %arg6[%rem3A_59, %dma_start3A_527, %dma_start3A_528, %dma_start3A_533] : memref<2x2x16x128xi32, #tpu.memory_space<vmem>> -> memref<1x1x1x128xi32, #tpu.memory_space<vmem>>
      %dma_start3A_535 = tpu.memref_squeeze %dma_start3A_534 : memref<1x1x1x128xi32, #tpu.memory_space<vmem>> -> memref<128xi32, #tpu.memory_space<vmem>>
      %dma_start3A_536 = arith.constant 0 : i32
      %dma_start3A_537 = arith.constant 0 : i32
      %dma_start3A_538 = tpu.memref_slice %arg12[%dma_start3A_536, %dma_start3A_537] : memref<10240x32xf32, #tpu.memory_space<vmem_shared>> -> memref<10240x32xf32, #tpu.memory_space<vmem_shared>>
      tpu.enqueue_indirect_dma source(%dma_start3A_532 : memref<128x32xf32, #tpu.memory_space<vmem>>) target(%dma_start3A_538 : memref<10240x32xf32, #tpu.memory_space<vmem_shared>>) offsets(%dma_start3A_535 : memref<128xi32, #tpu.memory_space<vmem>>) semaphore(%arg11 : memref<!tpu.dma_semaphore, #tpu.memory_space<semaphore_mem>>) {add = true}
      %dma_wait3A_539 = arith.constant 0 : i32
      %dma_wait3A_540 = arith.constant 9 : i32
      %dma_wait3A_541 = arith.constant 9 : i32
      %dma_wait3A_542 = arith.constant 0 : i32
      %dma_wait3A_543 = arith.constant 0 : i32
      %dma_wait3A_544 = tpu.memref_slice %arg7[%dma_wait3A_541, %dma_wait3A_542, %dma_wait3A_543] : memref<16x128x32xf32, #tpu.memory_space<vmem>> -> memref<1x128x32xf32, #tpu.memory_space<vmem>>
      %dma_wait3A_545 = tpu.memref_squeeze %dma_wait3A_544 : memref<1x128x32xf32, #tpu.memory_space<vmem>> -> memref<128x32xf32, #tpu.memory_space<vmem>>
      %dma_wait3A_546 = arith.constant 0 : i32
      %dma_wait3A_547 = tpu.memref_slice %arg6[%rem3A_59, %dma_wait3A_539, %dma_wait3A_540, %dma_wait3A_546] : memref<2x2x16x128xi32, #tpu.memory_space<vmem>> -> memref<1x1x1x128xi32, #tpu.memory_space<vmem>>
      %dma_wait3A_548 = tpu.memref_squeeze %dma_wait3A_547 : memref<1x1x1x128xi32, #tpu.memory_space<vmem>> -> memref<128xi32, #tpu.memory_space<vmem>>
      %dma_wait3A_549 = arith.constant 0 : i32
      %dma_wait3A_550 = arith.constant 0 : i32
      %dma_wait3A_551 = tpu.memref_slice %arg2[%dma_wait3A_549, %dma_wait3A_550] : memref<10240x32xf32, #tpu.memory_space<hbm>> -> memref<10240x32xf32, #tpu.memory_space<hbm>>
      tpu.wait_indirect_dma semaphore(%arg10 : memref<!tpu.dma_semaphore, #tpu.memory_space<semaphore_mem>>) src(%dma_wait3A_551 : memref<10240x32xf32, #tpu.memory_space<hbm>>) dst(%dma_wait3A_545 : memref<128x32xf32, #tpu.memory_space<vmem>>)
      %dma_start3A_552 = arith.constant 9 : i32
      %dma_start3A_553 = arith.constant 1 : i32
      %dma_start3A_554 = arith.constant 9 : i32
      %dma_start3A_555 = arith.constant 0 : i32
      %dma_start3A_556 = arith.constant 0 : i32
      %dma_start3A_557 = tpu.memref_slice %arg7[%dma_start3A_552, %dma_start3A_555, %dma_start3A_556] : memref<16x128x32xf32, #tpu.memory_space<vmem>> -> memref<1x128x32xf32, #tpu.memory_space<vmem>>
      %dma_start3A_558 = tpu.memref_squeeze %dma_start3A_557 : memref<1x128x32xf32, #tpu.memory_space<vmem>> -> memref<128x32xf32, #tpu.memory_space<vmem>>
      %dma_start3A_559 = arith.constant 0 : i32
      %dma_start3A_560 = tpu.memref_slice %arg6[%rem3A_59, %dma_start3A_553, %dma_start3A_554, %dma_start3A_559] : memref<2x2x16x128xi32, #tpu.memory_space<vmem>> -> memref<1x1x1x128xi32, #tpu.memory_space<vmem>>
      %dma_start3A_561 = tpu.memref_squeeze %dma_start3A_560 : memref<1x1x1x128xi32, #tpu.memory_space<vmem>> -> memref<128xi32, #tpu.memory_space<vmem>>
      %dma_start3A_562 = arith.constant 0 : i32
      %dma_start3A_563 = arith.constant 0 : i32
      %dma_start3A_564 = tpu.memref_slice %arg12[%dma_start3A_562, %dma_start3A_563] : memref<10240x32xf32, #tpu.memory_space<vmem_shared>> -> memref<10240x32xf32, #tpu.memory_space<vmem_shared>>
      tpu.enqueue_indirect_dma source(%dma_start3A_558 : memref<128x32xf32, #tpu.memory_space<vmem>>) target(%dma_start3A_564 : memref<10240x32xf32, #tpu.memory_space<vmem_shared>>) offsets(%dma_start3A_561 : memref<128xi32, #tpu.memory_space<vmem>>) semaphore(%arg11 : memref<!tpu.dma_semaphore, #tpu.memory_space<semaphore_mem>>) {add = true}
      %dma_wait3A_565 = arith.constant 0 : i32
      %dma_wait3A_566 = arith.constant 10 : i32
      %dma_wait3A_567 = arith.constant 10 : i32
      %dma_wait3A_568 = arith.constant 0 : i32
      %dma_wait3A_569 = arith.constant 0 : i32
      %dma_wait3A_570 = tpu.memref_slice %arg7[%dma_wait3A_567, %dma_wait3A_568, %dma_wait3A_569] : memref<16x128x32xf32, #tpu.memory_space<vmem>> -> memref<1x128x32xf32, #tpu.memory_space<vmem>>
      %dma_wait3A_571 = tpu.memref_squeeze %dma_wait3A_570 : memref<1x128x32xf32, #tpu.memory_space<vmem>> -> memref<128x32xf32, #tpu.memory_space<vmem>>
      %dma_wait3A_572 = arith.constant 0 : i32
      %dma_wait3A_573 = tpu.memref_slice %arg6[%rem3A_59, %dma_wait3A_565, %dma_wait3A_566, %dma_wait3A_572] : memref<2x2x16x128xi32, #tpu.memory_space<vmem>> -> memref<1x1x1x128xi32, #tpu.memory_space<vmem>>
      %dma_wait3A_574 = tpu.memref_squeeze %dma_wait3A_573 : memref<1x1x1x128xi32, #tpu.memory_space<vmem>> -> memref<128xi32, #tpu.memory_space<vmem>>
      %dma_wait3A_575 = arith.constant 0 : i32
      %dma_wait3A_576 = arith.constant 0 : i32
      %dma_wait3A_577 = tpu.memref_slice %arg2[%dma_wait3A_575, %dma_wait3A_576] : memref<10240x32xf32, #tpu.memory_space<hbm>> -> memref<10240x32xf32, #tpu.memory_space<hbm>>
      tpu.wait_indirect_dma semaphore(%arg10 : memref<!tpu.dma_semaphore, #tpu.memory_space<semaphore_mem>>) src(%dma_wait3A_577 : memref<10240x32xf32, #tpu.memory_space<hbm>>) dst(%dma_wait3A_571 : memref<128x32xf32, #tpu.memory_space<vmem>>)
      %dma_start3A_578 = arith.constant 10 : i32
      %dma_start3A_579 = arith.constant 1 : i32
      %dma_start3A_580 = arith.constant 10 : i32
      %dma_start3A_581 = arith.constant 0 : i32
      %dma_start3A_582 = arith.constant 0 : i32
      %dma_start3A_583 = tpu.memref_slice %arg7[%dma_start3A_578, %dma_start3A_581, %dma_start3A_582] : memref<16x128x32xf32, #tpu.memory_space<vmem>> -> memref<1x128x32xf32, #tpu.memory_space<vmem>>
      %dma_start3A_584 = tpu.memref_squeeze %dma_start3A_583 : memref<1x128x32xf32, #tpu.memory_space<vmem>> -> memref<128x32xf32, #tpu.memory_space<vmem>>
      %dma_start3A_585 = arith.constant 0 : i32
      %dma_start3A_586 = tpu.memref_slice %arg6[%rem3A_59, %dma_start3A_579, %dma_start3A_580, %dma_start3A_585] : memref<2x2x16x128xi32, #tpu.memory_space<vmem>> -> memref<1x1x1x128xi32, #tpu.memory_space<vmem>>
      %dma_start3A_587 = tpu.memref_squeeze %dma_start3A_586 : memref<1x1x1x128xi32, #tpu.memory_space<vmem>> -> memref<128xi32, #tpu.memory_space<vmem>>
      %dma_start3A_588 = arith.constant 0 : i32
      %dma_start3A_589 = arith.constant 0 : i32
      %dma_start3A_590 = tpu.memref_slice %arg12[%dma_start3A_588, %dma_start3A_589] : memref<10240x32xf32, #tpu.memory_space<vmem_shared>> -> memref<10240x32xf32, #tpu.memory_space<vmem_shared>>
      tpu.enqueue_indirect_dma source(%dma_start3A_584 : memref<128x32xf32, #tpu.memory_space<vmem>>) target(%dma_start3A_590 : memref<10240x32xf32, #tpu.memory_space<vmem_shared>>) offsets(%dma_start3A_587 : memref<128xi32, #tpu.memory_space<vmem>>) semaphore(%arg11 : memref<!tpu.dma_semaphore, #tpu.memory_space<semaphore_mem>>) {add = true}
      %dma_wait3A_591 = arith.constant 0 : i32
      %dma_wait3A_592 = arith.constant 11 : i32
      %dma_wait3A_593 = arith.constant 11 : i32
      %dma_wait3A_594 = arith.constant 0 : i32
      %dma_wait3A_595 = arith.constant 0 : i32
      %dma_wait3A_596 = tpu.memref_slice %arg7[%dma_wait3A_593, %dma_wait3A_594, %dma_wait3A_595] : memref<16x128x32xf32, #tpu.memory_space<vmem>> -> memref<1x128x32xf32, #tpu.memory_space<vmem>>
      %dma_wait3A_597 = tpu.memref_squeeze %dma_wait3A_596 : memref<1x128x32xf32, #tpu.memory_space<vmem>> -> memref<128x32xf32, #tpu.memory_space<vmem>>
      %dma_wait3A_598 = arith.constant 0 : i32
      %dma_wait3A_599 = tpu.memref_slice %arg6[%rem3A_59, %dma_wait3A_591, %dma_wait3A_592, %dma_wait3A_598] : memref<2x2x16x128xi32, #tpu.memory_space<vmem>> -> memref<1x1x1x128xi32, #tpu.memory_space<vmem>>
      %dma_wait3A_600 = tpu.memref_squeeze %dma_wait3A_599 : memref<1x1x1x128xi32, #tpu.memory_space<vmem>> -> memref<128xi32, #tpu.memory_space<vmem>>
      %dma_wait3A_601 = arith.constant 0 : i32
      %dma_wait3A_602 = arith.constant 0 : i32
      %dma_wait3A_603 = tpu.memref_slice %arg2[%dma_wait3A_601, %dma_wait3A_602] : memref<10240x32xf32, #tpu.memory_space<hbm>> -> memref<10240x32xf32, #tpu.memory_space<hbm>>
      tpu.wait_indirect_dma semaphore(%arg10 : memref<!tpu.dma_semaphore, #tpu.memory_space<semaphore_mem>>) src(%dma_wait3A_603 : memref<10240x32xf32, #tpu.memory_space<hbm>>) dst(%dma_wait3A_597 : memref<128x32xf32, #tpu.memory_space<vmem>>)
      %dma_start3A_604 = arith.constant 11 : i32
      %dma_start3A_605 = arith.constant 1 : i32
      %dma_start3A_606 = arith.constant 11 : i32
      %dma_start3A_607 = arith.constant 0 : i32
      %dma_start3A_608 = arith.constant 0 : i32
      %dma_start3A_609 = tpu.memref_slice %arg7[%dma_start3A_604, %dma_start3A_607, %dma_start3A_608] : memref<16x128x32xf32, #tpu.memory_space<vmem>> -> memref<1x128x32xf32, #tpu.memory_space<vmem>>
      %dma_start3A_610 = tpu.memref_squeeze %dma_start3A_609 : memref<1x128x32xf32, #tpu.memory_space<vmem>> -> memref<128x32xf32, #tpu.memory_space<vmem>>
      %dma_start3A_611 = arith.constant 0 : i32
      %dma_start3A_612 = tpu.memref_slice %arg6[%rem3A_59, %dma_start3A_605, %dma_start3A_606, %dma_start3A_611] : memref<2x2x16x128xi32, #tpu.memory_space<vmem>> -> memref<1x1x1x128xi32, #tpu.memory_space<vmem>>
      %dma_start3A_613 = tpu.memref_squeeze %dma_start3A_612 : memref<1x1x1x128xi32, #tpu.memory_space<vmem>> -> memref<128xi32, #tpu.memory_space<vmem>>
      %dma_start3A_614 = arith.constant 0 : i32
      %dma_start3A_615 = arith.constant 0 : i32
      %dma_start3A_616 = tpu.memref_slice %arg12[%dma_start3A_614, %dma_start3A_615] : memref<10240x32xf32, #tpu.memory_space<vmem_shared>> -> memref<10240x32xf32, #tpu.memory_space<vmem_shared>>
      tpu.enqueue_indirect_dma source(%dma_start3A_610 : memref<128x32xf32, #tpu.memory_space<vmem>>) target(%dma_start3A_616 : memref<10240x32xf32, #tpu.memory_space<vmem_shared>>) offsets(%dma_start3A_613 : memref<128xi32, #tpu.memory_space<vmem>>) semaphore(%arg11 : memref<!tpu.dma_semaphore, #tpu.memory_space<semaphore_mem>>) {add = true}
      %dma_wait3A_617 = arith.constant 0 : i32
      %dma_wait3A_618 = arith.constant 12 : i32
      %dma_wait3A_619 = arith.constant 12 : i32
      %dma_wait3A_620 = arith.constant 0 : i32
      %dma_wait3A_621 = arith.constant 0 : i32
      %dma_wait3A_622 = tpu.memref_slice %arg7[%dma_wait3A_619, %dma_wait3A_620, %dma_wait3A_621] : memref<16x128x32xf32, #tpu.memory_space<vmem>> -> memref<1x128x32xf32, #tpu.memory_space<vmem>>
      %dma_wait3A_623 = tpu.memref_squeeze %dma_wait3A_622 : memref<1x128x32xf32, #tpu.memory_space<vmem>> -> memref<128x32xf32, #tpu.memory_space<vmem>>
      %dma_wait3A_624 = arith.constant 0 : i32
      %dma_wait3A_625 = tpu.memref_slice %arg6[%rem3A_59, %dma_wait3A_617, %dma_wait3A_618, %dma_wait3A_624] : memref<2x2x16x128xi32, #tpu.memory_space<vmem>> -> memref<1x1x1x128xi32, #tpu.memory_space<vmem>>
      %dma_wait3A_626 = tpu.memref_squeeze %dma_wait3A_625 : memref<1x1x1x128xi32, #tpu.memory_space<vmem>> -> memref<128xi32, #tpu.memory_space<vmem>>
      %dma_wait3A_627 = arith.constant 0 : i32
      %dma_wait3A_628 = arith.constant 0 : i32
      %dma_wait3A_629 = tpu.memref_slice %arg2[%dma_wait3A_627, %dma_wait3A_628] : memref<10240x32xf32, #tpu.memory_space<hbm>> -> memref<10240x32xf32, #tpu.memory_space<hbm>>
      tpu.wait_indirect_dma semaphore(%arg10 : memref<!tpu.dma_semaphore, #tpu.memory_space<semaphore_mem>>) src(%dma_wait3A_629 : memref<10240x32xf32, #tpu.memory_space<hbm>>) dst(%dma_wait3A_623 : memref<128x32xf32, #tpu.memory_space<vmem>>)
      %dma_start3A_630 = arith.constant 12 : i32
      %dma_start3A_631 = arith.constant 1 : i32
      %dma_start3A_632 = arith.constant 12 : i32
      %dma_start3A_633 = arith.constant 0 : i32
      %dma_start3A_634 = arith.constant 0 : i32
      %dma_start3A_635 = tpu.memref_slice %arg7[%dma_start3A_630, %dma_start3A_633, %dma_start3A_634] : memref<16x128x32xf32, #tpu.memory_space<vmem>> -> memref<1x128x32xf32, #tpu.memory_space<vmem>>
      %dma_start3A_636 = tpu.memref_squeeze %dma_start3A_635 : memref<1x128x32xf32, #tpu.memory_space<vmem>> -> memref<128x32xf32, #tpu.memory_space<vmem>>
      %dma_start3A_637 = arith.constant 0 : i32
      %dma_start3A_638 = tpu.memref_slice %arg6[%rem3A_59, %dma_start3A_631, %dma_start3A_632, %dma_start3A_637] : memref<2x2x16x128xi32, #tpu.memory_space<vmem>> -> memref<1x1x1x128xi32, #tpu.memory_space<vmem>>
      %dma_start3A_639 = tpu.memref_squeeze %dma_start3A_638 : memref<1x1x1x128xi32, #tpu.memory_space<vmem>> -> memref<128xi32, #tpu.memory_space<vmem>>
      %dma_start3A_640 = arith.constant 0 : i32
      %dma_start3A_641 = arith.constant 0 : i32
      %dma_start3A_642 = tpu.memref_slice %arg12[%dma_start3A_640, %dma_start3A_641] : memref<10240x32xf32, #tpu.memory_space<vmem_shared>> -> memref<10240x32xf32, #tpu.memory_space<vmem_shared>>
      tpu.enqueue_indirect_dma source(%dma_start3A_636 : memref<128x32xf32, #tpu.memory_space<vmem>>) target(%dma_start3A_642 : memref<10240x32xf32, #tpu.memory_space<vmem_shared>>) offsets(%dma_start3A_639 : memref<128xi32, #tpu.memory_space<vmem>>) semaphore(%arg11 : memref<!tpu.dma_semaphore, #tpu.memory_space<semaphore_mem>>) {add = true}
      %dma_wait3A_643 = arith.constant 0 : i32
      %dma_wait3A_644 = arith.constant 13 : i32
      %dma_wait3A_645 = arith.constant 13 : i32
      %dma_wait3A_646 = arith.constant 0 : i32
      %dma_wait3A_647 = arith.constant 0 : i32
      %dma_wait3A_648 = tpu.memref_slice %arg7[%dma_wait3A_645, %dma_wait3A_646, %dma_wait3A_647] : memref<16x128x32xf32, #tpu.memory_space<vmem>> -> memref<1x128x32xf32, #tpu.memory_space<vmem>>
      %dma_wait3A_649 = tpu.memref_squeeze %dma_wait3A_648 : memref<1x128x32xf32, #tpu.memory_space<vmem>> -> memref<128x32xf32, #tpu.memory_space<vmem>>
      %dma_wait3A_650 = arith.constant 0 : i32
      %dma_wait3A_651 = tpu.memref_slice %arg6[%rem3A_59, %dma_wait3A_643, %dma_wait3A_644, %dma_wait3A_650] : memref<2x2x16x128xi32, #tpu.memory_space<vmem>> -> memref<1x1x1x128xi32, #tpu.memory_space<vmem>>
      %dma_wait3A_652 = tpu.memref_squeeze %dma_wait3A_651 : memref<1x1x1x128xi32, #tpu.memory_space<vmem>> -> memref<128xi32, #tpu.memory_space<vmem>>
      %dma_wait3A_653 = arith.constant 0 : i32
      %dma_wait3A_654 = arith.constant 0 : i32
      %dma_wait3A_655 = tpu.memref_slice %arg2[%dma_wait3A_653, %dma_wait3A_654] : memref<10240x32xf32, #tpu.memory_space<hbm>> -> memref<10240x32xf32, #tpu.memory_space<hbm>>
      tpu.wait_indirect_dma semaphore(%arg10 : memref<!tpu.dma_semaphore, #tpu.memory_space<semaphore_mem>>) src(%dma_wait3A_655 : memref<10240x32xf32, #tpu.memory_space<hbm>>) dst(%dma_wait3A_649 : memref<128x32xf32, #tpu.memory_space<vmem>>)
      %dma_start3A_656 = arith.constant 13 : i32
      %dma_start3A_657 = arith.constant 1 : i32
      %dma_start3A_658 = arith.constant 13 : i32
      %dma_start3A_659 = arith.constant 0 : i32
      %dma_start3A_660 = arith.constant 0 : i32
      %dma_start3A_661 = tpu.memref_slice %arg7[%dma_start3A_656, %dma_start3A_659, %dma_start3A_660] : memref<16x128x32xf32, #tpu.memory_space<vmem>> -> memref<1x128x32xf32, #tpu.memory_space<vmem>>
      %dma_start3A_662 = tpu.memref_squeeze %dma_start3A_661 : memref<1x128x32xf32, #tpu.memory_space<vmem>> -> memref<128x32xf32, #tpu.memory_space<vmem>>
      %dma_start3A_663 = arith.constant 0 : i32
      %dma_start3A_664 = tpu.memref_slice %arg6[%rem3A_59, %dma_start3A_657, %dma_start3A_658, %dma_start3A_663] : memref<2x2x16x128xi32, #tpu.memory_space<vmem>> -> memref<1x1x1x128xi32, #tpu.memory_space<vmem>>
      %dma_start3A_665 = tpu.memref_squeeze %dma_start3A_664 : memref<1x1x1x128xi32, #tpu.memory_space<vmem>> -> memref<128xi32, #tpu.memory_space<vmem>>
      %dma_start3A_666 = arith.constant 0 : i32
      %dma_start3A_667 = arith.constant 0 : i32
      %dma_start3A_668 = tpu.memref_slice %arg12[%dma_start3A_666, %dma_start3A_667] : memref<10240x32xf32, #tpu.memory_space<vmem_shared>> -> memref<10240x32xf32, #tpu.memory_space<vmem_shared>>
      tpu.enqueue_indirect_dma source(%dma_start3A_662 : memref<128x32xf32, #tpu.memory_space<vmem>>) target(%dma_start3A_668 : memref<10240x32xf32, #tpu.memory_space<vmem_shared>>) offsets(%dma_start3A_665 : memref<128xi32, #tpu.memory_space<vmem>>) semaphore(%arg11 : memref<!tpu.dma_semaphore, #tpu.memory_space<semaphore_mem>>) {add = true}
      %dma_wait3A_669 = arith.constant 0 : i32
      %dma_wait3A_670 = arith.constant 14 : i32
      %dma_wait3A_671 = arith.constant 14 : i32
      %dma_wait3A_672 = arith.constant 0 : i32
      %dma_wait3A_673 = arith.constant 0 : i32
      %dma_wait3A_674 = tpu.memref_slice %arg7[%dma_wait3A_671, %dma_wait3A_672, %dma_wait3A_673] : memref<16x128x32xf32, #tpu.memory_space<vmem>> -> memref<1x128x32xf32, #tpu.memory_space<vmem>>
      %dma_wait3A_675 = tpu.memref_squeeze %dma_wait3A_674 : memref<1x128x32xf32, #tpu.memory_space<vmem>> -> memref<128x32xf32, #tpu.memory_space<vmem>>
      %dma_wait3A_676 = arith.constant 0 : i32
      %dma_wait3A_677 = tpu.memref_slice %arg6[%rem3A_59, %dma_wait3A_669, %dma_wait3A_670, %dma_wait3A_676] : memref<2x2x16x128xi32, #tpu.memory_space<vmem>> -> memref<1x1x1x128xi32, #tpu.memory_space<vmem>>
      %dma_wait3A_678 = tpu.memref_squeeze %dma_wait3A_677 : memref<1x1x1x128xi32, #tpu.memory_space<vmem>> -> memref<128xi32, #tpu.memory_space<vmem>>
      %dma_wait3A_679 = arith.constant 0 : i32
      %dma_wait3A_680 = arith.constant 0 : i32
      %dma_wait3A_681 = tpu.memref_slice %arg2[%dma_wait3A_679, %dma_wait3A_680] : memref<10240x32xf32, #tpu.memory_space<hbm>> -> memref<10240x32xf32, #tpu.memory_space<hbm>>
      tpu.wait_indirect_dma semaphore(%arg10 : memref<!tpu.dma_semaphore, #tpu.memory_space<semaphore_mem>>) src(%dma_wait3A_681 : memref<10240x32xf32, #tpu.memory_space<hbm>>) dst(%dma_wait3A_675 : memref<128x32xf32, #tpu.memory_space<vmem>>)
      %dma_start3A_682 = arith.constant 14 : i32
      %dma_start3A_683 = arith.constant 1 : i32
      %dma_start3A_684 = arith.constant 14 : i32
      %dma_start3A_685 = arith.constant 0 : i32
      %dma_start3A_686 = arith.constant 0 : i32
      %dma_start3A_687 = tpu.memref_slice %arg7[%dma_start3A_682, %dma_start3A_685, %dma_start3A_686] : memref<16x128x32xf32, #tpu.memory_space<vmem>> -> memref<1x128x32xf32, #tpu.memory_space<vmem>>
      %dma_start3A_688 = tpu.memref_squeeze %dma_start3A_687 : memref<1x128x32xf32, #tpu.memory_space<vmem>> -> memref<128x32xf32, #tpu.memory_space<vmem>>
      %dma_start3A_689 = arith.constant 0 : i32
      %dma_start3A_690 = tpu.memref_slice %arg6[%rem3A_59, %dma_start3A_683, %dma_start3A_684, %dma_start3A_689] : memref<2x2x16x128xi32, #tpu.memory_space<vmem>> -> memref<1x1x1x128xi32, #tpu.memory_space<vmem>>
      %dma_start3A_691 = tpu.memref_squeeze %dma_start3A_690 : memref<1x1x1x128xi32, #tpu.memory_space<vmem>> -> memref<128xi32, #tpu.memory_space<vmem>>
      %dma_start3A_692 = arith.constant 0 : i32
      %dma_start3A_693 = arith.constant 0 : i32
      %dma_start3A_694 = tpu.memref_slice %arg12[%dma_start3A_692, %dma_start3A_693] : memref<10240x32xf32, #tpu.memory_space<vmem_shared>> -> memref<10240x32xf32, #tpu.memory_space<vmem_shared>>
      tpu.enqueue_indirect_dma source(%dma_start3A_688 : memref<128x32xf32, #tpu.memory_space<vmem>>) target(%dma_start3A_694 : memref<10240x32xf32, #tpu.memory_space<vmem_shared>>) offsets(%dma_start3A_691 : memref<128xi32, #tpu.memory_space<vmem>>) semaphore(%arg11 : memref<!tpu.dma_semaphore, #tpu.memory_space<semaphore_mem>>) {add = true}
      %dma_wait3A_695 = arith.constant 0 : i32
      %dma_wait3A_696 = arith.constant 15 : i32
      %dma_wait3A_697 = arith.constant 15 : i32
      %dma_wait3A_698 = arith.constant 0 : i32
      %dma_wait3A_699 = arith.constant 0 : i32
      %dma_wait3A_700 = tpu.memref_slice %arg7[%dma_wait3A_697, %dma_wait3A_698, %dma_wait3A_699] : memref<16x128x32xf32, #tpu.memory_space<vmem>> -> memref<1x128x32xf32, #tpu.memory_space<vmem>>
      %dma_wait3A_701 = tpu.memref_squeeze %dma_wait3A_700 : memref<1x128x32xf32, #tpu.memory_space<vmem>> -> memref<128x32xf32, #tpu.memory_space<vmem>>
      %dma_wait3A_702 = arith.constant 0 : i32
      %dma_wait3A_703 = tpu.memref_slice %arg6[%rem3A_59, %dma_wait3A_695, %dma_wait3A_696, %dma_wait3A_702] : memref<2x2x16x128xi32, #tpu.memory_space<vmem>> -> memref<1x1x1x128xi32, #tpu.memory_space<vmem>>
      %dma_wait3A_704 = tpu.memref_squeeze %dma_wait3A_703 : memref<1x1x1x128xi32, #tpu.memory_space<vmem>> -> memref<128xi32, #tpu.memory_space<vmem>>
      %dma_wait3A_705 = arith.constant 0 : i32
      %dma_wait3A_706 = arith.constant 0 : i32
      %dma_wait3A_707 = tpu.memref_slice %arg2[%dma_wait3A_705, %dma_wait3A_706] : memref<10240x32xf32, #tpu.memory_space<hbm>> -> memref<10240x32xf32, #tpu.memory_space<hbm>>
      tpu.wait_indirect_dma semaphore(%arg10 : memref<!tpu.dma_semaphore, #tpu.memory_space<semaphore_mem>>) src(%dma_wait3A_707 : memref<10240x32xf32, #tpu.memory_space<hbm>>) dst(%dma_wait3A_701 : memref<128x32xf32, #tpu.memory_space<vmem>>)
      %dma_start3A_708 = arith.constant 15 : i32
      %dma_start3A_709 = arith.constant 1 : i32
      %dma_start3A_710 = arith.constant 15 : i32
      %dma_start3A_711 = arith.constant 0 : i32
      %dma_start3A_712 = arith.constant 0 : i32
      %dma_start3A_713 = tpu.memref_slice %arg7[%dma_start3A_708, %dma_start3A_711, %dma_start3A_712] : memref<16x128x32xf32, #tpu.memory_space<vmem>> -> memref<1x128x32xf32, #tpu.memory_space<vmem>>
      %dma_start3A_714 = tpu.memref_squeeze %dma_start3A_713 : memref<1x128x32xf32, #tpu.memory_space<vmem>> -> memref<128x32xf32, #tpu.memory_space<vmem>>
      %dma_start3A_715 = arith.constant 0 : i32
      %dma_start3A_716 = tpu.memref_slice %arg6[%rem3A_59, %dma_start3A_709, %dma_start3A_710, %dma_start3A_715] : memref<2x2x16x128xi32, #tpu.memory_space<vmem>> -> memref<1x1x1x128xi32, #tpu.memory_space<vmem>>
      %dma_start3A_717 = tpu.memref_squeeze %dma_start3A_716 : memref<1x1x1x128xi32, #tpu.memory_space<vmem>> -> memref<128xi32, #tpu.memory_space<vmem>>
      %dma_start3A_718 = arith.constant 0 : i32
      %dma_start3A_719 = arith.constant 0 : i32
      %dma_start3A_720 = tpu.memref_slice %arg12[%dma_start3A_718, %dma_start3A_719] : memref<10240x32xf32, #tpu.memory_space<vmem_shared>> -> memref<10240x32xf32, #tpu.memory_space<vmem_shared>>
      tpu.enqueue_indirect_dma source(%dma_start3A_714 : memref<128x32xf32, #tpu.memory_space<vmem>>) target(%dma_start3A_720 : memref<10240x32xf32, #tpu.memory_space<vmem_shared>>) offsets(%dma_start3A_717 : memref<128xi32, #tpu.memory_space<vmem>>) semaphore(%arg11 : memref<!tpu.dma_semaphore, #tpu.memory_space<semaphore_mem>>) {add = true}
      %dma_wait3A_721 = arith.constant 0 : i32
      %dma_wait3A_722 = arith.constant 1 : i32
      %dma_wait3A_723 = arith.constant 0 : i32
      %dma_wait3A_724 = arith.constant 0 : i32
      %dma_wait3A_725 = arith.constant 0 : i32
      %dma_wait3A_726 = tpu.memref_slice %arg7[%dma_wait3A_721, %dma_wait3A_724, %dma_wait3A_725] : memref<16x128x32xf32, #tpu.memory_space<vmem>> -> memref<1x128x32xf32, #tpu.memory_space<vmem>>
      %dma_wait3A_727 = tpu.memref_squeeze %dma_wait3A_726 : memref<1x128x32xf32, #tpu.memory_space<vmem>> -> memref<128x32xf32, #tpu.memory_space<vmem>>
      %dma_wait3A_728 = arith.constant 0 : i32
      %dma_wait3A_729 = tpu.memref_slice %arg6[%rem3A_59, %dma_wait3A_722, %dma_wait3A_723, %dma_wait3A_728] : memref<2x2x16x128xi32, #tpu.memory_space<vmem>> -> memref<1x1x1x128xi32, #tpu.memory_space<vmem>>
      %dma_wait3A_730 = tpu.memref_squeeze %dma_wait3A_729 : memref<1x1x1x128xi32, #tpu.memory_space<vmem>> -> memref<128xi32, #tpu.memory_space<vmem>>
      %dma_wait3A_731 = arith.constant 0 : i32
      %dma_wait3A_732 = arith.constant 0 : i32
      %dma_wait3A_733 = tpu.memref_slice %arg12[%dma_wait3A_731, %dma_wait3A_732] : memref<10240x32xf32, #tpu.memory_space<vmem_shared>> -> memref<10240x32xf32, #tpu.memory_space<vmem_shared>>
      tpu.wait_indirect_dma semaphore(%arg11 : memref<!tpu.dma_semaphore, #tpu.memory_space<semaphore_mem>>) src(%dma_wait3A_727 : memref<128x32xf32, #tpu.memory_space<vmem>>) dst(%dma_wait3A_733 : memref<10240x32xf32, #tpu.memory_space<vmem_shared>>)
      %dma_wait3A_734 = arith.constant 1 : i32
      %dma_wait3A_735 = arith.constant 1 : i32
      %dma_wait3A_736 = arith.constant 1 : i32
      %dma_wait3A_737 = arith.constant 0 : i32
      %dma_wait3A_738 = arith.constant 0 : i32
      %dma_wait3A_739 = tpu.memref_slice %arg7[%dma_wait3A_734, %dma_wait3A_737, %dma_wait3A_738] : memref<16x128x32xf32, #tpu.memory_space<vmem>> -> memref<1x128x32xf32, #tpu.memory_space<vmem>>
      %dma_wait3A_740 = tpu.memref_squeeze %dma_wait3A_739 : memref<1x128x32xf32, #tpu.memory_space<vmem>> -> memref<128x32xf32, #tpu.memory_space<vmem>>
      %dma_wait3A_741 = arith.constant 0 : i32
      %dma_wait3A_742 = tpu.memref_slice %arg6[%rem3A_59, %dma_wait3A_735, %dma_wait3A_736, %dma_wait3A_741] : memref<2x2x16x128xi32, #tpu.memory_space<vmem>> -> memref<1x1x1x128xi32, #tpu.memory_space<vmem>>
      %dma_wait3A_743 = tpu.memref_squeeze %dma_wait3A_742 : memref<1x1x1x128xi32, #tpu.memory_space<vmem>> -> memref<128xi32, #tpu.memory_space<vmem>>
      %dma_wait3A_744 = arith.constant 0 : i32
      %dma_wait3A_745 = arith.constant 0 : i32
      %dma_wait3A_746 = tpu.memref_slice %arg12[%dma_wait3A_744, %dma_wait3A_745] : memref<10240x32xf32, #tpu.memory_space<vmem_shared>> -> memref<10240x32xf32, #tpu.memory_space<vmem_shared>>
      tpu.wait_indirect_dma semaphore(%arg11 : memref<!tpu.dma_semaphore, #tpu.memory_space<semaphore_mem>>) src(%dma_wait3A_740 : memref<128x32xf32, #tpu.memory_space<vmem>>) dst(%dma_wait3A_746 : memref<10240x32xf32, #tpu.memory_space<vmem_shared>>)
      %dma_wait3A_747 = arith.constant 2 : i32
      %dma_wait3A_748 = arith.constant 1 : i32
      %dma_wait3A_749 = arith.constant 2 : i32
      %dma_wait3A_750 = arith.constant 0 : i32
      %dma_wait3A_751 = arith.constant 0 : i32
      %dma_wait3A_752 = tpu.memref_slice %arg7[%dma_wait3A_747, %dma_wait3A_750, %dma_wait3A_751] : memref<16x128x32xf32, #tpu.memory_space<vmem>> -> memref<1x128x32xf32, #tpu.memory_space<vmem>>
      %dma_wait3A_753 = tpu.memref_squeeze %dma_wait3A_752 : memref<1x128x32xf32, #tpu.memory_space<vmem>> -> memref<128x32xf32, #tpu.memory_space<vmem>>
      %dma_wait3A_754 = arith.constant 0 : i32
      %dma_wait3A_755 = tpu.memref_slice %arg6[%rem3A_59, %dma_wait3A_748, %dma_wait3A_749, %dma_wait3A_754] : memref<2x2x16x128xi32, #tpu.memory_space<vmem>> -> memref<1x1x1x128xi32, #tpu.memory_space<vmem>>
      %dma_wait3A_756 = tpu.memref_squeeze %dma_wait3A_755 : memref<1x1x1x128xi32, #tpu.memory_space<vmem>> -> memref<128xi32, #tpu.memory_space<vmem>>
      %dma_wait3A_757 = arith.constant 0 : i32
      %dma_wait3A_758 = arith.constant 0 : i32
      %dma_wait3A_759 = tpu.memref_slice %arg12[%dma_wait3A_757, %dma_wait3A_758] : memref<10240x32xf32, #tpu.memory_space<vmem_shared>> -> memref<10240x32xf32, #tpu.memory_space<vmem_shared>>
      tpu.wait_indirect_dma semaphore(%arg11 : memref<!tpu.dma_semaphore, #tpu.memory_space<semaphore_mem>>) src(%dma_wait3A_753 : memref<128x32xf32, #tpu.memory_space<vmem>>) dst(%dma_wait3A_759 : memref<10240x32xf32, #tpu.memory_space<vmem_shared>>)
      %dma_wait3A_760 = arith.constant 3 : i32
      %dma_wait3A_761 = arith.constant 1 : i32
      %dma_wait3A_762 = arith.constant 3 : i32
      %dma_wait3A_763 = arith.constant 0 : i32
      %dma_wait3A_764 = arith.constant 0 : i32
      %dma_wait3A_765 = tpu.memref_slice %arg7[%dma_wait3A_760, %dma_wait3A_763, %dma_wait3A_764] : memref<16x128x32xf32, #tpu.memory_space<vmem>> -> memref<1x128x32xf32, #tpu.memory_space<vmem>>
      %dma_wait3A_766 = tpu.memref_squeeze %dma_wait3A_765 : memref<1x128x32xf32, #tpu.memory_space<vmem>> -> memref<128x32xf32, #tpu.memory_space<vmem>>
      %dma_wait3A_767 = arith.constant 0 : i32
      %dma_wait3A_768 = tpu.memref_slice %arg6[%rem3A_59, %dma_wait3A_761, %dma_wait3A_762, %dma_wait3A_767] : memref<2x2x16x128xi32, #tpu.memory_space<vmem>> -> memref<1x1x1x128xi32, #tpu.memory_space<vmem>>
      %dma_wait3A_769 = tpu.memref_squeeze %dma_wait3A_768 : memref<1x1x1x128xi32, #tpu.memory_space<vmem>> -> memref<128xi32, #tpu.memory_space<vmem>>
      %dma_wait3A_770 = arith.constant 0 : i32
      %dma_wait3A_771 = arith.constant 0 : i32
      %dma_wait3A_772 = tpu.memref_slice %arg12[%dma_wait3A_770, %dma_wait3A_771] : memref<10240x32xf32, #tpu.memory_space<vmem_shared>> -> memref<10240x32xf32, #tpu.memory_space<vmem_shared>>
      tpu.wait_indirect_dma semaphore(%arg11 : memref<!tpu.dma_semaphore, #tpu.memory_space<semaphore_mem>>) src(%dma_wait3A_766 : memref<128x32xf32, #tpu.memory_space<vmem>>) dst(%dma_wait3A_772 : memref<10240x32xf32, #tpu.memory_space<vmem_shared>>)
      %dma_wait3A_773 = arith.constant 4 : i32
      %dma_wait3A_774 = arith.constant 1 : i32
      %dma_wait3A_775 = arith.constant 4 : i32
      %dma_wait3A_776 = arith.constant 0 : i32
      %dma_wait3A_777 = arith.constant 0 : i32
      %dma_wait3A_778 = tpu.memref_slice %arg7[%dma_wait3A_773, %dma_wait3A_776, %dma_wait3A_777] : memref<16x128x32xf32, #tpu.memory_space<vmem>> -> memref<1x128x32xf32, #tpu.memory_space<vmem>>
      %dma_wait3A_779 = tpu.memref_squeeze %dma_wait3A_778 : memref<1x128x32xf32, #tpu.memory_space<vmem>> -> memref<128x32xf32, #tpu.memory_space<vmem>>
      %dma_wait3A_780 = arith.constant 0 : i32
      %dma_wait3A_781 = tpu.memref_slice %arg6[%rem3A_59, %dma_wait3A_774, %dma_wait3A_775, %dma_wait3A_780] : memref<2x2x16x128xi32, #tpu.memory_space<vmem>> -> memref<1x1x1x128xi32, #tpu.memory_space<vmem>>
      %dma_wait3A_782 = tpu.memref_squeeze %dma_wait3A_781 : memref<1x1x1x128xi32, #tpu.memory_space<vmem>> -> memref<128xi32, #tpu.memory_space<vmem>>
      %dma_wait3A_783 = arith.constant 0 : i32
      %dma_wait3A_784 = arith.constant 0 : i32
      %dma_wait3A_785 = tpu.memref_slice %arg12[%dma_wait3A_783, %dma_wait3A_784] : memref<10240x32xf32, #tpu.memory_space<vmem_shared>> -> memref<10240x32xf32, #tpu.memory_space<vmem_shared>>
      tpu.wait_indirect_dma semaphore(%arg11 : memref<!tpu.dma_semaphore, #tpu.memory_space<semaphore_mem>>) src(%dma_wait3A_779 : memref<128x32xf32, #tpu.memory_space<vmem>>) dst(%dma_wait3A_785 : memref<10240x32xf32, #tpu.memory_space<vmem_shared>>)
      %dma_wait3A_786 = arith.constant 5 : i32
      %dma_wait3A_787 = arith.constant 1 : i32
      %dma_wait3A_788 = arith.constant 5 : i32
      %dma_wait3A_789 = arith.constant 0 : i32
      %dma_wait3A_790 = arith.constant 0 : i32
      %dma_wait3A_791 = tpu.memref_slice %arg7[%dma_wait3A_786, %dma_wait3A_789, %dma_wait3A_790] : memref<16x128x32xf32, #tpu.memory_space<vmem>> -> memref<1x128x32xf32, #tpu.memory_space<vmem>>
      %dma_wait3A_792 = tpu.memref_squeeze %dma_wait3A_791 : memref<1x128x32xf32, #tpu.memory_space<vmem>> -> memref<128x32xf32, #tpu.memory_space<vmem>>
      %dma_wait3A_793 = arith.constant 0 : i32
      %dma_wait3A_794 = tpu.memref_slice %arg6[%rem3A_59, %dma_wait3A_787, %dma_wait3A_788, %dma_wait3A_793] : memref<2x2x16x128xi32, #tpu.memory_space<vmem>> -> memref<1x1x1x128xi32, #tpu.memory_space<vmem>>
      %dma_wait3A_795 = tpu.memref_squeeze %dma_wait3A_794 : memref<1x1x1x128xi32, #tpu.memory_space<vmem>> -> memref<128xi32, #tpu.memory_space<vmem>>
      %dma_wait3A_796 = arith.constant 0 : i32
      %dma_wait3A_797 = arith.constant 0 : i32
      %dma_wait3A_798 = tpu.memref_slice %arg12[%dma_wait3A_796, %dma_wait3A_797] : memref<10240x32xf32, #tpu.memory_space<vmem_shared>> -> memref<10240x32xf32, #tpu.memory_space<vmem_shared>>
      tpu.wait_indirect_dma semaphore(%arg11 : memref<!tpu.dma_semaphore, #tpu.memory_space<semaphore_mem>>) src(%dma_wait3A_792 : memref<128x32xf32, #tpu.memory_space<vmem>>) dst(%dma_wait3A_798 : memref<10240x32xf32, #tpu.memory_space<vmem_shared>>)
      %dma_wait3A_799 = arith.constant 6 : i32
      %dma_wait3A_800 = arith.constant 1 : i32
      %dma_wait3A_801 = arith.constant 6 : i32
      %dma_wait3A_802 = arith.constant 0 : i32
      %dma_wait3A_803 = arith.constant 0 : i32
      %dma_wait3A_804 = tpu.memref_slice %arg7[%dma_wait3A_799, %dma_wait3A_802, %dma_wait3A_803] : memref<16x128x32xf32, #tpu.memory_space<vmem>> -> memref<1x128x32xf32, #tpu.memory_space<vmem>>
      %dma_wait3A_805 = tpu.memref_squeeze %dma_wait3A_804 : memref<1x128x32xf32, #tpu.memory_space<vmem>> -> memref<128x32xf32, #tpu.memory_space<vmem>>
      %dma_wait3A_806 = arith.constant 0 : i32
      %dma_wait3A_807 = tpu.memref_slice %arg6[%rem3A_59, %dma_wait3A_800, %dma_wait3A_801, %dma_wait3A_806] : memref<2x2x16x128xi32, #tpu.memory_space<vmem>> -> memref<1x1x1x128xi32, #tpu.memory_space<vmem>>
      %dma_wait3A_808 = tpu.memref_squeeze %dma_wait3A_807 : memref<1x1x1x128xi32, #tpu.memory_space<vmem>> -> memref<128xi32, #tpu.memory_space<vmem>>
      %dma_wait3A_809 = arith.constant 0 : i32
      %dma_wait3A_810 = arith.constant 0 : i32
      %dma_wait3A_811 = tpu.memref_slice %arg12[%dma_wait3A_809, %dma_wait3A_810] : memref<10240x32xf32, #tpu.memory_space<vmem_shared>> -> memref<10240x32xf32, #tpu.memory_space<vmem_shared>>
      tpu.wait_indirect_dma semaphore(%arg11 : memref<!tpu.dma_semaphore, #tpu.memory_space<semaphore_mem>>) src(%dma_wait3A_805 : memref<128x32xf32, #tpu.memory_space<vmem>>) dst(%dma_wait3A_811 : memref<10240x32xf32, #tpu.memory_space<vmem_shared>>)
      %dma_wait3A_812 = arith.constant 7 : i32
      %dma_wait3A_813 = arith.constant 1 : i32
      %dma_wait3A_814 = arith.constant 7 : i32
      %dma_wait3A_815 = arith.constant 0 : i32
      %dma_wait3A_816 = arith.constant 0 : i32
      %dma_wait3A_817 = tpu.memref_slice %arg7[%dma_wait3A_812, %dma_wait3A_815, %dma_wait3A_816] : memref<16x128x32xf32, #tpu.memory_space<vmem>> -> memref<1x128x32xf32, #tpu.memory_space<vmem>>
      %dma_wait3A_818 = tpu.memref_squeeze %dma_wait3A_817 : memref<1x128x32xf32, #tpu.memory_space<vmem>> -> memref<128x32xf32, #tpu.memory_space<vmem>>
      %dma_wait3A_819 = arith.constant 0 : i32
      %dma_wait3A_820 = tpu.memref_slice %arg6[%rem3A_59, %dma_wait3A_813, %dma_wait3A_814, %dma_wait3A_819] : memref<2x2x16x128xi32, #tpu.memory_space<vmem>> -> memref<1x1x1x128xi32, #tpu.memory_space<vmem>>
      %dma_wait3A_821 = tpu.memref_squeeze %dma_wait3A_820 : memref<1x1x1x128xi32, #tpu.memory_space<vmem>> -> memref<128xi32, #tpu.memory_space<vmem>>
      %dma_wait3A_822 = arith.constant 0 : i32
      %dma_wait3A_823 = arith.constant 0 : i32
      %dma_wait3A_824 = tpu.memref_slice %arg12[%dma_wait3A_822, %dma_wait3A_823] : memref<10240x32xf32, #tpu.memory_space<vmem_shared>> -> memref<10240x32xf32, #tpu.memory_space<vmem_shared>>
      tpu.wait_indirect_dma semaphore(%arg11 : memref<!tpu.dma_semaphore, #tpu.memory_space<semaphore_mem>>) src(%dma_wait3A_818 : memref<128x32xf32, #tpu.memory_space<vmem>>) dst(%dma_wait3A_824 : memref<10240x32xf32, #tpu.memory_space<vmem_shared>>)
      %dma_wait3A_825 = arith.constant 8 : i32
      %dma_wait3A_826 = arith.constant 1 : i32
      %dma_wait3A_827 = arith.constant 8 : i32
      %dma_wait3A_828 = arith.constant 0 : i32
      %dma_wait3A_829 = arith.constant 0 : i32
      %dma_wait3A_830 = tpu.memref_slice %arg7[%dma_wait3A_825, %dma_wait3A_828, %dma_wait3A_829] : memref<16x128x32xf32, #tpu.memory_space<vmem>> -> memref<1x128x32xf32, #tpu.memory_space<vmem>>
      %dma_wait3A_831 = tpu.memref_squeeze %dma_wait3A_830 : memref<1x128x32xf32, #tpu.memory_space<vmem>> -> memref<128x32xf32, #tpu.memory_space<vmem>>
      %dma_wait3A_832 = arith.constant 0 : i32
      %dma_wait3A_833 = tpu.memref_slice %arg6[%rem3A_59, %dma_wait3A_826, %dma_wait3A_827, %dma_wait3A_832] : memref<2x2x16x128xi32, #tpu.memory_space<vmem>> -> memref<1x1x1x128xi32, #tpu.memory_space<vmem>>
      %dma_wait3A_834 = tpu.memref_squeeze %dma_wait3A_833 : memref<1x1x1x128xi32, #tpu.memory_space<vmem>> -> memref<128xi32, #tpu.memory_space<vmem>>
      %dma_wait3A_835 = arith.constant 0 : i32
      %dma_wait3A_836 = arith.constant 0 : i32
      %dma_wait3A_837 = tpu.memref_slice %arg12[%dma_wait3A_835, %dma_wait3A_836] : memref<10240x32xf32, #tpu.memory_space<vmem_shared>> -> memref<10240x32xf32, #tpu.memory_space<vmem_shared>>
      tpu.wait_indirect_dma semaphore(%arg11 : memref<!tpu.dma_semaphore, #tpu.memory_space<semaphore_mem>>) src(%dma_wait3A_831 : memref<128x32xf32, #tpu.memory_space<vmem>>) dst(%dma_wait3A_837 : memref<10240x32xf32, #tpu.memory_space<vmem_shared>>)
      %dma_wait3A_838 = arith.constant 9 : i32
      %dma_wait3A_839 = arith.constant 1 : i32
      %dma_wait3A_840 = arith.constant 9 : i32
      %dma_wait3A_841 = arith.constant 0 : i32
      %dma_wait3A_842 = arith.constant 0 : i32
      %dma_wait3A_843 = tpu.memref_slice %arg7[%dma_wait3A_838, %dma_wait3A_841, %dma_wait3A_842] : memref<16x128x32xf32, #tpu.memory_space<vmem>> -> memref<1x128x32xf32, #tpu.memory_space<vmem>>
      %dma_wait3A_844 = tpu.memref_squeeze %dma_wait3A_843 : memref<1x128x32xf32, #tpu.memory_space<vmem>> -> memref<128x32xf32, #tpu.memory_space<vmem>>
      %dma_wait3A_845 = arith.constant 0 : i32
      %dma_wait3A_846 = tpu.memref_slice %arg6[%rem3A_59, %dma_wait3A_839, %dma_wait3A_840, %dma_wait3A_845] : memref<2x2x16x128xi32, #tpu.memory_space<vmem>> -> memref<1x1x1x128xi32, #tpu.memory_space<vmem>>
      %dma_wait3A_847 = tpu.memref_squeeze %dma_wait3A_846 : memref<1x1x1x128xi32, #tpu.memory_space<vmem>> -> memref<128xi32, #tpu.memory_space<vmem>>
      %dma_wait3A_848 = arith.constant 0 : i32
      %dma_wait3A_849 = arith.constant 0 : i32
      %dma_wait3A_850 = tpu.memref_slice %arg12[%dma_wait3A_848, %dma_wait3A_849] : memref<10240x32xf32, #tpu.memory_space<vmem_shared>> -> memref<10240x32xf32, #tpu.memory_space<vmem_shared>>
      tpu.wait_indirect_dma semaphore(%arg11 : memref<!tpu.dma_semaphore, #tpu.memory_space<semaphore_mem>>) src(%dma_wait3A_844 : memref<128x32xf32, #tpu.memory_space<vmem>>) dst(%dma_wait3A_850 : memref<10240x32xf32, #tpu.memory_space<vmem_shared>>)
      %dma_wait3A_851 = arith.constant 10 : i32
      %dma_wait3A_852 = arith.constant 1 : i32
      %dma_wait3A_853 = arith.constant 10 : i32
      %dma_wait3A_854 = arith.constant 0 : i32
      %dma_wait3A_855 = arith.constant 0 : i32
      %dma_wait3A_856 = tpu.memref_slice %arg7[%dma_wait3A_851, %dma_wait3A_854, %dma_wait3A_855] : memref<16x128x32xf32, #tpu.memory_space<vmem>> -> memref<1x128x32xf32, #tpu.memory_space<vmem>>
      %dma_wait3A_857 = tpu.memref_squeeze %dma_wait3A_856 : memref<1x128x32xf32, #tpu.memory_space<vmem>> -> memref<128x32xf32, #tpu.memory_space<vmem>>
      %dma_wait3A_858 = arith.constant 0 : i32
      %dma_wait3A_859 = tpu.memref_slice %arg6[%rem3A_59, %dma_wait3A_852, %dma_wait3A_853, %dma_wait3A_858] : memref<2x2x16x128xi32, #tpu.memory_space<vmem>> -> memref<1x1x1x128xi32, #tpu.memory_space<vmem>>
      %dma_wait3A_860 = tpu.memref_squeeze %dma_wait3A_859 : memref<1x1x1x128xi32, #tpu.memory_space<vmem>> -> memref<128xi32, #tpu.memory_space<vmem>>
      %dma_wait3A_861 = arith.constant 0 : i32
      %dma_wait3A_862 = arith.constant 0 : i32
      %dma_wait3A_863 = tpu.memref_slice %arg12[%dma_wait3A_861, %dma_wait3A_862] : memref<10240x32xf32, #tpu.memory_space<vmem_shared>> -> memref<10240x32xf32, #tpu.memory_space<vmem_shared>>
      tpu.wait_indirect_dma semaphore(%arg11 : memref<!tpu.dma_semaphore, #tpu.memory_space<semaphore_mem>>) src(%dma_wait3A_857 : memref<128x32xf32, #tpu.memory_space<vmem>>) dst(%dma_wait3A_863 : memref<10240x32xf32, #tpu.memory_space<vmem_shared>>)
      %dma_wait3A_864 = arith.constant 11 : i32
      %dma_wait3A_865 = arith.constant 1 : i32
      %dma_wait3A_866 = arith.constant 11 : i32
      %dma_wait3A_867 = arith.constant 0 : i32
      %dma_wait3A_868 = arith.constant 0 : i32
      %dma_wait3A_869 = tpu.memref_slice %arg7[%dma_wait3A_864, %dma_wait3A_867, %dma_wait3A_868] : memref<16x128x32xf32, #tpu.memory_space<vmem>> -> memref<1x128x32xf32, #tpu.memory_space<vmem>>
      %dma_wait3A_870 = tpu.memref_squeeze %dma_wait3A_869 : memref<1x128x32xf32, #tpu.memory_space<vmem>> -> memref<128x32xf32, #tpu.memory_space<vmem>>
      %dma_wait3A_871 = arith.constant 0 : i32
      %dma_wait3A_872 = tpu.memref_slice %arg6[%rem3A_59, %dma_wait3A_865, %dma_wait3A_866, %dma_wait3A_871] : memref<2x2x16x128xi32, #tpu.memory_space<vmem>> -> memref<1x1x1x128xi32, #tpu.memory_space<vmem>>
      %dma_wait3A_873 = tpu.memref_squeeze %dma_wait3A_872 : memref<1x1x1x128xi32, #tpu.memory_space<vmem>> -> memref<128xi32, #tpu.memory_space<vmem>>
      %dma_wait3A_874 = arith.constant 0 : i32
      %dma_wait3A_875 = arith.constant 0 : i32
      %dma_wait3A_876 = tpu.memref_slice %arg12[%dma_wait3A_874, %dma_wait3A_875] : memref<10240x32xf32, #tpu.memory_space<vmem_shared>> -> memref<10240x32xf32, #tpu.memory_space<vmem_shared>>
      tpu.wait_indirect_dma semaphore(%arg11 : memref<!tpu.dma_semaphore, #tpu.memory_space<semaphore_mem>>) src(%dma_wait3A_870 : memref<128x32xf32, #tpu.memory_space<vmem>>) dst(%dma_wait3A_876 : memref<10240x32xf32, #tpu.memory_space<vmem_shared>>)
      %dma_wait3A_877 = arith.constant 12 : i32
      %dma_wait3A_878 = arith.constant 1 : i32
      %dma_wait3A_879 = arith.constant 12 : i32
      %dma_wait3A_880 = arith.constant 0 : i32
      %dma_wait3A_881 = arith.constant 0 : i32
      %dma_wait3A_882 = tpu.memref_slice %arg7[%dma_wait3A_877, %dma_wait3A_880, %dma_wait3A_881] : memref<16x128x32xf32, #tpu.memory_space<vmem>> -> memref<1x128x32xf32, #tpu.memory_space<vmem>>
      %dma_wait3A_883 = tpu.memref_squeeze %dma_wait3A_882 : memref<1x128x32xf32, #tpu.memory_space<vmem>> -> memref<128x32xf32, #tpu.memory_space<vmem>>
      %dma_wait3A_884 = arith.constant 0 : i32
      %dma_wait3A_885 = tpu.memref_slice %arg6[%rem3A_59, %dma_wait3A_878, %dma_wait3A_879, %dma_wait3A_884] : memref<2x2x16x128xi32, #tpu.memory_space<vmem>> -> memref<1x1x1x128xi32, #tpu.memory_space<vmem>>
      %dma_wait3A_886 = tpu.memref_squeeze %dma_wait3A_885 : memref<1x1x1x128xi32, #tpu.memory_space<vmem>> -> memref<128xi32, #tpu.memory_space<vmem>>
      %dma_wait3A_887 = arith.constant 0 : i32
      %dma_wait3A_888 = arith.constant 0 : i32
      %dma_wait3A_889 = tpu.memref_slice %arg12[%dma_wait3A_887, %dma_wait3A_888] : memref<10240x32xf32, #tpu.memory_space<vmem_shared>> -> memref<10240x32xf32, #tpu.memory_space<vmem_shared>>
      tpu.wait_indirect_dma semaphore(%arg11 : memref<!tpu.dma_semaphore, #tpu.memory_space<semaphore_mem>>) src(%dma_wait3A_883 : memref<128x32xf32, #tpu.memory_space<vmem>>) dst(%dma_wait3A_889 : memref<10240x32xf32, #tpu.memory_space<vmem_shared>>)
      %dma_wait3A_890 = arith.constant 13 : i32
      %dma_wait3A_891 = arith.constant 1 : i32
      %dma_wait3A_892 = arith.constant 13 : i32
      %dma_wait3A_893 = arith.constant 0 : i32
      %dma_wait3A_894 = arith.constant 0 : i32
      %dma_wait3A_895 = tpu.memref_slice %arg7[%dma_wait3A_890, %dma_wait3A_893, %dma_wait3A_894] : memref<16x128x32xf32, #tpu.memory_space<vmem>> -> memref<1x128x32xf32, #tpu.memory_space<vmem>>
      %dma_wait3A_896 = tpu.memref_squeeze %dma_wait3A_895 : memref<1x128x32xf32, #tpu.memory_space<vmem>> -> memref<128x32xf32, #tpu.memory_space<vmem>>
      %dma_wait3A_897 = arith.constant 0 : i32
      %dma_wait3A_898 = tpu.memref_slice %arg6[%rem3A_59, %dma_wait3A_891, %dma_wait3A_892, %dma_wait3A_897] : memref<2x2x16x128xi32, #tpu.memory_space<vmem>> -> memref<1x1x1x128xi32, #tpu.memory_space<vmem>>
      %dma_wait3A_899 = tpu.memref_squeeze %dma_wait3A_898 : memref<1x1x1x128xi32, #tpu.memory_space<vmem>> -> memref<128xi32, #tpu.memory_space<vmem>>
      %dma_wait3A_900 = arith.constant 0 : i32
      %dma_wait3A_901 = arith.constant 0 : i32
      %dma_wait3A_902 = tpu.memref_slice %arg12[%dma_wait3A_900, %dma_wait3A_901] : memref<10240x32xf32, #tpu.memory_space<vmem_shared>> -> memref<10240x32xf32, #tpu.memory_space<vmem_shared>>
      tpu.wait_indirect_dma semaphore(%arg11 : memref<!tpu.dma_semaphore, #tpu.memory_space<semaphore_mem>>) src(%dma_wait3A_896 : memref<128x32xf32, #tpu.memory_space<vmem>>) dst(%dma_wait3A_902 : memref<10240x32xf32, #tpu.memory_space<vmem_shared>>)
      %dma_wait3A_903 = arith.constant 14 : i32
      %dma_wait3A_904 = arith.constant 1 : i32
      %dma_wait3A_905 = arith.constant 14 : i32
      %dma_wait3A_906 = arith.constant 0 : i32
      %dma_wait3A_907 = arith.constant 0 : i32
      %dma_wait3A_908 = tpu.memref_slice %arg7[%dma_wait3A_903, %dma_wait3A_906, %dma_wait3A_907] : memref<16x128x32xf32, #tpu.memory_space<vmem>> -> memref<1x128x32xf32, #tpu.memory_space<vmem>>
      %dma_wait3A_909 = tpu.memref_squeeze %dma_wait3A_908 : memref<1x128x32xf32, #tpu.memory_space<vmem>> -> memref<128x32xf32, #tpu.memory_space<vmem>>
      %dma_wait3A_910 = arith.constant 0 : i32
      %dma_wait3A_911 = tpu.memref_slice %arg6[%rem3A_59, %dma_wait3A_904, %dma_wait3A_905, %dma_wait3A_910] : memref<2x2x16x128xi32, #tpu.memory_space<vmem>> -> memref<1x1x1x128xi32, #tpu.memory_space<vmem>>
      %dma_wait3A_912 = tpu.memref_squeeze %dma_wait3A_911 : memref<1x1x1x128xi32, #tpu.memory_space<vmem>> -> memref<128xi32, #tpu.memory_space<vmem>>
      %dma_wait3A_913 = arith.constant 0 : i32
      %dma_wait3A_914 = arith.constant 0 : i32
      %dma_wait3A_915 = tpu.memref_slice %arg12[%dma_wait3A_913, %dma_wait3A_914] : memref<10240x32xf32, #tpu.memory_space<vmem_shared>> -> memref<10240x32xf32, #tpu.memory_space<vmem_shared>>
      tpu.wait_indirect_dma semaphore(%arg11 : memref<!tpu.dma_semaphore, #tpu.memory_space<semaphore_mem>>) src(%dma_wait3A_909 : memref<128x32xf32, #tpu.memory_space<vmem>>) dst(%dma_wait3A_915 : memref<10240x32xf32, #tpu.memory_space<vmem_shared>>)
      %dma_wait3A_916 = arith.constant 15 : i32
      %dma_wait3A_917 = arith.constant 1 : i32
      %dma_wait3A_918 = arith.constant 15 : i32
      %dma_wait3A_919 = arith.constant 0 : i32
      %dma_wait3A_920 = arith.constant 0 : i32
      %dma_wait3A_921 = tpu.memref_slice %arg7[%dma_wait3A_916, %dma_wait3A_919, %dma_wait3A_920] : memref<16x128x32xf32, #tpu.memory_space<vmem>> -> memref<1x128x32xf32, #tpu.memory_space<vmem>>
      %dma_wait3A_922 = tpu.memref_squeeze %dma_wait3A_921 : memref<1x128x32xf32, #tpu.memory_space<vmem>> -> memref<128x32xf32, #tpu.memory_space<vmem>>
      %dma_wait3A_923 = arith.constant 0 : i32
      %dma_wait3A_924 = tpu.memref_slice %arg6[%rem3A_59, %dma_wait3A_917, %dma_wait3A_918, %dma_wait3A_923] : memref<2x2x16x128xi32, #tpu.memory_space<vmem>> -> memref<1x1x1x128xi32, #tpu.memory_space<vmem>>
      %dma_wait3A_925 = tpu.memref_squeeze %dma_wait3A_924 : memref<1x1x1x128xi32, #tpu.memory_space<vmem>> -> memref<128xi32, #tpu.memory_space<vmem>>
      %dma_wait3A_926 = arith.constant 0 : i32
      %dma_wait3A_927 = arith.constant 0 : i32
      %dma_wait3A_928 = tpu.memref_slice %arg12[%dma_wait3A_926, %dma_wait3A_927] : memref<10240x32xf32, #tpu.memory_space<vmem_shared>> -> memref<10240x32xf32, #tpu.memory_space<vmem_shared>>
      tpu.wait_indirect_dma semaphore(%arg11 : memref<!tpu.dma_semaphore, #tpu.memory_space<semaphore_mem>>) src(%dma_wait3A_922 : memref<128x32xf32, #tpu.memory_space<vmem>>) dst(%dma_wait3A_928 : memref<10240x32xf32, #tpu.memory_space<vmem_shared>>)
    }
    %scan3A_49 = arith.constant 10 : i32
    %barrier3A_50 = arith.constant 0 : index
    tpu.barrier barrier_id(%barrier3A_50)
    %mul3A_51 = arith.constant 640 : i32
    %mul3A_52 = arith.muli %arg1, %mul3A_51 : i32
    "tpu.region"() ({
      %run_scoped3A = tpu.sem_alloc : memref<!tpu.dma_semaphore, #tpu.memory_space<semaphore_mem>>
      %dma_start3A_58 = arith.constant 0 : i32
      %dma_start3A_59 = tpu.memref_slice %arg12[%mul3A_52, %dma_start3A_58] : memref<10240x32xf32, #tpu.memory_space<vmem_shared>> -> memref<640x32xf32, #tpu.memory_space<vmem_shared>>
      %dma_start3A_60 = arith.constant 0 : i32
      %dma_start3A_61 = tpu.memref_slice %arg12[%mul3A_52, %dma_start3A_60] : memref<10240x32xf32, #tpu.memory_space<vmem_shared>> -> memref<640x32xf32, #tpu.memory_space<vmem_shared>>
      tpu.enqueue_dma source(%dma_start3A_61 : memref<640x32xf32, #tpu.memory_space<vmem_shared>>) target(%arg8 : memref<640x32xf32, #tpu.memory_space<vmem>>) target_semaphore(%run_scoped3A : memref<!tpu.dma_semaphore, #tpu.memory_space<semaphore_mem>>)
      %dma_wait3A = arith.constant 0 : i32
      %dma_wait3A_62 = tpu.memref_slice %arg12[%mul3A_52, %dma_wait3A] : memref<10240x32xf32, #tpu.memory_space<vmem_shared>> -> memref<640x32xf32, #tpu.memory_space<vmem_shared>>
      %dma_wait3A_63 = arith.constant 0 : i32
      %dma_wait3A_64 = tpu.memref_slice %arg12[%mul3A_52, %dma_wait3A_63] : memref<10240x32xf32, #tpu.memory_space<vmem_shared>> -> memref<640x32xf32, #tpu.memory_space<vmem_shared>>
      tpu.wait_dma2 semaphore(%run_scoped3A : memref<!tpu.dma_semaphore, #tpu.memory_space<semaphore_mem>>) src(%dma_wait3A_64 : memref<640x32xf32, #tpu.memory_space<vmem_shared>>) dst(%arg8 : memref<640x32xf32, #tpu.memory_space<vmem>>)
      tpu.yield
    }) : () -> ()
    %mul3A_53 = arith.constant 10240 : i32
    %mul3A_54 = arith.muli %arg0, %mul3A_53 : i32
    %mul3A_55 = arith.constant 640 : i32
    %mul3A_56 = arith.muli %arg1, %mul3A_55 : i32
    %add3A_57 = arith.addi %mul3A_54, %mul3A_56 : i32
    "tpu.region"() ({
      %run_scoped3A = tpu.sem_alloc : memref<!tpu.dma_semaphore, #tpu.memory_space<semaphore_mem>>
      %dma_start3A_58 = arith.constant 0 : i32
      %dma_start3A_59 = tpu.memref_slice %arg5[%add3A_57, %dma_start3A_58] : memref<20480x32xf32, #tpu.memory_space<hbm>> -> memref<640x32xf32, #tpu.memory_space<hbm>>
      %dma_start3A_60 = arith.constant 0 : i32
      %dma_start3A_61 = tpu.memref_slice %arg5[%add3A_57, %dma_start3A_60] : memref<20480x32xf32, #tpu.memory_space<hbm>> -> memref<640x32xf32, #tpu.memory_space<hbm>>
      tpu.enqueue_dma source(%arg8 : memref<640x32xf32, #tpu.memory_space<vmem>>) target(%dma_start3A_61 : memref<640x32xf32, #tpu.memory_space<hbm>>) target_semaphore(%run_scoped3A : memref<!tpu.dma_semaphore, #tpu.memory_space<semaphore_mem>>)
      %dma_wait3A = arith.constant 0 : i32
      %dma_wait3A_62 = tpu.memref_slice %arg5[%add3A_57, %dma_wait3A] : memref<20480x32xf32, #tpu.memory_space<hbm>> -> memref<640x32xf32, #tpu.memory_space<hbm>>
      %dma_wait3A_63 = arith.constant 0 : i32
      %dma_wait3A_64 = tpu.memref_slice %arg5[%add3A_57, %dma_wait3A_63] : memref<20480x32xf32, #tpu.memory_space<hbm>> -> memref<640x32xf32, #tpu.memory_space<hbm>>
      tpu.wait_dma2 semaphore(%run_scoped3A : memref<!tpu.dma_semaphore, #tpu.memory_space<semaphore_mem>>) src(%arg8 : memref<640x32xf32, #tpu.memory_space<vmem>>) dst(%dma_wait3A_64 : memref<640x32xf32, #tpu.memory_space<hbm>>)
      tpu.yield
    }) : () -> ()
    return
  }
}

#map = affine_map<(d0, d1) -> (0, 0)>
module attributes {stable_mosaic.version = 14 : i64} {
  func.func @body(%arg0: i32, %arg1: i32, %arg2: memref<10240x32xf32, #tpu.memory_space<hbm>>, %arg3: memref<5120x128xi32, #tpu.memory_space<hbm>>, %arg4: memref<5120x128xi32, #tpu.memory_space<hbm>>, %arg5: memref<20480x32xf32, #tpu.memory_space<hbm>>, %arg6: memref<2x2x16x128xi32, #tpu.memory_space<vmem>>, %arg7: memref<16x128x32xf32, #tpu.memory_space<vmem>>, %arg8: memref<640x32xf32, #tpu.memory_space<vmem>>, %arg9: memref<!tpu.dma_semaphore, #tpu.memory_space<semaphore_mem>>, %arg10: memref<!tpu.dma_semaphore, #tpu.memory_space<semaphore_mem>>, %arg11: memref<!tpu.dma_semaphore, #tpu.memory_space<semaphore_mem>>, %arg12: memref<10240x32xf32, #tpu.memory_space<vmem_shared>>) attributes {dimension_semantics = [#tpu.dimension_semantics<core_parallel>, #tpu.dimension_semantics<subcore_parallel>], iteration_bounds = array<i64: 2, 16>, scalar_prefetch = 0 : i64, scratch_operands = 7 : i64, tpu.core_type = #tpu.core_type<sc_vector_subcore>, window_params = [{transform_indices = #map}, {transform_indices = #map}, {transform_indices = #map}, {transform_indices = #map}]} {
    %mul3A = arith.constant 16 : i32
    %mul3A_0 = arith.muli %arg0, %mul3A : i32
    %add3A = arith.addi %mul3A_0, %arg1 : i32
    %broadcast_in_dim3A = arith.constant 0.000000e+00 : f32
    %broadcast_in_dim3A_1 = vector.broadcast %broadcast_in_dim3A : f32 to vector<16xf32>
    %scan3A = arith.constant 0 : i32
    %scan3A_2 = arith.constant 0 : i32
    %scan3A_3 = arith.constant 640 : i32
    %scan3A_4 = arith.addi %scan3A_2, %scan3A_3 : i32
    %scan3A_5 = arith.constant 1 : i32
    scf.for %scan3A_58 = %scan3A_2 to %scan3A_4 step %scan3A_5  : i32 {
      %swap3A = arith.index_cast %scan3A_58 : i32 to index
      %swap3A_59 = arith.constant 0 : index
      %swap3A_60 = tpu.vector_load %arg8[%swap3A, %swap3A_59] {strides = array<i32>} : memref<640x32xf32, #tpu.memory_space<vmem>>, vector<1x16xf32>,
      %swap3A_61 = vector.shape_cast %swap3A_60 : vector<1x16xf32> to vector<16xf32>
      %swap3A_62 = vector.shape_cast %broadcast_in_dim3A_1 : vector<16xf32> to vector<1x16xf32>
      tpu.vector_store %arg8[%swap3A, %swap3A_59], %swap3A_62 {strides = array<i32>} : memref<640x32xf32, #tpu.memory_space<vmem>>, vector<1x16xf32>,
      %swap3A_63 = arith.index_cast %scan3A_58 : i32 to index
      %swap3A_64 = arith.constant 16 : index
      %swap3A_65 = tpu.vector_load %arg8[%swap3A_63, %swap3A_64] {strides = array<i32>} : memref<640x32xf32, #tpu.memory_space<vmem>>, vector<1x16xf32>,
      %swap3A_66 = vector.shape_cast %swap3A_65 : vector<1x16xf32> to vector<16xf32>
      %swap3A_67 = vector.shape_cast %broadcast_in_dim3A_1 : vector<16xf32> to vector<1x16xf32>
      tpu.vector_store %arg8[%swap3A_63, %swap3A_64], %swap3A_67 {strides = array<i32>} : memref<640x32xf32, #tpu.memory_space<vmem>>, vector<1x16xf32>,
    }
    %scan3A_6 = arith.constant 640 : i32
    %mul3A_7 = arith.constant 640 : i32
    %mul3A_8 = arith.muli %arg1, %mul3A_7 : i32
    "tpu.region"() ({
      %run_scoped3A = tpu.sem_alloc : memref<!tpu.dma_semaphore, #tpu.memory_space<semaphore_mem>>
      %dma_start3A_58 = arith.constant 0 : i32
      %dma_start3A_59 = tpu.memref_slice %arg12[%mul3A_8, %dma_start3A_58] : memref<10240x32xf32, #tpu.memory_space<vmem_shared>> -> memref<640x32xf32, #tpu.memory_space<vmem_shared>>
      %dma_start3A_60 = arith.constant 0 : i32
      %dma_start3A_61 = tpu.memref_slice %arg12[%mul3A_8, %dma_start3A_60] : memref<10240x32xf32, #tpu.memory_space<vmem_shared>> -> memref<640x32xf32, #tpu.memory_space<vmem_shared>>
      tpu.enqueue_dma source(%arg8 : memref<640x32xf32, #tpu.memory_space<vmem>>) target(%dma_start3A_61 : memref<640x32xf32, #tpu.memory_space<vmem_shared>>) target_semaphore(%run_scoped3A : memref<!tpu.dma_semaphore, #tpu.memory_space<semaphore_mem>>)
      %dma_wait3A = arith.constant 0 : i32
      %dma_wait3A_62 = tpu.memref_slice %arg12[%mul3A_8, %dma_wait3A] : memref<10240x32xf32, #tpu.memory_space<vmem_shared>> -> memref<640x32xf32, #tpu.memory_space<vmem_shared>>
      %dma_wait3A_63 = arith.constant 0 : i32
      %dma_wait3A_64 = tpu.memref_slice %arg12[%mul3A_8, %dma_wait3A_63] : memref<10240x32xf32, #tpu.memory_space<vmem_shared>> -> memref<640x32xf32, #tpu.memory_space<vmem_shared>>
      tpu.wait_dma2 semaphore(%run_scoped3A : memref<!tpu.dma_semaphore, #tpu.memory_space<semaphore_mem>>) src(%arg8 : memref<640x32xf32, #tpu.memory_space<vmem>>) dst(%dma_wait3A_64 : memref<640x32xf32, #tpu.memory_space<vmem_shared>>)
      tpu.yield
    }) : () -> ()
    %mul3A_9 = arith.constant 160 : i32
    %mul3A_10 = arith.muli %add3A, %mul3A_9 : i32
    %add3A_11 = arith.constant 0 : i32
    %add3A_12 = arith.addi %mul3A_10, %add3A_11 : i32
    %dma_start3A = arith.constant 0 : i32
    %dma_start3A_13 = arith.constant 0 : i32
    %dma_start3A_14 = arith.constant 0 : i32
    %dma_start3A_15 = arith.constant 0 : i32
    %dma_start3A_16 = tpu.memref_slice %arg6[%dma_start3A, %dma_start3A_13, %dma_start3A_14, %dma_start3A_15] : memref<2x2x16x128xi32, #tpu.memory_space<vmem>> -> memref<1x1x16x128xi32, #tpu.memory_space<vmem>>
    %dma_start3A_17 = tpu.memref_squeeze %dma_start3A_16 : memref<1x1x16x128xi32, #tpu.memory_space<vmem>> -> memref<16x128xi32, #tpu.memory_space<vmem>>
    %dma_start3A_18 = arith.constant 0 : i32
    %dma_start3A_19 = tpu.memref_slice %arg3[%add3A_12, %dma_start3A_18] : memref<5120x128xi32, #tpu.memory_space<hbm>> -> memref<16x128xi32, #tpu.memory_space<hbm>>
    %dma_start3A_20 = arith.constant 0 : i32
    %dma_start3A_21 = arith.constant 0 : i32
    %dma_start3A_22 = tpu.memref_slice %arg6[%dma_start3A, %dma_start3A_13, %dma_start3A_20, %dma_start3A_21] : memref<2x2x16x128xi32, #tpu.memory_space<vmem>> -> memref<1x1x16x128xi32, #tpu.memory_space<vmem>>
    %dma_start3A_23 = tpu.memref_squeeze %dma_start3A_22 : memref<1x1x16x128xi32, #tpu.memory_space<vmem>> -> memref<16x128xi32, #tpu.memory_space<vmem>>
    %dma_start3A_24 = arith.constant 0 : i32
    %dma_start3A_25 = tpu.memref_slice %arg3[%add3A_12, %dma_start3A_24] : memref<5120x128xi32, #tpu.memory_space<hbm>> -> memref<16x128xi32, #tpu.memory_space<hbm>>
    tpu.enqueue_dma source(%dma_start3A_25 : memref<16x128xi32, #tpu.memory_space<hbm>>) target(%dma_start3A_23 : memref<16x128xi32, #tpu.memory_space<vmem>>) target_semaphore(%arg9 : memref<!tpu.dma_semaphore, #tpu.memory_space<semaphore_mem>>)
    %mul3A_26 = arith.constant 160 : i32
    %mul3A_27 = arith.muli %add3A, %mul3A_26 : i32
    %add3A_28 = arith.constant 0 : i32
    %add3A_29 = arith.addi %mul3A_27, %add3A_28 : i32
    %dma_start3A_30 = arith.constant 0 : i32
    %dma_start3A_31 = arith.constant 1 : i32
    %dma_start3A_32 = arith.constant 0 : i32
    %dma_start3A_33 = arith.constant 0 : i32
    %dma_start3A_34 = tpu.memref_slice %arg6[%dma_start3A_30, %dma_start3A_31, %dma_start3A_32, %dma_start3A_33] : memref<2x2x16x128xi32, #tpu.memory_space<vmem>> -> memref<1x1x16x128xi32, #tpu.memory_space<vmem>>
    %dma_start3A_35 = tpu.memref_squeeze %dma_start3A_34 : memref<1x1x16x128xi32, #tpu.memory_space<vmem>> -> memref<16x128xi32, #tpu.memory_space<vmem>>
    %dma_start3A_36 = arith.constant 0 : i32
    %dma_start3A_37 = tpu.memref_slice %arg4[%add3A_29, %dma_start3A_36] : memref<5120x128xi32, #tpu.memory_space<hbm>> -> memref<16x128xi32, #tpu.memory_space<hbm>>
    %dma_start3A_38 = arith.constant 0 : i32
    %dma_start3A_39 = arith.constant 0 : i32
    %dma_start3A_40 = tpu.memref_slice %arg6[%dma_start3A_30, %dma_start3A_31, %dma_start3A_38, %dma_start3A_39] : memref<2x2x16x128xi32, #tpu.memory_space<vmem>> -> memref<1x1x16x128xi32, #tpu.memory_space<vmem>>
    %dma_start3A_41 = tpu.memref_squeeze %dma_start3A_40 : memref<1x1x16x128xi32, #tpu.memory_space<vmem>> -> memref<16x128xi32, #tpu.memory_space<vmem>>
    %dma_start3A_42 = arith.constant 0 : i32
    %dma_start3A_43 = tpu.memref_slice %arg4[%add3A_29, %dma_start3A_42] : memref<5120x128xi32, #tpu.memory_space<hbm>> -> memref<16x128xi32, #tpu.memory_space<hbm>>
    tpu.enqueue_dma source(%dma_start3A_43 : memref<16x128xi32, #tpu.memory_space<hbm>>) target(%dma_start3A_41 : memref<16x128xi32, #tpu.memory_space<vmem>>) target_semaphore(%arg9 : memref<!tpu.dma_semaphore, #tpu.memory_space<semaphore_mem>>)
    %barrier3A = arith.constant 0 : index
    tpu.barrier barrier_id(%barrier3A)
    %scan3A_44 = arith.constant 0 : i32
    %scan3A_45 = arith.constant 0 : i32
    %scan3A_46 = arith.constant 10 : i32
    %scan3A_47 = arith.addi %scan3A_45, %scan3A_46 : i32
    %scan3A_48 = arith.constant 1 : i32
    scf.for %scan3A_58 = %scan3A_45 to %scan3A_47 step %scan3A_48  : i32 {
      %rem3A = arith.constant 2 : i32
      %rem3A_59 = arith.remsi %scan3A_58, %rem3A : i32
      %mul3A_60 = arith.constant 160 : i32
      %mul3A_61 = arith.muli %add3A, %mul3A_60 : i32
      %add3A_62 = arith.constant 0 : i32
      %add3A_63 = arith.addi %mul3A_61, %add3A_62 : i32
      %dma_wait3A = arith.constant 0 : i32
      %dma_wait3A_64 = arith.constant 0 : i32
      %dma_wait3A_65 = arith.constant 0 : i32
      %dma_wait3A_66 = tpu.memref_slice %arg6[%rem3A_59, %dma_wait3A, %dma_wait3A_64, %dma_wait3A_65] : memref<2x2x16x128xi32, #tpu.memory_space<vmem>> -> memref<1x1x16x128xi32, #tpu.memory_space<vmem>>
      %dma_wait3A_67 = tpu.memref_squeeze %dma_wait3A_66 : memref<1x1x16x128xi32, #tpu.memory_space<vmem>> -> memref<16x128xi32, #tpu.memory_space<vmem>>
      %dma_wait3A_68 = arith.constant 0 : i32
      %dma_wait3A_69 = tpu.memref_slice %arg3[%add3A_63, %dma_wait3A_68] : memref<5120x128xi32, #tpu.memory_space<hbm>> -> memref<16x128xi32, #tpu.memory_space<hbm>>
      %dma_wait3A_70 = arith.constant 0 : i32
      %dma_wait3A_71 = arith.constant 0 : i32
      %dma_wait3A_72 = tpu.memref_slice %arg6[%rem3A_59, %dma_wait3A, %dma_wait3A_70, %dma_wait3A_71] : memref<2x2x16x128xi32, #tpu.memory_space<vmem>> -> memref<1x1x16x128xi32, #tpu.memory_space<vmem>>
      %dma_wait3A_73 = tpu.memref_squeeze %dma_wait3A_72 : memref<1x1x16x128xi32, #tpu.memory_space<vmem>> -> memref<16x128xi32, #tpu.memory_space<vmem>>
      %dma_wait3A_74 = arith.constant 0 : i32
      %dma_wait3A_75 = tpu.memref_slice %arg3[%add3A_63, %dma_wait3A_74] : memref<5120x128xi32, #tpu.memory_space<hbm>> -> memref<16x128xi32, #tpu.memory_space<hbm>>
      tpu.wait_dma2 semaphore(%arg9 : memref<!tpu.dma_semaphore, #tpu.memory_space<semaphore_mem>>) src(%dma_wait3A_75 : memref<16x128xi32, #tpu.memory_space<hbm>>) dst(%dma_wait3A_73 : memref<16x128xi32, #tpu.memory_space<vmem>>)
      %mul3A_76 = arith.constant 160 : i32
      %mul3A_77 = arith.muli %add3A, %mul3A_76 : i32
      %add3A_78 = arith.constant 0 : i32
      %add3A_79 = arith.addi %mul3A_77, %add3A_78 : i32
      %dma_wait3A_80 = arith.constant 1 : i32
      %dma_wait3A_81 = arith.constant 0 : i32
      %dma_wait3A_82 = arith.constant 0 : i32
      %dma_wait3A_83 = tpu.memref_slice %arg6[%rem3A_59, %dma_wait3A_80, %dma_wait3A_81, %dma_wait3A_82] : memref<2x2x16x128xi32, #tpu.memory_space<vmem>> -> memref<1x1x16x128xi32, #tpu.memory_space<vmem>>
      %dma_wait3A_84 = tpu.memref_squeeze %dma_wait3A_83 : memref<1x1x16x128xi32, #tpu.memory_space<vmem>> -> memref<16x128xi32, #tpu.memory_space<vmem>>
      %dma_wait3A_85 = arith.constant 0 : i32
      %dma_wait3A_86 = tpu.memref_slice %arg4[%add3A_79, %dma_wait3A_85] : memref<5120x128xi32, #tpu.memory_space<hbm>> -> memref<16x128xi32, #tpu.memory_space<hbm>>
      %dma_wait3A_87 = arith.constant 0 : i32
      %dma_wait3A_88 = arith.constant 0 : i32
      %dma_wait3A_89 = tpu.memref_slice %arg6[%rem3A_59, %dma_wait3A_80, %dma_wait3A_87, %dma_wait3A_88] : memref<2x2x16x128xi32, #tpu.memory_space<vmem>> -> memref<1x1x16x128xi32, #tpu.memory_space<vmem>>
      %dma_wait3A_90 = tpu.memref_squeeze %dma_wait3A_89 : memref<1x1x16x128xi32, #tpu.memory_space<vmem>> -> memref<16x128xi32, #tpu.memory_space<vmem>>
      %dma_wait3A_91 = arith.constant 0 : i32
      %dma_wait3A_92 = tpu.memref_slice %arg4[%add3A_79, %dma_wait3A_91] : memref<5120x128xi32, #tpu.memory_space<hbm>> -> memref<16x128xi32, #tpu.memory_space<hbm>>
      tpu.wait_dma2 semaphore(%arg9 : memref<!tpu.dma_semaphore, #tpu.memory_space<semaphore_mem>>) src(%dma_wait3A_92 : memref<16x128xi32, #tpu.memory_space<hbm>>) dst(%dma_wait3A_90 : memref<16x128xi32, #tpu.memory_space<vmem>>)
      %add3A_93 = arith.constant 1 : i32
      %add3A_94 = arith.addi %scan3A_58, %add3A_93 : i32
      %lt3A = arith.constant 10 : i32
      %lt3A_95 = arith.cmpi slt, %add3A_94, %lt3A : i32
      %convert_element_type3A = arith.extui %lt3A_95 : i1 to i32
      %cond3A = arith.constant 0 : i32
      %cond3A_96 = arith.cmpi ne, %convert_element_type3A, %cond3A : i32
      scf.if %cond3A_96 {
        %add3A_929 = arith.constant 1 : i32
        %add3A_930 = arith.addi %scan3A_58, %add3A_929 : i32
        %mul3A_931 = arith.constant 160 : i32
        %mul3A_932 = arith.muli %add3A, %mul3A_931 : i32
        %mul3A_933 = arith.constant 16 : i32
        %mul3A_934 = arith.muli %add3A_930, %mul3A_933 : i32
        %add3A_935 = arith.addi %mul3A_932, %mul3A_934 : i32
        %sub3A = arith.constant 1 : i32
        %sub3A_936 = arith.subi %sub3A, %rem3A_59 : i32
        %dma_start3A_937 = arith.constant 0 : i32
        %dma_start3A_938 = arith.constant 0 : i32
        %dma_start3A_939 = arith.constant 0 : i32
        %dma_start3A_940 = tpu.memref_slice %arg6[%sub3A_936, %dma_start3A_937, %dma_start3A_938, %dma_start3A_939] : memref<2x2x16x128xi32, #tpu.memory_space<vmem>> -> memref<1x1x16x128xi32, #tpu.memory_space<vmem>>
        %dma_start3A_941 = tpu.memref_squeeze %dma_start3A_940 : memref<1x1x16x128xi32, #tpu.memory_space<vmem>> -> memref<16x128xi32, #tpu.memory_space<vmem>>
        %dma_start3A_942 = arith.constant 0 : i32
        %dma_start3A_943 = tpu.memref_slice %arg3[%add3A_935, %dma_start3A_942] : memref<5120x128xi32, #tpu.memory_space<hbm>> -> memref<16x128xi32, #tpu.memory_space<hbm>>
        %dma_start3A_944 = arith.constant 0 : i32
        %dma_start3A_945 = arith.constant 0 : i32
        %dma_start3A_946 = tpu.memref_slice %arg6[%sub3A_936, %dma_start3A_937, %dma_start3A_944, %dma_start3A_945] : memref<2x2x16x128xi32, #tpu.memory_space<vmem>> -> memref<1x1x16x128xi32, #tpu.memory_space<vmem>>
        %dma_start3A_947 = tpu.memref_squeeze %dma_start3A_946 : memref<1x1x16x128xi32, #tpu.memory_space<vmem>> -> memref<16x128xi32, #tpu.memory_space<vmem>>
        %dma_start3A_948 = arith.constant 0 : i32
        %dma_start3A_949 = tpu.memref_slice %arg3[%add3A_935, %dma_start3A_948] : memref<5120x128xi32, #tpu.memory_space<hbm>> -> memref<16x128xi32, #tpu.memory_space<hbm>>
        tpu.enqueue_dma source(%dma_start3A_949 : memref<16x128xi32, #tpu.memory_space<hbm>>) target(%dma_start3A_947 : memref<16x128xi32, #tpu.memory_space<vmem>>) target_semaphore(%arg9 : memref<!tpu.dma_semaphore, #tpu.memory_space<semaphore_mem>>)
        %add3A_950 = arith.constant 1 : i32
        %add3A_951 = arith.addi %scan3A_58, %add3A_950 : i32
        %mul3A_952 = arith.constant 160 : i32
        %mul3A_953 = arith.muli %add3A, %mul3A_952 : i32
        %mul3A_954 = arith.constant 16 : i32
        %mul3A_955 = arith.muli %add3A_951, %mul3A_954 : i32
        %add3A_956 = arith.addi %mul3A_953, %mul3A_955 : i32
        %sub3A_957 = arith.constant 1 : i32
        %sub3A_958 = arith.subi %sub3A_957, %rem3A_59 : i32
        %dma_start3A_959 = arith.constant 1 : i32
        %dma_start3A_960 = arith.constant 0 : i32
        %dma_start3A_961 = arith.constant 0 : i32
        %dma_start3A_962 = tpu.memref_slice %arg6[%sub3A_958, %dma_start3A_959, %dma_start3A_960, %dma_start3A_961] : memref<2x2x16x128xi32, #tpu.memory_space<vmem>> -> memref<1x1x16x128xi32, #tpu.memory_space<vmem>>
        %dma_start3A_963 = tpu.memref_squeeze %dma_start3A_962 : memref<1x1x16x128xi32, #tpu.memory_space<vmem>> -> memref<16x128xi32, #tpu.memory_space<vmem>>
        %dma_start3A_964 = arith.constant 0 : i32
        %dma_start3A_965 = tpu.memref_slice %arg4[%add3A_956, %dma_start3A_964] : memref<5120x128xi32, #tpu.memory_space<hbm>> -> memref<16x128xi32, #tpu.memory_space<hbm>>
        %dma_start3A_966 = arith.constant 0 : i32
        %dma_start3A_967 = arith.constant 0 : i32
        %dma_start3A_968 = tpu.memref_slice %arg6[%sub3A_958, %dma_start3A_959, %dma_start3A_966, %dma_start3A_967] : memref<2x2x16x128xi32, #tpu.memory_space<vmem>> -> memref<1x1x16x128xi32, #tpu.memory_space<vmem>>
        %dma_start3A_969 = tpu.memref_squeeze %dma_start3A_968 : memref<1x1x16x128xi32, #tpu.memory_space<vmem>> -> memref<16x128xi32, #tpu.memory_space<vmem>>
        %dma_start3A_970 = arith.constant 0 : i32
        %dma_start3A_971 = tpu.memref_slice %arg4[%add3A_956, %dma_start3A_970] : memref<5120x128xi32, #tpu.memory_space<hbm>> -> memref<16x128xi32, #tpu.memory_space<hbm>>
        tpu.enqueue_dma source(%dma_start3A_971 : memref<16x128xi32, #tpu.memory_space<hbm>>) target(%dma_start3A_969 : memref<16x128xi32, #tpu.memory_space<vmem>>) target_semaphore(%arg9 : memref<!tpu.dma_semaphore, #tpu.memory_space<semaphore_mem>>)
      } else {
      }
      %dma_start3A_97 = arith.constant 0 : i32
      %dma_start3A_98 = arith.constant 0 : i32
      %dma_start3A_99 = arith.constant 0 : i32
      %dma_start3A_100 = arith.constant 0 : i32
      %dma_start3A_101 = arith.constant 0 : i32
      %dma_start3A_102 = tpu.memref_slice %arg7[%dma_start3A_99, %dma_start3A_100, %dma_start3A_101] : memref<16x128x32xf32, #tpu.memory_space<vmem>> -> memref<1x128x32xf32, #tpu.memory_space<vmem>>
      %dma_start3A_103 = tpu.memref_squeeze %dma_start3A_102 : memref<1x128x32xf32, #tpu.memory_space<vmem>> -> memref<128x32xf32, #tpu.memory_space<vmem>>
      %dma_start3A_104 = arith.constant 0 : i32
      %dma_start3A_105 = tpu.memref_slice %arg6[%rem3A_59, %dma_start3A_97, %dma_start3A_98, %dma_start3A_104] : memref<2x2x16x128xi32, #tpu.memory_space<vmem>> -> memref<1x1x1x128xi32, #tpu.memory_space<vmem>>
      %dma_start3A_106 = tpu.memref_squeeze %dma_start3A_105 : memref<1x1x1x128xi32, #tpu.memory_space<vmem>> -> memref<128xi32, #tpu.memory_space<vmem>>
      %dma_start3A_107 = arith.constant 0 : i32
      %dma_start3A_108 = arith.constant 0 : i32
      %dma_start3A_109 = tpu.memref_slice %arg2[%dma_start3A_107, %dma_start3A_108] : memref<10240x32xf32, #tpu.memory_space<hbm>> -> memref<10240x32xf32, #tpu.memory_space<hbm>>
      tpu.enqueue_indirect_dma source(%dma_start3A_109 : memref<10240x32xf32, #tpu.memory_space<hbm>>) target(%dma_start3A_103 : memref<128x32xf32, #tpu.memory_space<vmem>>) offsets(%dma_start3A_106 : memref<128xi32, #tpu.memory_space<vmem>>) semaphore(%arg10 : memref<!tpu.dma_semaphore, #tpu.memory_space<semaphore_mem>>)
      %dma_start3A_110 = arith.constant 0 : i32
      %dma_start3A_111 = arith.constant 1 : i32
      %dma_start3A_112 = arith.constant 1 : i32
      %dma_start3A_113 = arith.constant 0 : i32
      %dma_start3A_114 = arith.constant 0 : i32
      %dma_start3A_115 = tpu.memref_slice %arg7[%dma_start3A_112, %dma_start3A_113, %dma_start3A_114] : memref<16x128x32xf32, #tpu.memory_space<vmem>> -> memref<1x128x32xf32, #tpu.memory_space<vmem>>
      %dma_start3A_116 = tpu.memref_squeeze %dma_start3A_115 : memref<1x128x32xf32, #tpu.memory_space<vmem>> -> memref<128x32xf32, #tpu.memory_space<vmem>>
      %dma_start3A_117 = arith.constant 0 : i32
      %dma_start3A_118 = tpu.memref_slice %arg6[%rem3A_59, %dma_start3A_110, %dma_start3A_111, %dma_start3A_117] : memref<2x2x16x128xi32, #tpu.memory_space<vmem>> -> memref<1x1x1x128xi32, #tpu.memory_space<vmem>>
      %dma_start3A_119 = tpu.memref_squeeze %dma_start3A_118 : memref<1x1x1x128xi32, #tpu.memory_space<vmem>> -> memref<128xi32, #tpu.memory_space<vmem>>
      %dma_start3A_120 = arith.constant 0 : i32
      %dma_start3A_121 = arith.constant 0 : i32
      %dma_start3A_122 = tpu.memref_slice %arg2[%dma_start3A_120, %dma_start3A_121] : memref<10240x32xf32, #tpu.memory_space<hbm>> -> memref<10240x32xf32, #tpu.memory_space<hbm>>
      tpu.enqueue_indirect_dma source(%dma_start3A_122 : memref<10240x32xf32, #tpu.memory_space<hbm>>) target(%dma_start3A_116 : memref<128x32xf32, #tpu.memory_space<vmem>>) offsets(%dma_start3A_119 : memref<128xi32, #tpu.memory_space<vmem>>) semaphore(%arg10 : memref<!tpu.dma_semaphore, #tpu.memory_space<semaphore_mem>>)
      %dma_start3A_123 = arith.constant 0 : i32
      %dma_start3A_124 = arith.constant 2 : i32
      %dma_start3A_125 = arith.constant 2 : i32
      %dma_start3A_126 = arith.constant 0 : i32
      %dma_start3A_127 = arith.constant 0 : i32
      %dma_start3A_128 = tpu.memref_slice %arg7[%dma_start3A_125, %dma_start3A_126, %dma_start3A_127] : memref<16x128x32xf32, #tpu.memory_space<vmem>> -> memref<1x128x32xf32, #tpu.memory_space<vmem>>
      %dma_start3A_129 = tpu.memref_squeeze %dma_start3A_128 : memref<1x128x32xf32, #tpu.memory_space<vmem>> -> memref<128x32xf32, #tpu.memory_space<vmem>>
      %dma_start3A_130 = arith.constant 0 : i32
      %dma_start3A_131 = tpu.memref_slice %arg6[%rem3A_59, %dma_start3A_123, %dma_start3A_124, %dma_start3A_130] : memref<2x2x16x128xi32, #tpu.memory_space<vmem>> -> memref<1x1x1x128xi32, #tpu.memory_space<vmem>>
      %dma_start3A_132 = tpu.memref_squeeze %dma_start3A_131 : memref<1x1x1x128xi32, #tpu.memory_space<vmem>> -> memref<128xi32, #tpu.memory_space<vmem>>
      %dma_start3A_133 = arith.constant 0 : i32
      %dma_start3A_134 = arith.constant 0 : i32
      %dma_start3A_135 = tpu.memref_slice %arg2[%dma_start3A_133, %dma_start3A_134] : memref<10240x32xf32, #tpu.memory_space<hbm>> -> memref<10240x32xf32, #tpu.memory_space<hbm>>
      tpu.enqueue_indirect_dma source(%dma_start3A_135 : memref<10240x32xf32, #tpu.memory_space<hbm>>) target(%dma_start3A_129 : memref<128x32xf32, #tpu.memory_space<vmem>>) offsets(%dma_start3A_132 : memref<128xi32, #tpu.memory_space<vmem>>) semaphore(%arg10 : memref<!tpu.dma_semaphore, #tpu.memory_space<semaphore_mem>>)
      %dma_start3A_136 = arith.constant 0 : i32
      %dma_start3A_137 = arith.constant 3 : i32
      %dma_start3A_138 = arith.constant 3 : i32
      %dma_start3A_139 = arith.constant 0 : i32
      %dma_start3A_140 = arith.constant 0 : i32
      %dma_start3A_141 = tpu.memref_slice %arg7[%dma_start3A_138, %dma_start3A_139, %dma_start3A_140] : memref<16x128x32xf32, #tpu.memory_space<vmem>> -> memref<1x128x32xf32, #tpu.memory_space<vmem>>
      %dma_start3A_142 = tpu.memref_squeeze %dma_start3A_141 : memref<1x128x32xf32, #tpu.memory_space<vmem>> -> memref<128x32xf32, #tpu.memory_space<vmem>>
      %dma_start3A_143 = arith.constant 0 : i32
      %dma_start3A_144 = tpu.memref_slice %arg6[%rem3A_59, %dma_start3A_136, %dma_start3A_137, %dma_start3A_143] : memref<2x2x16x128xi32, #tpu.memory_space<vmem>> -> memref<1x1x1x128xi32, #tpu.memory_space<vmem>>
      %dma_start3A_145 = tpu.memref_squeeze %dma_start3A_144 : memref<1x1x1x128xi32, #tpu.memory_space<vmem>> -> memref<128xi32, #tpu.memory_space<vmem>>
      %dma_start3A_146 = arith.constant 0 : i32
      %dma_start3A_147 = arith.constant 0 : i32
      %dma_start3A_148 = tpu.memref_slice %arg2[%dma_start3A_146, %dma_start3A_147] : memref<10240x32xf32, #tpu.memory_space<hbm>> -> memref<10240x32xf32, #tpu.memory_space<hbm>>
      tpu.enqueue_indirect_dma source(%dma_start3A_148 : memref<10240x32xf32, #tpu.memory_space<hbm>>) target(%dma_start3A_142 : memref<128x32xf32, #tpu.memory_space<vmem>>) offsets(%dma_start3A_145 : memref<128xi32, #tpu.memory_space<vmem>>) semaphore(%arg10 : memref<!tpu.dma_semaphore, #tpu.memory_space<semaphore_mem>>)
      %dma_start3A_149 = arith.constant 0 : i32
      %dma_start3A_150 = arith.constant 4 : i32
      %dma_start3A_151 = arith.constant 4 : i32
      %dma_start3A_152 = arith.constant 0 : i32
      %dma_start3A_153 = arith.constant 0 : i32
      %dma_start3A_154 = tpu.memref_slice %arg7[%dma_start3A_151, %dma_start3A_152, %dma_start3A_153] : memref<16x128x32xf32, #tpu.memory_space<vmem>> -> memref<1x128x32xf32, #tpu.memory_space<vmem>>
      %dma_start3A_155 = tpu.memref_squeeze %dma_start3A_154 : memref<1x128x32xf32, #tpu.memory_space<vmem>> -> memref<128x32xf32, #tpu.memory_space<vmem>>
      %dma_start3A_156 = arith.constant 0 : i32
      %dma_start3A_157 = tpu.memref_slice %arg6[%rem3A_59, %dma_start3A_149, %dma_start3A_150, %dma_start3A_156] : memref<2x2x16x128xi32, #tpu.memory_space<vmem>> -> memref<1x1x1x128xi32, #tpu.memory_space<vmem>>
      %dma_start3A_158 = tpu.memref_squeeze %dma_start3A_157 : memref<1x1x1x128xi32, #tpu.memory_space<vmem>> -> memref<128xi32, #tpu.memory_space<vmem>>
      %dma_start3A_159 = arith.constant 0 : i32
      %dma_start3A_160 = arith.constant 0 : i32
      %dma_start3A_161 = tpu.memref_slice %arg2[%dma_start3A_159, %dma_start3A_160] : memref<10240x32xf32, #tpu.memory_space<hbm>> -> memref<10240x32xf32, #tpu.memory_space<hbm>>
      tpu.enqueue_indirect_dma source(%dma_start3A_161 : memref<10240x32xf32, #tpu.memory_space<hbm>>) target(%dma_start3A_155 : memref<128x32xf32, #tpu.memory_space<vmem>>) offsets(%dma_start3A_158 : memref<128xi32, #tpu.memory_space<vmem>>) semaphore(%arg10 : memref<!tpu.dma_semaphore, #tpu.memory_space<semaphore_mem>>)
      %dma_start3A_162 = arith.constant 0 : i32
      %dma_start3A_163 = arith.constant 5 : i32
      %dma_start3A_164 = arith.constant 5 : i32
      %dma_start3A_165 = arith.constant 0 : i32
      %dma_start3A_166 = arith.constant 0 : i32
      %dma_start3A_167 = tpu.memref_slice %arg7[%dma_start3A_164, %dma_start3A_165, %dma_start3A_166] : memref<16x128x32xf32, #tpu.memory_space<vmem>> -> memref<1x128x32xf32, #tpu.memory_space<vmem>>
      %dma_start3A_168 = tpu.memref_squeeze %dma_start3A_167 : memref<1x128x32xf32, #tpu.memory_space<vmem>> -> memref<128x32xf32, #tpu.memory_space<vmem>>
      %dma_start3A_169 = arith.constant 0 : i32
      %dma_start3A_170 = tpu.memref_slice %arg6[%rem3A_59, %dma_start3A_162, %dma_start3A_163, %dma_start3A_169] : memref<2x2x16x128xi32, #tpu.memory_space<vmem>> -> memref<1x1x1x128xi32, #tpu.memory_space<vmem>>
      %dma_start3A_171 = tpu.memref_squeeze %dma_start3A_170 : memref<1x1x1x128xi32, #tpu.memory_space<vmem>> -> memref<128xi32, #tpu.memory_space<vmem>>
      %dma_start3A_172 = arith.constant 0 : i32
      %dma_start3A_173 = arith.constant 0 : i32
      %dma_start3A_174 = tpu.memref_slice %arg2[%dma_start3A_172, %dma_start3A_173] : memref<10240x32xf32, #tpu.memory_space<hbm>> -> memref<10240x32xf32, #tpu.memory_space<hbm>>
      tpu.enqueue_indirect_dma source(%dma_start3A_174 : memref<10240x32xf32, #tpu.memory_space<hbm>>) target(%dma_start3A_168 : memref<128x32xf32, #tpu.memory_space<vmem>>) offsets(%dma_start3A_171 : memref<128xi32, #tpu.memory_space<vmem>>) semaphore(%arg10 : memref<!tpu.dma_semaphore, #tpu.memory_space<semaphore_mem>>)
      %dma_start3A_175 = arith.constant 0 : i32
      %dma_start3A_176 = arith.constant 6 : i32
      %dma_start3A_177 = arith.constant 6 : i32
      %dma_start3A_178 = arith.constant 0 : i32
      %dma_start3A_179 = arith.constant 0 : i32
      %dma_start3A_180 = tpu.memref_slice %arg7[%dma_start3A_177, %dma_start3A_178, %dma_start3A_179] : memref<16x128x32xf32, #tpu.memory_space<vmem>> -> memref<1x128x32xf32, #tpu.memory_space<vmem>>
      %dma_start3A_181 = tpu.memref_squeeze %dma_start3A_180 : memref<1x128x32xf32, #tpu.memory_space<vmem>> -> memref<128x32xf32, #tpu.memory_space<vmem>>
      %dma_start3A_182 = arith.constant 0 : i32
      %dma_start3A_183 = tpu.memref_slice %arg6[%rem3A_59, %dma_start3A_175, %dma_start3A_176, %dma_start3A_182] : memref<2x2x16x128xi32, #tpu.memory_space<vmem>> -> memref<1x1x1x128xi32, #tpu.memory_space<vmem>>
      %dma_start3A_184 = tpu.memref_squeeze %dma_start3A_183 : memref<1x1x1x128xi32, #tpu.memory_space<vmem>> -> memref<128xi32, #tpu.memory_space<vmem>>
      %dma_start3A_185 = arith.constant 0 : i32
      %dma_start3A_186 = arith.constant 0 : i32
      %dma_start3A_187 = tpu.memref_slice %arg2[%dma_start3A_185, %dma_start3A_186] : memref<10240x32xf32, #tpu.memory_space<hbm>> -> memref<10240x32xf32, #tpu.memory_space<hbm>>
      tpu.enqueue_indirect_dma source(%dma_start3A_187 : memref<10240x32xf32, #tpu.memory_space<hbm>>) target(%dma_start3A_181 : memref<128x32xf32, #tpu.memory_space<vmem>>) offsets(%dma_start3A_184 : memref<128xi32, #tpu.memory_space<vmem>>) semaphore(%arg10 : memref<!tpu.dma_semaphore, #tpu.memory_space<semaphore_mem>>)
      %dma_start3A_188 = arith.constant 0 : i32
      %dma_start3A_189 = arith.constant 7 : i32
      %dma_start3A_190 = arith.constant 7 : i32
      %dma_start3A_191 = arith.constant 0 : i32
      %dma_start3A_192 = arith.constant 0 : i32
      %dma_start3A_193 = tpu.memref_slice %arg7[%dma_start3A_190, %dma_start3A_191, %dma_start3A_192] : memref<16x128x32xf32, #tpu.memory_space<vmem>> -> memref<1x128x32xf32, #tpu.memory_space<vmem>>
      %dma_start3A_194 = tpu.memref_squeeze %dma_start3A_193 : memref<1x128x32xf32, #tpu.memory_space<vmem>> -> memref<128x32xf32, #tpu.memory_space<vmem>>
      %dma_start3A_195 = arith.constant 0 : i32
      %dma_start3A_196 = tpu.memref_slice %arg6[%rem3A_59, %dma_start3A_188, %dma_start3A_189, %dma_start3A_195] : memref<2x2x16x128xi32, #tpu.memory_space<vmem>> -> memref<1x1x1x128xi32, #tpu.memory_space<vmem>>
      %dma_start3A_197 = tpu.memref_squeeze %dma_start3A_196 : memref<1x1x1x128xi32, #tpu.memory_space<vmem>> -> memref<128xi32, #tpu.memory_space<vmem>>
      %dma_start3A_198 = arith.constant 0 : i32
      %dma_start3A_199 = arith.constant 0 : i32
      %dma_start3A_200 = tpu.memref_slice %arg2[%dma_start3A_198, %dma_start3A_199] : memref<10240x32xf32, #tpu.memory_space<hbm>> -> memref<10240x32xf32, #tpu.memory_space<hbm>>
      tpu.enqueue_indirect_dma source(%dma_start3A_200 : memref<10240x32xf32, #tpu.memory_space<hbm>>) target(%dma_start3A_194 : memref<128x32xf32, #tpu.memory_space<vmem>>) offsets(%dma_start3A_197 : memref<128xi32, #tpu.memory_space<vmem>>) semaphore(%arg10 : memref<!tpu.dma_semaphore, #tpu.memory_space<semaphore_mem>>)
      %dma_start3A_201 = arith.constant 0 : i32
      %dma_start3A_202 = arith.constant 8 : i32
      %dma_start3A_203 = arith.constant 8 : i32
      %dma_start3A_204 = arith.constant 0 : i32
      %dma_start3A_205 = arith.constant 0 : i32
      %dma_start3A_206 = tpu.memref_slice %arg7[%dma_start3A_203, %dma_start3A_204, %dma_start3A_205] : memref<16x128x32xf32, #tpu.memory_space<vmem>> -> memref<1x128x32xf32, #tpu.memory_space<vmem>>
      %dma_start3A_207 = tpu.memref_squeeze %dma_start3A_206 : memref<1x128x32xf32, #tpu.memory_space<vmem>> -> memref<128x32xf32, #tpu.memory_space<vmem>>
      %dma_start3A_208 = arith.constant 0 : i32
      %dma_start3A_209 = tpu.memref_slice %arg6[%rem3A_59, %dma_start3A_201, %dma_start3A_202, %dma_start3A_208] : memref<2x2x16x128xi32, #tpu.memory_space<vmem>> -> memref<1x1x1x128xi32, #tpu.memory_space<vmem>>
      %dma_start3A_210 = tpu.memref_squeeze %dma_start3A_209 : memref<1x1x1x128xi32, #tpu.memory_space<vmem>> -> memref<128xi32, #tpu.memory_space<vmem>>
      %dma_start3A_211 = arith.constant 0 : i32
      %dma_start3A_212 = arith.constant 0 : i32
      %dma_start3A_213 = tpu.memref_slice %arg2[%dma_start3A_211, %dma_start3A_212] : memref<10240x32xf32, #tpu.memory_space<hbm>> -> memref<10240x32xf32, #tpu.memory_space<hbm>>
      tpu.enqueue_indirect_dma source(%dma_start3A_213 : memref<10240x32xf32, #tpu.memory_space<hbm>>) target(%dma_start3A_207 : memref<128x32xf32, #tpu.memory_space<vmem>>) offsets(%dma_start3A_210 : memref<128xi32, #tpu.memory_space<vmem>>) semaphore(%arg10 : memref<!tpu.dma_semaphore, #tpu.memory_space<semaphore_mem>>)
      %dma_start3A_214 = arith.constant 0 : i32
      %dma_start3A_215 = arith.constant 9 : i32
      %dma_start3A_216 = arith.constant 9 : i32
      %dma_start3A_217 = arith.constant 0 : i32
      %dma_start3A_218 = arith.constant 0 : i32
      %dma_start3A_219 = tpu.memref_slice %arg7[%dma_start3A_216, %dma_start3A_217, %dma_start3A_218] : memref<16x128x32xf32, #tpu.memory_space<vmem>> -> memref<1x128x32xf32, #tpu.memory_space<vmem>>
      %dma_start3A_220 = tpu.memref_squeeze %dma_start3A_219 : memref<1x128x32xf32, #tpu.memory_space<vmem>> -> memref<128x32xf32, #tpu.memory_space<vmem>>
      %dma_start3A_221 = arith.constant 0 : i32
      %dma_start3A_222 = tpu.memref_slice %arg6[%rem3A_59, %dma_start3A_214, %dma_start3A_215, %dma_start3A_221] : memref<2x2x16x128xi32, #tpu.memory_space<vmem>> -> memref<1x1x1x128xi32, #tpu.memory_space<vmem>>
      %dma_start3A_223 = tpu.memref_squeeze %dma_start3A_222 : memref<1x1x1x128xi32, #tpu.memory_space<vmem>> -> memref<128xi32, #tpu.memory_space<vmem>>
      %dma_start3A_224 = arith.constant 0 : i32
      %dma_start3A_225 = arith.constant 0 : i32
      %dma_start3A_226 = tpu.memref_slice %arg2[%dma_start3A_224, %dma_start3A_225] : memref<10240x32xf32, #tpu.memory_space<hbm>> -> memref<10240x32xf32, #tpu.memory_space<hbm>>
      tpu.enqueue_indirect_dma source(%dma_start3A_226 : memref<10240x32xf32, #tpu.memory_space<hbm>>) target(%dma_start3A_220 : memref<128x32xf32, #tpu.memory_space<vmem>>) offsets(%dma_start3A_223 : memref<128xi32, #tpu.memory_space<vmem>>) semaphore(%arg10 : memref<!tpu.dma_semaphore, #tpu.memory_space<semaphore_mem>>)
      %dma_start3A_227 = arith.constant 0 : i32
      %dma_start3A_228 = arith.constant 10 : i32
      %dma_start3A_229 = arith.constant 10 : i32
      %dma_start3A_230 = arith.constant 0 : i32
      %dma_start3A_231 = arith.constant 0 : i32
      %dma_start3A_232 = tpu.memref_slice %arg7[%dma_start3A_229, %dma_start3A_230, %dma_start3A_231] : memref<16x128x32xf32, #tpu.memory_space<vmem>> -> memref<1x128x32xf32, #tpu.memory_space<vmem>>
      %dma_start3A_233 = tpu.memref_squeeze %dma_start3A_232 : memref<1x128x32xf32, #tpu.memory_space<vmem>> -> memref<128x32xf32, #tpu.memory_space<vmem>>
      %dma_start3A_234 = arith.constant 0 : i32
      %dma_start3A_235 = tpu.memref_slice %arg6[%rem3A_59, %dma_start3A_227, %dma_start3A_228, %dma_start3A_234] : memref<2x2x16x128xi32, #tpu.memory_space<vmem>> -> memref<1x1x1x128xi32, #tpu.memory_space<vmem>>
      %dma_start3A_236 = tpu.memref_squeeze %dma_start3A_235 : memref<1x1x1x128xi32, #tpu.memory_space<vmem>> -> memref<128xi32, #tpu.memory_space<vmem>>
      %dma_start3A_237 = arith.constant 0 : i32
      %dma_start3A_238 = arith.constant 0 : i32
      %dma_start3A_239 = tpu.memref_slice %arg2[%dma_start3A_237, %dma_start3A_238] : memref<10240x32xf32, #tpu.memory_space<hbm>> -> memref<10240x32xf32, #tpu.memory_space<hbm>>
      tpu.enqueue_indirect_dma source(%dma_start3A_239 : memref<10240x32xf32, #tpu.memory_space<hbm>>) target(%dma_start3A_233 : memref<128x32xf32, #tpu.memory_space<vmem>>) offsets(%dma_start3A_236 : memref<128xi32, #tpu.memory_space<vmem>>) semaphore(%arg10 : memref<!tpu.dma_semaphore, #tpu.memory_space<semaphore_mem>>)
      %dma_start3A_240 = arith.constant 0 : i32
      %dma_start3A_241 = arith.constant 11 : i32
      %dma_start3A_242 = arith.constant 11 : i32
      %dma_start3A_243 = arith.constant 0 : i32
      %dma_start3A_244 = arith.constant 0 : i32
      %dma_start3A_245 = tpu.memref_slice %arg7[%dma_start3A_242, %dma_start3A_243, %dma_start3A_244] : memref<16x128x32xf32, #tpu.memory_space<vmem>> -> memref<1x128x32xf32, #tpu.memory_space<vmem>>
      %dma_start3A_246 = tpu.memref_squeeze %dma_start3A_245 : memref<1x128x32xf32, #tpu.memory_space<vmem>> -> memref<128x32xf32, #tpu.memory_space<vmem>>
      %dma_start3A_247 = arith.constant 0 : i32
      %dma_start3A_248 = tpu.memref_slice %arg6[%rem3A_59, %dma_start3A_240, %dma_start3A_241, %dma_start3A_247] : memref<2x2x16x128xi32, #tpu.memory_space<vmem>> -> memref<1x1x1x128xi32, #tpu.memory_space<vmem>>
      %dma_start3A_249 = tpu.memref_squeeze %dma_start3A_248 : memref<1x1x1x128xi32, #tpu.memory_space<vmem>> -> memref<128xi32, #tpu.memory_space<vmem>>
      %dma_start3A_250 = arith.constant 0 : i32
      %dma_start3A_251 = arith.constant 0 : i32
      %dma_start3A_252 = tpu.memref_slice %arg2[%dma_start3A_250, %dma_start3A_251] : memref<10240x32xf32, #tpu.memory_space<hbm>> -> memref<10240x32xf32, #tpu.memory_space<hbm>>
      tpu.enqueue_indirect_dma source(%dma_start3A_252 : memref<10240x32xf32, #tpu.memory_space<hbm>>) target(%dma_start3A_246 : memref<128x32xf32, #tpu.memory_space<vmem>>) offsets(%dma_start3A_249 : memref<128xi32, #tpu.memory_space<vmem>>) semaphore(%arg10 : memref<!tpu.dma_semaphore, #tpu.memory_space<semaphore_mem>>)
      %dma_start3A_253 = arith.constant 0 : i32
      %dma_start3A_254 = arith.constant 12 : i32
      %dma_start3A_255 = arith.constant 12 : i32
      %dma_start3A_256 = arith.constant 0 : i32
      %dma_start3A_257 = arith.constant 0 : i32
      %dma_start3A_258 = tpu.memref_slice %arg7[%dma_start3A_255, %dma_start3A_256, %dma_start3A_257] : memref<16x128x32xf32, #tpu.memory_space<vmem>> -> memref<1x128x32xf32, #tpu.memory_space<vmem>>
      %dma_start3A_259 = tpu.memref_squeeze %dma_start3A_258 : memref<1x128x32xf32, #tpu.memory_space<vmem>> -> memref<128x32xf32, #tpu.memory_space<vmem>>
      %dma_start3A_260 = arith.constant 0 : i32
      %dma_start3A_261 = tpu.memref_slice %arg6[%rem3A_59, %dma_start3A_253, %dma_start3A_254, %dma_start3A_260] : memref<2x2x16x128xi32, #tpu.memory_space<vmem>> -> memref<1x1x1x128xi32, #tpu.memory_space<vmem>>
      %dma_start3A_262 = tpu.memref_squeeze %dma_start3A_261 : memref<1x1x1x128xi32, #tpu.memory_space<vmem>> -> memref<128xi32, #tpu.memory_space<vmem>>
      %dma_start3A_263 = arith.constant 0 : i32
      %dma_start3A_264 = arith.constant 0 : i32
      %dma_start3A_265 = tpu.memref_slice %arg2[%dma_start3A_263, %dma_start3A_264] : memref<10240x32xf32, #tpu.memory_space<hbm>> -> memref<10240x32xf32, #tpu.memory_space<hbm>>
      tpu.enqueue_indirect_dma source(%dma_start3A_265 : memref<10240x32xf32, #tpu.memory_space<hbm>>) target(%dma_start3A_259 : memref<128x32xf32, #tpu.memory_space<vmem>>) offsets(%dma_start3A_262 : memref<128xi32, #tpu.memory_space<vmem>>) semaphore(%arg10 : memref<!tpu.dma_semaphore, #tpu.memory_space<semaphore_mem>>)
      %dma_start3A_266 = arith.constant 0 : i32
      %dma_start3A_267 = arith.constant 13 : i32
      %dma_start3A_268 = arith.constant 13 : i32
      %dma_start3A_269 = arith.constant 0 : i32
      %dma_start3A_270 = arith.constant 0 : i32
      %dma_start3A_271 = tpu.memref_slice %arg7[%dma_start3A_268, %dma_start3A_269, %dma_start3A_270] : memref<16x128x32xf32, #tpu.memory_space<vmem>> -> memref<1x128x32xf32, #tpu.memory_space<vmem>>
      %dma_start3A_272 = tpu.memref_squeeze %dma_start3A_271 : memref<1x128x32xf32, #tpu.memory_space<vmem>> -> memref<128x32xf32, #tpu.memory_space<vmem>>
      %dma_start3A_273 = arith.constant 0 : i32
      %dma_start3A_274 = tpu.memref_slice %arg6[%rem3A_59, %dma_start3A_266, %dma_start3A_267, %dma_start3A_273] : memref<2x2x16x128xi32, #tpu.memory_space<vmem>> -> memref<1x1x1x128xi32, #tpu.memory_space<vmem>>
      %dma_start3A_275 = tpu.memref_squeeze %dma_start3A_274 : memref<1x1x1x128xi32, #tpu.memory_space<vmem>> -> memref<128xi32, #tpu.memory_space<vmem>>
      %dma_start3A_276 = arith.constant 0 : i32
      %dma_start3A_277 = arith.constant 0 : i32
      %dma_start3A_278 = tpu.memref_slice %arg2[%dma_start3A_276, %dma_start3A_277] : memref<10240x32xf32, #tpu.memory_space<hbm>> -> memref<10240x32xf32, #tpu.memory_space<hbm>>
      tpu.enqueue_indirect_dma source(%dma_start3A_278 : memref<10240x32xf32, #tpu.memory_space<hbm>>) target(%dma_start3A_272 : memref<128x32xf32, #tpu.memory_space<vmem>>) offsets(%dma_start3A_275 : memref<128xi32, #tpu.memory_space<vmem>>) semaphore(%arg10 : memref<!tpu.dma_semaphore, #tpu.memory_space<semaphore_mem>>)
      %dma_start3A_279 = arith.constant 0 : i32
      %dma_start3A_280 = arith.constant 14 : i32
      %dma_start3A_281 = arith.constant 14 : i32
      %dma_start3A_282 = arith.constant 0 : i32
      %dma_start3A_283 = arith.constant 0 : i32
      %dma_start3A_284 = tpu.memref_slice %arg7[%dma_start3A_281, %dma_start3A_282, %dma_start3A_283] : memref<16x128x32xf32, #tpu.memory_space<vmem>> -> memref<1x128x32xf32, #tpu.memory_space<vmem>>
      %dma_start3A_285 = tpu.memref_squeeze %dma_start3A_284 : memref<1x128x32xf32, #tpu.memory_space<vmem>> -> memref<128x32xf32, #tpu.memory_space<vmem>>
      %dma_start3A_286 = arith.constant 0 : i32
      %dma_start3A_287 = tpu.memref_slice %arg6[%rem3A_59, %dma_start3A_279, %dma_start3A_280, %dma_start3A_286] : memref<2x2x16x128xi32, #tpu.memory_space<vmem>> -> memref<1x1x1x128xi32, #tpu.memory_space<vmem>>
      %dma_start3A_288 = tpu.memref_squeeze %dma_start3A_287 : memref<1x1x1x128xi32, #tpu.memory_space<vmem>> -> memref<128xi32, #tpu.memory_space<vmem>>
      %dma_start3A_289 = arith.constant 0 : i32
      %dma_start3A_290 = arith.constant 0 : i32
      %dma_start3A_291 = tpu.memref_slice %arg2[%dma_start3A_289, %dma_start3A_290] : memref<10240x32xf32, #tpu.memory_space<hbm>> -> memref<10240x32xf32, #tpu.memory_space<hbm>>
      tpu.enqueue_indirect_dma source(%dma_start3A_291 : memref<10240x32xf32, #tpu.memory_space<hbm>>) target(%dma_start3A_285 : memref<128x32xf32, #tpu.memory_space<vmem>>) offsets(%dma_start3A_288 : memref<128xi32, #tpu.memory_space<vmem>>) semaphore(%arg10 : memref<!tpu.dma_semaphore, #tpu.memory_space<semaphore_mem>>)
      %dma_start3A_292 = arith.constant 0 : i32
      %dma_start3A_293 = arith.constant 15 : i32
      %dma_start3A_294 = arith.constant 15 : i32
      %dma_start3A_295 = arith.constant 0 : i32
      %dma_start3A_296 = arith.constant 0 : i32
      %dma_start3A_297 = tpu.memref_slice %arg7[%dma_start3A_294, %dma_start3A_295, %dma_start3A_296] : memref<16x128x32xf32, #tpu.memory_space<vmem>> -> memref<1x128x32xf32, #tpu.memory_space<vmem>>
      %dma_start3A_298 = tpu.memref_squeeze %dma_start3A_297 : memref<1x128x32xf32, #tpu.memory_space<vmem>> -> memref<128x32xf32, #tpu.memory_space<vmem>>
      %dma_start3A_299 = arith.constant 0 : i32
      %dma_start3A_300 = tpu.memref_slice %arg6[%rem3A_59, %dma_start3A_292, %dma_start3A_293, %dma_start3A_299] : memref<2x2x16x128xi32, #tpu.memory_space<vmem>> -> memref<1x1x1x128xi32, #tpu.memory_space<vmem>>
      %dma_start3A_301 = tpu.memref_squeeze %dma_start3A_300 : memref<1x1x1x128xi32, #tpu.memory_space<vmem>> -> memref<128xi32, #tpu.memory_space<vmem>>
      %dma_start3A_302 = arith.constant 0 : i32
      %dma_start3A_303 = arith.constant 0 : i32
      %dma_start3A_304 = tpu.memref_slice %arg2[%dma_start3A_302, %dma_start3A_303] : memref<10240x32xf32, #tpu.memory_space<hbm>> -> memref<10240x32xf32, #tpu.memory_space<hbm>>
      tpu.enqueue_indirect_dma source(%dma_start3A_304 : memref<10240x32xf32, #tpu.memory_space<hbm>>) target(%dma_start3A_298 : memref<128x32xf32, #tpu.memory_space<vmem>>) offsets(%dma_start3A_301 : memref<128xi32, #tpu.memory_space<vmem>>) semaphore(%arg10 : memref<!tpu.dma_semaphore, #tpu.memory_space<semaphore_mem>>)
      %dma_wait3A_305 = arith.constant 0 : i32
      %dma_wait3A_306 = arith.constant 0 : i32
      %dma_wait3A_307 = arith.constant 0 : i32
      %dma_wait3A_308 = arith.constant 0 : i32
      %dma_wait3A_309 = arith.constant 0 : i32
      %dma_wait3A_310 = tpu.memref_slice %arg7[%dma_wait3A_307, %dma_wait3A_308, %dma_wait3A_309] : memref<16x128x32xf32, #tpu.memory_space<vmem>> -> memref<1x128x32xf32, #tpu.memory_space<vmem>>
      %dma_wait3A_311 = tpu.memref_squeeze %dma_wait3A_310 : memref<1x128x32xf32, #tpu.memory_space<vmem>> -> memref<128x32xf32, #tpu.memory_space<vmem>>
      %dma_wait3A_312 = arith.constant 0 : i32
      %dma_wait3A_313 = tpu.memref_slice %arg6[%rem3A_59, %dma_wait3A_305, %dma_wait3A_306, %dma_wait3A_312] : memref<2x2x16x128xi32, #tpu.memory_space<vmem>> -> memref<1x1x1x128xi32, #tpu.memory_space<vmem>>
      %dma_wait3A_314 = tpu.memref_squeeze %dma_wait3A_313 : memref<1x1x1x128xi32, #tpu.memory_space<vmem>> -> memref<128xi32, #tpu.memory_space<vmem>>
      %dma_wait3A_315 = arith.constant 0 : i32
      %dma_wait3A_316 = arith.constant 0 : i32
      %dma_wait3A_317 = tpu.memref_slice %arg2[%dma_wait3A_315, %dma_wait3A_316] : memref<10240x32xf32, #tpu.memory_space<hbm>> -> memref<10240x32xf32, #tpu.memory_space<hbm>>
      tpu.wait_indirect_dma semaphore(%arg10 : memref<!tpu.dma_semaphore, #tpu.memory_space<semaphore_mem>>) src(%dma_wait3A_317 : memref<10240x32xf32, #tpu.memory_space<hbm>>) dst(%dma_wait3A_311 : memref<128x32xf32, #tpu.memory_space<vmem>>)
      %dma_start3A_318 = arith.constant 0 : i32
      %dma_start3A_319 = arith.constant 1 : i32
      %dma_start3A_320 = arith.constant 0 : i32
      %dma_start3A_321 = arith.constant 0 : i32
      %dma_start3A_322 = arith.constant 0 : i32
      %dma_start3A_323 = tpu.memref_slice %arg7[%dma_start3A_318, %dma_start3A_321, %dma_start3A_322] : memref<16x128x32xf32, #tpu.memory_space<vmem>> -> memref<1x128x32xf32, #tpu.memory_space<vmem>>
      %dma_start3A_324 = tpu.memref_squeeze %dma_start3A_323 : memref<1x128x32xf32, #tpu.memory_space<vmem>> -> memref<128x32xf32, #tpu.memory_space<vmem>>
      %dma_start3A_325 = arith.constant 0 : i32
      %dma_start3A_326 = tpu.memref_slice %arg6[%rem3A_59, %dma_start3A_319, %dma_start3A_320, %dma_start3A_325] : memref<2x2x16x128xi32, #tpu.memory_space<vmem>> -> memref<1x1x1x128xi32, #tpu.memory_space<vmem>>
      %dma_start3A_327 = tpu.memref_squeeze %dma_start3A_326 : memref<1x1x1x128xi32, #tpu.memory_space<vmem>> -> memref<128xi32, #tpu.memory_space<vmem>>
      %dma_start3A_328 = arith.constant 0 : i32
      %dma_start3A_329 = arith.constant 0 : i32
      %dma_start3A_330 = tpu.memref_slice %arg12[%dma_start3A_328, %dma_start3A_329] : memref<10240x32xf32, #tpu.memory_space<vmem_shared>> -> memref<10240x32xf32, #tpu.memory_space<vmem_shared>>
      tpu.enqueue_indirect_dma source(%dma_start3A_324 : memref<128x32xf32, #tpu.memory_space<vmem>>) target(%dma_start3A_330 : memref<10240x32xf32, #tpu.memory_space<vmem_shared>>) offsets(%dma_start3A_327 : memref<128xi32, #tpu.memory_space<vmem>>) semaphore(%arg11 : memref<!tpu.dma_semaphore, #tpu.memory_space<semaphore_mem>>) {add = true}
      %dma_wait3A_331 = arith.constant 0 : i32
      %dma_wait3A_332 = arith.constant 1 : i32
      %dma_wait3A_333 = arith.constant 1 : i32
      %dma_wait3A_334 = arith.constant 0 : i32
      %dma_wait3A_335 = arith.constant 0 : i32
      %dma_wait3A_336 = tpu.memref_slice %arg7[%dma_wait3A_333, %dma_wait3A_334, %dma_wait3A_335] : memref<16x128x32xf32, #tpu.memory_space<vmem>> -> memref<1x128x32xf32, #tpu.memory_space<vmem>>
      %dma_wait3A_337 = tpu.memref_squeeze %dma_wait3A_336 : memref<1x128x32xf32, #tpu.memory_space<vmem>> -> memref<128x32xf32, #tpu.memory_space<vmem>>
      %dma_wait3A_338 = arith.constant 0 : i32
      %dma_wait3A_339 = tpu.memref_slice %arg6[%rem3A_59, %dma_wait3A_331, %dma_wait3A_332, %dma_wait3A_338] : memref<2x2x16x128xi32, #tpu.memory_space<vmem>> -> memref<1x1x1x128xi32, #tpu.memory_space<vmem>>
      %dma_wait3A_340 = tpu.memref_squeeze %dma_wait3A_339 : memref<1x1x1x128xi32, #tpu.memory_space<vmem>> -> memref<128xi32, #tpu.memory_space<vmem>>
      %dma_wait3A_341 = arith.constant 0 : i32
      %dma_wait3A_342 = arith.constant 0 : i32
      %dma_wait3A_343 = tpu.memref_slice %arg2[%dma_wait3A_341, %dma_wait3A_342] : memref<10240x32xf32, #tpu.memory_space<hbm>> -> memref<10240x32xf32, #tpu.memory_space<hbm>>
      tpu.wait_indirect_dma semaphore(%arg10 : memref<!tpu.dma_semaphore, #tpu.memory_space<semaphore_mem>>) src(%dma_wait3A_343 : memref<10240x32xf32, #tpu.memory_space<hbm>>) dst(%dma_wait3A_337 : memref<128x32xf32, #tpu.memory_space<vmem>>)
      %dma_start3A_344 = arith.constant 1 : i32
      %dma_start3A_345 = arith.constant 1 : i32
      %dma_start3A_346 = arith.constant 1 : i32
      %dma_start3A_347 = arith.constant 0 : i32
      %dma_start3A_348 = arith.constant 0 : i32
      %dma_start3A_349 = tpu.memref_slice %arg7[%dma_start3A_344, %dma_start3A_347, %dma_start3A_348] : memref<16x128x32xf32, #tpu.memory_space<vmem>> -> memref<1x128x32xf32, #tpu.memory_space<vmem>>
      %dma_start3A_350 = tpu.memref_squeeze %dma_start3A_349 : memref<1x128x32xf32, #tpu.memory_space<vmem>> -> memref<128x32xf32, #tpu.memory_space<vmem>>
      %dma_start3A_351 = arith.constant 0 : i32
      %dma_start3A_352 = tpu.memref_slice %arg6[%rem3A_59, %dma_start3A_345, %dma_start3A_346, %dma_start3A_351] : memref<2x2x16x128xi32, #tpu.memory_space<vmem>> -> memref<1x1x1x128xi32, #tpu.memory_space<vmem>>
      %dma_start3A_353 = tpu.memref_squeeze %dma_start3A_352 : memref<1x1x1x128xi32, #tpu.memory_space<vmem>> -> memref<128xi32, #tpu.memory_space<vmem>>
      %dma_start3A_354 = arith.constant 0 : i32
      %dma_start3A_355 = arith.constant 0 : i32
      %dma_start3A_356 = tpu.memref_slice %arg12[%dma_start3A_354, %dma_start3A_355] : memref<10240x32xf32, #tpu.memory_space<vmem_shared>> -> memref<10240x32xf32, #tpu.memory_space<vmem_shared>>
      tpu.enqueue_indirect_dma source(%dma_start3A_350 : memref<128x32xf32, #tpu.memory_space<vmem>>) target(%dma_start3A_356 : memref<10240x32xf32, #tpu.memory_space<vmem_shared>>) offsets(%dma_start3A_353 : memref<128xi32, #tpu.memory_space<vmem>>) semaphore(%arg11 : memref<!tpu.dma_semaphore, #tpu.memory_space<semaphore_mem>>) {add = true}
      %dma_wait3A_357 = arith.constant 0 : i32
      %dma_wait3A_358 = arith.constant 2 : i32
      %dma_wait3A_359 = arith.constant 2 : i32
      %dma_wait3A_360 = arith.constant 0 : i32
      %dma_wait3A_361 = arith.constant 0 : i32
      %dma_wait3A_362 = tpu.memref_slice %arg7[%dma_wait3A_359, %dma_wait3A_360, %dma_wait3A_361] : memref<16x128x32xf32, #tpu.memory_space<vmem>> -> memref<1x128x32xf32, #tpu.memory_space<vmem>>
      %dma_wait3A_363 = tpu.memref_squeeze %dma_wait3A_362 : memref<1x128x32xf32, #tpu.memory_space<vmem>> -> memref<128x32xf32, #tpu.memory_space<vmem>>
      %dma_wait3A_364 = arith.constant 0 : i32
      %dma_wait3A_365 = tpu.memref_slice %arg6[%rem3A_59, %dma_wait3A_357, %dma_wait3A_358, %dma_wait3A_364] : memref<2x2x16x128xi32, #tpu.memory_space<vmem>> -> memref<1x1x1x128xi32, #tpu.memory_space<vmem>>
      %dma_wait3A_366 = tpu.memref_squeeze %dma_wait3A_365 : memref<1x1x1x128xi32, #tpu.memory_space<vmem>> -> memref<128xi32, #tpu.memory_space<vmem>>
      %dma_wait3A_367 = arith.constant 0 : i32
      %dma_wait3A_368 = arith.constant 0 : i32
      %dma_wait3A_369 = tpu.memref_slice %arg2[%dma_wait3A_367, %dma_wait3A_368] : memref<10240x32xf32, #tpu.memory_space<hbm>> -> memref<10240x32xf32, #tpu.memory_space<hbm>>
      tpu.wait_indirect_dma semaphore(%arg10 : memref<!tpu.dma_semaphore, #tpu.memory_space<semaphore_mem>>) src(%dma_wait3A_369 : memref<10240x32xf32, #tpu.memory_space<hbm>>) dst(%dma_wait3A_363 : memref<128x32xf32, #tpu.memory_space<vmem>>)
      %dma_start3A_370 = arith.constant 2 : i32
      %dma_start3A_371 = arith.constant 1 : i32
      %dma_start3A_372 = arith.constant 2 : i32
      %dma_start3A_373 = arith.constant 0 : i32
      %dma_start3A_374 = arith.constant 0 : i32
      %dma_start3A_375 = tpu.memref_slice %arg7[%dma_start3A_370, %dma_start3A_373, %dma_start3A_374] : memref<16x128x32xf32, #tpu.memory_space<vmem>> -> memref<1x128x32xf32, #tpu.memory_space<vmem>>
      %dma_start3A_376 = tpu.memref_squeeze %dma_start3A_375 : memref<1x128x32xf32, #tpu.memory_space<vmem>> -> memref<128x32xf32, #tpu.memory_space<vmem>>
      %dma_start3A_377 = arith.constant 0 : i32
      %dma_start3A_378 = tpu.memref_slice %arg6[%rem3A_59, %dma_start3A_371, %dma_start3A_372, %dma_start3A_377] : memref<2x2x16x128xi32, #tpu.memory_space<vmem>> -> memref<1x1x1x128xi32, #tpu.memory_space<vmem>>
      %dma_start3A_379 = tpu.memref_squeeze %dma_start3A_378 : memref<1x1x1x128xi32, #tpu.memory_space<vmem>> -> memref<128xi32, #tpu.memory_space<vmem>>
      %dma_start3A_380 = arith.constant 0 : i32
      %dma_start3A_381 = arith.constant 0 : i32
      %dma_start3A_382 = tpu.memref_slice %arg12[%dma_start3A_380, %dma_start3A_381] : memref<10240x32xf32, #tpu.memory_space<vmem_shared>> -> memref<10240x32xf32, #tpu.memory_space<vmem_shared>>
      tpu.enqueue_indirect_dma source(%dma_start3A_376 : memref<128x32xf32, #tpu.memory_space<vmem>>) target(%dma_start3A_382 : memref<10240x32xf32, #tpu.memory_space<vmem_shared>>) offsets(%dma_start3A_379 : memref<128xi32, #tpu.memory_space<vmem>>) semaphore(%arg11 : memref<!tpu.dma_semaphore, #tpu.memory_space<semaphore_mem>>) {add = true}
      %dma_wait3A_383 = arith.constant 0 : i32
      %dma_wait3A_384 = arith.constant 3 : i32
      %dma_wait3A_385 = arith.constant 3 : i32
      %dma_wait3A_386 = arith.constant 0 : i32
      %dma_wait3A_387 = arith.constant 0 : i32
      %dma_wait3A_388 = tpu.memref_slice %arg7[%dma_wait3A_385, %dma_wait3A_386, %dma_wait3A_387] : memref<16x128x32xf32, #tpu.memory_space<vmem>> -> memref<1x128x32xf32, #tpu.memory_space<vmem>>
      %dma_wait3A_389 = tpu.memref_squeeze %dma_wait3A_388 : memref<1x128x32xf32, #tpu.memory_space<vmem>> -> memref<128x32xf32, #tpu.memory_space<vmem>>
      %dma_wait3A_390 = arith.constant 0 : i32
      %dma_wait3A_391 = tpu.memref_slice %arg6[%rem3A_59, %dma_wait3A_383, %dma_wait3A_384, %dma_wait3A_390] : memref<2x2x16x128xi32, #tpu.memory_space<vmem>> -> memref<1x1x1x128xi32, #tpu.memory_space<vmem>>
      %dma_wait3A_392 = tpu.memref_squeeze %dma_wait3A_391 : memref<1x1x1x128xi32, #tpu.memory_space<vmem>> -> memref<128xi32, #tpu.memory_space<vmem>>
      %dma_wait3A_393 = arith.constant 0 : i32
      %dma_wait3A_394 = arith.constant 0 : i32
      %dma_wait3A_395 = tpu.memref_slice %arg2[%dma_wait3A_393, %dma_wait3A_394] : memref<10240x32xf32, #tpu.memory_space<hbm>> -> memref<10240x32xf32, #tpu.memory_space<hbm>>
      tpu.wait_indirect_dma semaphore(%arg10 : memref<!tpu.dma_semaphore, #tpu.memory_space<semaphore_mem>>) src(%dma_wait3A_395 : memref<10240x32xf32, #tpu.memory_space<hbm>>) dst(%dma_wait3A_389 : memref<128x32xf32, #tpu.memory_space<vmem>>)
      %dma_start3A_396 = arith.constant 3 : i32
      %dma_start3A_397 = arith.constant 1 : i32
      %dma_start3A_398 = arith.constant 3 : i32
      %dma_start3A_399 = arith.constant 0 : i32
      %dma_start3A_400 = arith.constant 0 : i32
      %dma_start3A_401 = tpu.memref_slice %arg7[%dma_start3A_396, %dma_start3A_399, %dma_start3A_400] : memref<16x128x32xf32, #tpu.memory_space<vmem>> -> memref<1x128x32xf32, #tpu.memory_space<vmem>>
      %dma_start3A_402 = tpu.memref_squeeze %dma_start3A_401 : memref<1x128x32xf32, #tpu.memory_space<vmem>> -> memref<128x32xf32, #tpu.memory_space<vmem>>
      %dma_start3A_403 = arith.constant 0 : i32
      %dma_start3A_404 = tpu.memref_slice %arg6[%rem3A_59, %dma_start3A_397, %dma_start3A_398, %dma_start3A_403] : memref<2x2x16x128xi32, #tpu.memory_space<vmem>> -> memref<1x1x1x128xi32, #tpu.memory_space<vmem>>
      %dma_start3A_405 = tpu.memref_squeeze %dma_start3A_404 : memref<1x1x1x128xi32, #tpu.memory_space<vmem>> -> memref<128xi32, #tpu.memory_space<vmem>>
      %dma_start3A_406 = arith.constant 0 : i32
      %dma_start3A_407 = arith.constant 0 : i32
      %dma_start3A_408 = tpu.memref_slice %arg12[%dma_start3A_406, %dma_start3A_407] : memref<10240x32xf32, #tpu.memory_space<vmem_shared>> -> memref<10240x32xf32, #tpu.memory_space<vmem_shared>>
      tpu.enqueue_indirect_dma source(%dma_start3A_402 : memref<128x32xf32, #tpu.memory_space<vmem>>) target(%dma_start3A_408 : memref<10240x32xf32, #tpu.memory_space<vmem_shared>>) offsets(%dma_start3A_405 : memref<128xi32, #tpu.memory_space<vmem>>) semaphore(%arg11 : memref<!tpu.dma_semaphore, #tpu.memory_space<semaphore_mem>>) {add = true}
      %dma_wait3A_409 = arith.constant 0 : i32
      %dma_wait3A_410 = arith.constant 4 : i32
      %dma_wait3A_411 = arith.constant 4 : i32
      %dma_wait3A_412 = arith.constant 0 : i32
      %dma_wait3A_413 = arith.constant 0 : i32
      %dma_wait3A_414 = tpu.memref_slice %arg7[%dma_wait3A_411, %dma_wait3A_412, %dma_wait3A_413] : memref<16x128x32xf32, #tpu.memory_space<vmem>> -> memref<1x128x32xf32, #tpu.memory_space<vmem>>
      %dma_wait3A_415 = tpu.memref_squeeze %dma_wait3A_414 : memref<1x128x32xf32, #tpu.memory_space<vmem>> -> memref<128x32xf32, #tpu.memory_space<vmem>>
      %dma_wait3A_416 = arith.constant 0 : i32
      %dma_wait3A_417 = tpu.memref_slice %arg6[%rem3A_59, %dma_wait3A_409, %dma_wait3A_410, %dma_wait3A_416] : memref<2x2x16x128xi32, #tpu.memory_space<vmem>> -> memref<1x1x1x128xi32, #tpu.memory_space<vmem>>
      %dma_wait3A_418 = tpu.memref_squeeze %dma_wait3A_417 : memref<1x1x1x128xi32, #tpu.memory_space<vmem>> -> memref<128xi32, #tpu.memory_space<vmem>>
      %dma_wait3A_419 = arith.constant 0 : i32
      %dma_wait3A_420 = arith.constant 0 : i32
      %dma_wait3A_421 = tpu.memref_slice %arg2[%dma_wait3A_419, %dma_wait3A_420] : memref<10240x32xf32, #tpu.memory_space<hbm>> -> memref<10240x32xf32, #tpu.memory_space<hbm>>
      tpu.wait_indirect_dma semaphore(%arg10 : memref<!tpu.dma_semaphore, #tpu.memory_space<semaphore_mem>>) src(%dma_wait3A_421 : memref<10240x32xf32, #tpu.memory_space<hbm>>) dst(%dma_wait3A_415 : memref<128x32xf32, #tpu.memory_space<vmem>>)
      %dma_start3A_422 = arith.constant 4 : i32
      %dma_start3A_423 = arith.constant 1 : i32
      %dma_start3A_424 = arith.constant 4 : i32
      %dma_start3A_425 = arith.constant 0 : i32
      %dma_start3A_426 = arith.constant 0 : i32
      %dma_start3A_427 = tpu.memref_slice %arg7[%dma_start3A_422, %dma_start3A_425, %dma_start3A_426] : memref<16x128x32xf32, #tpu.memory_space<vmem>> -> memref<1x128x32xf32, #tpu.memory_space<vmem>>
      %dma_start3A_428 = tpu.memref_squeeze %dma_start3A_427 : memref<1x128x32xf32, #tpu.memory_space<vmem>> -> memref<128x32xf32, #tpu.memory_space<vmem>>
      %dma_start3A_429 = arith.constant 0 : i32
      %dma_start3A_430 = tpu.memref_slice %arg6[%rem3A_59, %dma_start3A_423, %dma_start3A_424, %dma_start3A_429] : memref<2x2x16x128xi32, #tpu.memory_space<vmem>> -> memref<1x1x1x128xi32, #tpu.memory_space<vmem>>
      %dma_start3A_431 = tpu.memref_squeeze %dma_start3A_430 : memref<1x1x1x128xi32, #tpu.memory_space<vmem>> -> memref<128xi32, #tpu.memory_space<vmem>>
      %dma_start3A_432 = arith.constant 0 : i32
      %dma_start3A_433 = arith.constant 0 : i32
      %dma_start3A_434 = tpu.memref_slice %arg12[%dma_start3A_432, %dma_start3A_433] : memref<10240x32xf32, #tpu.memory_space<vmem_shared>> -> memref<10240x32xf32, #tpu.memory_space<vmem_shared>>
      tpu.enqueue_indirect_dma source(%dma_start3A_428 : memref<128x32xf32, #tpu.memory_space<vmem>>) target(%dma_start3A_434 : memref<10240x32xf32, #tpu.memory_space<vmem_shared>>) offsets(%dma_start3A_431 : memref<128xi32, #tpu.memory_space<vmem>>) semaphore(%arg11 : memref<!tpu.dma_semaphore, #tpu.memory_space<semaphore_mem>>) {add = true}
      %dma_wait3A_435 = arith.constant 0 : i32
      %dma_wait3A_436 = arith.constant 5 : i32
      %dma_wait3A_437 = arith.constant 5 : i32
      %dma_wait3A_438 = arith.constant 0 : i32
      %dma_wait3A_439 = arith.constant 0 : i32
      %dma_wait3A_440 = tpu.memref_slice %arg7[%dma_wait3A_437, %dma_wait3A_438, %dma_wait3A_439] : memref<16x128x32xf32, #tpu.memory_space<vmem>> -> memref<1x128x32xf32, #tpu.memory_space<vmem>>
      %dma_wait3A_441 = tpu.memref_squeeze %dma_wait3A_440 : memref<1x128x32xf32, #tpu.memory_space<vmem>> -> memref<128x32xf32, #tpu.memory_space<vmem>>
      %dma_wait3A_442 = arith.constant 0 : i32
      %dma_wait3A_443 = tpu.memref_slice %arg6[%rem3A_59, %dma_wait3A_435, %dma_wait3A_436, %dma_wait3A_442] : memref<2x2x16x128xi32, #tpu.memory_space<vmem>> -> memref<1x1x1x128xi32, #tpu.memory_space<vmem>>
      %dma_wait3A_444 = tpu.memref_squeeze %dma_wait3A_443 : memref<1x1x1x128xi32, #tpu.memory_space<vmem>> -> memref<128xi32, #tpu.memory_space<vmem>>
      %dma_wait3A_445 = arith.constant 0 : i32
      %dma_wait3A_446 = arith.constant 0 : i32
      %dma_wait3A_447 = tpu.memref_slice %arg2[%dma_wait3A_445, %dma_wait3A_446] : memref<10240x32xf32, #tpu.memory_space<hbm>> -> memref<10240x32xf32, #tpu.memory_space<hbm>>
      tpu.wait_indirect_dma semaphore(%arg10 : memref<!tpu.dma_semaphore, #tpu.memory_space<semaphore_mem>>) src(%dma_wait3A_447 : memref<10240x32xf32, #tpu.memory_space<hbm>>) dst(%dma_wait3A_441 : memref<128x32xf32, #tpu.memory_space<vmem>>)
      %dma_start3A_448 = arith.constant 5 : i32
      %dma_start3A_449 = arith.constant 1 : i32
      %dma_start3A_450 = arith.constant 5 : i32
      %dma_start3A_451 = arith.constant 0 : i32
      %dma_start3A_452 = arith.constant 0 : i32
      %dma_start3A_453 = tpu.memref_slice %arg7[%dma_start3A_448, %dma_start3A_451, %dma_start3A_452] : memref<16x128x32xf32, #tpu.memory_space<vmem>> -> memref<1x128x32xf32, #tpu.memory_space<vmem>>
      %dma_start3A_454 = tpu.memref_squeeze %dma_start3A_453 : memref<1x128x32xf32, #tpu.memory_space<vmem>> -> memref<128x32xf32, #tpu.memory_space<vmem>>
      %dma_start3A_455 = arith.constant 0 : i32
      %dma_start3A_456 = tpu.memref_slice %arg6[%rem3A_59, %dma_start3A_449, %dma_start3A_450, %dma_start3A_455] : memref<2x2x16x128xi32, #tpu.memory_space<vmem>> -> memref<1x1x1x128xi32, #tpu.memory_space<vmem>>
      %dma_start3A_457 = tpu.memref_squeeze %dma_start3A_456 : memref<1x1x1x128xi32, #tpu.memory_space<vmem>> -> memref<128xi32, #tpu.memory_space<vmem>>
      %dma_start3A_458 = arith.constant 0 : i32
      %dma_start3A_459 = arith.constant 0 : i32
      %dma_start3A_460 = tpu.memref_slice %arg12[%dma_start3A_458, %dma_start3A_459] : memref<10240x32xf32, #tpu.memory_space<vmem_shared>> -> memref<10240x32xf32, #tpu.memory_space<vmem_shared>>
      tpu.enqueue_indirect_dma source(%dma_start3A_454 : memref<128x32xf32, #tpu.memory_space<vmem>>) target(%dma_start3A_460 : memref<10240x32xf32, #tpu.memory_space<vmem_shared>>) offsets(%dma_start3A_457 : memref<128xi32, #tpu.memory_space<vmem>>) semaphore(%arg11 : memref<!tpu.dma_semaphore, #tpu.memory_space<semaphore_mem>>) {add = true}
      %dma_wait3A_461 = arith.constant 0 : i32
      %dma_wait3A_462 = arith.constant 6 : i32
      %dma_wait3A_463 = arith.constant 6 : i32
      %dma_wait3A_464 = arith.constant 0 : i32
      %dma_wait3A_465 = arith.constant 0 : i32
      %dma_wait3A_466 = tpu.memref_slice %arg7[%dma_wait3A_463, %dma_wait3A_464, %dma_wait3A_465] : memref<16x128x32xf32, #tpu.memory_space<vmem>> -> memref<1x128x32xf32, #tpu.memory_space<vmem>>
      %dma_wait3A_467 = tpu.memref_squeeze %dma_wait3A_466 : memref<1x128x32xf32, #tpu.memory_space<vmem>> -> memref<128x32xf32, #tpu.memory_space<vmem>>
      %dma_wait3A_468 = arith.constant 0 : i32
      %dma_wait3A_469 = tpu.memref_slice %arg6[%rem3A_59, %dma_wait3A_461, %dma_wait3A_462, %dma_wait3A_468] : memref<2x2x16x128xi32, #tpu.memory_space<vmem>> -> memref<1x1x1x128xi32, #tpu.memory_space<vmem>>
      %dma_wait3A_470 = tpu.memref_squeeze %dma_wait3A_469 : memref<1x1x1x128xi32, #tpu.memory_space<vmem>> -> memref<128xi32, #tpu.memory_space<vmem>>
      %dma_wait3A_471 = arith.constant 0 : i32
      %dma_wait3A_472 = arith.constant 0 : i32
      %dma_wait3A_473 = tpu.memref_slice %arg2[%dma_wait3A_471, %dma_wait3A_472] : memref<10240x32xf32, #tpu.memory_space<hbm>> -> memref<10240x32xf32, #tpu.memory_space<hbm>>
      tpu.wait_indirect_dma semaphore(%arg10 : memref<!tpu.dma_semaphore, #tpu.memory_space<semaphore_mem>>) src(%dma_wait3A_473 : memref<10240x32xf32, #tpu.memory_space<hbm>>) dst(%dma_wait3A_467 : memref<128x32xf32, #tpu.memory_space<vmem>>)
      %dma_start3A_474 = arith.constant 6 : i32
      %dma_start3A_475 = arith.constant 1 : i32
      %dma_start3A_476 = arith.constant 6 : i32
      %dma_start3A_477 = arith.constant 0 : i32
      %dma_start3A_478 = arith.constant 0 : i32
      %dma_start3A_479 = tpu.memref_slice %arg7[%dma_start3A_474, %dma_start3A_477, %dma_start3A_478] : memref<16x128x32xf32, #tpu.memory_space<vmem>> -> memref<1x128x32xf32, #tpu.memory_space<vmem>>
      %dma_start3A_480 = tpu.memref_squeeze %dma_start3A_479 : memref<1x128x32xf32, #tpu.memory_space<vmem>> -> memref<128x32xf32, #tpu.memory_space<vmem>>
      %dma_start3A_481 = arith.constant 0 : i32
      %dma_start3A_482 = tpu.memref_slice %arg6[%rem3A_59, %dma_start3A_475, %dma_start3A_476, %dma_start3A_481] : memref<2x2x16x128xi32, #tpu.memory_space<vmem>> -> memref<1x1x1x128xi32, #tpu.memory_space<vmem>>
      %dma_start3A_483 = tpu.memref_squeeze %dma_start3A_482 : memref<1x1x1x128xi32, #tpu.memory_space<vmem>> -> memref<128xi32, #tpu.memory_space<vmem>>
      %dma_start3A_484 = arith.constant 0 : i32
      %dma_start3A_485 = arith.constant 0 : i32
      %dma_start3A_486 = tpu.memref_slice %arg12[%dma_start3A_484, %dma_start3A_485] : memref<10240x32xf32, #tpu.memory_space<vmem_shared>> -> memref<10240x32xf32, #tpu.memory_space<vmem_shared>>
      tpu.enqueue_indirect_dma source(%dma_start3A_480 : memref<128x32xf32, #tpu.memory_space<vmem>>) target(%dma_start3A_486 : memref<10240x32xf32, #tpu.memory_space<vmem_shared>>) offsets(%dma_start3A_483 : memref<128xi32, #tpu.memory_space<vmem>>) semaphore(%arg11 : memref<!tpu.dma_semaphore, #tpu.memory_space<semaphore_mem>>) {add = true}
      %dma_wait3A_487 = arith.constant 0 : i32
      %dma_wait3A_488 = arith.constant 7 : i32
      %dma_wait3A_489 = arith.constant 7 : i32
      %dma_wait3A_490 = arith.constant 0 : i32
      %dma_wait3A_491 = arith.constant 0 : i32
      %dma_wait3A_492 = tpu.memref_slice %arg7[%dma_wait3A_489, %dma_wait3A_490, %dma_wait3A_491] : memref<16x128x32xf32, #tpu.memory_space<vmem>> -> memref<1x128x32xf32, #tpu.memory_space<vmem>>
      %dma_wait3A_493 = tpu.memref_squeeze %dma_wait3A_492 : memref<1x128x32xf32, #tpu.memory_space<vmem>> -> memref<128x32xf32, #tpu.memory_space<vmem>>
      %dma_wait3A_494 = arith.constant 0 : i32
      %dma_wait3A_495 = tpu.memref_slice %arg6[%rem3A_59, %dma_wait3A_487, %dma_wait3A_488, %dma_wait3A_494] : memref<2x2x16x128xi32, #tpu.memory_space<vmem>> -> memref<1x1x1x128xi32, #tpu.memory_space<vmem>>
      %dma_wait3A_496 = tpu.memref_squeeze %dma_wait3A_495 : memref<1x1x1x128xi32, #tpu.memory_space<vmem>> -> memref<128xi32, #tpu.memory_space<vmem>>
      %dma_wait3A_497 = arith.constant 0 : i32
      %dma_wait3A_498 = arith.constant 0 : i32
      %dma_wait3A_499 = tpu.memref_slice %arg2[%dma_wait3A_497, %dma_wait3A_498] : memref<10240x32xf32, #tpu.memory_space<hbm>> -> memref<10240x32xf32, #tpu.memory_space<hbm>>
      tpu.wait_indirect_dma semaphore(%arg10 : memref<!tpu.dma_semaphore, #tpu.memory_space<semaphore_mem>>) src(%dma_wait3A_499 : memref<10240x32xf32, #tpu.memory_space<hbm>>) dst(%dma_wait3A_493 : memref<128x32xf32, #tpu.memory_space<vmem>>)
      %dma_start3A_500 = arith.constant 7 : i32
      %dma_start3A_501 = arith.constant 1 : i32
      %dma_start3A_502 = arith.constant 7 : i32
      %dma_start3A_503 = arith.constant 0 : i32
      %dma_start3A_504 = arith.constant 0 : i32
      %dma_start3A_505 = tpu.memref_slice %arg7[%dma_start3A_500, %dma_start3A_503, %dma_start3A_504] : memref<16x128x32xf32, #tpu.memory_space<vmem>> -> memref<1x128x32xf32, #tpu.memory_space<vmem>>
      %dma_start3A_506 = tpu.memref_squeeze %dma_start3A_505 : memref<1x128x32xf32, #tpu.memory_space<vmem>> -> memref<128x32xf32, #tpu.memory_space<vmem>>
      %dma_start3A_507 = arith.constant 0 : i32
      %dma_start3A_508 = tpu.memref_slice %arg6[%rem3A_59, %dma_start3A_501, %dma_start3A_502, %dma_start3A_507] : memref<2x2x16x128xi32, #tpu.memory_space<vmem>> -> memref<1x1x1x128xi32, #tpu.memory_space<vmem>>
      %dma_start3A_509 = tpu.memref_squeeze %dma_start3A_508 : memref<1x1x1x128xi32, #tpu.memory_space<vmem>> -> memref<128xi32, #tpu.memory_space<vmem>>
      %dma_start3A_510 = arith.constant 0 : i32
      %dma_start3A_511 = arith.constant 0 : i32
      %dma_start3A_512 = tpu.memref_slice %arg12[%dma_start3A_510, %dma_start3A_511] : memref<10240x32xf32, #tpu.memory_space<vmem_shared>> -> memref<10240x32xf32, #tpu.memory_space<vmem_shared>>
      tpu.enqueue_indirect_dma source(%dma_start3A_506 : memref<128x32xf32, #tpu.memory_space<vmem>>) target(%dma_start3A_512 : memref<10240x32xf32, #tpu.memory_space<vmem_shared>>) offsets(%dma_start3A_509 : memref<128xi32, #tpu.memory_space<vmem>>) semaphore(%arg11 : memref<!tpu.dma_semaphore, #tpu.memory_space<semaphore_mem>>) {add = true}
      %dma_wait3A_513 = arith.constant 0 : i32
      %dma_wait3A_514 = arith.constant 8 : i32
      %dma_wait3A_515 = arith.constant 8 : i32
      %dma_wait3A_516 = arith.constant 0 : i32
      %dma_wait3A_517 = arith.constant 0 : i32
      %dma_wait3A_518 = tpu.memref_slice %arg7[%dma_wait3A_515, %dma_wait3A_516, %dma_wait3A_517] : memref<16x128x32xf32, #tpu.memory_space<vmem>> -> memref<1x128x32xf32, #tpu.memory_space<vmem>>
      %dma_wait3A_519 = tpu.memref_squeeze %dma_wait3A_518 : memref<1x128x32xf32, #tpu.memory_space<vmem>> -> memref<128x32xf32, #tpu.memory_space<vmem>>
      %dma_wait3A_520 = arith.constant 0 : i32
      %dma_wait3A_521 = tpu.memref_slice %arg6[%rem3A_59, %dma_wait3A_513, %dma_wait3A_514, %dma_wait3A_520] : memref<2x2x16x128xi32, #tpu.memory_space<vmem>> -> memref<1x1x1x128xi32, #tpu.memory_space<vmem>>
      %dma_wait3A_522 = tpu.memref_squeeze %dma_wait3A_521 : memref<1x1x1x128xi32, #tpu.memory_space<vmem>> -> memref<128xi32, #tpu.memory_space<vmem>>
      %dma_wait3A_523 = arith.constant 0 : i32
      %dma_wait3A_524 = arith.constant 0 : i32
      %dma_wait3A_525 = tpu.memref_slice %arg2[%dma_wait3A_523, %dma_wait3A_524] : memref<10240x32xf32, #tpu.memory_space<hbm>> -> memref<10240x32xf32, #tpu.memory_space<hbm>>
      tpu.wait_indirect_dma semaphore(%arg10 : memref<!tpu.dma_semaphore, #tpu.memory_space<semaphore_mem>>) src(%dma_wait3A_525 : memref<10240x32xf32, #tpu.memory_space<hbm>>) dst(%dma_wait3A_519 : memref<128x32xf32, #tpu.memory_space<vmem>>)
      %dma_start3A_526 = arith.constant 8 : i32
      %dma_start3A_527 = arith.constant 1 : i32
      %dma_start3A_528 = arith.constant 8 : i32
      %dma_start3A_529 = arith.constant 0 : i32
      %dma_start3A_530 = arith.constant 0 : i32
      %dma_start3A_531 = tpu.memref_slice %arg7[%dma_start3A_526, %dma_start3A_529, %dma_start3A_530] : memref<16x128x32xf32, #tpu.memory_space<vmem>> -> memref<1x128x32xf32, #tpu.memory_space<vmem>>
      %dma_start3A_532 = tpu.memref_squeeze %dma_start3A_531 : memref<1x128x32xf32, #tpu.memory_space<vmem>> -> memref<128x32xf32, #tpu.memory_space<vmem>>
      %dma_start3A_533 = arith.constant 0 : i32
      %dma_start3A_534 = tpu.memref_slice %arg6[%rem3A_59, %dma_start3A_527, %dma_start3A_528, %dma_start3A_533] : memref<2x2x16x128xi32, #tpu.memory_space<vmem>> -> memref<1x1x1x128xi32, #tpu.memory_space<vmem>>
      %dma_start3A_535 = tpu.memref_squeeze %dma_start3A_534 : memref<1x1x1x128xi32, #tpu.memory_space<vmem>> -> memref<128xi32, #tpu.memory_space<vmem>>
      %dma_start3A_536 = arith.constant 0 : i32
      %dma_start3A_537 = arith.constant 0 : i32
      %dma_start3A_538 = tpu.memref_slice %arg12[%dma_start3A_536, %dma_start3A_537] : memref<10240x32xf32, #tpu.memory_space<vmem_shared>> -> memref<10240x32xf32, #tpu.memory_space<vmem_shared>>
      tpu.enqueue_indirect_dma source(%dma_start3A_532 : memref<128x32xf32, #tpu.memory_space<vmem>>) target(%dma_start3A_538 : memref<10240x32xf32, #tpu.memory_space<vmem_shared>>) offsets(%dma_start3A_535 : memref<128xi32, #tpu.memory_space<vmem>>) semaphore(%arg11 : memref<!tpu.dma_semaphore, #tpu.memory_space<semaphore_mem>>) {add = true}
      %dma_wait3A_539 = arith.constant 0 : i32
      %dma_wait3A_540 = arith.constant 9 : i32
      %dma_wait3A_541 = arith.constant 9 : i32
      %dma_wait3A_542 = arith.constant 0 : i32
      %dma_wait3A_543 = arith.constant 0 : i32
      %dma_wait3A_544 = tpu.memref_slice %arg7[%dma_wait3A_541, %dma_wait3A_542, %dma_wait3A_543] : memref<16x128x32xf32, #tpu.memory_space<vmem>> -> memref<1x128x32xf32, #tpu.memory_space<vmem>>
      %dma_wait3A_545 = tpu.memref_squeeze %dma_wait3A_544 : memref<1x128x32xf32, #tpu.memory_space<vmem>> -> memref<128x32xf32, #tpu.memory_space<vmem>>
      %dma_wait3A_546 = arith.constant 0 : i32
      %dma_wait3A_547 = tpu.memref_slice %arg6[%rem3A_59, %dma_wait3A_539, %dma_wait3A_540, %dma_wait3A_546] : memref<2x2x16x128xi32, #tpu.memory_space<vmem>> -> memref<1x1x1x128xi32, #tpu.memory_space<vmem>>
      %dma_wait3A_548 = tpu.memref_squeeze %dma_wait3A_547 : memref<1x1x1x128xi32, #tpu.memory_space<vmem>> -> memref<128xi32, #tpu.memory_space<vmem>>
      %dma_wait3A_549 = arith.constant 0 : i32
      %dma_wait3A_550 = arith.constant 0 : i32
      %dma_wait3A_551 = tpu.memref_slice %arg2[%dma_wait3A_549, %dma_wait3A_550] : memref<10240x32xf32, #tpu.memory_space<hbm>> -> memref<10240x32xf32, #tpu.memory_space<hbm>>
      tpu.wait_indirect_dma semaphore(%arg10 : memref<!tpu.dma_semaphore, #tpu.memory_space<semaphore_mem>>) src(%dma_wait3A_551 : memref<10240x32xf32, #tpu.memory_space<hbm>>) dst(%dma_wait3A_545 : memref<128x32xf32, #tpu.memory_space<vmem>>)
      %dma_start3A_552 = arith.constant 9 : i32
      %dma_start3A_553 = arith.constant 1 : i32
      %dma_start3A_554 = arith.constant 9 : i32
      %dma_start3A_555 = arith.constant 0 : i32
      %dma_start3A_556 = arith.constant 0 : i32
      %dma_start3A_557 = tpu.memref_slice %arg7[%dma_start3A_552, %dma_start3A_555, %dma_start3A_556] : memref<16x128x32xf32, #tpu.memory_space<vmem>> -> memref<1x128x32xf32, #tpu.memory_space<vmem>>
      %dma_start3A_558 = tpu.memref_squeeze %dma_start3A_557 : memref<1x128x32xf32, #tpu.memory_space<vmem>> -> memref<128x32xf32, #tpu.memory_space<vmem>>
      %dma_start3A_559 = arith.constant 0 : i32
      %dma_start3A_560 = tpu.memref_slice %arg6[%rem3A_59, %dma_start3A_553, %dma_start3A_554, %dma_start3A_559] : memref<2x2x16x128xi32, #tpu.memory_space<vmem>> -> memref<1x1x1x128xi32, #tpu.memory_space<vmem>>
      %dma_start3A_561 = tpu.memref_squeeze %dma_start3A_560 : memref<1x1x1x128xi32, #tpu.memory_space<vmem>> -> memref<128xi32, #tpu.memory_space<vmem>>
      %dma_start3A_562 = arith.constant 0 : i32
      %dma_start3A_563 = arith.constant 0 : i32
      %dma_start3A_564 = tpu.memref_slice %arg12[%dma_start3A_562, %dma_start3A_563] : memref<10240x32xf32, #tpu.memory_space<vmem_shared>> -> memref<10240x32xf32, #tpu.memory_space<vmem_shared>>
      tpu.enqueue_indirect_dma source(%dma_start3A_558 : memref<128x32xf32, #tpu.memory_space<vmem>>) target(%dma_start3A_564 : memref<10240x32xf32, #tpu.memory_space<vmem_shared>>) offsets(%dma_start3A_561 : memref<128xi32, #tpu.memory_space<vmem>>) semaphore(%arg11 : memref<!tpu.dma_semaphore, #tpu.memory_space<semaphore_mem>>) {add = true}
      %dma_wait3A_565 = arith.constant 0 : i32
      %dma_wait3A_566 = arith.constant 10 : i32
      %dma_wait3A_567 = arith.constant 10 : i32
      %dma_wait3A_568 = arith.constant 0 : i32
      %dma_wait3A_569 = arith.constant 0 : i32
      %dma_wait3A_570 = tpu.memref_slice %arg7[%dma_wait3A_567, %dma_wait3A_568, %dma_wait3A_569] : memref<16x128x32xf32, #tpu.memory_space<vmem>> -> memref<1x128x32xf32, #tpu.memory_space<vmem>>
      %dma_wait3A_571 = tpu.memref_squeeze %dma_wait3A_570 : memref<1x128x32xf32, #tpu.memory_space<vmem>> -> memref<128x32xf32, #tpu.memory_space<vmem>>
      %dma_wait3A_572 = arith.constant 0 : i32
      %dma_wait3A_573 = tpu.memref_slice %arg6[%rem3A_59, %dma_wait3A_565, %dma_wait3A_566, %dma_wait3A_572] : memref<2x2x16x128xi32, #tpu.memory_space<vmem>> -> memref<1x1x1x128xi32, #tpu.memory_space<vmem>>
      %dma_wait3A_574 = tpu.memref_squeeze %dma_wait3A_573 : memref<1x1x1x128xi32, #tpu.memory_space<vmem>> -> memref<128xi32, #tpu.memory_space<vmem>>
      %dma_wait3A_575 = arith.constant 0 : i32
      %dma_wait3A_576 = arith.constant 0 : i32
      %dma_wait3A_577 = tpu.memref_slice %arg2[%dma_wait3A_575, %dma_wait3A_576] : memref<10240x32xf32, #tpu.memory_space<hbm>> -> memref<10240x32xf32, #tpu.memory_space<hbm>>
      tpu.wait_indirect_dma semaphore(%arg10 : memref<!tpu.dma_semaphore, #tpu.memory_space<semaphore_mem>>) src(%dma_wait3A_577 : memref<10240x32xf32, #tpu.memory_space<hbm>>) dst(%dma_wait3A_571 : memref<128x32xf32, #tpu.memory_space<vmem>>)
      %dma_start3A_578 = arith.constant 10 : i32
      %dma_start3A_579 = arith.constant 1 : i32
      %dma_start3A_580 = arith.constant 10 : i32
      %dma_start3A_581 = arith.constant 0 : i32
      %dma_start3A_582 = arith.constant 0 : i32
      %dma_start3A_583 = tpu.memref_slice %arg7[%dma_start3A_578, %dma_start3A_581, %dma_start3A_582] : memref<16x128x32xf32, #tpu.memory_space<vmem>> -> memref<1x128x32xf32, #tpu.memory_space<vmem>>
      %dma_start3A_584 = tpu.memref_squeeze %dma_start3A_583 : memref<1x128x32xf32, #tpu.memory_space<vmem>> -> memref<128x32xf32, #tpu.memory_space<vmem>>
      %dma_start3A_585 = arith.constant 0 : i32
      %dma_start3A_586 = tpu.memref_slice %arg6[%rem3A_59, %dma_start3A_579, %dma_start3A_580, %dma_start3A_585] : memref<2x2x16x128xi32, #tpu.memory_space<vmem>> -> memref<1x1x1x128xi32, #tpu.memory_space<vmem>>
      %dma_start3A_587 = tpu.memref_squeeze %dma_start3A_586 : memref<1x1x1x128xi32, #tpu.memory_space<vmem>> -> memref<128xi32, #tpu.memory_space<vmem>>
      %dma_start3A_588 = arith.constant 0 : i32
      %dma_start3A_589 = arith.constant 0 : i32
      %dma_start3A_590 = tpu.memref_slice %arg12[%dma_start3A_588, %dma_start3A_589] : memref<10240x32xf32, #tpu.memory_space<vmem_shared>> -> memref<10240x32xf32, #tpu.memory_space<vmem_shared>>
      tpu.enqueue_indirect_dma source(%dma_start3A_584 : memref<128x32xf32, #tpu.memory_space<vmem>>) target(%dma_start3A_590 : memref<10240x32xf32, #tpu.memory_space<vmem_shared>>) offsets(%dma_start3A_587 : memref<128xi32, #tpu.memory_space<vmem>>) semaphore(%arg11 : memref<!tpu.dma_semaphore, #tpu.memory_space<semaphore_mem>>) {add = true}
      %dma_wait3A_591 = arith.constant 0 : i32
      %dma_wait3A_592 = arith.constant 11 : i32
      %dma_wait3A_593 = arith.constant 11 : i32
      %dma_wait3A_594 = arith.constant 0 : i32
      %dma_wait3A_595 = arith.constant 0 : i32
      %dma_wait3A_596 = tpu.memref_slice %arg7[%dma_wait3A_593, %dma_wait3A_594, %dma_wait3A_595] : memref<16x128x32xf32, #tpu.memory_space<vmem>> -> memref<1x128x32xf32, #tpu.memory_space<vmem>>
      %dma_wait3A_597 = tpu.memref_squeeze %dma_wait3A_596 : memref<1x128x32xf32, #tpu.memory_space<vmem>> -> memref<128x32xf32, #tpu.memory_space<vmem>>
      %dma_wait3A_598 = arith.constant 0 : i32
      %dma_wait3A_599 = tpu.memref_slice %arg6[%rem3A_59, %dma_wait3A_591, %dma_wait3A_592, %dma_wait3A_598] : memref<2x2x16x128xi32, #tpu.memory_space<vmem>> -> memref<1x1x1x128xi32, #tpu.memory_space<vmem>>
      %dma_wait3A_600 = tpu.memref_squeeze %dma_wait3A_599 : memref<1x1x1x128xi32, #tpu.memory_space<vmem>> -> memref<128xi32, #tpu.memory_space<vmem>>
      %dma_wait3A_601 = arith.constant 0 : i32
      %dma_wait3A_602 = arith.constant 0 : i32
      %dma_wait3A_603 = tpu.memref_slice %arg2[%dma_wait3A_601, %dma_wait3A_602] : memref<10240x32xf32, #tpu.memory_space<hbm>> -> memref<10240x32xf32, #tpu.memory_space<hbm>>
      tpu.wait_indirect_dma semaphore(%arg10 : memref<!tpu.dma_semaphore, #tpu.memory_space<semaphore_mem>>) src(%dma_wait3A_603 : memref<10240x32xf32, #tpu.memory_space<hbm>>) dst(%dma_wait3A_597 : memref<128x32xf32, #tpu.memory_space<vmem>>)
      %dma_start3A_604 = arith.constant 11 : i32
      %dma_start3A_605 = arith.constant 1 : i32
      %dma_start3A_606 = arith.constant 11 : i32
      %dma_start3A_607 = arith.constant 0 : i32
      %dma_start3A_608 = arith.constant 0 : i32
      %dma_start3A_609 = tpu.memref_slice %arg7[%dma_start3A_604, %dma_start3A_607, %dma_start3A_608] : memref<16x128x32xf32, #tpu.memory_space<vmem>> -> memref<1x128x32xf32, #tpu.memory_space<vmem>>
      %dma_start3A_610 = tpu.memref_squeeze %dma_start3A_609 : memref<1x128x32xf32, #tpu.memory_space<vmem>> -> memref<128x32xf32, #tpu.memory_space<vmem>>
      %dma_start3A_611 = arith.constant 0 : i32
      %dma_start3A_612 = tpu.memref_slice %arg6[%rem3A_59, %dma_start3A_605, %dma_start3A_606, %dma_start3A_611] : memref<2x2x16x128xi32, #tpu.memory_space<vmem>> -> memref<1x1x1x128xi32, #tpu.memory_space<vmem>>
      %dma_start3A_613 = tpu.memref_squeeze %dma_start3A_612 : memref<1x1x1x128xi32, #tpu.memory_space<vmem>> -> memref<128xi32, #tpu.memory_space<vmem>>
      %dma_start3A_614 = arith.constant 0 : i32
      %dma_start3A_615 = arith.constant 0 : i32
      %dma_start3A_616 = tpu.memref_slice %arg12[%dma_start3A_614, %dma_start3A_615] : memref<10240x32xf32, #tpu.memory_space<vmem_shared>> -> memref<10240x32xf32, #tpu.memory_space<vmem_shared>>
      tpu.enqueue_indirect_dma source(%dma_start3A_610 : memref<128x32xf32, #tpu.memory_space<vmem>>) target(%dma_start3A_616 : memref<10240x32xf32, #tpu.memory_space<vmem_shared>>) offsets(%dma_start3A_613 : memref<128xi32, #tpu.memory_space<vmem>>) semaphore(%arg11 : memref<!tpu.dma_semaphore, #tpu.memory_space<semaphore_mem>>) {add = true}
      %dma_wait3A_617 = arith.constant 0 : i32
      %dma_wait3A_618 = arith.constant 12 : i32
      %dma_wait3A_619 = arith.constant 12 : i32
      %dma_wait3A_620 = arith.constant 0 : i32
      %dma_wait3A_621 = arith.constant 0 : i32
      %dma_wait3A_622 = tpu.memref_slice %arg7[%dma_wait3A_619, %dma_wait3A_620, %dma_wait3A_621] : memref<16x128x32xf32, #tpu.memory_space<vmem>> -> memref<1x128x32xf32, #tpu.memory_space<vmem>>
      %dma_wait3A_623 = tpu.memref_squeeze %dma_wait3A_622 : memref<1x128x32xf32, #tpu.memory_space<vmem>> -> memref<128x32xf32, #tpu.memory_space<vmem>>
      %dma_wait3A_624 = arith.constant 0 : i32
      %dma_wait3A_625 = tpu.memref_slice %arg6[%rem3A_59, %dma_wait3A_617, %dma_wait3A_618, %dma_wait3A_624] : memref<2x2x16x128xi32, #tpu.memory_space<vmem>> -> memref<1x1x1x128xi32, #tpu.memory_space<vmem>>
      %dma_wait3A_626 = tpu.memref_squeeze %dma_wait3A_625 : memref<1x1x1x128xi32, #tpu.memory_space<vmem>> -> memref<128xi32, #tpu.memory_space<vmem>>
      %dma_wait3A_627 = arith.constant 0 : i32
      %dma_wait3A_628 = arith.constant 0 : i32
      %dma_wait3A_629 = tpu.memref_slice %arg2[%dma_wait3A_627, %dma_wait3A_628] : memref<10240x32xf32, #tpu.memory_space<hbm>> -> memref<10240x32xf32, #tpu.memory_space<hbm>>
      tpu.wait_indirect_dma semaphore(%arg10 : memref<!tpu.dma_semaphore, #tpu.memory_space<semaphore_mem>>) src(%dma_wait3A_629 : memref<10240x32xf32, #tpu.memory_space<hbm>>) dst(%dma_wait3A_623 : memref<128x32xf32, #tpu.memory_space<vmem>>)
      %dma_start3A_630 = arith.constant 12 : i32
      %dma_start3A_631 = arith.constant 1 : i32
      %dma_start3A_632 = arith.constant 12 : i32
      %dma_start3A_633 = arith.constant 0 : i32
      %dma_start3A_634 = arith.constant 0 : i32
      %dma_start3A_635 = tpu.memref_slice %arg7[%dma_start3A_630, %dma_start3A_633, %dma_start3A_634] : memref<16x128x32xf32, #tpu.memory_space<vmem>> -> memref<1x128x32xf32, #tpu.memory_space<vmem>>
      %dma_start3A_636 = tpu.memref_squeeze %dma_start3A_635 : memref<1x128x32xf32, #tpu.memory_space<vmem>> -> memref<128x32xf32, #tpu.memory_space<vmem>>
      %dma_start3A_637 = arith.constant 0 : i32
      %dma_start3A_638 = tpu.memref_slice %arg6[%rem3A_59, %dma_start3A_631, %dma_start3A_632, %dma_start3A_637] : memref<2x2x16x128xi32, #tpu.memory_space<vmem>> -> memref<1x1x1x128xi32, #tpu.memory_space<vmem>>
      %dma_start3A_639 = tpu.memref_squeeze %dma_start3A_638 : memref<1x1x1x128xi32, #tpu.memory_space<vmem>> -> memref<128xi32, #tpu.memory_space<vmem>>
      %dma_start3A_640 = arith.constant 0 : i32
      %dma_start3A_641 = arith.constant 0 : i32
      %dma_start3A_642 = tpu.memref_slice %arg12[%dma_start3A_640, %dma_start3A_641] : memref<10240x32xf32, #tpu.memory_space<vmem_shared>> -> memref<10240x32xf32, #tpu.memory_space<vmem_shared>>
      tpu.enqueue_indirect_dma source(%dma_start3A_636 : memref<128x32xf32, #tpu.memory_space<vmem>>) target(%dma_start3A_642 : memref<10240x32xf32, #tpu.memory_space<vmem_shared>>) offsets(%dma_start3A_639 : memref<128xi32, #tpu.memory_space<vmem>>) semaphore(%arg11 : memref<!tpu.dma_semaphore, #tpu.memory_space<semaphore_mem>>) {add = true}
      %dma_wait3A_643 = arith.constant 0 : i32
      %dma_wait3A_644 = arith.constant 13 : i32
      %dma_wait3A_645 = arith.constant 13 : i32
      %dma_wait3A_646 = arith.constant 0 : i32
      %dma_wait3A_647 = arith.constant 0 : i32
      %dma_wait3A_648 = tpu.memref_slice %arg7[%dma_wait3A_645, %dma_wait3A_646, %dma_wait3A_647] : memref<16x128x32xf32, #tpu.memory_space<vmem>> -> memref<1x128x32xf32, #tpu.memory_space<vmem>>
      %dma_wait3A_649 = tpu.memref_squeeze %dma_wait3A_648 : memref<1x128x32xf32, #tpu.memory_space<vmem>> -> memref<128x32xf32, #tpu.memory_space<vmem>>
      %dma_wait3A_650 = arith.constant 0 : i32
      %dma_wait3A_651 = tpu.memref_slice %arg6[%rem3A_59, %dma_wait3A_643, %dma_wait3A_644, %dma_wait3A_650] : memref<2x2x16x128xi32, #tpu.memory_space<vmem>> -> memref<1x1x1x128xi32, #tpu.memory_space<vmem>>
      %dma_wait3A_652 = tpu.memref_squeeze %dma_wait3A_651 : memref<1x1x1x128xi32, #tpu.memory_space<vmem>> -> memref<128xi32, #tpu.memory_space<vmem>>
      %dma_wait3A_653 = arith.constant 0 : i32
      %dma_wait3A_654 = arith.constant 0 : i32
      %dma_wait3A_655 = tpu.memref_slice %arg2[%dma_wait3A_653, %dma_wait3A_654] : memref<10240x32xf32, #tpu.memory_space<hbm>> -> memref<10240x32xf32, #tpu.memory_space<hbm>>
      tpu.wait_indirect_dma semaphore(%arg10 : memref<!tpu.dma_semaphore, #tpu.memory_space<semaphore_mem>>) src(%dma_wait3A_655 : memref<10240x32xf32, #tpu.memory_space<hbm>>) dst(%dma_wait3A_649 : memref<128x32xf32, #tpu.memory_space<vmem>>)
      %dma_start3A_656 = arith.constant 13 : i32
      %dma_start3A_657 = arith.constant 1 : i32
      %dma_start3A_658 = arith.constant 13 : i32
      %dma_start3A_659 = arith.constant 0 : i32
      %dma_start3A_660 = arith.constant 0 : i32
      %dma_start3A_661 = tpu.memref_slice %arg7[%dma_start3A_656, %dma_start3A_659, %dma_start3A_660] : memref<16x128x32xf32, #tpu.memory_space<vmem>> -> memref<1x128x32xf32, #tpu.memory_space<vmem>>
      %dma_start3A_662 = tpu.memref_squeeze %dma_start3A_661 : memref<1x128x32xf32, #tpu.memory_space<vmem>> -> memref<128x32xf32, #tpu.memory_space<vmem>>
      %dma_start3A_663 = arith.constant 0 : i32
      %dma_start3A_664 = tpu.memref_slice %arg6[%rem3A_59, %dma_start3A_657, %dma_start3A_658, %dma_start3A_663] : memref<2x2x16x128xi32, #tpu.memory_space<vmem>> -> memref<1x1x1x128xi32, #tpu.memory_space<vmem>>
      %dma_start3A_665 = tpu.memref_squeeze %dma_start3A_664 : memref<1x1x1x128xi32, #tpu.memory_space<vmem>> -> memref<128xi32, #tpu.memory_space<vmem>>
      %dma_start3A_666 = arith.constant 0 : i32
      %dma_start3A_667 = arith.constant 0 : i32
      %dma_start3A_668 = tpu.memref_slice %arg12[%dma_start3A_666, %dma_start3A_667] : memref<10240x32xf32, #tpu.memory_space<vmem_shared>> -> memref<10240x32xf32, #tpu.memory_space<vmem_shared>>
      tpu.enqueue_indirect_dma source(%dma_start3A_662 : memref<128x32xf32, #tpu.memory_space<vmem>>) target(%dma_start3A_668 : memref<10240x32xf32, #tpu.memory_space<vmem_shared>>) offsets(%dma_start3A_665 : memref<128xi32, #tpu.memory_space<vmem>>) semaphore(%arg11 : memref<!tpu.dma_semaphore, #tpu.memory_space<semaphore_mem>>) {add = true}
      %dma_wait3A_669 = arith.constant 0 : i32
      %dma_wait3A_670 = arith.constant 14 : i32
      %dma_wait3A_671 = arith.constant 14 : i32
      %dma_wait3A_672 = arith.constant 0 : i32
      %dma_wait3A_673 = arith.constant 0 : i32
      %dma_wait3A_674 = tpu.memref_slice %arg7[%dma_wait3A_671, %dma_wait3A_672, %dma_wait3A_673] : memref<16x128x32xf32, #tpu.memory_space<vmem>> -> memref<1x128x32xf32, #tpu.memory_space<vmem>>
      %dma_wait3A_675 = tpu.memref_squeeze %dma_wait3A_674 : memref<1x128x32xf32, #tpu.memory_space<vmem>> -> memref<128x32xf32, #tpu.memory_space<vmem>>
      %dma_wait3A_676 = arith.constant 0 : i32
      %dma_wait3A_677 = tpu.memref_slice %arg6[%rem3A_59, %dma_wait3A_669, %dma_wait3A_670, %dma_wait3A_676] : memref<2x2x16x128xi32, #tpu.memory_space<vmem>> -> memref<1x1x1x128xi32, #tpu.memory_space<vmem>>
      %dma_wait3A_678 = tpu.memref_squeeze %dma_wait3A_677 : memref<1x1x1x128xi32, #tpu.memory_space<vmem>> -> memref<128xi32, #tpu.memory_space<vmem>>
      %dma_wait3A_679 = arith.constant 0 : i32
      %dma_wait3A_680 = arith.constant 0 : i32
      %dma_wait3A_681 = tpu.memref_slice %arg2[%dma_wait3A_679, %dma_wait3A_680] : memref<10240x32xf32, #tpu.memory_space<hbm>> -> memref<10240x32xf32, #tpu.memory_space<hbm>>
      tpu.wait_indirect_dma semaphore(%arg10 : memref<!tpu.dma_semaphore, #tpu.memory_space<semaphore_mem>>) src(%dma_wait3A_681 : memref<10240x32xf32, #tpu.memory_space<hbm>>) dst(%dma_wait3A_675 : memref<128x32xf32, #tpu.memory_space<vmem>>)
      %dma_start3A_682 = arith.constant 14 : i32
      %dma_start3A_683 = arith.constant 1 : i32
      %dma_start3A_684 = arith.constant 14 : i32
      %dma_start3A_685 = arith.constant 0 : i32
      %dma_start3A_686 = arith.constant 0 : i32
      %dma_start3A_687 = tpu.memref_slice %arg7[%dma_start3A_682, %dma_start3A_685, %dma_start3A_686] : memref<16x128x32xf32, #tpu.memory_space<vmem>> -> memref<1x128x32xf32, #tpu.memory_space<vmem>>
      %dma_start3A_688 = tpu.memref_squeeze %dma_start3A_687 : memref<1x128x32xf32, #tpu.memory_space<vmem>> -> memref<128x32xf32, #tpu.memory_space<vmem>>
      %dma_start3A_689 = arith.constant 0 : i32
      %dma_start3A_690 = tpu.memref_slice %arg6[%rem3A_59, %dma_start3A_683, %dma_start3A_684, %dma_start3A_689] : memref<2x2x16x128xi32, #tpu.memory_space<vmem>> -> memref<1x1x1x128xi32, #tpu.memory_space<vmem>>
      %dma_start3A_691 = tpu.memref_squeeze %dma_start3A_690 : memref<1x1x1x128xi32, #tpu.memory_space<vmem>> -> memref<128xi32, #tpu.memory_space<vmem>>
      %dma_start3A_692 = arith.constant 0 : i32
      %dma_start3A_693 = arith.constant 0 : i32
      %dma_start3A_694 = tpu.memref_slice %arg12[%dma_start3A_692, %dma_start3A_693] : memref<10240x32xf32, #tpu.memory_space<vmem_shared>> -> memref<10240x32xf32, #tpu.memory_space<vmem_shared>>
      tpu.enqueue_indirect_dma source(%dma_start3A_688 : memref<128x32xf32, #tpu.memory_space<vmem>>) target(%dma_start3A_694 : memref<10240x32xf32, #tpu.memory_space<vmem_shared>>) offsets(%dma_start3A_691 : memref<128xi32, #tpu.memory_space<vmem>>) semaphore(%arg11 : memref<!tpu.dma_semaphore, #tpu.memory_space<semaphore_mem>>) {add = true}
      %dma_wait3A_695 = arith.constant 0 : i32
      %dma_wait3A_696 = arith.constant 15 : i32
      %dma_wait3A_697 = arith.constant 15 : i32
      %dma_wait3A_698 = arith.constant 0 : i32
      %dma_wait3A_699 = arith.constant 0 : i32
      %dma_wait3A_700 = tpu.memref_slice %arg7[%dma_wait3A_697, %dma_wait3A_698, %dma_wait3A_699] : memref<16x128x32xf32, #tpu.memory_space<vmem>> -> memref<1x128x32xf32, #tpu.memory_space<vmem>>
      %dma_wait3A_701 = tpu.memref_squeeze %dma_wait3A_700 : memref<1x128x32xf32, #tpu.memory_space<vmem>> -> memref<128x32xf32, #tpu.memory_space<vmem>>
      %dma_wait3A_702 = arith.constant 0 : i32
      %dma_wait3A_703 = tpu.memref_slice %arg6[%rem3A_59, %dma_wait3A_695, %dma_wait3A_696, %dma_wait3A_702] : memref<2x2x16x128xi32, #tpu.memory_space<vmem>> -> memref<1x1x1x128xi32, #tpu.memory_space<vmem>>
      %dma_wait3A_704 = tpu.memref_squeeze %dma_wait3A_703 : memref<1x1x1x128xi32, #tpu.memory_space<vmem>> -> memref<128xi32, #tpu.memory_space<vmem>>
      %dma_wait3A_705 = arith.constant 0 : i32
      %dma_wait3A_706 = arith.constant 0 : i32
      %dma_wait3A_707 = tpu.memref_slice %arg2[%dma_wait3A_705, %dma_wait3A_706] : memref<10240x32xf32, #tpu.memory_space<hbm>> -> memref<10240x32xf32, #tpu.memory_space<hbm>>
      tpu.wait_indirect_dma semaphore(%arg10 : memref<!tpu.dma_semaphore, #tpu.memory_space<semaphore_mem>>) src(%dma_wait3A_707 : memref<10240x32xf32, #tpu.memory_space<hbm>>) dst(%dma_wait3A_701 : memref<128x32xf32, #tpu.memory_space<vmem>>)
      %dma_start3A_708 = arith.constant 15 : i32
      %dma_start3A_709 = arith.constant 1 : i32
      %dma_start3A_710 = arith.constant 15 : i32
      %dma_start3A_711 = arith.constant 0 : i32
      %dma_start3A_712 = arith.constant 0 : i32
      %dma_start3A_713 = tpu.memref_slice %arg7[%dma_start3A_708, %dma_start3A_711, %dma_start3A_712] : memref<16x128x32xf32, #tpu.memory_space<vmem>> -> memref<1x128x32xf32, #tpu.memory_space<vmem>>
      %dma_start3A_714 = tpu.memref_squeeze %dma_start3A_713 : memref<1x128x32xf32, #tpu.memory_space<vmem>> -> memref<128x32xf32, #tpu.memory_space<vmem>>
      %dma_start3A_715 = arith.constant 0 : i32
      %dma_start3A_716 = tpu.memref_slice %arg6[%rem3A_59, %dma_start3A_709, %dma_start3A_710, %dma_start3A_715] : memref<2x2x16x128xi32, #tpu.memory_space<vmem>> -> memref<1x1x1x128xi32, #tpu.memory_space<vmem>>
      %dma_start3A_717 = tpu.memref_squeeze %dma_start3A_716 : memref<1x1x1x128xi32, #tpu.memory_space<vmem>> -> memref<128xi32, #tpu.memory_space<vmem>>
      %dma_start3A_718 = arith.constant 0 : i32
      %dma_start3A_719 = arith.constant 0 : i32
      %dma_start3A_720 = tpu.memref_slice %arg12[%dma_start3A_718, %dma_start3A_719] : memref<10240x32xf32, #tpu.memory_space<vmem_shared>> -> memref<10240x32xf32, #tpu.memory_space<vmem_shared>>
      tpu.enqueue_indirect_dma source(%dma_start3A_714 : memref<128x32xf32, #tpu.memory_space<vmem>>) target(%dma_start3A_720 : memref<10240x32xf32, #tpu.memory_space<vmem_shared>>) offsets(%dma_start3A_717 : memref<128xi32, #tpu.memory_space<vmem>>) semaphore(%arg11 : memref<!tpu.dma_semaphore, #tpu.memory_space<semaphore_mem>>) {add = true}
      %dma_wait3A_721 = arith.constant 0 : i32
      %dma_wait3A_722 = arith.constant 1 : i32
      %dma_wait3A_723 = arith.constant 0 : i32
      %dma_wait3A_724 = arith.constant 0 : i32
      %dma_wait3A_725 = arith.constant 0 : i32
      %dma_wait3A_726 = tpu.memref_slice %arg7[%dma_wait3A_721, %dma_wait3A_724, %dma_wait3A_725] : memref<16x128x32xf32, #tpu.memory_space<vmem>> -> memref<1x128x32xf32, #tpu.memory_space<vmem>>
      %dma_wait3A_727 = tpu.memref_squeeze %dma_wait3A_726 : memref<1x128x32xf32, #tpu.memory_space<vmem>> -> memref<128x32xf32, #tpu.memory_space<vmem>>
      %dma_wait3A_728 = arith.constant 0 : i32
      %dma_wait3A_729 = tpu.memref_slice %arg6[%rem3A_59, %dma_wait3A_722, %dma_wait3A_723, %dma_wait3A_728] : memref<2x2x16x128xi32, #tpu.memory_space<vmem>> -> memref<1x1x1x128xi32, #tpu.memory_space<vmem>>
      %dma_wait3A_730 = tpu.memref_squeeze %dma_wait3A_729 : memref<1x1x1x128xi32, #tpu.memory_space<vmem>> -> memref<128xi32, #tpu.memory_space<vmem>>
      %dma_wait3A_731 = arith.constant 0 : i32
      %dma_wait3A_732 = arith.constant 0 : i32
      %dma_wait3A_733 = tpu.memref_slice %arg12[%dma_wait3A_731, %dma_wait3A_732] : memref<10240x32xf32, #tpu.memory_space<vmem_shared>> -> memref<10240x32xf32, #tpu.memory_space<vmem_shared>>
      tpu.wait_indirect_dma semaphore(%arg11 : memref<!tpu.dma_semaphore, #tpu.memory_space<semaphore_mem>>) src(%dma_wait3A_727 : memref<128x32xf32, #tpu.memory_space<vmem>>) dst(%dma_wait3A_733 : memref<10240x32xf32, #tpu.memory_space<vmem_shared>>)
      %dma_wait3A_734 = arith.constant 1 : i32
      %dma_wait3A_735 = arith.constant 1 : i32
      %dma_wait3A_736 = arith.constant 1 : i32
      %dma_wait3A_737 = arith.constant 0 : i32
      %dma_wait3A_738 = arith.constant 0 : i32
      %dma_wait3A_739 = tpu.memref_slice %arg7[%dma_wait3A_734, %dma_wait3A_737, %dma_wait3A_738] : memref<16x128x32xf32, #tpu.memory_space<vmem>> -> memref<1x128x32xf32, #tpu.memory_space<vmem>>
      %dma_wait3A_740 = tpu.memref_squeeze %dma_wait3A_739 : memref<1x128x32xf32, #tpu.memory_space<vmem>> -> memref<128x32xf32, #tpu.memory_space<vmem>>
      %dma_wait3A_741 = arith.constant 0 : i32
      %dma_wait3A_742 = tpu.memref_slice %arg6[%rem3A_59, %dma_wait3A_735, %dma_wait3A_736, %dma_wait3A_741] : memref<2x2x16x128xi32, #tpu.memory_space<vmem>> -> memref<1x1x1x128xi32, #tpu.memory_space<vmem>>
      %dma_wait3A_743 = tpu.memref_squeeze %dma_wait3A_742 : memref<1x1x1x128xi32, #tpu.memory_space<vmem>> -> memref<128xi32, #tpu.memory_space<vmem>>
      %dma_wait3A_744 = arith.constant 0 : i32
      %dma_wait3A_745 = arith.constant 0 : i32
      %dma_wait3A_746 = tpu.memref_slice %arg12[%dma_wait3A_744, %dma_wait3A_745] : memref<10240x32xf32, #tpu.memory_space<vmem_shared>> -> memref<10240x32xf32, #tpu.memory_space<vmem_shared>>
      tpu.wait_indirect_dma semaphore(%arg11 : memref<!tpu.dma_semaphore, #tpu.memory_space<semaphore_mem>>) src(%dma_wait3A_740 : memref<128x32xf32, #tpu.memory_space<vmem>>) dst(%dma_wait3A_746 : memref<10240x32xf32, #tpu.memory_space<vmem_shared>>)
      %dma_wait3A_747 = arith.constant 2 : i32
      %dma_wait3A_748 = arith.constant 1 : i32
      %dma_wait3A_749 = arith.constant 2 : i32
      %dma_wait3A_750 = arith.constant 0 : i32
      %dma_wait3A_751 = arith.constant 0 : i32
      %dma_wait3A_752 = tpu.memref_slice %arg7[%dma_wait3A_747, %dma_wait3A_750, %dma_wait3A_751] : memref<16x128x32xf32, #tpu.memory_space<vmem>> -> memref<1x128x32xf32, #tpu.memory_space<vmem>>
      %dma_wait3A_753 = tpu.memref_squeeze %dma_wait3A_752 : memref<1x128x32xf32, #tpu.memory_space<vmem>> -> memref<128x32xf32, #tpu.memory_space<vmem>>
      %dma_wait3A_754 = arith.constant 0 : i32
      %dma_wait3A_755 = tpu.memref_slice %arg6[%rem3A_59, %dma_wait3A_748, %dma_wait3A_749, %dma_wait3A_754] : memref<2x2x16x128xi32, #tpu.memory_space<vmem>> -> memref<1x1x1x128xi32, #tpu.memory_space<vmem>>
      %dma_wait3A_756 = tpu.memref_squeeze %dma_wait3A_755 : memref<1x1x1x128xi32, #tpu.memory_space<vmem>> -> memref<128xi32, #tpu.memory_space<vmem>>
      %dma_wait3A_757 = arith.constant 0 : i32
      %dma_wait3A_758 = arith.constant 0 : i32
      %dma_wait3A_759 = tpu.memref_slice %arg12[%dma_wait3A_757, %dma_wait3A_758] : memref<10240x32xf32, #tpu.memory_space<vmem_shared>> -> memref<10240x32xf32, #tpu.memory_space<vmem_shared>>
      tpu.wait_indirect_dma semaphore(%arg11 : memref<!tpu.dma_semaphore, #tpu.memory_space<semaphore_mem>>) src(%dma_wait3A_753 : memref<128x32xf32, #tpu.memory_space<vmem>>) dst(%dma_wait3A_759 : memref<10240x32xf32, #tpu.memory_space<vmem_shared>>)
      %dma_wait3A_760 = arith.constant 3 : i32
      %dma_wait3A_761 = arith.constant 1 : i32
      %dma_wait3A_762 = arith.constant 3 : i32
      %dma_wait3A_763 = arith.constant 0 : i32
      %dma_wait3A_764 = arith.constant 0 : i32
      %dma_wait3A_765 = tpu.memref_slice %arg7[%dma_wait3A_760, %dma_wait3A_763, %dma_wait3A_764] : memref<16x128x32xf32, #tpu.memory_space<vmem>> -> memref<1x128x32xf32, #tpu.memory_space<vmem>>
      %dma_wait3A_766 = tpu.memref_squeeze %dma_wait3A_765 : memref<1x128x32xf32, #tpu.memory_space<vmem>> -> memref<128x32xf32, #tpu.memory_space<vmem>>
      %dma_wait3A_767 = arith.constant 0 : i32
      %dma_wait3A_768 = tpu.memref_slice %arg6[%rem3A_59, %dma_wait3A_761, %dma_wait3A_762, %dma_wait3A_767] : memref<2x2x16x128xi32, #tpu.memory_space<vmem>> -> memref<1x1x1x128xi32, #tpu.memory_space<vmem>>
      %dma_wait3A_769 = tpu.memref_squeeze %dma_wait3A_768 : memref<1x1x1x128xi32, #tpu.memory_space<vmem>> -> memref<128xi32, #tpu.memory_space<vmem>>
      %dma_wait3A_770 = arith.constant 0 : i32
      %dma_wait3A_771 = arith.constant 0 : i32
      %dma_wait3A_772 = tpu.memref_slice %arg12[%dma_wait3A_770, %dma_wait3A_771] : memref<10240x32xf32, #tpu.memory_space<vmem_shared>> -> memref<10240x32xf32, #tpu.memory_space<vmem_shared>>
      tpu.wait_indirect_dma semaphore(%arg11 : memref<!tpu.dma_semaphore, #tpu.memory_space<semaphore_mem>>) src(%dma_wait3A_766 : memref<128x32xf32, #tpu.memory_space<vmem>>) dst(%dma_wait3A_772 : memref<10240x32xf32, #tpu.memory_space<vmem_shared>>)
      %dma_wait3A_773 = arith.constant 4 : i32
      %dma_wait3A_774 = arith.constant 1 : i32
      %dma_wait3A_775 = arith.constant 4 : i32
      %dma_wait3A_776 = arith.constant 0 : i32
      %dma_wait3A_777 = arith.constant 0 : i32
      %dma_wait3A_778 = tpu.memref_slice %arg7[%dma_wait3A_773, %dma_wait3A_776, %dma_wait3A_777] : memref<16x128x32xf32, #tpu.memory_space<vmem>> -> memref<1x128x32xf32, #tpu.memory_space<vmem>>
      %dma_wait3A_779 = tpu.memref_squeeze %dma_wait3A_778 : memref<1x128x32xf32, #tpu.memory_space<vmem>> -> memref<128x32xf32, #tpu.memory_space<vmem>>
      %dma_wait3A_780 = arith.constant 0 : i32
      %dma_wait3A_781 = tpu.memref_slice %arg6[%rem3A_59, %dma_wait3A_774, %dma_wait3A_775, %dma_wait3A_780] : memref<2x2x16x128xi32, #tpu.memory_space<vmem>> -> memref<1x1x1x128xi32, #tpu.memory_space<vmem>>
      %dma_wait3A_782 = tpu.memref_squeeze %dma_wait3A_781 : memref<1x1x1x128xi32, #tpu.memory_space<vmem>> -> memref<128xi32, #tpu.memory_space<vmem>>
      %dma_wait3A_783 = arith.constant 0 : i32
      %dma_wait3A_784 = arith.constant 0 : i32
      %dma_wait3A_785 = tpu.memref_slice %arg12[%dma_wait3A_783, %dma_wait3A_784] : memref<10240x32xf32, #tpu.memory_space<vmem_shared>> -> memref<10240x32xf32, #tpu.memory_space<vmem_shared>>
      tpu.wait_indirect_dma semaphore(%arg11 : memref<!tpu.dma_semaphore, #tpu.memory_space<semaphore_mem>>) src(%dma_wait3A_779 : memref<128x32xf32, #tpu.memory_space<vmem>>) dst(%dma_wait3A_785 : memref<10240x32xf32, #tpu.memory_space<vmem_shared>>)
      %dma_wait3A_786 = arith.constant 5 : i32
      %dma_wait3A_787 = arith.constant 1 : i32
      %dma_wait3A_788 = arith.constant 5 : i32
      %dma_wait3A_789 = arith.constant 0 : i32
      %dma_wait3A_790 = arith.constant 0 : i32
      %dma_wait3A_791 = tpu.memref_slice %arg7[%dma_wait3A_786, %dma_wait3A_789, %dma_wait3A_790] : memref<16x128x32xf32, #tpu.memory_space<vmem>> -> memref<1x128x32xf32, #tpu.memory_space<vmem>>
      %dma_wait3A_792 = tpu.memref_squeeze %dma_wait3A_791 : memref<1x128x32xf32, #tpu.memory_space<vmem>> -> memref<128x32xf32, #tpu.memory_space<vmem>>
      %dma_wait3A_793 = arith.constant 0 : i32
      %dma_wait3A_794 = tpu.memref_slice %arg6[%rem3A_59, %dma_wait3A_787, %dma_wait3A_788, %dma_wait3A_793] : memref<2x2x16x128xi32, #tpu.memory_space<vmem>> -> memref<1x1x1x128xi32, #tpu.memory_space<vmem>>
      %dma_wait3A_795 = tpu.memref_squeeze %dma_wait3A_794 : memref<1x1x1x128xi32, #tpu.memory_space<vmem>> -> memref<128xi32, #tpu.memory_space<vmem>>
      %dma_wait3A_796 = arith.constant 0 : i32
      %dma_wait3A_797 = arith.constant 0 : i32
      %dma_wait3A_798 = tpu.memref_slice %arg12[%dma_wait3A_796, %dma_wait3A_797] : memref<10240x32xf32, #tpu.memory_space<vmem_shared>> -> memref<10240x32xf32, #tpu.memory_space<vmem_shared>>
      tpu.wait_indirect_dma semaphore(%arg11 : memref<!tpu.dma_semaphore, #tpu.memory_space<semaphore_mem>>) src(%dma_wait3A_792 : memref<128x32xf32, #tpu.memory_space<vmem>>) dst(%dma_wait3A_798 : memref<10240x32xf32, #tpu.memory_space<vmem_shared>>)
      %dma_wait3A_799 = arith.constant 6 : i32
      %dma_wait3A_800 = arith.constant 1 : i32
      %dma_wait3A_801 = arith.constant 6 : i32
      %dma_wait3A_802 = arith.constant 0 : i32
      %dma_wait3A_803 = arith.constant 0 : i32
      %dma_wait3A_804 = tpu.memref_slice %arg7[%dma_wait3A_799, %dma_wait3A_802, %dma_wait3A_803] : memref<16x128x32xf32, #tpu.memory_space<vmem>> -> memref<1x128x32xf32, #tpu.memory_space<vmem>>
      %dma_wait3A_805 = tpu.memref_squeeze %dma_wait3A_804 : memref<1x128x32xf32, #tpu.memory_space<vmem>> -> memref<128x32xf32, #tpu.memory_space<vmem>>
      %dma_wait3A_806 = arith.constant 0 : i32
      %dma_wait3A_807 = tpu.memref_slice %arg6[%rem3A_59, %dma_wait3A_800, %dma_wait3A_801, %dma_wait3A_806] : memref<2x2x16x128xi32, #tpu.memory_space<vmem>> -> memref<1x1x1x128xi32, #tpu.memory_space<vmem>>
      %dma_wait3A_808 = tpu.memref_squeeze %dma_wait3A_807 : memref<1x1x1x128xi32, #tpu.memory_space<vmem>> -> memref<128xi32, #tpu.memory_space<vmem>>
      %dma_wait3A_809 = arith.constant 0 : i32
      %dma_wait3A_810 = arith.constant 0 : i32
      %dma_wait3A_811 = tpu.memref_slice %arg12[%dma_wait3A_809, %dma_wait3A_810] : memref<10240x32xf32, #tpu.memory_space<vmem_shared>> -> memref<10240x32xf32, #tpu.memory_space<vmem_shared>>
      tpu.wait_indirect_dma semaphore(%arg11 : memref<!tpu.dma_semaphore, #tpu.memory_space<semaphore_mem>>) src(%dma_wait3A_805 : memref<128x32xf32, #tpu.memory_space<vmem>>) dst(%dma_wait3A_811 : memref<10240x32xf32, #tpu.memory_space<vmem_shared>>)
      %dma_wait3A_812 = arith.constant 7 : i32
      %dma_wait3A_813 = arith.constant 1 : i32
      %dma_wait3A_814 = arith.constant 7 : i32
      %dma_wait3A_815 = arith.constant 0 : i32
      %dma_wait3A_816 = arith.constant 0 : i32
      %dma_wait3A_817 = tpu.memref_slice %arg7[%dma_wait3A_812, %dma_wait3A_815, %dma_wait3A_816] : memref<16x128x32xf32, #tpu.memory_space<vmem>> -> memref<1x128x32xf32, #tpu.memory_space<vmem>>
      %dma_wait3A_818 = tpu.memref_squeeze %dma_wait3A_817 : memref<1x128x32xf32, #tpu.memory_space<vmem>> -> memref<128x32xf32, #tpu.memory_space<vmem>>
      %dma_wait3A_819 = arith.constant 0 : i32
      %dma_wait3A_820 = tpu.memref_slice %arg6[%rem3A_59, %dma_wait3A_813, %dma_wait3A_814, %dma_wait3A_819] : memref<2x2x16x128xi32, #tpu.memory_space<vmem>> -> memref<1x1x1x128xi32, #tpu.memory_space<vmem>>
      %dma_wait3A_821 = tpu.memref_squeeze %dma_wait3A_820 : memref<1x1x1x128xi32, #tpu.memory_space<vmem>> -> memref<128xi32, #tpu.memory_space<vmem>>
      %dma_wait3A_822 = arith.constant 0 : i32
      %dma_wait3A_823 = arith.constant 0 : i32
      %dma_wait3A_824 = tpu.memref_slice %arg12[%dma_wait3A_822, %dma_wait3A_823] : memref<10240x32xf32, #tpu.memory_space<vmem_shared>> -> memref<10240x32xf32, #tpu.memory_space<vmem_shared>>
      tpu.wait_indirect_dma semaphore(%arg11 : memref<!tpu.dma_semaphore, #tpu.memory_space<semaphore_mem>>) src(%dma_wait3A_818 : memref<128x32xf32, #tpu.memory_space<vmem>>) dst(%dma_wait3A_824 : memref<10240x32xf32, #tpu.memory_space<vmem_shared>>)
      %dma_wait3A_825 = arith.constant 8 : i32
      %dma_wait3A_826 = arith.constant 1 : i32
      %dma_wait3A_827 = arith.constant 8 : i32
      %dma_wait3A_828 = arith.constant 0 : i32
      %dma_wait3A_829 = arith.constant 0 : i32
      %dma_wait3A_830 = tpu.memref_slice %arg7[%dma_wait3A_825, %dma_wait3A_828, %dma_wait3A_829] : memref<16x128x32xf32, #tpu.memory_space<vmem>> -> memref<1x128x32xf32, #tpu.memory_space<vmem>>
      %dma_wait3A_831 = tpu.memref_squeeze %dma_wait3A_830 : memref<1x128x32xf32, #tpu.memory_space<vmem>> -> memref<128x32xf32, #tpu.memory_space<vmem>>
      %dma_wait3A_832 = arith.constant 0 : i32
      %dma_wait3A_833 = tpu.memref_slice %arg6[%rem3A_59, %dma_wait3A_826, %dma_wait3A_827, %dma_wait3A_832] : memref<2x2x16x128xi32, #tpu.memory_space<vmem>> -> memref<1x1x1x128xi32, #tpu.memory_space<vmem>>
      %dma_wait3A_834 = tpu.memref_squeeze %dma_wait3A_833 : memref<1x1x1x128xi32, #tpu.memory_space<vmem>> -> memref<128xi32, #tpu.memory_space<vmem>>
      %dma_wait3A_835 = arith.constant 0 : i32
      %dma_wait3A_836 = arith.constant 0 : i32
      %dma_wait3A_837 = tpu.memref_slice %arg12[%dma_wait3A_835, %dma_wait3A_836] : memref<10240x32xf32, #tpu.memory_space<vmem_shared>> -> memref<10240x32xf32, #tpu.memory_space<vmem_shared>>
      tpu.wait_indirect_dma semaphore(%arg11 : memref<!tpu.dma_semaphore, #tpu.memory_space<semaphore_mem>>) src(%dma_wait3A_831 : memref<128x32xf32, #tpu.memory_space<vmem>>) dst(%dma_wait3A_837 : memref<10240x32xf32, #tpu.memory_space<vmem_shared>>)
      %dma_wait3A_838 = arith.constant 9 : i32
      %dma_wait3A_839 = arith.constant 1 : i32
      %dma_wait3A_840 = arith.constant 9 : i32
      %dma_wait3A_841 = arith.constant 0 : i32
      %dma_wait3A_842 = arith.constant 0 : i32
      %dma_wait3A_843 = tpu.memref_slice %arg7[%dma_wait3A_838, %dma_wait3A_841, %dma_wait3A_842] : memref<16x128x32xf32, #tpu.memory_space<vmem>> -> memref<1x128x32xf32, #tpu.memory_space<vmem>>
      %dma_wait3A_844 = tpu.memref_squeeze %dma_wait3A_843 : memref<1x128x32xf32, #tpu.memory_space<vmem>> -> memref<128x32xf32, #tpu.memory_space<vmem>>
      %dma_wait3A_845 = arith.constant 0 : i32
      %dma_wait3A_846 = tpu.memref_slice %arg6[%rem3A_59, %dma_wait3A_839, %dma_wait3A_840, %dma_wait3A_845] : memref<2x2x16x128xi32, #tpu.memory_space<vmem>> -> memref<1x1x1x128xi32, #tpu.memory_space<vmem>>
      %dma_wait3A_847 = tpu.memref_squeeze %dma_wait3A_846 : memref<1x1x1x128xi32, #tpu.memory_space<vmem>> -> memref<128xi32, #tpu.memory_space<vmem>>
      %dma_wait3A_848 = arith.constant 0 : i32
      %dma_wait3A_849 = arith.constant 0 : i32
      %dma_wait3A_850 = tpu.memref_slice %arg12[%dma_wait3A_848, %dma_wait3A_849] : memref<10240x32xf32, #tpu.memory_space<vmem_shared>> -> memref<10240x32xf32, #tpu.memory_space<vmem_shared>>
      tpu.wait_indirect_dma semaphore(%arg11 : memref<!tpu.dma_semaphore, #tpu.memory_space<semaphore_mem>>) src(%dma_wait3A_844 : memref<128x32xf32, #tpu.memory_space<vmem>>) dst(%dma_wait3A_850 : memref<10240x32xf32, #tpu.memory_space<vmem_shared>>)
      %dma_wait3A_851 = arith.constant 10 : i32
      %dma_wait3A_852 = arith.constant 1 : i32
      %dma_wait3A_853 = arith.constant 10 : i32
      %dma_wait3A_854 = arith.constant 0 : i32
      %dma_wait3A_855 = arith.constant 0 : i32
      %dma_wait3A_856 = tpu.memref_slice %arg7[%dma_wait3A_851, %dma_wait3A_854, %dma_wait3A_855] : memref<16x128x32xf32, #tpu.memory_space<vmem>> -> memref<1x128x32xf32, #tpu.memory_space<vmem>>
      %dma_wait3A_857 = tpu.memref_squeeze %dma_wait3A_856 : memref<1x128x32xf32, #tpu.memory_space<vmem>> -> memref<128x32xf32, #tpu.memory_space<vmem>>
      %dma_wait3A_858 = arith.constant 0 : i32
      %dma_wait3A_859 = tpu.memref_slice %arg6[%rem3A_59, %dma_wait3A_852, %dma_wait3A_853, %dma_wait3A_858] : memref<2x2x16x128xi32, #tpu.memory_space<vmem>> -> memref<1x1x1x128xi32, #tpu.memory_space<vmem>>
      %dma_wait3A_860 = tpu.memref_squeeze %dma_wait3A_859 : memref<1x1x1x128xi32, #tpu.memory_space<vmem>> -> memref<128xi32, #tpu.memory_space<vmem>>
      %dma_wait3A_861 = arith.constant 0 : i32
      %dma_wait3A_862 = arith.constant 0 : i32
      %dma_wait3A_863 = tpu.memref_slice %arg12[%dma_wait3A_861, %dma_wait3A_862] : memref<10240x32xf32, #tpu.memory_space<vmem_shared>> -> memref<10240x32xf32, #tpu.memory_space<vmem_shared>>
      tpu.wait_indirect_dma semaphore(%arg11 : memref<!tpu.dma_semaphore, #tpu.memory_space<semaphore_mem>>) src(%dma_wait3A_857 : memref<128x32xf32, #tpu.memory_space<vmem>>) dst(%dma_wait3A_863 : memref<10240x32xf32, #tpu.memory_space<vmem_shared>>)
      %dma_wait3A_864 = arith.constant 11 : i32
      %dma_wait3A_865 = arith.constant 1 : i32
      %dma_wait3A_866 = arith.constant 11 : i32
      %dma_wait3A_867 = arith.constant 0 : i32
      %dma_wait3A_868 = arith.constant 0 : i32
      %dma_wait3A_869 = tpu.memref_slice %arg7[%dma_wait3A_864, %dma_wait3A_867, %dma_wait3A_868] : memref<16x128x32xf32, #tpu.memory_space<vmem>> -> memref<1x128x32xf32, #tpu.memory_space<vmem>>
      %dma_wait3A_870 = tpu.memref_squeeze %dma_wait3A_869 : memref<1x128x32xf32, #tpu.memory_space<vmem>> -> memref<128x32xf32, #tpu.memory_space<vmem>>
      %dma_wait3A_871 = arith.constant 0 : i32
      %dma_wait3A_872 = tpu.memref_slice %arg6[%rem3A_59, %dma_wait3A_865, %dma_wait3A_866, %dma_wait3A_871] : memref<2x2x16x128xi32, #tpu.memory_space<vmem>> -> memref<1x1x1x128xi32, #tpu.memory_space<vmem>>
      %dma_wait3A_873 = tpu.memref_squeeze %dma_wait3A_872 : memref<1x1x1x128xi32, #tpu.memory_space<vmem>> -> memref<128xi32, #tpu.memory_space<vmem>>
      %dma_wait3A_874 = arith.constant 0 : i32
      %dma_wait3A_875 = arith.constant 0 : i32
      %dma_wait3A_876 = tpu.memref_slice %arg12[%dma_wait3A_874, %dma_wait3A_875] : memref<10240x32xf32, #tpu.memory_space<vmem_shared>> -> memref<10240x32xf32, #tpu.memory_space<vmem_shared>>
      tpu.wait_indirect_dma semaphore(%arg11 : memref<!tpu.dma_semaphore, #tpu.memory_space<semaphore_mem>>) src(%dma_wait3A_870 : memref<128x32xf32, #tpu.memory_space<vmem>>) dst(%dma_wait3A_876 : memref<10240x32xf32, #tpu.memory_space<vmem_shared>>)
      %dma_wait3A_877 = arith.constant 12 : i32
      %dma_wait3A_878 = arith.constant 1 : i32
      %dma_wait3A_879 = arith.constant 12 : i32
      %dma_wait3A_880 = arith.constant 0 : i32
      %dma_wait3A_881 = arith.constant 0 : i32
      %dma_wait3A_882 = tpu.memref_slice %arg7[%dma_wait3A_877, %dma_wait3A_880, %dma_wait3A_881] : memref<16x128x32xf32, #tpu.memory_space<vmem>> -> memref<1x128x32xf32, #tpu.memory_space<vmem>>
      %dma_wait3A_883 = tpu.memref_squeeze %dma_wait3A_882 : memref<1x128x32xf32, #tpu.memory_space<vmem>> -> memref<128x32xf32, #tpu.memory_space<vmem>>
      %dma_wait3A_884 = arith.constant 0 : i32
      %dma_wait3A_885 = tpu.memref_slice %arg6[%rem3A_59, %dma_wait3A_878, %dma_wait3A_879, %dma_wait3A_884] : memref<2x2x16x128xi32, #tpu.memory_space<vmem>> -> memref<1x1x1x128xi32, #tpu.memory_space<vmem>>
      %dma_wait3A_886 = tpu.memref_squeeze %dma_wait3A_885 : memref<1x1x1x128xi32, #tpu.memory_space<vmem>> -> memref<128xi32, #tpu.memory_space<vmem>>
      %dma_wait3A_887 = arith.constant 0 : i32
      %dma_wait3A_888 = arith.constant 0 : i32
      %dma_wait3A_889 = tpu.memref_slice %arg12[%dma_wait3A_887, %dma_wait3A_888] : memref<10240x32xf32, #tpu.memory_space<vmem_shared>> -> memref<10240x32xf32, #tpu.memory_space<vmem_shared>>
      tpu.wait_indirect_dma semaphore(%arg11 : memref<!tpu.dma_semaphore, #tpu.memory_space<semaphore_mem>>) src(%dma_wait3A_883 : memref<128x32xf32, #tpu.memory_space<vmem>>) dst(%dma_wait3A_889 : memref<10240x32xf32, #tpu.memory_space<vmem_shared>>)
      %dma_wait3A_890 = arith.constant 13 : i32
      %dma_wait3A_891 = arith.constant 1 : i32
      %dma_wait3A_892 = arith.constant 13 : i32
      %dma_wait3A_893 = arith.constant 0 : i32
      %dma_wait3A_894 = arith.constant 0 : i32
      %dma_wait3A_895 = tpu.memref_slice %arg7[%dma_wait3A_890, %dma_wait3A_893, %dma_wait3A_894] : memref<16x128x32xf32, #tpu.memory_space<vmem>> -> memref<1x128x32xf32, #tpu.memory_space<vmem>>
      %dma_wait3A_896 = tpu.memref_squeeze %dma_wait3A_895 : memref<1x128x32xf32, #tpu.memory_space<vmem>> -> memref<128x32xf32, #tpu.memory_space<vmem>>
      %dma_wait3A_897 = arith.constant 0 : i32
      %dma_wait3A_898 = tpu.memref_slice %arg6[%rem3A_59, %dma_wait3A_891, %dma_wait3A_892, %dma_wait3A_897] : memref<2x2x16x128xi32, #tpu.memory_space<vmem>> -> memref<1x1x1x128xi32, #tpu.memory_space<vmem>>
      %dma_wait3A_899 = tpu.memref_squeeze %dma_wait3A_898 : memref<1x1x1x128xi32, #tpu.memory_space<vmem>> -> memref<128xi32, #tpu.memory_space<vmem>>
      %dma_wait3A_900 = arith.constant 0 : i32
      %dma_wait3A_901 = arith.constant 0 : i32
      %dma_wait3A_902 = tpu.memref_slice %arg12[%dma_wait3A_900, %dma_wait3A_901] : memref<10240x32xf32, #tpu.memory_space<vmem_shared>> -> memref<10240x32xf32, #tpu.memory_space<vmem_shared>>
      tpu.wait_indirect_dma semaphore(%arg11 : memref<!tpu.dma_semaphore, #tpu.memory_space<semaphore_mem>>) src(%dma_wait3A_896 : memref<128x32xf32, #tpu.memory_space<vmem>>) dst(%dma_wait3A_902 : memref<10240x32xf32, #tpu.memory_space<vmem_shared>>)
      %dma_wait3A_903 = arith.constant 14 : i32
      %dma_wait3A_904 = arith.constant 1 : i32
      %dma_wait3A_905 = arith.constant 14 : i32
      %dma_wait3A_906 = arith.constant 0 : i32
      %dma_wait3A_907 = arith.constant 0 : i32
      %dma_wait3A_908 = tpu.memref_slice %arg7[%dma_wait3A_903, %dma_wait3A_906, %dma_wait3A_907] : memref<16x128x32xf32, #tpu.memory_space<vmem>> -> memref<1x128x32xf32, #tpu.memory_space<vmem>>
      %dma_wait3A_909 = tpu.memref_squeeze %dma_wait3A_908 : memref<1x128x32xf32, #tpu.memory_space<vmem>> -> memref<128x32xf32, #tpu.memory_space<vmem>>
      %dma_wait3A_910 = arith.constant 0 : i32
      %dma_wait3A_911 = tpu.memref_slice %arg6[%rem3A_59, %dma_wait3A_904, %dma_wait3A_905, %dma_wait3A_910] : memref<2x2x16x128xi32, #tpu.memory_space<vmem>> -> memref<1x1x1x128xi32, #tpu.memory_space<vmem>>
      %dma_wait3A_912 = tpu.memref_squeeze %dma_wait3A_911 : memref<1x1x1x128xi32, #tpu.memory_space<vmem>> -> memref<128xi32, #tpu.memory_space<vmem>>
      %dma_wait3A_913 = arith.constant 0 : i32
      %dma_wait3A_914 = arith.constant 0 : i32
      %dma_wait3A_915 = tpu.memref_slice %arg12[%dma_wait3A_913, %dma_wait3A_914] : memref<10240x32xf32, #tpu.memory_space<vmem_shared>> -> memref<10240x32xf32, #tpu.memory_space<vmem_shared>>
      tpu.wait_indirect_dma semaphore(%arg11 : memref<!tpu.dma_semaphore, #tpu.memory_space<semaphore_mem>>) src(%dma_wait3A_909 : memref<128x32xf32, #tpu.memory_space<vmem>>) dst(%dma_wait3A_915 : memref<10240x32xf32, #tpu.memory_space<vmem_shared>>)
      %dma_wait3A_916 = arith.constant 15 : i32
      %dma_wait3A_917 = arith.constant 1 : i32
      %dma_wait3A_918 = arith.constant 15 : i32
      %dma_wait3A_919 = arith.constant 0 : i32
      %dma_wait3A_920 = arith.constant 0 : i32
      %dma_wait3A_921 = tpu.memref_slice %arg7[%dma_wait3A_916, %dma_wait3A_919, %dma_wait3A_920] : memref<16x128x32xf32, #tpu.memory_space<vmem>> -> memref<1x128x32xf32, #tpu.memory_space<vmem>>
      %dma_wait3A_922 = tpu.memref_squeeze %dma_wait3A_921 : memref<1x128x32xf32, #tpu.memory_space<vmem>> -> memref<128x32xf32, #tpu.memory_space<vmem>>
      %dma_wait3A_923 = arith.constant 0 : i32
      %dma_wait3A_924 = tpu.memref_slice %arg6[%rem3A_59, %dma_wait3A_917, %dma_wait3A_918, %dma_wait3A_923] : memref<2x2x16x128xi32, #tpu.memory_space<vmem>> -> memref<1x1x1x128xi32, #tpu.memory_space<vmem>>
      %dma_wait3A_925 = tpu.memref_squeeze %dma_wait3A_924 : memref<1x1x1x128xi32, #tpu.memory_space<vmem>> -> memref<128xi32, #tpu.memory_space<vmem>>
      %dma_wait3A_926 = arith.constant 0 : i32
      %dma_wait3A_927 = arith.constant 0 : i32
      %dma_wait3A_928 = tpu.memref_slice %arg12[%dma_wait3A_926, %dma_wait3A_927] : memref<10240x32xf32, #tpu.memory_space<vmem_shared>> -> memref<10240x32xf32, #tpu.memory_space<vmem_shared>>
      tpu.wait_indirect_dma semaphore(%arg11 : memref<!tpu.dma_semaphore, #tpu.memory_space<semaphore_mem>>) src(%dma_wait3A_922 : memref<128x32xf32, #tpu.memory_space<vmem>>) dst(%dma_wait3A_928 : memref<10240x32xf32, #tpu.memory_space<vmem_shared>>)
    }
    %scan3A_49 = arith.constant 10 : i32
    %barrier3A_50 = arith.constant 0 : index
    tpu.barrier barrier_id(%barrier3A_50)
    %mul3A_51 = arith.constant 640 : i32
    %mul3A_52 = arith.muli %arg1, %mul3A_51 : i32
    "tpu.region"() ({
      %run_scoped3A = tpu.sem_alloc : memref<!tpu.dma_semaphore, #tpu.memory_space<semaphore_mem>>
      %dma_start3A_58 = arith.constant 0 : i32
      %dma_start3A_59 = tpu.memref_slice %arg12[%mul3A_52, %dma_start3A_58] : memref<10240x32xf32, #tpu.memory_space<vmem_shared>> -> memref<640x32xf32, #tpu.memory_space<vmem_shared>>
      %dma_start3A_60 = arith.constant 0 : i32
      %dma_start3A_61 = tpu.memref_slice %arg12[%mul3A_52, %dma_start3A_60] : memref<10240x32xf32, #tpu.memory_space<vmem_shared>> -> memref<640x32xf32, #tpu.memory_space<vmem_shared>>
      tpu.enqueue_dma source(%dma_start3A_61 : memref<640x32xf32, #tpu.memory_space<vmem_shared>>) target(%arg8 : memref<640x32xf32, #tpu.memory_space<vmem>>) target_semaphore(%run_scoped3A : memref<!tpu.dma_semaphore, #tpu.memory_space<semaphore_mem>>)
      %dma_wait3A = arith.constant 0 : i32
      %dma_wait3A_62 = tpu.memref_slice %arg12[%mul3A_52, %dma_wait3A] : memref<10240x32xf32, #tpu.memory_space<vmem_shared>> -> memref<640x32xf32, #tpu.memory_space<vmem_shared>>
      %dma_wait3A_63 = arith.constant 0 : i32
      %dma_wait3A_64 = tpu.memref_slice %arg12[%mul3A_52, %dma_wait3A_63] : memref<10240x32xf32, #tpu.memory_space<vmem_shared>> -> memref<640x32xf32, #tpu.memory_space<vmem_shared>>
      tpu.wait_dma2 semaphore(%run_scoped3A : memref<!tpu.dma_semaphore, #tpu.memory_space<semaphore_mem>>) src(%dma_wait3A_64 : memref<640x32xf32, #tpu.memory_space<vmem_shared>>) dst(%arg8 : memref<640x32xf32, #tpu.memory_space<vmem>>)
      tpu.yield
    }) : () -> ()
    %mul3A_53 = arith.constant 10240 : i32
    %mul3A_54 = arith.muli %arg0, %mul3A_53 : i32
    %mul3A_55 = arith.constant 640 : i32
    %mul3A_56 = arith.muli %arg1, %mul3A_55 : i32
    %add3A_57 = arith.addi %mul3A_54, %mul3A_56 : i32
    "tpu.region"() ({
      %run_scoped3A = tpu.sem_alloc : memref<!tpu.dma_semaphore, #tpu.memory_space<semaphore_mem>>
      %dma_start3A_58 = arith.constant 0 : i32
      %dma_start3A_59 = tpu.memref_slice %arg5[%add3A_57, %dma_start3A_58] : memref<20480x32xf32, #tpu.memory_space<hbm>> -> memref<640x32xf32, #tpu.memory_space<hbm>>
      %dma_start3A_60 = arith.constant 0 : i32
      %dma_start3A_61 = tpu.memref_slice %arg5[%add3A_57, %dma_start3A_60] : memref<20480x32xf32, #tpu.memory_space<hbm>> -> memref<640x32xf32, #tpu.memory_space<hbm>>
      tpu.enqueue_dma source(%arg8 : memref<640x32xf32, #tpu.memory_space<vmem>>) target(%dma_start3A_61 : memref<640x32xf32, #tpu.memory_space<hbm>>) target_semaphore(%run_scoped3A : memref<!tpu.dma_semaphore, #tpu.memory_space<semaphore_mem>>)
      %dma_wait3A = arith.constant 0 : i32
      %dma_wait3A_62 = tpu.memref_slice %arg5[%add3A_57, %dma_wait3A] : memref<20480x32xf32, #tpu.memory_space<hbm>> -> memref<640x32xf32, #tpu.memory_space<hbm>>
      %dma_wait3A_63 = arith.constant 0 : i32
      %dma_wait3A_64 = tpu.memref_slice %arg5[%add3A_57, %dma_wait3A_63] : memref<20480x32xf32, #tpu.memory_space<hbm>> -> memref<640x32xf32, #tpu.memory_space<hbm>>
      tpu.wait_dma2 semaphore(%run_scoped3A : memref<!tpu.dma_semaphore, #tpu.memory_space<semaphore_mem>>) src(%arg8 : memref<640x32xf32, #tpu.memory_space<vmem>>) dst(%dma_wait3A_64 : memref<640x32xf32, #tpu.memory_space<hbm>>)
      tpu.yield
    }) : () -> ()
    return
  }
}

module attributes {stable_mosaic.version = 14 : i64} {
  func.func @body(%arg0: memref<20480xf32, #tpu.memory_space<vmem>>, %arg1: memref<10000x128xf32, #tpu.memory_space<vmem>>, %arg2: memref<128x32xf32, #tpu.memory_space<vmem>>, %arg3: memref<10240x32xf32, #tpu.memory_space<vmem>>, %arg4: memref<10240x1xf32, #tpu.memory_space<vmem>>) attributes {dimension_semantics = [], scalar_prefetch = 0 : i64, scratch_operands = 0 : i64, tpu.core_type = #tpu.core_type<tc>} {
    %iota3A = tpu.iota {dimensions = array<i32: 0>} : vector<10240x1xi32>
    %lt3A = arith.constant 5120 : i32
    %lt3A_0 = vector.broadcast %lt3A : i32 to vector<10240x1xi32>
    %lt3A_1 = arith.cmpi slt, %iota3A, %lt3A_0 : vector<10240x1xi32>
    %jit3A = arith.constant 1.000000e+00 : f32
    %jit3A_2 = arith.constant 0.000000e+00 : f32
    %broadcast_in_dim3A = vector.broadcast %jit3A : f32 to vector<10240x1xf32>
    %broadcast_in_dim3A_3 = vector.broadcast %jit3A_2 : f32 to vector<10240x1xf32>
    %select_n3A = arith.select %lt3A_1, %broadcast_in_dim3A, %broadcast_in_dim3A_3 : vector<10240x1xi1>, vector<10240x1xf32>
    %add3A = arith.constant 1.000000e+00 : f32
    %add3A_4 = vector.broadcast %add3A : f32 to vector<10240x1xf32>
    %add3A_5 = arith.addf %add3A_4, %select_n3A : vector<10240x1xf32>
    %get3A = arith.constant 0 : index
    %get3A_6 = vector.load %arg0[%get3A] : memref<20480xf32, #tpu.memory_space<vmem>>, vector<10240xf32>
    %get3A_7 = arith.constant 10240 : index
    %get3A_8 = vector.load %arg0[%get3A_7] : memref<20480xf32, #tpu.memory_space<vmem>>, vector<10240xf32>
    %add3A_9 = arith.addf %get3A_6, %get3A_8 : vector<10240xf32>
    %broadcast_in_dim3A_10 = vector.shape_cast %add3A_9 : vector<10240xf32> to vector<10240x1xf32>
    %add3A_11 = arith.constant 1.000000e+00 : f32
    %add3A_12 = vector.broadcast %add3A_11 : f32 to vector<10240x1xf32>
    %add3A_13 = arith.addf %broadcast_in_dim3A_10, %add3A_12 : vector<10240x1xf32>
    %sub3A = arith.subf %add3A_13, %add3A_5 : vector<10240x1xf32>
    %lt3A_14 = arith.constant 10000 : i32
    %lt3A_15 = vector.broadcast %lt3A_14 : i32 to vector<10240x1xi32>
    %lt3A_16 = arith.cmpi slt, %iota3A, %lt3A_15 : vector<10240x1xi32>
    %rsqrt3A = math.rsqrt %sub3A : vector<10240x1xf32>
    %jit3A_17 = arith.constant 0.000000e+00 : f32
    %broadcast_in_dim3A_18 = vector.broadcast %jit3A_17 : f32 to vector<10240x1xf32>
    %select_n3A_19 = arith.select %lt3A_16, %rsqrt3A, %broadcast_in_dim3A_18 : vector<10240x1xi1>, vector<10240x1xf32>
    %get3A_20 = arith.constant 0 : index
    %get3A_21 = arith.constant 0 : index
    %get3A_22 = vector.load %arg1[%get3A_20, %get3A_21] : memref<10000x128xf32, #tpu.memory_space<vmem>>, vector<10000x128xf32>
    %get3A_23 = arith.constant 0 : index
    %get3A_24 = arith.constant 0 : index
    %get3A_25 = vector.load %arg2[%get3A_23, %get3A_24] : memref<128x32xf32, #tpu.memory_space<vmem>>, vector<128x32xf32>
    %dot_general3A = arith.constant dense<0.000000e+00> : vector<10000x32xf32>
    %dot_general3A_26 = tpu.matmul %get3A_22, %get3A_25, %dot_general3A {dimension_numbers = #tpu.dot_dimension_numbers<[1], [0], [0], [1], [0, 0, 1, 1], [], []>, transpose_lhs_hint = false} : vector<10000x128xf32>, vector<128x32xf32>, vector<10000x32xf32> -> vector<10000x32xf32>
    %slice3A = vector.extract_strided_slice %select_n3A_19 {offsets = [0, 0], sizes = [10000, 1], strides = [1, 1]} : vector<10240x1xf32> to vector<10000x1xf32>
    %mul3A = vector.broadcast %slice3A : vector<10000x1xf32> to vector<10000x32xf32>
    %mul3A_27 = arith.mulf %dot_general3A_26, %mul3A : vector<10000x32xf32>
    %swap3A = arith.constant 0 : index
    %swap3A_28 = arith.constant 0 : index
    %swap3A_29 = vector.load %arg3[%swap3A, %swap3A_28] : memref<10240x32xf32, #tpu.memory_space<vmem>>, vector<10000x32xf32>
    tpu.vector_store %arg3[%swap3A, %swap3A_28], %mul3A_27 {strides = array<i32>} : memref<10240x32xf32, #tpu.memory_space<vmem>>, vector<10000x32xf32>,
    %broadcast_in_dim3A_30 = arith.constant 0.000000e+00 : f32
    %broadcast_in_dim3A_31 = vector.broadcast %broadcast_in_dim3A_30 : f32 to vector<240x32xf32>
    %swap3A_32 = arith.constant 10000 : index
    %swap3A_33 = arith.constant 0 : index
    %swap3A_34 = vector.load %arg3[%swap3A_32, %swap3A_33] : memref<10240x32xf32, #tpu.memory_space<vmem>>, vector<240x32xf32>
    tpu.vector_store %arg3[%swap3A_32, %swap3A_33], %broadcast_in_dim3A_31 {strides = array<i32>} : memref<10240x32xf32, #tpu.memory_space<vmem>>, vector<240x32xf32>,
    %swap3A_35 = arith.constant 0 : index
    %swap3A_36 = arith.constant 0 : index
    %swap3A_37 = vector.load %arg4[%swap3A_35, %swap3A_36] : memref<10240x1xf32, #tpu.memory_space<vmem>>, vector<10240x1xf32>
    tpu.vector_store %arg4[%swap3A_35, %swap3A_36], %select_n3A_19 {strides = array<i32>} : memref<10240x1xf32, #tpu.memory_space<vmem>>, vector<10240x1xf32>,
    return
  }
}

module attributes {stable_mosaic.version = 14 : i64} {
  func.func @body(%arg0: memref<20480x32xf32, #tpu.memory_space<vmem>>, %arg1: memref<10240x32xf32, #tpu.memory_space<vmem>>, %arg2: memref<10240x1xf32, #tpu.memory_space<vmem>>, %arg3: memref<32x32xf32, #tpu.memory_space<vmem>>, %arg4: memref<1x32xf32, #tpu.memory_space<vmem>>, %arg5: memref<10240x32xf32, #tpu.memory_space<vmem>>) attributes {dimension_semantics = [], scalar_prefetch = 0 : i64, scratch_operands = 0 : i64, tpu.core_type = #tpu.core_type<tc>} {
    %get3A = arith.constant 0 : index
    %get3A_0 = arith.constant 0 : index
    %get3A_1 = vector.load %arg0[%get3A, %get3A_0] : memref<20480x32xf32, #tpu.memory_space<vmem>>, vector<10240x32xf32>
    %get3A_2 = arith.constant 10240 : index
    %get3A_3 = arith.constant 0 : index
    %get3A_4 = vector.load %arg0[%get3A_2, %get3A_3] : memref<20480x32xf32, #tpu.memory_space<vmem>>, vector<10240x32xf32>
    %add3A = arith.addf %get3A_1, %get3A_4 : vector<10240x32xf32>
    %get3A_5 = arith.constant 0 : index
    %get3A_6 = arith.constant 0 : index
    %get3A_7 = vector.load %arg1[%get3A_5, %get3A_6] : memref<10240x32xf32, #tpu.memory_space<vmem>>, vector<10240x32xf32>
    %add3A_8 = arith.addf %add3A, %get3A_7 : vector<10240x32xf32>
    %get3A_9 = arith.constant 0 : index
    %get3A_10 = arith.constant 0 : index
    %get3A_11 = vector.load %arg2[%get3A_9, %get3A_10] : memref<10240x1xf32, #tpu.memory_space<vmem>>, vector<10240x1xf32>
    %mul3A = vector.broadcast %get3A_11 : vector<10240x1xf32> to vector<10240x32xf32>
    %mul3A_12 = arith.mulf %add3A_8, %mul3A : vector<10240x32xf32>
    %get3A_13 = arith.constant 0 : index
    %get3A_14 = arith.constant 0 : index
    %get3A_15 = vector.load %arg4[%get3A_13, %get3A_14] : memref<1x32xf32, #tpu.memory_space<vmem>>, vector<1x32xf32>
    %add3A_16 = vector.broadcast %get3A_15 : vector<1x32xf32> to vector<10240x32xf32>
    %add3A_17 = arith.addf %mul3A_12, %add3A_16 : vector<10240x32xf32>
    %max3A = arith.constant 0.000000e+00 : f32
    %max3A_18 = vector.broadcast %max3A : f32 to vector<10240x32xf32>
    %max3A_19 = arith.maximumf %add3A_17, %max3A_18 : vector<10240x32xf32>
    %get3A_20 = arith.constant 0 : index
    %get3A_21 = arith.constant 0 : index
    %get3A_22 = vector.load %arg3[%get3A_20, %get3A_21] : memref<32x32xf32, #tpu.memory_space<vmem>>, vector<32x32xf32>
    %dot_general3A = arith.constant dense<0.000000e+00> : vector<10240x32xf32>
    %dot_general3A_23 = tpu.matmul %max3A_19, %get3A_22, %dot_general3A {dimension_numbers = #tpu.dot_dimension_numbers<[1], [0], [0], [1], [0, 0, 1, 1], [], []>, transpose_lhs_hint = false} : vector<10240x32xf32>, vector<32x32xf32>, vector<10240x32xf32> -> vector<10240x32xf32>
    %get3A_24 = arith.constant 0 : index
    %get3A_25 = arith.constant 0 : index
    %get3A_26 = vector.load %arg2[%get3A_24, %get3A_25] : memref<10240x1xf32, #tpu.memory_space<vmem>>, vector<10240x1xf32>
    %mul3A_27 = vector.broadcast %get3A_26 : vector<10240x1xf32> to vector<10240x32xf32>
    %mul3A_28 = arith.mulf %dot_general3A_23, %mul3A_27 : vector<10240x32xf32>
    %swap3A = arith.constant 0 : index
    %swap3A_29 = arith.constant 0 : index
    %swap3A_30 = vector.load %arg5[%swap3A, %swap3A_29] : memref<10240x32xf32, #tpu.memory_space<vmem>>, vector<10240x32xf32>
    tpu.vector_store %arg5[%swap3A, %swap3A_29], %mul3A_28 {strides = array<i32>} : memref<10240x32xf32, #tpu.memory_space<vmem>>, vector<10240x32xf32>,
    return
  }
}

module attributes {stable_mosaic.version = 14 : i64} {
  func.func @body(%arg0: memref<20480x32xf32, #tpu.memory_space<vmem>>, %arg1: memref<10240x32xf32, #tpu.memory_space<vmem>>, %arg2: memref<10240x1xf32, #tpu.memory_space<vmem>>, %arg3: memref<1x32xf32, #tpu.memory_space<vmem>>, %arg4: memref<1x10240xi32, #tpu.memory_space<vmem>>, %arg5: memref<32x1xf32, #tpu.memory_space<vmem>>, %arg6: memref<1x1xf32, #tpu.memory_space<vmem>>, %arg7: memref<64x1xf32, #tpu.memory_space<vmem>>) attributes {dimension_semantics = [], scalar_prefetch = 0 : i64, scratch_operands = 0 : i64, tpu.core_type = #tpu.core_type<tc>} {
    %get3A = arith.constant 0 : index
    %get3A_0 = arith.constant 0 : index
    %get3A_1 = vector.load %arg0[%get3A, %get3A_0] : memref<20480x32xf32, #tpu.memory_space<vmem>>, vector<10240x32xf32>
    %get3A_2 = arith.constant 10240 : index
    %get3A_3 = arith.constant 0 : index
    %get3A_4 = vector.load %arg0[%get3A_2, %get3A_3] : memref<20480x32xf32, #tpu.memory_space<vmem>>, vector<10240x32xf32>
    %add3A = arith.addf %get3A_1, %get3A_4 : vector<10240x32xf32>
    %get3A_5 = arith.constant 0 : index
    %get3A_6 = arith.constant 0 : index
    %get3A_7 = vector.load %arg1[%get3A_5, %get3A_6] : memref<10240x32xf32, #tpu.memory_space<vmem>>, vector<10240x32xf32>
    %add3A_8 = arith.addf %add3A, %get3A_7 : vector<10240x32xf32>
    %get3A_9 = arith.constant 0 : index
    %get3A_10 = arith.constant 0 : index
    %get3A_11 = vector.load %arg2[%get3A_9, %get3A_10] : memref<10240x1xf32, #tpu.memory_space<vmem>>, vector<10240x1xf32>
    %mul3A = vector.broadcast %get3A_11 : vector<10240x1xf32> to vector<10240x32xf32>
    %mul3A_12 = arith.mulf %add3A_8, %mul3A : vector<10240x32xf32>
    %get3A_13 = arith.constant 0 : index
    %get3A_14 = arith.constant 0 : index
    %get3A_15 = vector.load %arg3[%get3A_13, %get3A_14] : memref<1x32xf32, #tpu.memory_space<vmem>>, vector<1x32xf32>
    %add3A_16 = vector.broadcast %get3A_15 : vector<1x32xf32> to vector<10240x32xf32>
    %add3A_17 = arith.addf %mul3A_12, %add3A_16 : vector<10240x32xf32>
    %max3A = arith.constant 0.000000e+00 : f32
    %max3A_18 = vector.broadcast %max3A : f32 to vector<10240x32xf32>
    %max3A_19 = arith.maximumf %add3A_17, %max3A_18 : vector<10240x32xf32>
    %iota3A = tpu.iota {dimensions = array<i32: 0>} : vector<64x10240xi32>
    %get3A_20 = arith.constant 0 : index
    %get3A_21 = arith.constant 0 : index
    %get3A_22 = vector.load %arg4[%get3A_20, %get3A_21] : memref<1x10240xi32, #tpu.memory_space<vmem>>, vector<1x10240xi32>
    %eq3A = vector.broadcast %get3A_22 : vector<1x10240xi32> to vector<64x10240xi32>
    %eq3A_23 = arith.cmpi eq, %eq3A, %iota3A : vector<64x10240xi32>
    %convert_element_type3A = arith.extui %eq3A_23 : vector<64x10240xi1> to vector<64x10240xi32>
    %convert_element_type3A_24 = arith.sitofp %convert_element_type3A : vector<64x10240xi32> to vector<64x10240xf32>
    %dot_general3A = arith.constant dense<0.000000e+00> : vector<64x32xf32>
    %dot_general3A_25 = tpu.matmul %convert_element_type3A_24, %max3A_19, %dot_general3A {dimension_numbers = #tpu.dot_dimension_numbers<[1], [0], [0], [1], [0, 0, 1, 1], [], []>, transpose_lhs_hint = false} : vector<64x10240xf32>, vector<10240x32xf32>, vector<64x32xf32> -> vector<64x32xf32>
    %get3A_26 = arith.constant 0 : index
    %get3A_27 = arith.constant 0 : index
    %get3A_28 = vector.load %arg5[%get3A_26, %get3A_27] : memref<32x1xf32, #tpu.memory_space<vmem>>, vector<32x1xf32>
    %dot_general3A_29 = arith.constant dense<0.000000e+00> : vector<64x1xf32>
    %dot_general3A_30 = tpu.matmul %dot_general3A_25, %get3A_28, %dot_general3A_29 {dimension_numbers = #tpu.dot_dimension_numbers<[1], [0], [0], [1], [0, 0, 1, 1], [], []>, transpose_lhs_hint = false} : vector<64x32xf32>, vector<32x1xf32>, vector<64x1xf32> -> vector<64x1xf32>
    %get3A_31 = arith.constant 0 : index
    %get3A_32 = arith.constant 0 : index
    %get3A_33 = vector.load %arg6[%get3A_31, %get3A_32] : memref<1x1xf32, #tpu.memory_space<vmem>>, vector<1x1xf32>
    %add3A_34 = vector.broadcast %get3A_33 : vector<1x1xf32> to vector<64x1xf32>
    %add3A_35 = arith.addf %dot_general3A_30, %add3A_34 : vector<64x1xf32>
    %swap3A = arith.constant 0 : index
    %swap3A_36 = arith.constant 0 : index
    %swap3A_37 = vector.load %arg7[%swap3A, %swap3A_36] : memref<64x1xf32, #tpu.memory_space<vmem>>, vector<64x1xf32>
    tpu.vector_store %arg7[%swap3A, %swap3A_36], %add3A_35 {strides = array<i32>} : memref<64x1xf32, #tpu.memory_space<vmem>>, vector<64x1xf32>,
    return
  }
}

</mosaic_0001>

<sc_bundles>
// kernel: kernel.11.cloned.1.call-start
scs
__scs_entry_jumppad:
0x0: {  	(pc) =	sbr.rel $0x88, $3  }
0x1: {  	(tag) =	ssettag $0x0;
	lr =	simm.s32 $0x1  }
0x2: {  	[smem:$0x3F98] =	sst lr;
	_ =	strace $0xD0000000  }
0x3: {  	_ = 	snop  }
0x4: {  	_ = 	snop  }
0x5: {  	_ = 	snop  }
0x6: {  	_ = 	snop  }
0x7: {  	_ = 	snop  }
__scs_overlays_trampoline_lowered:
0x8: {  	[smem:$0x3FA7] =	sst s0  }
0x9: {  	[smem:$0x3FA8] =	sst s1  }
0xa: {  	[smem:$0x3FA9] =	sst s2  }
0xb: {  	[smem:$0x3FAA] =	sst s3  }
0xc: {  	[smem:$0x3FAB] =	sst s4  }
0xd: {  	[smem:$0x3FAC] =	sst s5  }
0xe: {  	[smem:$0x3FAD] =	sst s6  }
0xf: {  	[smem:$0x3FAE] =	sst s7  }
0x10: {  	[smem:$0x3FAF] =	sst s8  }
0x11: {  	[smem:$0x3FB0] =	sst s9;
	s0 =	simm.s32 @!p0 $0x0  }
0x12: {  	s1 =	sld [smem:$0x3F96];
	s0 =	simm.s32 @p0 $0x1  }
0x13: {  	[smem:$0x3FB1] =	sst s0;
	s0 =	simm.s32 @!p1 $0x0  }
0x14: {  	s2 =	sld [smem:$0x3F95];
	s0 =	simm.s32 @p1 $0x1  }
0x15: {  	[smem:$0x3FB2] =	sst s0;
	s0 =	simm.s32 @!p2 $0x0  }
0x16: {  	s3 =	sld [smem:$0x3FDB];
	s0 =	simm.s32 @p2 $0x1  }
0x17: {  	s4 =	simm.s32 $0x1BF5;
	[smem:$0x3FB4] =	sst s0  }
0x18: {  	s0 =	sld [smem:$0x3F97];
	_ =	swait.ge [sflag:s4], $0x0  }
0x19: {  	s7 =	sld [smem:$0x3F98]  }
0x1a: {  	s8 =	sadd.s32 $0xFFFFE003, lr  }
0x1b: {  	s9 =	sadd.s32 $0xFFFFFEF7, lr;
	s5 =	simm.s32 $0xFFFFFFFF;
	p2 =	slt.u32 s8, $0xFFFFF086  }
0x1c: {  	p1 =	slt.u32 s9, $0xF7A;
	s5 =	simm.s32 @!p2 $0x0  }
0x1d: {  	s5 =	simm.s32 @p1 $0x1;
	p0 =	seq.s32 s7, s2  }
0x1e: {  	s7 =	smul.u32 @!p0 $0xF7A, s2;
	p2 =	seq.s32 @!p0 s5, $0x0  }
0x1f: {  	s9 =	smul.u32 $0xF7A, s1;
	s8 =	simm.s32 @!p0 $0x1BF5;
	p2 =	por !p2, p0  }
0x20: {  	[sflag:s8] =	ssyncset.s32 @!p0 $0xFFFFF086;
	s6 =	sadd.s32 @!p0 s3, s7;
	s7 =	simm.s32 @!p0 $0x108  }
0x21: {  	s3 =	sadd.s32 s3, s9;
	s6 =	sadd.s32 @!p0 $0x88, s6;
	s7 =	simm.s32 @p2 $0x1082  }
0x22: {  	[simem:s7], [sflag:s8] =	dma.local @!p0 [hbm:s6], $0xF7A  }
0x23: {  	s9 =	sor.u32 $0xD0000000, s2;
	s6 =	simm.s32 $0x108;
	_ =	swait.ge @!p0 [sflag:s8], $0x0  }
0x24: {  	s3 =	sadd.s32 $0x88, s3;
	s6 =	simm.s32 @!p1 $0x1082;
	[sflag:s4] =	ssyncset.s32 $0xFFFFF086  }
0x25: {  	[simem:s6], [sflag:s4] =	dma.local [hbm:s3], $0xF7A  }
0x26: {  	[smem:$0x3F98] =	sst s1;
	(tag) =	ssettag s2;
	_ =	strace s9  }
0x27: {  	s1 =	sld [smem:$0x3FA8]  }
0x28: {  	s2 =	sld [smem:$0x3FA9]  }
0x29: {  	s4 =	sld [smem:$0x3FAB]  }
0x2a: {  	p0 =	seq.s32 s5, $0x0;
	s5 =	sld [smem:$0x3FAC]  }
0x2b: {  	s6 =	sld [smem:$0x3FAD]  }
0x2c: {  	s7 =	sld [smem:$0x3FAE]  }
0x2d: {  	s3 =	simm.s32 $0x108;
	s8 =	sld [smem:$0x3FAF]  }
0x2e: {  	s3 =	simm.s32 @!p0 $0x1082;
	s9 =	sld [smem:$0x3FB0]  }
0x2f: {  	lr =	sadd.s32 s0, s3;
	s0 =	sld [smem:$0x3FA7]  }
0x30: {  	s3 =	sld [smem:$0x3FAA]  }
0x31: {  	[smem:$0x3FB3] =	sst s10  }
0x32: {  	s10 =	sld [smem:$0x3FB1];
	_ =	sdelay $0x3  }
0x33: {  	p0 =	seq.s32 s10, $0x1;
	s10 =	sld [smem:$0x3FB3];
	_ =	sdelay $0x3  }
0x34: {  	[smem:$0x3FB3] =	sst s10  }
0x35: {  	s10 =	sld [smem:$0x3FB2];
	_ =	sdelay $0x3  }
0x36: {  	p1 =	seq.s32 s10, $0x1;
	s10 =	sld [smem:$0x3FB3];
	_ =	sdelay $0x3  }
0x37: {  	[smem:$0x3FB3] =	sst s10  }
0x38: {  	s10 =	sld [smem:$0x3FB4]  }
0x39: {  	_ = 	snop;
	(pc) =	sbr.ind lr, $3  }
0x3a: {  	_ = 	snop  }
0x3b: {  	_ = 	snop  }
0x3c: {  	p2 =	seq.s32 s10, $0x1;
	s10 =	sld [smem:$0x3FB3]  }
0x3d: {  	_ =	shalt  }
0x3e: {  	_ =	shalt  }
0x3f: {  	_ =	shalt  }
0x40: {  	_ =	shalt  }
0x41: {  	_ =	shalt  }
0x42: {  	_ =	shalt  }
0x43: {  	_ =	shalt  }
0x44: {  	_ =	shalt  }
0x45: {  	_ =	shalt  }
0x46: {  	_ =	shalt  }
0x47: {  	_ =	shalt  }
0x48: {  	_ =	shalt  }
0x49: {  	_ =	shalt  }
0x4a: {  	_ =	shalt  }
0x4b: {  	_ =	shalt  }
0x4c: {  	_ =	shalt  }
0x4d: {  	_ =	shalt  }
0x4e: {  	_ =	shalt  }
0x4f: {  	_ =	shalt  }
0x50: {  	_ =	shalt  }
0x51: {  	_ =	shalt  }
0x52: {  	_ =	shalt  }
0x53: {  	_ =	shalt  }
0x54: {  	_ =	shalt  }
0x55: {  	_ =	shalt  }
0x56: {  	_ =	shalt  }
0x57: {  	_ =	shalt  }
0x58: {  	_ =	shalt  }
0x59: {  	_ =	shalt  }
0x5a: {  	_ =	shalt  }
0x5b: {  	_ =	shalt  }
0x5c: {  	_ =	shalt  }
0x5d: {  	_ =	shalt  }
0x5e: {  	_ =	shalt  }
0x5f: {  	_ =	shalt  }
0x60: {  	_ =	shalt  }
0x61: {  	_ =	shalt  }
0x62: {  	_ =	shalt  }
0x63: {  	_ =	shalt  }
0x64: {  	_ =	shalt  }
0x65: {  	_ =	shalt  }
0x66: {  	_ =	shalt  }
0x67: {  	_ =	shalt  }
0x68: {  	_ =	shalt  }
0x69: {  	_ =	shalt  }
0x6a: {  	_ =	shalt  }
0x6b: {  	_ =	shalt  }
0x6c: {  	_ =	shalt  }
0x6d: {  	_ =	shalt  }
0x6e: {  	_ =	shalt  }
0x6f: {  	_ =	shalt  }
0x70: {  	_ =	shalt  }
0x71: {  	_ =	shalt  }
0x72: {  	_ =	shalt  }
0x73: {  	_ =	shalt  }
0x74: {  	_ =	shalt  }
0x75: {  	_ =	shalt  }
0x76: {  	_ =	shalt  }
0x77: {  	_ =	shalt  }
0x78: {  	_ =	shalt  }
0x79: {  	_ =	shalt  }
0x7a: {  	_ =	shalt  }
0x7b: {  	_ =	shalt  }
0x7c: {  	_ =	shalt  }
0x7d: {  	_ =	shalt  }
0x7e: {  	_ =	shalt  }
0x7f: {  	_ =	shalt  }
0x80: {  	_ =	shalt  }
0x81: {  	_ =	shalt  }
0x82: {  	_ =	shalt  }
0x83: {  	_ =	shalt  }
0x84: {  	_ =	shalt  }
0x85: {  	_ =	shalt  }
0x86: {  	_ =	shalt  }
0x87: {  	_ =	shalt  }
.Lfunc_end0:
.L_simem_size_0:
called_computation.1_lowered:
.L_overlay_start_0:
0x88: {  	s2 =	sld [smem:$0x3FD9]  }
0x89: {  	s3 =	sld [smem:$0x3FFE];
	_ =	sdelay $0x1  }
0x8a: {  	s1 =	srdreg.scid  }
0x8b: {  	s0 =	sand.u32 $0x1, s1  }
0x8c: {  	s16 =	sshll.u32 s0, $0xA;
	s2 =	sadd.s32 s3, s2  }
0x8d: {  	s2 =	sadd.s32 s2, s16  }
0x8e: {  	[smem:$0x3FBF] =	sst s2  }
0x8f: {  	_ = 	snop  }
0x90: {  	(tm) =	ssettm $0x1  }
0x91: {  	s17 =	sld [smem:$0x3FFB];
	_ =	sdelay $0x3  }
0x92: {  	_ =	strace s17  }
0x93: {  	s2 =	sld [smem:$0x3FFC];
	_ =	sdelay $0x3  }
0x94: {  	_ =	strace s2  }
0x95: {  	s2 =	sld [smem:$0x3FFD];
	_ =	sdelay $0x3  }
0x96: {  	_ =	strace s2  }
0x97: {  	_ =	strace $0x8FFFFFFF  }
0x98: {  	s18 =	sld [smem:$0x3FDB];
	_ =	sdelay $0x1  }
0x99: {  	s19 =	simm.s32 $_scs_section_size  }
0x9a: {  	s4 =	simm.s32 $_size__tile_overlayer_lowered;
	s5 =	simm.s32 $_tile_overlayer_lowered  }
0x9b: {  	s22 =	simm.s32 $0x1BFF;
	s21 =	sshll.u32 s5, $0x1;
	s2 =	sadd.s32 s19, s18  }
0x9c: {  	s6 =	simm.s32 $0x0;
	s20 =	sshll.u32 s4, $0x1;
	s4 =	sadd.s32 s21, s2  }
0x9d: {  	[timem:s6], [sflag:s22] =	dma.local [hbm:s4], s20  }
0x9e: {  	_ =	swait.ge [sflag:s22], s20  }
0x9f: {  	s3 =	ssub.s32 $0x0, s20;
	[sflag:s22] =	ssyncset.done $0x0  }
0xa0: {  	[sflag:s22] =	ssyncadd.s32 s3;
	_ =	sdelay $0x1  }
0xa1: {  	s23 =	simm.s32 $0x1B8B  }
0xa2: {  	_ =	swait.ge [sflag:s23], $0x1  }
0xa3: {  	[sflag:s23] =	ssyncset.done $0x0  }
0xa4: {  	s25 =	simm.s32 $0x1B8E;
	s24 =	sld [smem:$0x3FFE];
	[sflag:s23] =	ssyncadd.s32 $0xFFFFFFFF  }
0xa5: {  	s26 =	simm.s32 $execute0_lowered;
	[smem:$0x3FD2] =	sst s25  }
0xa6: {  	s4 =	sshll.u32 s26, $0x1;
	_ =	strace $0x80000049;
	[dreg:$0x1] =	wrdreg $0xFFFFFFFF  }
0xa7: {  	s28 =	simm.s32 $_size_execute0_lowered;
	s2 =	sadd.s32 s2, s4;
	[dreg:$0x0] =	wrdreg $0x0  }
0xa8: {  	s4 =	sshll.u32 s28, $0x1;
	[dreg:$0x2] =	wrdreg s2  }
0xa9: {  	[dreg:$0x3] =	wrdreg s4  }
0xaa: {  	[dreg:$0x4] =	wrdreg $0xC0  }
0xab: {  	_ =	task [dreg:s6], $0x5FFFF  }
0xac: {  	[dreg:$0x1] =	wrdreg $0xFFFFFFFF  }
0xad: {  	[dreg:$0x0] =	wrdreg $0x60  }
0xae: {  	[dreg:$0x2] =	wrdreg s24  }
0xaf: {  	[dreg:$0x3] =	wrdreg $0x170000  }
0xb0: {  	[dreg:$0x4] =	wrdreg $0x9  }
0xb1: {  	_ =	task.clear_ibuf [dreg:s6], $0x5FFFF;
	_ =	strace $0x90000049  }
0xb2: {  	s29 =	simm.s32 $0x9;
	_ =	strace $0x8000004B  }
0xb3: {  	_ =	swait.ge [sflag:s29], $0x1  }
0xb4: {  	[sflag:s29] =	ssyncadd.s32 $0xFFFFFFFF  }
0xb5: {  	_ =	strace $0x9000004B  }
0xb6: {  	_ =	sfence  }
0xb7: {  	s30 =	sld [smem:$0x0];
	_ =	sdelay $0x2  }
0xb8: {  	s31 =	sshll.u32 s1, $0xD;
	s1 =	sshrl.u32 s1, $0x2  }
0xb9: {  	s3 =	sand.u32 $0x4000, s31;
	s1 =	sadd.s32 s1, s30  }
0xba: {  	s0 =	sor.u32 s3, s0;
	s1 =	sshll.u32 s1, $0x11  }
0xbb: {  	s0 =	sor.u32 s1, s0  }
0xbc: {  	s0 =	sadd.s32 $0x8F2B, s0  }
0xbd: {  	[sflag:s0] =	ssyncadd.remote.s32 $0x1  }
0xbe: {  	_ =	sfence.sel $0xFFFF  }
0xbf: {  	[dreg:$0x0] =	wrdreg $0xFFFFFFFF;
	(pc) =	sbr.abs _section_cstart, $3  }
0xc0: {  	[dreg:$0x1] =	wrdreg $0xFFFFFFFF  }
0xc1: {  	_ =	task.clear_ibuf [dreg:s6], $0x2FFFF;
	_ =	strace $0x9FFFFFFF  }
0xc2: {  	(tm) =	ssettm $0x7FFFFFFF  }
0xc3: {  	_ =	shalt  }
tec
execute0_lowered:
.L_overlay_start_1:
0x0: {  	(tag) =	ssettag $0x1  }
0x1: {  	s0 =	rddreg [dreg:$0x0]  }
0x2: {  	s2 =	rddreg [dreg:$0x1]  }
0x3: {  	s3 =	simm.s32 $0x0;
	s1 =	srdreg.scid;
	s10 =	stileid.u32  }
0x4: {  	s13 =	simm.s32 $0x4;
	s15 =	simm.s32 $0x1;
	s16 =	simm.s32 $0x80  }
0x5: {  	s17 =	simm.s32 $0x2000;
	s28 =	simm.s32 $0xC000;
	s29 =	simm.s32 $0xD000  }
0x6: {  	s30 =	simm.s32 $0xE000;
	s31 =	simm.s32 $0xF000;
	s14 =	simm.s32 $0x3  }
0x7: {  	[smem:$0x7FF] =	sst s3;
	s1 =	sand.u32 $0x1, s1;
	s18 =	smul.u32 $0xA00, s10  }
0x8: {  	s4 =	sadd.s32 $0x2B000, s0;
	s6 =	sadd.s32 $0x17000, s0;
	s8 =	smul.u32 $0x14000, s10  }
0x9: {  	s7 =	sadd.s32 $0x2600, s0;
	_ =	strace $0x8000004A;
	s5 =	smul.u32 $0xA000, s1  }
0xa: {  	s19 =	sshll.u32 s1, $0x4;
	s9 =	smul.u32 $0x50000, s1;
	s1 =	ssub.s32 $0x2, s1  }
0xb: {  	s20 =	sshrl.u32 s1, $0x1;
	s21 =	sshrl.u32 s8, $0x2;
	s3 =	sadd.s32 s18, s5  }
0xc: {  	s5 =	sor.u32 s10, s19;
	s10 =	smul.u32 $0x5000, s10;
	s1 =	ssub.s32 s1, s20  }
0xd: {  	s18 =	simm.s32 $0x3000;
	s19 =	simm.s32 $0x4000;
	s20 =	simm.s32 $0x5000  }
0xe: {  	s0 =	sadd.s32 s3, s0;
	s11 =	smul.u32 $0xA00, s5;
	s1 =	smax.u32 s1, $0x1  }
0xf: {  	s3 =	simm.s32 $0x2;
	s22 =	sadd.s32 s10, s9;
	s9 =	sadd.s32 s21, s2  }
0x10: {  	s0 =	sadd.s32 $0x35000, s0;
	[dreg:$0x7] =	wrdreg s1;
	s21 =	simm.s32 $0x6000  }
0x11: {  	s1 =	simm.s32 $0x11000;
	s23 =	sadd.s32 s6, s11;
	[dreg:$0x6] =	wrdreg s0  }
0x12: {  	s24 =	sor.u32 $0x800, s22;
	s5 =	sadd.s32 s7, s11;
	[dreg:$0x3] =	wrdreg s9  }
0x13: {  	s11 =	simm.s32 $0x12000;
	s22 =	simm.s32 $0x7000;
	[dreg:$0x4] =	wrdreg s23  }
0x14: {  	[dreg:$0x5] =	wrdreg s5;
	s25 =	sshrl.u32 s24, $0x3;
	s23 =	simm.s32 $0x8000  }
0x15: {  	s24 =	simm.s32 $0x9000;
	s26 =	sadd.s32 s25, s7;
	s0 =	sadd.s32 s25, s6  }
0x16: {  	s25 =	simm.s32 $0xA000;
	s6 =	simm.s32 $0x0;
	[dreg:$0x8] =	wrdreg s26  }
0x17: {  	v0 =	vimm.f32 $0.0e+00;
	[dreg:$0x9] =	wrdreg s0;
	s26 =	simm.s32 $0xB000;
	s0 =	simm.s32 $0x10000  }
.LBB2_1:
0x18: {  	s7 =	simm.s32 $0x80;
	s8 =	simm.s32 $0x0  }
.LBB2_2:
0x19: {  	p0 =	sne.s32 s7, $0x13F80;
	[tilespmem:s8+$0x12000] =	vst v0;
	s10 =	smov.u32 s7;
	s7 =	sadd.s32 $0x80, s7  }
.Ltmp0:
0x1a: {  	[tilespmem:s8+$0x12010] =	vst v0;
	(pc) =	sbr.rel @p0 .LBB2_2-.Ltmp0, $2  }
0x1b: {  	_ =	sdelay $0x2  }
0x1c: {  	s8 =	sshra.s32 s10, $0x2  }
0x1d: {  	[tilespmem:s8+$0x12000] =	vst v0  }
0x1e: {  	[tilespmem:s8+$0x12010] =	vst v0  }
0x1f: {  	[spmem:s9] =	stream.linear.scatter [tilespmem:s11], [sflag:$0x4], $0x5000, $0x38;
	[tilespmem:$0x1C000] =	vst v63  }
0x20: {  	_ =	swait.ge [sflag:s13], $0x5000  }
0x21: {  	[sflag:s13] =	ssyncset.done $0x0  }
0x22: {  	s7 =	simm.s32 $0x0;
	s5 =	rddreg [dreg:$0x4];
	[sflag:s13] =	ssyncadd.s32 $0xFFFFB000  }
0x23: {  	[tilespmem:s7], [sflag:$0x1] =	stream.linear.gather [hbm4b:s5+s7], $0x800, $0x38;
	[tilespmem:$0x1C000] =	vst v63  }
0x24: {  	s12 =	simm.s32 $0x800;
	s11 =	rddreg [dreg:$0x5]  }
0x25: {  	[tilespmem:s12], [sflag:$0x1] =	stream.linear.gather [hbm4b:s11+s7], $0x800, $0x38;
	[tilespmem:$0x1C000] =	vst v63  }
0x26: {  	[bflag:$0x0] =	sbarrier.arrive $0xFFFF  }
0x27: {  	_ =	swait.ge [sflag:s15], $0x800  }
0x28: {  	[sflag:s15] =	ssyncset.done $0x0  }
0x29: {  	[sflag:s15] =	ssyncadd.s32 $0xFFFFF800  }
0x2a: {  	p0 =	por $0x0, $0x0;
	s7 =	sand.u32 $0x1, s7;
	_ =	swait.ge [sflag:s15], $0x800  }
0x2b: {  	s12 =	simm.s32 @!p0 $0x0;
	s8 =	sshll.u32 @!p0 s7, $0xC;
	[sflag:s15] =	ssyncset.done $0x0  }
0x2c: {  	s10 =	sxor.u32 @!p0 $0x1000, s8;
	s5 =	rddreg [dreg:$0x9];
	[sflag:s15] =	ssyncadd.s32 $0xFFFFF800  }
0x2d: {  	[tilespmem:s10], [sflag:$0x1] =	stream.linear.gather @!p0 [hbm4b:s5+s12], $0x800, $0x38;
	[tilespmem:$0x1C000] =	vst v63  }
0x2e: {  	s8 =	sxor.u32 @!p0 $0x1800, s8;
	s10 =	rddreg [dreg:$0x8]  }
0x2f: {  	[tilespmem:s8], [sflag:$0x1] =	stream.linear.gather @!p0 [hbm4b:s10+s12], $0x800, $0x38;
	[tilespmem:$0x1C000] =	vst v63  }
0x30: {  	s7 =	sshll.u32 s7, $0xC  }
0x31: {  	[tilespmem:s17], [sflag:$0x2] =	stream.indirect.gather [hbm4b:s4+s16], $0x20, s7, s16, $0xb8;
	[tilespmem:$0x1C000] =	vst v63  }
0x32: {  	s9 =	sor.u32 $0x80, s7  }
0x33: {  	[tilespmem:s18], [sflag:$0x2] =	stream.indirect.gather [hbm4b:s4+s16], $0x20, s9, s16, $0xb8;
	[tilespmem:$0x1C000] =	vst v63  }
0x34: {  	s11 =	sor.u32 $0x100, s7  }
0x35: {  	[tilespmem:s19], [sflag:$0x2] =	stream.indirect.gather [hbm4b:s4+s16], $0x20, s11, s16, $0xb8;
	[tilespmem:$0x1C000] =	vst v63  }
0x36: {  	s12 =	sor.u32 $0x180, s7  }
0x37: {  	[tilespmem:s20], [sflag:$0x2] =	stream.indirect.gather [hbm4b:s4+s16], $0x20, s12, s16, $0xb8;
	[tilespmem:$0x1C000] =	vst v63  }
0x38: {  	s9 =	sor.u32 $0x200, s7  }
0x39: {  	[tilespmem:s21], [sflag:$0x2] =	stream.indirect.gather [hbm4b:s4+s16], $0x20, s9, s16, $0xb8;
	[tilespmem:$0x1C000] =	vst v63  }
0x3a: {  	s11 =	sor.u32 $0x280, s7  }
0x3b: {  	[tilespmem:s22], [sflag:$0x2] =	stream.indirect.gather [hbm4b:s4+s16], $0x20, s11, s16, $0xb8;
	[tilespmem:$0x1C000] =	vst v63  }
0x3c: {  	s12 =	sor.u32 $0x300, s7  }
0x3d: {  	[tilespmem:s23], [sflag:$0x2] =	stream.indirect.gather [hbm4b:s4+s16], $0x20, s12, s16, $0xb8;
	[tilespmem:$0x1C000] =	vst v63  }
0x3e: {  	s9 =	sor.u32 $0x380, s7  }
0x3f: {  	[tilespmem:s24], [sflag:$0x2] =	stream.indirect.gather [hbm4b:s4+s16], $0x20, s9, s16, $0xb8;
	[tilespmem:$0x1C000] =	vst v63  }
0x40: {  	s11 =	sor.u32 $0x400, s7  }
0x41: {  	[tilespmem:s25], [sflag:$0x2] =	stream.indirect.gather [hbm4b:s4+s16], $0x20, s11, s16, $0xb8;
	[tilespmem:$0x1C000] =	vst v63  }
0x42: {  	s12 =	sor.u32 $0x480, s7  }
0x43: {  	[tilespmem:s26], [sflag:$0x2] =	stream.indirect.gather [hbm4b:s4+s16], $0x20, s12, s16, $0xb8;
	[tilespmem:$0x1C000] =	vst v63  }
0x44: {  	s9 =	sor.u32 $0x500, s7  }
0x45: {  	[tilespmem:s28], [sflag:$0x2] =	stream.indirect.gather [hbm4b:s4+s16], $0x20, s9, s16, $0xb8;
	[tilespmem:$0x1C000] =	vst v63  }
0x46: {  	s11 =	sor.u32 $0x580, s7  }
0x47: {  	[tilespmem:s29], [sflag:$0x2] =	stream.indirect.gather [hbm4b:s4+s16], $0x20, s11, s16, $0xb8;
	[tilespmem:$0x1C000] =	vst v63  }
0x48: {  	s12 =	sor.u32 $0x600, s7  }
0x49: {  	[tilespmem:s30], [sflag:$0x2] =	stream.indirect.gather [hbm4b:s4+s16], $0x20, s12, s16, $0xb8;
	[tilespmem:$0x1C000] =	vst v63  }
0x4a: {  	s9 =	sor.u32 $0x680, s7  }
0x4b: {  	[tilespmem:s31], [sflag:$0x2] =	stream.indirect.gather [hbm4b:s4+s16], $0x20, s9, s16, $0xb8;
	[tilespmem:$0x1C000] =	vst v63  }
0x4c: {  	s11 =	sor.u32 $0x700, s7  }
0x4d: {  	[tilespmem:s0], [sflag:$0x2] =	stream.indirect.gather [hbm4b:s4+s16], $0x20, s11, s16, $0xb8;
	[tilespmem:$0x1C000] =	vst v63  }
0x4e: {  	s12 =	sor.u32 $0x780, s7  }
0x4f: {  	[tilespmem:s1], [sflag:$0x2] =	stream.indirect.gather [hbm4b:s4+s16], $0x20, s12, s16, $0xb8;
	[tilespmem:$0x1C000] =	vst v63  }
0x50: {  	_ =	swait.ge [sflag:s3], $0x1000  }
0x51: {  	[sflag:s3] =	ssyncset.done $0x0  }
0x52: {  	s9 =	sor.u32 $0x800, s7;
	[sflag:s3] =	ssyncadd.s32 $0xFFFFF000  }
0x53: {  	[spmem:s2] =	stream.indirect.scatter.add.f32 [tilespmem:s17], [sflag:$0x3], $0x20, s9, s16, $0xb8;
	[tilespmem:$0x1C000] =	vst v63  }
0x54: {  	_ =	swait.ge [sflag:s3], $0x1000  }
0x55: {  	[sflag:s3] =	ssyncset.done $0x0  }
0x56: {  	s11 =	sor.u32 $0x880, s7;
	[sflag:s3] =	ssyncadd.s32 $0xFFFFF000  }
0x57: {  	[spmem:s2] =	stream.indirect.scatter.add.f32 [tilespmem:s18], [sflag:$0x3], $0x20, s11, s16, $0xb8;
	[tilespmem:$0x1C000] =	vst v63  }
0x58: {  	_ =	swait.ge [sflag:s3], $0x1000  }
0x59: {  	[sflag:s3] =	ssyncset.done $0x0  }
0x5a: {  	s12 =	sor.u32 $0x900, s7;
	[sflag:s3] =	ssyncadd.s32 $0xFFFFF000  }
0x5b: {  	[spmem:s2] =	stream.indirect.scatter.add.f32 [tilespmem:s19], [sflag:$0x3], $0x20, s12, s16, $0xb8;
	[tilespmem:$0x1C000] =	vst v63  }
0x5c: {  	_ =	swait.ge [sflag:s3], $0x1000  }
0x5d: {  	[sflag:s3] =	ssyncset.done $0x0  }
0x5e: {  	s9 =	sor.u32 $0x980, s7;
	[sflag:s3] =	ssyncadd.s32 $0xFFFFF000  }
0x5f: {  	[spmem:s2] =	stream.indirect.scatter.add.f32 [tilespmem:s20], [sflag:$0x3], $0x20, s9, s16, $0xb8;
	[tilespmem:$0x1C000] =	vst v63  }
0x60: {  	_ =	swait.ge [sflag:s3], $0x1000  }
0x61: {  	[sflag:s3] =	ssyncset.done $0x0  }
0x62: {  	s11 =	sor.u32 $0xA00, s7;
	[sflag:s3] =	ssyncadd.s32 $0xFFFFF000  }
0x63: {  	[spmem:s2] =	stream.indirect.scatter.add.f32 [tilespmem:s21], [sflag:$0x3], $0x20, s11, s16, $0xb8;
	[tilespmem:$0x1C000] =	vst v63  }
0x64: {  	_ =	swait.ge [sflag:s3], $0x1000  }
0x65: {  	[sflag:s3] =	ssyncset.done $0x0  }
0x66: {  	s12 =	sor.u32 $0xA80, s7;
	[sflag:s3] =	ssyncadd.s32 $0xFFFFF000  }
0x67: {  	[spmem:s2] =	stream.indirect.scatter.add.f32 [tilespmem:s22], [sflag:$0x3], $0x20, s12, s16, $0xb8;
	[tilespmem:$0x1C000] =	vst v63  }
0x68: {  	_ =	swait.ge [sflag:s3], $0x1000  }
0x69: {  	[sflag:s3] =	ssyncset.done $0x0  }
0x6a: {  	s9 =	sor.u32 $0xB00, s7;
	[sflag:s3] =	ssyncadd.s32 $0xFFFFF000  }
0x6b: {  	[spmem:s2] =	stream.indirect.scatter.add.f32 [tilespmem:s23], [sflag:$0x3], $0x20, s9, s16, $0xb8;
	[tilespmem:$0x1C000] =	vst v63  }
0x6c: {  	_ =	swait.ge [sflag:s3], $0x1000  }
0x6d: {  	[sflag:s3] =	ssyncset.done $0x0  }
0x6e: {  	s11 =	sor.u32 $0xB80, s7;
	[sflag:s3] =	ssyncadd.s32 $0xFFFFF000  }
0x6f: {  	[spmem:s2] =	stream.indirect.scatter.add.f32 [tilespmem:s24], [sflag:$0x3], $0x20, s11, s16, $0xb8;
	[tilespmem:$0x1C000] =	vst v63  }
0x70: {  	_ =	swait.ge [sflag:s3], $0x1000  }
0x71: {  	[sflag:s3] =	ssyncset.done $0x0  }
0x72: {  	s12 =	sor.u32 $0xC00, s7;
	[sflag:s3] =	ssyncadd.s32 $0xFFFFF000  }
0x73: {  	[spmem:s2] =	stream.indirect.scatter.add.f32 [tilespmem:s25], [sflag:$0x3], $0x20, s12, s16, $0xb8;
	[tilespmem:$0x1C000] =	vst v63  }
0x74: {  	_ =	swait.ge [sflag:s3], $0x1000  }
0x75: {  	[sflag:s3] =	ssyncset.done $0x0  }
0x76: {  	s9 =	sor.u32 $0xC80, s7;
	[sflag:s3] =	ssyncadd.s32 $0xFFFFF000  }
0x77: {  	[spmem:s2] =	stream.indirect.scatter.add.f32 [tilespmem:s26], [sflag:$0x3], $0x20, s9, s16, $0xb8;
	[tilespmem:$0x1C000] =	vst v63  }
0x78: {  	_ =	swait.ge [sflag:s3], $0x1000  }
0x79: {  	[sflag:s3] =	ssyncset.done $0x0  }
0x7a: {  	s11 =	sor.u32 $0xD00, s7;
	[sflag:s3] =	ssyncadd.s32 $0xFFFFF000  }
0x7b: {  	[spmem:s2] =	stream.indirect.scatter.add.f32 [tilespmem:s28], [sflag:$0x3], $0x20, s11, s16, $0xb8;
	[tilespmem:$0x1C000] =	vst v63  }
0x7c: {  	_ =	swait.ge [sflag:s3], $0x1000  }
0x7d: {  	[sflag:s3] =	ssyncset.done $0x0  }
0x7e: {  	s12 =	sor.u32 $0xD80, s7;
	[sflag:s3] =	ssyncadd.s32 $0xFFFFF000  }
0x7f: {  	[spmem:s2] =	stream.indirect.scatter.add.f32 [tilespmem:s29], [sflag:$0x3], $0x20, s12, s16, $0xb8;
	[tilespmem:$0x1C000] =	vst v63  }
0x80: {  	_ =	swait.ge [sflag:s3], $0x1000  }
0x81: {  	[sflag:s3] =	ssyncset.done $0x0  }
0x82: {  	s9 =	sor.u32 $0xE00, s7;
	[sflag:s3] =	ssyncadd.s32 $0xFFFFF000  }
0x83: {  	[spmem:s2] =	stream.indirect.scatter.add.f32 [tilespmem:s30], [sflag:$0x3], $0x20, s9, s16, $0xb8;
	[tilespmem:$0x1C000] =	vst v63  }
0x84: {  	_ =	swait.ge [sflag:s3], $0x1000  }
0x85: {  	[sflag:s3] =	ssyncset.done $0x0  }
0x86: {  	s11 =	sor.u32 $0xE80, s7;
	[sflag:s3] =	ssyncadd.s32 $0xFFFFF000  }
0x87: {  	[spmem:s2] =	stream.indirect.scatter.add.f32 [tilespmem:s31], [sflag:$0x3], $0x20, s11, s16, $0xb8;
	[tilespmem:$0x1C000] =	vst v63  }
0x88: {  	_ =	swait.ge [sflag:s3], $0x1000  }
0x89: {  	[sflag:s3] =	ssyncset.done $0x0  }
0x8a: {  	s12 =	sor.u32 $0xF00, s7;
	[sflag:s3] =	ssyncadd.s32 $0xFFFFF000  }
0x8b: {  	[spmem:s2] =	stream.indirect.scatter.add.f32 [tilespmem:s0], [sflag:$0x3], $0x20, s12, s16, $0xb8;
	[tilespmem:$0x1C000] =	vst v63  }
0x8c: {  	_ =	swait.ge [sflag:s3], $0x1000  }
0x8d: {  	[sflag:s3] =	ssyncset.done $0x0  }
0x8e: {  	s7 =	sor.u32 $0xF80, s7;
	[sflag:s3] =	ssyncadd.s32 $0xFFFFF000  }
0x8f: {  	[spmem:s2] =	stream.indirect.scatter.add.f32 [tilespmem:s1], [sflag:$0x3], $0x20, s7, s16, $0xb8;
	[tilespmem:$0x1C000] =	vst v63  }
0x90: {  	_ =	swait.ge [sflag:s14], $0x1000  }
0x91: {  	[sflag:s14] =	ssyncset.done $0x0  }
0x92: {  	[sflag:s14] =	ssyncadd.s32 $0xFFFFF000  }
0x93: {  	_ =	swait.ge [sflag:s14], $0x1000  }
0x94: {  	[sflag:s14] =	ssyncset.done $0x0  }
0x95: {  	[sflag:s14] =	ssyncadd.s32 $0xFFFFF000  }
0x96: {  	_ =	swait.ge [sflag:s14], $0x1000  }
0x97: {  	[sflag:s14] =	ssyncset.done $0x0  }
0x98: {  	[sflag:s14] =	ssyncadd.s32 $0xFFFFF000  }
0x99: {  	_ =	swait.ge [sflag:s14], $0x1000  }
0x9a: {  	[sflag:s14] =	ssyncset.done $0x0  }
0x9b: {  	[sflag:s14] =	ssyncadd.s32 $0xFFFFF000  }
0x9c: {  	_ =	swait.ge [sflag:s14], $0x1000  }
0x9d: {  	[sflag:s14] =	ssyncset.done $0x0  }
0x9e: {  	[sflag:s14] =	ssyncadd.s32 $0xFFFFF000  }
0x9f: {  	_ =	swait.ge [sflag:s14], $0x1000  }
0xa0: {  	[sflag:s14] =	ssyncset.done $0x0  }
0xa1: {  	[sflag:s14] =	ssyncadd.s32 $0xFFFFF000  }
0xa2: {  	_ =	swait.ge [sflag:s14], $0x1000  }
0xa3: {  	[sflag:s14] =	ssyncset.done $0x0  }
0xa4: {  	[sflag:s14] =	ssyncadd.s32 $0xFFFFF000  }
0xa5: {  	_ =	swait.ge [sflag:s14], $0x1000  }
0xa6: {  	[sflag:s14] =	ssyncset.done $0x0  }
0xa7: {  	[sflag:s14] =	ssyncadd.s32 $0xFFFFF000  }
0xa8: {  	_ =	swait.ge [sflag:s14], $0x1000  }
0xa9: {  	[sflag:s14] =	ssyncset.done $0x0  }
0xaa: {  	[sflag:s14] =	ssyncadd.s32 $0xFFFFF000  }
0xab: {  	_ =	swait.ge [sflag:s14], $0x1000  }
0xac: {  	[sflag:s14] =	ssyncset.done $0x0  }
0xad: {  	[sflag:s14] =	ssyncadd.s32 $0xFFFFF000  }
0xae: {  	_ =	swait.ge [sflag:s14], $0x1000  }
0xaf: {  	[sflag:s14] =	ssyncset.done $0x0  }
0xb0: {  	[sflag:s14] =	ssyncadd.s32 $0xFFFFF000  }
0xb1: {  	_ =	swait.ge [sflag:s14], $0x1000  }
0xb2: {  	[sflag:s14] =	ssyncset.done $0x0  }
0xb3: {  	[sflag:s14] =	ssyncadd.s32 $0xFFFFF000  }
0xb4: {  	_ =	swait.ge [sflag:s14], $0x1000  }
0xb5: {  	[sflag:s14] =	ssyncset.done $0x0  }
0xb6: {  	[sflag:s14] =	ssyncadd.s32 $0xFFFFF000  }
0xb7: {  	_ =	swait.ge [sflag:s14], $0x1000  }
0xb8: {  	[sflag:s14] =	ssyncset.done $0x0  }
0xb9: {  	[sflag:s14] =	ssyncadd.s32 $0xFFFFF000  }
0xba: {  	_ =	swait.ge [sflag:s14], $0x1000  }
0xbb: {  	[sflag:s14] =	ssyncset.done $0x0  }
0xbc: {  	[sflag:s14] =	ssyncadd.s32 $0xFFFFF000  }
0xbd: {  	_ =	swait.ge [sflag:s14], $0x1000  }
0xbe: {  	s8 =	sadd.s32 $0x100, s5;
	s7 =	simm.s32 $0x1;
	[sflag:s14] =	ssyncset.done $0x0  }
.LBB2_4:
0xbf: {  	[sflag:s14] =	ssyncadd.s32 $0xFFFFF000  }
0xc0: {  	s10 =	sadd.s32 $0x100, s10;
	s12 =	smov.u32 s7;
	s7 =	sadd.s32 $0x1, s7  }
0xc1: {  	_ =	swait.ge [sflag:s15], $0x800;
	p0 =	sne.s32 s7, $0xA  }
0xc2: {  	[sflag:s15] =	ssyncset.done $0x0  }
0xc3: {  	[sflag:s15] =	ssyncadd.s32 $0xFFFFF800  }
0xc4: {  	s5 =	sand.u32 $0x1, s12;
	p1 =	seq.s32 s12, $0x9;
	_ =	swait.ge [sflag:s15], $0x800  }
0xc5: {  	s12 =	sshll.u32 @!p1 s5, $0xC;
	[sflag:s15] =	ssyncset.done $0x0  }
0xc6: {  	s9 =	simm.s32 @!p1 $0x0;
	s11 =	sxor.u32 @!p1 $0x1000, s12;
	[sflag:s15] =	ssyncadd.s32 $0xFFFFF800  }
0xc7: {  	[tilespmem:s11], [sflag:$0x1] =	stream.linear.gather @!p1 [hbm4b:s8+s9], $0x800, $0x38;
	[tilespmem:$0x1C000] =	vst v63  }
0xc8: {  	s11 =	sxor.u32 @!p1 $0x1800, s12  }
0xc9: {  	[tilespmem:s11], [sflag:$0x1] =	stream.linear.gather @!p1 [hbm4b:s10+s9], $0x800, $0x38;
	[tilespmem:$0x1C000] =	vst v63  }
0xca: {  	s12 =	sshll.u32 s5, $0xC  }
0xcb: {  	[tilespmem:s17], [sflag:$0x2] =	stream.indirect.gather [hbm4b:s4+s16], $0x20, s12, s16, $0xb8;
	[tilespmem:$0x1C000] =	vst v63  }
0xcc: {  	s5 =	sor.u32 $0x80, s12  }
0xcd: {  	[tilespmem:s18], [sflag:$0x2] =	stream.indirect.gather [hbm4b:s4+s16], $0x20, s5, s16, $0xb8;
	[tilespmem:$0x1C000] =	vst v63  }
0xce: {  	s5 =	sor.u32 $0x100, s12  }
0xcf: {  	[tilespmem:s19], [sflag:$0x2] =	stream.indirect.gather [hbm4b:s4+s16], $0x20, s5, s16, $0xb8;
	[tilespmem:$0x1C000] =	vst v63  }
0xd0: {  	s5 =	sor.u32 $0x180, s12  }
0xd1: {  	[tilespmem:s20], [sflag:$0x2] =	stream.indirect.gather [hbm4b:s4+s16], $0x20, s5, s16, $0xb8;
	[tilespmem:$0x1C000] =	vst v63  }
0xd2: {  	s5 =	sor.u32 $0x200, s12  }
0xd3: {  	[tilespmem:s21], [sflag:$0x2] =	stream.indirect.gather [hbm4b:s4+s16], $0x20, s5, s16, $0xb8;
	[tilespmem:$0x1C000] =	vst v63  }
0xd4: {  	s5 =	sor.u32 $0x280, s12  }
0xd5: {  	[tilespmem:s22], [sflag:$0x2] =	stream.indirect.gather [hbm4b:s4+s16], $0x20, s5, s16, $0xb8;
	[tilespmem:$0x1C000] =	vst v63  }
0xd6: {  	s5 =	sor.u32 $0x300, s12  }
0xd7: {  	[tilespmem:s23], [sflag:$0x2] =	stream.indirect.gather [hbm4b:s4+s16], $0x20, s5, s16, $0xb8;
	[tilespmem:$0x1C000] =	vst v63  }
0xd8: {  	s5 =	sor.u32 $0x380, s12  }
0xd9: {  	[tilespmem:s24], [sflag:$0x2] =	stream.indirect.gather [hbm4b:s4+s16], $0x20, s5, s16, $0xb8;
	[tilespmem:$0x1C000] =	vst v63  }
0xda: {  	s5 =	sor.u32 $0x400, s12  }
0xdb: {  	[tilespmem:s25], [sflag:$0x2] =	stream.indirect.gather [hbm4b:s4+s16], $0x20, s5, s16, $0xb8;
	[tilespmem:$0x1C000] =	vst v63  }
0xdc: {  	s5 =	sor.u32 $0x480, s12  }
0xdd: {  	[tilespmem:s26], [sflag:$0x2] =	stream.indirect.gather [hbm4b:s4+s16], $0x20, s5, s16, $0xb8;
	[tilespmem:$0x1C000] =	vst v63  }
0xde: {  	s5 =	sor.u32 $0x500, s12  }
0xdf: {  	[tilespmem:s28], [sflag:$0x2] =	stream.indirect.gather [hbm4b:s4+s16], $0x20, s5, s16, $0xb8;
	[tilespmem:$0x1C000] =	vst v63  }
0xe0: {  	s5 =	sor.u32 $0x580, s12  }
0xe1: {  	[tilespmem:s29], [sflag:$0x2] =	stream.indirect.gather [hbm4b:s4+s16], $0x20, s5, s16, $0xb8;
	[tilespmem:$0x1C000] =	vst v63  }
0xe2: {  	s5 =	sor.u32 $0x600, s12  }
0xe3: {  	[tilespmem:s30], [sflag:$0x2] =	stream.indirect.gather [hbm4b:s4+s16], $0x20, s5, s16, $0xb8;
	[tilespmem:$0x1C000] =	vst v63  }
0xe4: {  	s5 =	sor.u32 $0x680, s12  }
0xe5: {  	[tilespmem:s31], [sflag:$0x2] =	stream.indirect.gather [hbm4b:s4+s16], $0x20, s5, s16, $0xb8;
	[tilespmem:$0x1C000] =	vst v63  }
0xe6: {  	s5 =	sor.u32 $0x700, s12  }
0xe7: {  	[tilespmem:s0], [sflag:$0x2] =	stream.indirect.gather [hbm4b:s4+s16], $0x20, s5, s16, $0xb8;
	[tilespmem:$0x1C000] =	vst v63  }
0xe8: {  	s5 =	sor.u32 $0x780, s12  }
0xe9: {  	[tilespmem:s1], [sflag:$0x2] =	stream.indirect.gather [hbm4b:s4+s16], $0x20, s5, s16, $0xb8;
	[tilespmem:$0x1C000] =	vst v63  }
0xea: {  	_ =	swait.ge [sflag:s3], $0x1000  }
0xeb: {  	[sflag:s3] =	ssyncset.done $0x0  }
0xec: {  	s5 =	sor.u32 $0x800, s12;
	[sflag:s3] =	ssyncadd.s32 $0xFFFFF000  }
0xed: {  	[spmem:s2] =	stream.indirect.scatter.add.f32 [tilespmem:s17], [sflag:$0x3], $0x20, s5, s16, $0xb8;
	[tilespmem:$0x1C000] =	vst v63  }
0xee: {  	_ =	swait.ge [sflag:s3], $0x1000  }
0xef: {  	[sflag:s3] =	ssyncset.done $0x0  }
0xf0: {  	s5 =	sor.u32 $0x880, s12;
	[sflag:s3] =	ssyncadd.s32 $0xFFFFF000  }
0xf1: {  	[spmem:s2] =	stream.indirect.scatter.add.f32 [tilespmem:s18], [sflag:$0x3], $0x20, s5, s16, $0xb8;
	[tilespmem:$0x1C000] =	vst v63  }
0xf2: {  	_ =	swait.ge [sflag:s3], $0x1000  }
0xf3: {  	[sflag:s3] =	ssyncset.done $0x0  }
0xf4: {  	s5 =	sor.u32 $0x900, s12;
	[sflag:s3] =	ssyncadd.s32 $0xFFFFF000  }
0xf5: {  	[spmem:s2] =	stream.indirect.scatter.add.f32 [tilespmem:s19], [sflag:$0x3], $0x20, s5, s16, $0xb8;
	[tilespmem:$0x1C000] =	vst v63  }
0xf6: {  	_ =	swait.ge [sflag:s3], $0x1000  }
0xf7: {  	[sflag:s3] =	ssyncset.done $0x0  }
0xf8: {  	s5 =	sor.u32 $0x980, s12;
	[sflag:s3] =	ssyncadd.s32 $0xFFFFF000  }
0xf9: {  	[spmem:s2] =	stream.indirect.scatter.add.f32 [tilespmem:s20], [sflag:$0x3], $0x20, s5, s16, $0xb8;
	[tilespmem:$0x1C000] =	vst v63  }
0xfa: {  	_ =	swait.ge [sflag:s3], $0x1000  }
0xfb: {  	[sflag:s3] =	ssyncset.done $0x0  }
0xfc: {  	s5 =	sor.u32 $0xA00, s12;
	[sflag:s3] =	ssyncadd.s32 $0xFFFFF000  }
0xfd: {  	[spmem:s2] =	stream.indirect.scatter.add.f32 [tilespmem:s21], [sflag:$0x3], $0x20, s5, s16, $0xb8;
	[tilespmem:$0x1C000] =	vst v63  }
0xfe: {  	_ =	swait.ge [sflag:s3], $0x1000  }
0xff: {  	[sflag:s3] =	ssyncset.done $0x0  }
0x100: {  	s5 =	sor.u32 $0xA80, s12;
	[sflag:s3] =	ssyncadd.s32 $0xFFFFF000  }
0x101: {  	[spmem:s2] =	stream.indirect.scatter.add.f32 [tilespmem:s22], [sflag:$0x3], $0x20, s5, s16, $0xb8;
	[tilespmem:$0x1C000] =	vst v63  }
0x102: {  	_ =	swait.ge [sflag:s3], $0x1000  }
0x103: {  	[sflag:s3] =	ssyncset.done $0x0  }
0x104: {  	s5 =	sor.u32 $0xB00, s12;
	[sflag:s3] =	ssyncadd.s32 $0xFFFFF000  }
0x105: {  	[spmem:s2] =	stream.indirect.scatter.add.f32 [tilespmem:s23], [sflag:$0x3], $0x20, s5, s16, $0xb8;
	[tilespmem:$0x1C000] =	vst v63  }
0x106: {  	_ =	swait.ge [sflag:s3], $0x1000  }
0x107: {  	[sflag:s3] =	ssyncset.done $0x0  }
0x108: {  	s5 =	sor.u32 $0xB80, s12;
	[sflag:s3] =	ssyncadd.s32 $0xFFFFF000  }
0x109: {  	[spmem:s2] =	stream.indirect.scatter.add.f32 [tilespmem:s24], [sflag:$0x3], $0x20, s5, s16, $0xb8;
	[tilespmem:$0x1C000] =	vst v63  }
0x10a: {  	_ =	swait.ge [sflag:s3], $0x1000  }
0x10b: {  	[sflag:s3] =	ssyncset.done $0x0  }
0x10c: {  	s5 =	sor.u32 $0xC00, s12;
	[sflag:s3] =	ssyncadd.s32 $0xFFFFF000  }
0x10d: {  	[spmem:s2] =	stream.indirect.scatter.add.f32 [tilespmem:s25], [sflag:$0x3], $0x20, s5, s16, $0xb8;
	[tilespmem:$0x1C000] =	vst v63  }
0x10e: {  	_ =	swait.ge [sflag:s3], $0x1000  }
0x10f: {  	[sflag:s3] =	ssyncset.done $0x0  }
0x110: {  	s5 =	sor.u32 $0xC80, s12;
	[sflag:s3] =	ssyncadd.s32 $0xFFFFF000  }
0x111: {  	[spmem:s2] =	stream.indirect.scatter.add.f32 [tilespmem:s26], [sflag:$0x3], $0x20, s5, s16, $0xb8;
	[tilespmem:$0x1C000] =	vst v63  }
0x112: {  	_ =	swait.ge [sflag:s3], $0x1000  }
0x113: {  	[sflag:s3] =	ssyncset.done $0x0  }
0x114: {  	s5 =	sor.u32 $0xD00, s12;
	[sflag:s3] =	ssyncadd.s32 $0xFFFFF000  }
0x115: {  	[spmem:s2] =	stream.indirect.scatter.add.f32 [tilespmem:s28], [sflag:$0x3], $0x20, s5, s16, $0xb8;
	[tilespmem:$0x1C000] =	vst v63  }
0x116: {  	_ =	swait.ge [sflag:s3], $0x1000  }
0x117: {  	[sflag:s3] =	ssyncset.done $0x0  }
0x118: {  	s5 =	sor.u32 $0xD80, s12;
	[sflag:s3] =	ssyncadd.s32 $0xFFFFF000  }
0x119: {  	[spmem:s2] =	stream.indirect.scatter.add.f32 [tilespmem:s29], [sflag:$0x3], $0x20, s5, s16, $0xb8;
	[tilespmem:$0x1C000] =	vst v63  }
0x11a: {  	_ =	swait.ge [sflag:s3], $0x1000  }
0x11b: {  	[sflag:s3] =	ssyncset.done $0x0  }
0x11c: {  	s5 =	sor.u32 $0xE00, s12;
	[sflag:s3] =	ssyncadd.s32 $0xFFFFF000  }
0x11d: {  	[spmem:s2] =	stream.indirect.scatter.add.f32 [tilespmem:s30], [sflag:$0x3], $0x20, s5, s16, $0xb8;
	[tilespmem:$0x1C000] =	vst v63  }
0x11e: {  	_ =	swait.ge [sflag:s3], $0x1000  }
0x11f: {  	[sflag:s3] =	ssyncset.done $0x0  }
0x120: {  	s5 =	sor.u32 $0xE80, s12;
	[sflag:s3] =	ssyncadd.s32 $0xFFFFF000  }
0x121: {  	[spmem:s2] =	stream.indirect.scatter.add.f32 [tilespmem:s31], [sflag:$0x3], $0x20, s5, s16, $0xb8;
	[tilespmem:$0x1C000] =	vst v63  }
0x122: {  	_ =	swait.ge [sflag:s3], $0x1000  }
0x123: {  	[sflag:s3] =	ssyncset.done $0x0  }
0x124: {  	s5 =	sor.u32 $0xF00, s12;
	[sflag:s3] =	ssyncadd.s32 $0xFFFFF000  }
0x125: {  	[spmem:s2] =	stream.indirect.scatter.add.f32 [tilespmem:s0], [sflag:$0x3], $0x20, s5, s16, $0xb8;
	[tilespmem:$0x1C000] =	vst v63  }
0x126: {  	_ =	swait.ge [sflag:s3], $0x1000  }
0x127: {  	[sflag:s3] =	ssyncset.done $0x0  }
0x128: {  	s5 =	sor.u32 $0xF80, s12;
	[sflag:s3] =	ssyncadd.s32 $0xFFFFF000  }
0x129: {  	[spmem:s2] =	stream.indirect.scatter.add.f32 [tilespmem:s1], [sflag:$0x3], $0x20, s5, s16, $0xb8;
	[tilespmem:$0x1C000] =	vst v63  }
0x12a: {  	_ =	swait.ge [sflag:s14], $0x1000  }
0x12b: {  	[sflag:s14] =	ssyncset.done $0x0  }
0x12c: {  	[sflag:s14] =	ssyncadd.s32 $0xFFFFF000  }
0x12d: {  	_ =	swait.ge [sflag:s14], $0x1000  }
0x12e: {  	[sflag:s14] =	ssyncset.done $0x0  }
0x12f: {  	[sflag:s14] =	ssyncadd.s32 $0xFFFFF000  }
0x130: {  	_ =	swait.ge [sflag:s14], $0x1000  }
0x131: {  	[sflag:s14] =	ssyncset.done $0x0  }
0x132: {  	[sflag:s14] =	ssyncadd.s32 $0xFFFFF000  }
0x133: {  	_ =	swait.ge [sflag:s14], $0x1000  }
0x134: {  	[sflag:s14] =	ssyncset.done $0x0  }
0x135: {  	[sflag:s14] =	ssyncadd.s32 $0xFFFFF000  }
0x136: {  	_ =	swait.ge [sflag:s14], $0x1000  }
0x137: {  	[sflag:s14] =	ssyncset.done $0x0  }
0x138: {  	[sflag:s14] =	ssyncadd.s32 $0xFFFFF000  }
0x139: {  	_ =	swait.ge [sflag:s14], $0x1000  }
0x13a: {  	[sflag:s14] =	ssyncset.done $0x0  }
0x13b: {  	[sflag:s14] =	ssyncadd.s32 $0xFFFFF000  }
0x13c: {  	_ =	swait.ge [sflag:s14], $0x1000  }
0x13d: {  	[sflag:s14] =	ssyncset.done $0x0  }
0x13e: {  	[sflag:s14] =	ssyncadd.s32 $0xFFFFF000  }
0x13f: {  	_ =	swait.ge [sflag:s14], $0x1000  }
0x140: {  	[sflag:s14] =	ssyncset.done $0x0  }
0x141: {  	[sflag:s14] =	ssyncadd.s32 $0xFFFFF000  }
0x142: {  	_ =	swait.ge [sflag:s14], $0x1000  }
0x143: {  	[sflag:s14] =	ssyncset.done $0x0  }
0x144: {  	[sflag:s14] =	ssyncadd.s32 $0xFFFFF000  }
0x145: {  	_ =	swait.ge [sflag:s14], $0x1000  }
0x146: {  	[sflag:s14] =	ssyncset.done $0x0  }
0x147: {  	[sflag:s14] =	ssyncadd.s32 $0xFFFFF000  }
0x148: {  	_ =	swait.ge [sflag:s14], $0x1000  }
0x149: {  	[sflag:s14] =	ssyncset.done $0x0  }
0x14a: {  	[sflag:s14] =	ssyncadd.s32 $0xFFFFF000  }
0x14b: {  	_ =	swait.ge [sflag:s14], $0x1000  }
0x14c: {  	[sflag:s14] =	ssyncset.done $0x0  }
0x14d: {  	[sflag:s14] =	ssyncadd.s32 $0xFFFFF000  }
0x14e: {  	_ =	swait.ge [sflag:s14], $0x1000  }
0x14f: {  	[sflag:s14] =	ssyncset.done $0x0  }
0x150: {  	[sflag:s14] =	ssyncadd.s32 $0xFFFFF000  }
0x151: {  	_ =	swait.ge [sflag:s14], $0x1000  }
0x152: {  	[sflag:s14] =	ssyncset.done $0x0  }
0x153: {  	[sflag:s14] =	ssyncadd.s32 $0xFFFFF000  }
.Ltmp1:
0x154: {  	_ =	swait.ge [sflag:s14], $0x1000;
	(pc) =	sbr.rel @p0 .LBB2_4-.Ltmp1, $4  }
0x155: {  	[sflag:s14] =	ssyncset.done $0x0  }
0x156: {  	[sflag:s14] =	ssyncadd.s32 $0xFFFFF000  }
0x157: {  	_ =	swait.ge [sflag:s14], $0x1000  }
0x158: {  	s8 =	sadd.s32 $0x100, s8;
	[sflag:s14] =	ssyncset.done $0x0  }
0x159: {  	[sflag:s14] =	ssyncadd.s32 $0xFFFFF000  }
0x15a: {  	[bflag:$0x0] =	sbarrier.arrive $0xFFFF  }
0x15b: {  	s11 =	simm.s32 $0x12000;
	s9 =	rddreg [dreg:$0x3]  }
0x15c: {  	[tilespmem:s11], [sflag:$0x4] =	stream.linear.gather [spmem:s9], $0x5000, $0x38;
	[tilespmem:$0x1C000] =	vst v63  }
0x15d: {  	_ =	swait.ge [sflag:s13], $0x5000  }
0x15e: {  	[sflag:s13] =	ssyncset.done $0x0  }
0x15f: {  	s5 =	simm.s32 $0x0;
	s7 =	rddreg [dreg:$0x6];
	[sflag:s13] =	ssyncadd.s32 $0xFFFFB000  }
0x160: {  	[hbm4b:s7+s5] =	stream.linear.scatter [tilespmem:s11], [sflag:$0x4], $0x5000, $0x38;
	[tilespmem:$0x1C000] =	vst v63  }
0x161: {  	_ =	swait.ge [sflag:s13], $0x5000  }
0x162: {  	s6 =	sadd.s32 $0x1, s6;
	s12 =	rddreg [dreg:$0x7]  }
0x163: {  	p0 =	sne.s32 s6, s12  }
.Ltmp2:
0x164: {  	_ = 	snop;
	(pc) =	sbr.rel @p0 .LBB2_1-.Ltmp2, $3  }
0x165: {  	_ =	sdelay $0x1  }
0x166: {  	[sflag:s13] =	ssyncset.done $0x0  }
0x167: {  	[sflag:s13] =	ssyncadd.s32 $0xFFFFB000  }
0x168: {  	_ =	sfence.sel $0x180000  }
0x169: {  	[bflag:$0x0] =	sbarrier.arrive $0xFFFF  }
0x16a: {  	_ =	strace $0x9000004A  }
0x16b: {  	s0 =	stileid.u32;
	[bflag:$0x2] =	sbarrier.arrive $0xFFFF  }
0x16c: {  	p0 =	sne.s32 s0, $0x0;
	s0 =	rddreg [dreg:$0x2]  }
0x16d: {  	s0 =	sadd.s32 @!p0 $0x100000, s0  }
0x16e: {  	[sflag:s0] =	ssyncadd.tile.s32 @!p0 $0x1;
	_ =	shalt  }
.Lfunc_end2:
_tile_overlayer_lowered:
.L_overlay_start_2:
0x16f: {  	(tag) =	ssettag $0x2  }
0x170: {  	s0 =	rddreg [dreg:$0x0];
	s2 =	stileid.u32  }
0x171: {  	s1 =	rddreg [dreg:$0x1];
	p0 =	sne.s32 s2, $0x0  }
0x172: {  	s3 =	rddreg [dreg:$0x2];
	[bflag:$0x3] =	sbarrier.arrive $0xFFFF;
	s2 =	simm.s32 @!p0 $0x1C04  }
0x173: {  	[timem:s3], [sflag:s2] =	dma.local @!p0 [hbm:s0], s1  }
0x174: {  	s0 =	simm.s32 @!p0 $0x4  }
0x175: {  	_ =	swait.ge @!p0 [sflag:s0], s1  }
0x176: {  	s1 =	ssub.s32 @!p0 $0x0, s1;
	[sflag:s0] =	ssyncset.done @!p0 $0x0  }
0x177: {  	[sflag:s0] =	ssyncadd.s32 @!p0 s1  }
0x178: {  	[bflag:$0x3] =	sbarrier.arrive $0xFFFF  }
0x179: {  	_ =	shalt  }

// kernel: kernel.14.cloned.1.call-start
scs
__scs_entry_jumppad:
0x0: {  	(pc) =	sbr.rel $0x88, $3  }
0x1: {  	(tag) =	ssettag $0x0;
	lr =	simm.s32 $0x1  }
0x2: {  	[smem:$0x3F98] =	sst lr;
	_ =	strace $0xD0000000  }
0x3: {  	_ = 	snop  }
0x4: {  	_ = 	snop  }
0x5: {  	_ = 	snop  }
0x6: {  	_ = 	snop  }
0x7: {  	_ = 	snop  }
__scs_overlays_trampoline_lowered:
0x8: {  	[smem:$0x3FA7] =	sst s0  }
0x9: {  	[smem:$0x3FA8] =	sst s1  }
0xa: {  	[smem:$0x3FA9] =	sst s2  }
0xb: {  	[smem:$0x3FAA] =	sst s3  }
0xc: {  	[smem:$0x3FAB] =	sst s4  }
0xd: {  	[smem:$0x3FAC] =	sst s5  }
0xe: {  	[smem:$0x3FAD] =	sst s6  }
0xf: {  	[smem:$0x3FAE] =	sst s7  }
0x10: {  	[smem:$0x3FAF] =	sst s8  }
0x11: {  	[smem:$0x3FB0] =	sst s9;
	s0 =	simm.s32 @!p0 $0x0  }
0x12: {  	s1 =	sld [smem:$0x3F96];
	s0 =	simm.s32 @p0 $0x1  }
0x13: {  	[smem:$0x3FB1] =	sst s0;
	s0 =	simm.s32 @!p1 $0x0  }
0x14: {  	s2 =	sld [smem:$0x3F95];
	s0 =	simm.s32 @p1 $0x1  }
0x15: {  	[smem:$0x3FB2] =	sst s0;
	s0 =	simm.s32 @!p2 $0x0  }
0x16: {  	s3 =	sld [smem:$0x3FDB];
	s0 =	simm.s32 @p2 $0x1  }
0x17: {  	s4 =	simm.s32 $0x1BF5;
	[smem:$0x3FB4] =	sst s0  }
0x18: {  	s0 =	sld [smem:$0x3F97];
	_ =	swait.ge [sflag:s4], $0x0  }
0x19: {  	s7 =	sld [smem:$0x3F98]  }
0x1a: {  	s8 =	sadd.s32 $0xFFFFE003, lr  }
0x1b: {  	s9 =	sadd.s32 $0xFFFFFEF7, lr;
	s5 =	simm.s32 $0xFFFFFFFF;
	p2 =	slt.u32 s8, $0xFFFFF086  }
0x1c: {  	p1 =	slt.u32 s9, $0xF7A;
	s5 =	simm.s32 @!p2 $0x0  }
0x1d: {  	s5 =	simm.s32 @p1 $0x1;
	p0 =	seq.s32 s7, s2  }
0x1e: {  	s7 =	smul.u32 @!p0 $0xF7A, s2;
	p2 =	seq.s32 @!p0 s5, $0x0  }
0x1f: {  	s9 =	smul.u32 $0xF7A, s1;
	s8 =	simm.s32 @!p0 $0x1BF5;
	p2 =	por !p2, p0  }
0x20: {  	[sflag:s8] =	ssyncset.s32 @!p0 $0xFFFFF086;
	s6 =	sadd.s32 @!p0 s3, s7;
	s7 =	simm.s32 @!p0 $0x108  }
0x21: {  	s3 =	sadd.s32 s3, s9;
	s6 =	sadd.s32 @!p0 $0x88, s6;
	s7 =	simm.s32 @p2 $0x1082  }
0x22: {  	[simem:s7], [sflag:s8] =	dma.local @!p0 [hbm:s6], $0xF7A  }
0x23: {  	s9 =	sor.u32 $0xD0000000, s2;
	s6 =	simm.s32 $0x108;
	_ =	swait.ge @!p0 [sflag:s8], $0x0  }
0x24: {  	s3 =	sadd.s32 $0x88, s3;
	s6 =	simm.s32 @!p1 $0x1082;
	[sflag:s4] =	ssyncset.s32 $0xFFFFF086  }
0x25: {  	[simem:s6], [sflag:s4] =	dma.local [hbm:s3], $0xF7A  }
0x26: {  	[smem:$0x3F98] =	sst s1;
	(tag) =	ssettag s2;
	_ =	strace s9  }
0x27: {  	s1 =	sld [smem:$0x3FA8]  }
0x28: {  	s2 =	sld [smem:$0x3FA9]  }
0x29: {  	s4 =	sld [smem:$0x3FAB]  }
0x2a: {  	p0 =	seq.s32 s5, $0x0;
	s5 =	sld [smem:$0x3FAC]  }
0x2b: {  	s6 =	sld [smem:$0x3FAD]  }
0x2c: {  	s7 =	sld [smem:$0x3FAE]  }
0x2d: {  	s3 =	simm.s32 $0x108;
	s8 =	sld [smem:$0x3FAF]  }
0x2e: {  	s3 =	simm.s32 @!p0 $0x1082;
	s9 =	sld [smem:$0x3FB0]  }
0x2f: {  	lr =	sadd.s32 s0, s3;
	s0 =	sld [smem:$0x3FA7]  }
0x30: {  	s3 =	sld [smem:$0x3FAA]  }
0x31: {  	[smem:$0x3FB3] =	sst s10  }
0x32: {  	s10 =	sld [smem:$0x3FB1];
	_ =	sdelay $0x3  }
0x33: {  	p0 =	seq.s32 s10, $0x1;
	s10 =	sld [smem:$0x3FB3];
	_ =	sdelay $0x3  }
0x34: {  	[smem:$0x3FB3] =	sst s10  }
0x35: {  	s10 =	sld [smem:$0x3FB2];
	_ =	sdelay $0x3  }
0x36: {  	p1 =	seq.s32 s10, $0x1;
	s10 =	sld [smem:$0x3FB3];
	_ =	sdelay $0x3  }
0x37: {  	[smem:$0x3FB3] =	sst s10  }
0x38: {  	s10 =	sld [smem:$0x3FB4]  }
0x39: {  	_ = 	snop;
	(pc) =	sbr.ind lr, $3  }
0x3a: {  	_ = 	snop  }
0x3b: {  	_ = 	snop  }
0x3c: {  	p2 =	seq.s32 s10, $0x1;
	s10 =	sld [smem:$0x3FB3]  }
0x3d: {  	_ =	shalt  }
0x3e: {  	_ =	shalt  }
0x3f: {  	_ =	shalt  }
0x40: {  	_ =	shalt  }
0x41: {  	_ =	shalt  }
0x42: {  	_ =	shalt  }
0x43: {  	_ =	shalt  }
0x44: {  	_ =	shalt  }
0x45: {  	_ =	shalt  }
0x46: {  	_ =	shalt  }
0x47: {  	_ =	shalt  }
0x48: {  	_ =	shalt  }
0x49: {  	_ =	shalt  }
0x4a: {  	_ =	shalt  }
0x4b: {  	_ =	shalt  }
0x4c: {  	_ =	shalt  }
0x4d: {  	_ =	shalt  }
0x4e: {  	_ =	shalt  }
0x4f: {  	_ =	shalt  }
0x50: {  	_ =	shalt  }
0x51: {  	_ =	shalt  }
0x52: {  	_ =	shalt  }
0x53: {  	_ =	shalt  }
0x54: {  	_ =	shalt  }
0x55: {  	_ =	shalt  }
0x56: {  	_ =	shalt  }
0x57: {  	_ =	shalt  }
0x58: {  	_ =	shalt  }
0x59: {  	_ =	shalt  }
0x5a: {  	_ =	shalt  }
0x5b: {  	_ =	shalt  }
0x5c: {  	_ =	shalt  }
0x5d: {  	_ =	shalt  }
0x5e: {  	_ =	shalt  }
0x5f: {  	_ =	shalt  }
0x60: {  	_ =	shalt  }
0x61: {  	_ =	shalt  }
0x62: {  	_ =	shalt  }
0x63: {  	_ =	shalt  }
0x64: {  	_ =	shalt  }
0x65: {  	_ =	shalt  }
0x66: {  	_ =	shalt  }
0x67: {  	_ =	shalt  }
0x68: {  	_ =	shalt  }
0x69: {  	_ =	shalt  }
0x6a: {  	_ =	shalt  }
0x6b: {  	_ =	shalt  }
0x6c: {  	_ =	shalt  }
0x6d: {  	_ =	shalt  }
0x6e: {  	_ =	shalt  }
0x6f: {  	_ =	shalt  }
0x70: {  	_ =	shalt  }
0x71: {  	_ =	shalt  }
0x72: {  	_ =	shalt  }
0x73: {  	_ =	shalt  }
0x74: {  	_ =	shalt  }
0x75: {  	_ =	shalt  }
0x76: {  	_ =	shalt  }
0x77: {  	_ =	shalt  }
0x78: {  	_ =	shalt  }
0x79: {  	_ =	shalt  }
0x7a: {  	_ =	shalt  }
0x7b: {  	_ =	shalt  }
0x7c: {  	_ =	shalt  }
0x7d: {  	_ =	shalt  }
0x7e: {  	_ =	shalt  }
0x7f: {  	_ =	shalt  }
0x80: {  	_ =	shalt  }
0x81: {  	_ =	shalt  }
0x82: {  	_ =	shalt  }
0x83: {  	_ =	shalt  }
0x84: {  	_ =	shalt  }
0x85: {  	_ =	shalt  }
0x86: {  	_ =	shalt  }
0x87: {  	_ =	shalt  }
.Lfunc_end0:
.L_simem_size_0:
called_computation.2_lowered:
.L_overlay_start_0:
0x88: {  	s2 =	sld [smem:$0x3FD9]  }
0x89: {  	s3 =	sld [smem:$0x3FFE];
	_ =	sdelay $0x1  }
0x8a: {  	s1 =	srdreg.scid  }
0x8b: {  	s0 =	sand.u32 $0x1, s1  }
0x8c: {  	s16 =	sshll.u32 s0, $0xA;
	s2 =	sadd.s32 s3, s2  }
0x8d: {  	s2 =	sadd.s32 s2, s16  }
0x8e: {  	[smem:$0x3FBF] =	sst s2  }
0x8f: {  	_ = 	snop  }
0x90: {  	(tm) =	ssettm $0x1  }
0x91: {  	s17 =	sld [smem:$0x3FFB];
	_ =	sdelay $0x3  }
0x92: {  	_ =	strace s17  }
0x93: {  	s2 =	sld [smem:$0x3FFC];
	_ =	sdelay $0x3  }
0x94: {  	_ =	strace s2  }
0x95: {  	s2 =	sld [smem:$0x3FFD];
	_ =	sdelay $0x3  }
0x96: {  	_ =	strace s2  }
0x97: {  	_ =	strace $0x8FFFFFFF  }
0x98: {  	s18 =	sld [smem:$0x3FDB];
	_ =	sdelay $0x1  }
0x99: {  	s19 =	simm.s32 $_scs_section_size  }
0x9a: {  	s4 =	simm.s32 $_size__tile_overlayer_lowered;
	s5 =	simm.s32 $_tile_overlayer_lowered  }
0x9b: {  	s22 =	simm.s32 $0x1BFF;
	s21 =	sshll.u32 s5, $0x1;
	s2 =	sadd.s32 s19, s18  }
0x9c: {  	s6 =	simm.s32 $0x0;
	s20 =	sshll.u32 s4, $0x1;
	s4 =	sadd.s32 s21, s2  }
0x9d: {  	[timem:s6], [sflag:s22] =	dma.local [hbm:s4], s20  }
0x9e: {  	_ =	swait.ge [sflag:s22], s20  }
0x9f: {  	s3 =	ssub.s32 $0x0, s20;
	[sflag:s22] =	ssyncset.done $0x0  }
0xa0: {  	[sflag:s22] =	ssyncadd.s32 s3;
	_ =	sdelay $0x1  }
0xa1: {  	s23 =	simm.s32 $0x1B8B  }
0xa2: {  	_ =	swait.ge [sflag:s23], $0x1  }
0xa3: {  	[sflag:s23] =	ssyncset.done $0x0  }
0xa4: {  	s25 =	simm.s32 $0x1B8E;
	s24 =	sld [smem:$0x3FFE];
	[sflag:s23] =	ssyncadd.s32 $0xFFFFFFFF  }
0xa5: {  	s26 =	simm.s32 $execute0_lowered;
	[smem:$0x3FD2] =	sst s25  }
0xa6: {  	s4 =	sshll.u32 s26, $0x1;
	_ =	strace $0x8000004C;
	[dreg:$0x1] =	wrdreg $0xFFFFFFFF  }
0xa7: {  	s28 =	simm.s32 $_size_execute0_lowered;
	s2 =	sadd.s32 s2, s4;
	[dreg:$0x0] =	wrdreg $0x0  }
0xa8: {  	s4 =	sshll.u32 s28, $0x1;
	[dreg:$0x2] =	wrdreg s2  }
0xa9: {  	[dreg:$0x3] =	wrdreg s4  }
0xaa: {  	[dreg:$0x4] =	wrdreg $0xC0  }
0xab: {  	_ =	task [dreg:s6], $0x5FFFF  }
0xac: {  	[dreg:$0x1] =	wrdreg $0xFFFFFFFF  }
0xad: {  	[dreg:$0x0] =	wrdreg $0x60  }
0xae: {  	[dreg:$0x2] =	wrdreg s24  }
0xaf: {  	[dreg:$0x3] =	wrdreg $0x170000  }
0xb0: {  	[dreg:$0x4] =	wrdreg $0x9  }
0xb1: {  	_ =	task.clear_ibuf [dreg:s6], $0x5FFFF;
	_ =	strace $0x9000004C  }
0xb2: {  	s29 =	simm.s32 $0x9;
	_ =	strace $0x8000004E  }
0xb3: {  	_ =	swait.ge [sflag:s29], $0x1  }
0xb4: {  	[sflag:s29] =	ssyncadd.s32 $0xFFFFFFFF  }
0xb5: {  	_ =	strace $0x9000004E  }
0xb6: {  	_ =	sfence  }
0xb7: {  	s30 =	sld [smem:$0x0];
	_ =	sdelay $0x2  }
0xb8: {  	s31 =	sshll.u32 s1, $0xD;
	s1 =	sshrl.u32 s1, $0x2  }
0xb9: {  	s3 =	sand.u32 $0x4000, s31;
	s1 =	sadd.s32 s1, s30  }
0xba: {  	s0 =	sor.u32 s3, s0;
	s1 =	sshll.u32 s1, $0x11  }
0xbb: {  	s0 =	sor.u32 s1, s0  }
0xbc: {  	s0 =	sadd.s32 $0x8F2B, s0  }
0xbd: {  	[sflag:s0] =	ssyncadd.remote.s32 $0x1  }
0xbe: {  	_ =	sfence.sel $0xFFFF  }
0xbf: {  	[dreg:$0x0] =	wrdreg $0xFFFFFFFF;
	(pc) =	sbr.abs _section_cstart, $3  }
0xc0: {  	[dreg:$0x1] =	wrdreg $0xFFFFFFFF  }
0xc1: {  	_ =	task.clear_ibuf [dreg:s6], $0x2FFFF;
	_ =	strace $0x9FFFFFFF  }
0xc2: {  	(tm) =	ssettm $0x7FFFFFFF  }
0xc3: {  	_ =	shalt  }
tec
execute0_lowered:
.L_overlay_start_1:
0x0: {  	(tag) =	ssettag $0x1  }
0x1: {  	s0 =	rddreg [dreg:$0x0]  }
0x2: {  	s2 =	rddreg [dreg:$0x1]  }
0x3: {  	s3 =	simm.s32 $0x0;
	s1 =	srdreg.scid;
	s10 =	stileid.u32  }
0x4: {  	s13 =	simm.s32 $0x4;
	s15 =	simm.s32 $0x1;
	s16 =	simm.s32 $0x80  }
0x5: {  	s17 =	simm.s32 $0x2000;
	s28 =	simm.s32 $0xC000;
	s29 =	simm.s32 $0xD000  }
0x6: {  	s30 =	simm.s32 $0xE000;
	s31 =	simm.s32 $0xF000;
	s14 =	simm.s32 $0x3  }
0x7: {  	[smem:$0x7FF] =	sst s3;
	s1 =	sand.u32 $0x1, s1;
	s18 =	smul.u32 $0xA00, s10  }
0x8: {  	s4 =	sadd.s32 $0x2B000, s0;
	s6 =	sadd.s32 $0x17000, s0;
	s8 =	smul.u32 $0x14000, s10  }
0x9: {  	s7 =	sadd.s32 $0x2600, s0;
	_ =	strace $0x8000004D;
	s5 =	smul.u32 $0xA000, s1  }
0xa: {  	s19 =	sshll.u32 s1, $0x4;
	s9 =	smul.u32 $0x50000, s1;
	s1 =	ssub.s32 $0x2, s1  }
0xb: {  	s20 =	sshrl.u32 s1, $0x1;
	s21 =	sshrl.u32 s8, $0x2;
	s3 =	sadd.s32 s18, s5  }
0xc: {  	s5 =	sor.u32 s10, s19;
	s10 =	smul.u32 $0x5000, s10;
	s1 =	ssub.s32 s1, s20  }
0xd: {  	s18 =	simm.s32 $0x3000;
	s19 =	simm.s32 $0x4000;
	s20 =	simm.s32 $0x5000  }
0xe: {  	s0 =	sadd.s32 s3, s0;
	s11 =	smul.u32 $0xA00, s5;
	s1 =	smax.u32 s1, $0x1  }
0xf: {  	s3 =	simm.s32 $0x2;
	s22 =	sadd.s32 s10, s9;
	s9 =	sadd.s32 s21, s2  }
0x10: {  	s0 =	sadd.s32 $0x35000, s0;
	[dreg:$0x7] =	wrdreg s1;
	s21 =	simm.s32 $0x6000  }
0x11: {  	s1 =	simm.s32 $0x11000;
	s23 =	sadd.s32 s6, s11;
	[dreg:$0x6] =	wrdreg s0  }
0x12: {  	s24 =	sor.u32 $0x800, s22;
	s5 =	sadd.s32 s7, s11;
	[dreg:$0x3] =	wrdreg s9  }
0x13: {  	s11 =	simm.s32 $0x12000;
	s22 =	simm.s32 $0x7000;
	[dreg:$0x4] =	wrdreg s23  }
0x14: {  	[dreg:$0x5] =	wrdreg s5;
	s25 =	sshrl.u32 s24, $0x3;
	s23 =	simm.s32 $0x8000  }
0x15: {  	s24 =	simm.s32 $0x9000;
	s26 =	sadd.s32 s25, s7;
	s0 =	sadd.s32 s25, s6  }
0x16: {  	s25 =	simm.s32 $0xA000;
	s6 =	simm.s32 $0x0;
	[dreg:$0x8] =	wrdreg s26  }
0x17: {  	v0 =	vimm.f32 $0.0e+00;
	[dreg:$0x9] =	wrdreg s0;
	s26 =	simm.s32 $0xB000;
	s0 =	simm.s32 $0x10000  }
.LBB2_1:
0x18: {  	s7 =	simm.s32 $0x80;
	s8 =	simm.s32 $0x0  }
.LBB2_2:
0x19: {  	p0 =	sne.s32 s7, $0x13F80;
	[tilespmem:s8+$0x12000] =	vst v0;
	s10 =	smov.u32 s7;
	s7 =	sadd.s32 $0x80, s7  }
.Ltmp0:
0x1a: {  	[tilespmem:s8+$0x12010] =	vst v0;
	(pc) =	sbr.rel @p0 .LBB2_2-.Ltmp0, $2  }
0x1b: {  	_ =	sdelay $0x2  }
0x1c: {  	s8 =	sshra.s32 s10, $0x2  }
0x1d: {  	[tilespmem:s8+$0x12000] =	vst v0  }
0x1e: {  	[tilespmem:s8+$0x12010] =	vst v0  }
0x1f: {  	[spmem:s9] =	stream.linear.scatter [tilespmem:s11], [sflag:$0x4], $0x5000, $0x38;
	[tilespmem:$0x1C000] =	vst v63  }
0x20: {  	_ =	swait.ge [sflag:s13], $0x5000  }
0x21: {  	[sflag:s13] =	ssyncset.done $0x0  }
0x22: {  	s7 =	simm.s32 $0x0;
	s5 =	rddreg [dreg:$0x4];
	[sflag:s13] =	ssyncadd.s32 $0xFFFFB000  }
0x23: {  	[tilespmem:s7], [sflag:$0x1] =	stream.linear.gather [hbm4b:s5+s7], $0x800, $0x38;
	[tilespmem:$0x1C000] =	vst v63  }
0x24: {  	s12 =	simm.s32 $0x800;
	s11 =	rddreg [dreg:$0x5]  }
0x25: {  	[tilespmem:s12], [sflag:$0x1] =	stream.linear.gather [hbm4b:s11+s7], $0x800, $0x38;
	[tilespmem:$0x1C000] =	vst v63  }
0x26: {  	[bflag:$0x0] =	sbarrier.arrive $0xFFFF  }
0x27: {  	_ =	swait.ge [sflag:s15], $0x800  }
0x28: {  	[sflag:s15] =	ssyncset.done $0x0  }
0x29: {  	[sflag:s15] =	ssyncadd.s32 $0xFFFFF800  }
0x2a: {  	p0 =	por $0x0, $0x0;
	s7 =	sand.u32 $0x1, s7;
	_ =	swait.ge [sflag:s15], $0x800  }
0x2b: {  	s12 =	simm.s32 @!p0 $0x0;
	s8 =	sshll.u32 @!p0 s7, $0xC;
	[sflag:s15] =	ssyncset.done $0x0  }
0x2c: {  	s10 =	sxor.u32 @!p0 $0x1000, s8;
	s5 =	rddreg [dreg:$0x9];
	[sflag:s15] =	ssyncadd.s32 $0xFFFFF800  }
0x2d: {  	[tilespmem:s10], [sflag:$0x1] =	stream.linear.gather @!p0 [hbm4b:s5+s12], $0x800, $0x38;
	[tilespmem:$0x1C000] =	vst v63  }
0x2e: {  	s8 =	sxor.u32 @!p0 $0x1800, s8;
	s10 =	rddreg [dreg:$0x8]  }
0x2f: {  	[tilespmem:s8], [sflag:$0x1] =	stream.linear.gather @!p0 [hbm4b:s10+s12], $0x800, $0x38;
	[tilespmem:$0x1C000] =	vst v63  }
0x30: {  	s7 =	sshll.u32 s7, $0xC  }
0x31: {  	[tilespmem:s17], [sflag:$0x2] =	stream.indirect.gather [hbm4b:s4+s16], $0x20, s7, s16, $0xb8;
	[tilespmem:$0x1C000] =	vst v63  }
0x32: {  	s9 =	sor.u32 $0x80, s7  }
0x33: {  	[tilespmem:s18], [sflag:$0x2] =	stream.indirect.gather [hbm4b:s4+s16], $0x20, s9, s16, $0xb8;
	[tilespmem:$0x1C000] =	vst v63  }
0x34: {  	s11 =	sor.u32 $0x100, s7  }
0x35: {  	[tilespmem:s19], [sflag:$0x2] =	stream.indirect.gather [hbm4b:s4+s16], $0x20, s11, s16, $0xb8;
	[tilespmem:$0x1C000] =	vst v63  }
0x36: {  	s12 =	sor.u32 $0x180, s7  }
0x37: {  	[tilespmem:s20], [sflag:$0x2] =	stream.indirect.gather [hbm4b:s4+s16], $0x20, s12, s16, $0xb8;
	[tilespmem:$0x1C000] =	vst v63  }
0x38: {  	s9 =	sor.u32 $0x200, s7  }
0x39: {  	[tilespmem:s21], [sflag:$0x2] =	stream.indirect.gather [hbm4b:s4+s16], $0x20, s9, s16, $0xb8;
	[tilespmem:$0x1C000] =	vst v63  }
0x3a: {  	s11 =	sor.u32 $0x280, s7  }
0x3b: {  	[tilespmem:s22], [sflag:$0x2] =	stream.indirect.gather [hbm4b:s4+s16], $0x20, s11, s16, $0xb8;
	[tilespmem:$0x1C000] =	vst v63  }
0x3c: {  	s12 =	sor.u32 $0x300, s7  }
0x3d: {  	[tilespmem:s23], [sflag:$0x2] =	stream.indirect.gather [hbm4b:s4+s16], $0x20, s12, s16, $0xb8;
	[tilespmem:$0x1C000] =	vst v63  }
0x3e: {  	s9 =	sor.u32 $0x380, s7  }
0x3f: {  	[tilespmem:s24], [sflag:$0x2] =	stream.indirect.gather [hbm4b:s4+s16], $0x20, s9, s16, $0xb8;
	[tilespmem:$0x1C000] =	vst v63  }
0x40: {  	s11 =	sor.u32 $0x400, s7  }
0x41: {  	[tilespmem:s25], [sflag:$0x2] =	stream.indirect.gather [hbm4b:s4+s16], $0x20, s11, s16, $0xb8;
	[tilespmem:$0x1C000] =	vst v63  }
0x42: {  	s12 =	sor.u32 $0x480, s7  }
0x43: {  	[tilespmem:s26], [sflag:$0x2] =	stream.indirect.gather [hbm4b:s4+s16], $0x20, s12, s16, $0xb8;
	[tilespmem:$0x1C000] =	vst v63  }
0x44: {  	s9 =	sor.u32 $0x500, s7  }
0x45: {  	[tilespmem:s28], [sflag:$0x2] =	stream.indirect.gather [hbm4b:s4+s16], $0x20, s9, s16, $0xb8;
	[tilespmem:$0x1C000] =	vst v63  }
0x46: {  	s11 =	sor.u32 $0x580, s7  }
0x47: {  	[tilespmem:s29], [sflag:$0x2] =	stream.indirect.gather [hbm4b:s4+s16], $0x20, s11, s16, $0xb8;
	[tilespmem:$0x1C000] =	vst v63  }
0x48: {  	s12 =	sor.u32 $0x600, s7  }
0x49: {  	[tilespmem:s30], [sflag:$0x2] =	stream.indirect.gather [hbm4b:s4+s16], $0x20, s12, s16, $0xb8;
	[tilespmem:$0x1C000] =	vst v63  }
0x4a: {  	s9 =	sor.u32 $0x680, s7  }
0x4b: {  	[tilespmem:s31], [sflag:$0x2] =	stream.indirect.gather [hbm4b:s4+s16], $0x20, s9, s16, $0xb8;
	[tilespmem:$0x1C000] =	vst v63  }
0x4c: {  	s11 =	sor.u32 $0x700, s7  }
0x4d: {  	[tilespmem:s0], [sflag:$0x2] =	stream.indirect.gather [hbm4b:s4+s16], $0x20, s11, s16, $0xb8;
	[tilespmem:$0x1C000] =	vst v63  }
0x4e: {  	s12 =	sor.u32 $0x780, s7  }
0x4f: {  	[tilespmem:s1], [sflag:$0x2] =	stream.indirect.gather [hbm4b:s4+s16], $0x20, s12, s16, $0xb8;
	[tilespmem:$0x1C000] =	vst v63  }
0x50: {  	_ =	swait.ge [sflag:s3], $0x1000  }
0x51: {  	[sflag:s3] =	ssyncset.done $0x0  }
0x52: {  	s9 =	sor.u32 $0x800, s7;
	[sflag:s3] =	ssyncadd.s32 $0xFFFFF000  }
0x53: {  	[spmem:s2] =	stream.indirect.scatter.add.f32 [tilespmem:s17], [sflag:$0x3], $0x20, s9, s16, $0xb8;
	[tilespmem:$0x1C000] =	vst v63  }
0x54: {  	_ =	swait.ge [sflag:s3], $0x1000  }
0x55: {  	[sflag:s3] =	ssyncset.done $0x0  }
0x56: {  	s11 =	sor.u32 $0x880, s7;
	[sflag:s3] =	ssyncadd.s32 $0xFFFFF000  }
0x57: {  	[spmem:s2] =	stream.indirect.scatter.add.f32 [tilespmem:s18], [sflag:$0x3], $0x20, s11, s16, $0xb8;
	[tilespmem:$0x1C000] =	vst v63  }
0x58: {  	_ =	swait.ge [sflag:s3], $0x1000  }
0x59: {  	[sflag:s3] =	ssyncset.done $0x0  }
0x5a: {  	s12 =	sor.u32 $0x900, s7;
	[sflag:s3] =	ssyncadd.s32 $0xFFFFF000  }
0x5b: {  	[spmem:s2] =	stream.indirect.scatter.add.f32 [tilespmem:s19], [sflag:$0x3], $0x20, s12, s16, $0xb8;
	[tilespmem:$0x1C000] =	vst v63  }
0x5c: {  	_ =	swait.ge [sflag:s3], $0x1000  }
0x5d: {  	[sflag:s3] =	ssyncset.done $0x0  }
0x5e: {  	s9 =	sor.u32 $0x980, s7;
	[sflag:s3] =	ssyncadd.s32 $0xFFFFF000  }
0x5f: {  	[spmem:s2] =	stream.indirect.scatter.add.f32 [tilespmem:s20], [sflag:$0x3], $0x20, s9, s16, $0xb8;
	[tilespmem:$0x1C000] =	vst v63  }
0x60: {  	_ =	swait.ge [sflag:s3], $0x1000  }
0x61: {  	[sflag:s3] =	ssyncset.done $0x0  }
0x62: {  	s11 =	sor.u32 $0xA00, s7;
	[sflag:s3] =	ssyncadd.s32 $0xFFFFF000  }
0x63: {  	[spmem:s2] =	stream.indirect.scatter.add.f32 [tilespmem:s21], [sflag:$0x3], $0x20, s11, s16, $0xb8;
	[tilespmem:$0x1C000] =	vst v63  }
0x64: {  	_ =	swait.ge [sflag:s3], $0x1000  }
0x65: {  	[sflag:s3] =	ssyncset.done $0x0  }
0x66: {  	s12 =	sor.u32 $0xA80, s7;
	[sflag:s3] =	ssyncadd.s32 $0xFFFFF000  }
0x67: {  	[spmem:s2] =	stream.indirect.scatter.add.f32 [tilespmem:s22], [sflag:$0x3], $0x20, s12, s16, $0xb8;
	[tilespmem:$0x1C000] =	vst v63  }
0x68: {  	_ =	swait.ge [sflag:s3], $0x1000  }
0x69: {  	[sflag:s3] =	ssyncset.done $0x0  }
0x6a: {  	s9 =	sor.u32 $0xB00, s7;
	[sflag:s3] =	ssyncadd.s32 $0xFFFFF000  }
0x6b: {  	[spmem:s2] =	stream.indirect.scatter.add.f32 [tilespmem:s23], [sflag:$0x3], $0x20, s9, s16, $0xb8;
	[tilespmem:$0x1C000] =	vst v63  }
0x6c: {  	_ =	swait.ge [sflag:s3], $0x1000  }
0x6d: {  	[sflag:s3] =	ssyncset.done $0x0  }
0x6e: {  	s11 =	sor.u32 $0xB80, s7;
	[sflag:s3] =	ssyncadd.s32 $0xFFFFF000  }
0x6f: {  	[spmem:s2] =	stream.indirect.scatter.add.f32 [tilespmem:s24], [sflag:$0x3], $0x20, s11, s16, $0xb8;
	[tilespmem:$0x1C000] =	vst v63  }
0x70: {  	_ =	swait.ge [sflag:s3], $0x1000  }
0x71: {  	[sflag:s3] =	ssyncset.done $0x0  }
0x72: {  	s12 =	sor.u32 $0xC00, s7;
	[sflag:s3] =	ssyncadd.s32 $0xFFFFF000  }
0x73: {  	[spmem:s2] =	stream.indirect.scatter.add.f32 [tilespmem:s25], [sflag:$0x3], $0x20, s12, s16, $0xb8;
	[tilespmem:$0x1C000] =	vst v63  }
0x74: {  	_ =	swait.ge [sflag:s3], $0x1000  }
0x75: {  	[sflag:s3] =	ssyncset.done $0x0  }
0x76: {  	s9 =	sor.u32 $0xC80, s7;
	[sflag:s3] =	ssyncadd.s32 $0xFFFFF000  }
0x77: {  	[spmem:s2] =	stream.indirect.scatter.add.f32 [tilespmem:s26], [sflag:$0x3], $0x20, s9, s16, $0xb8;
	[tilespmem:$0x1C000] =	vst v63  }
0x78: {  	_ =	swait.ge [sflag:s3], $0x1000  }
0x79: {  	[sflag:s3] =	ssyncset.done $0x0  }
0x7a: {  	s11 =	sor.u32 $0xD00, s7;
	[sflag:s3] =	ssyncadd.s32 $0xFFFFF000  }
0x7b: {  	[spmem:s2] =	stream.indirect.scatter.add.f32 [tilespmem:s28], [sflag:$0x3], $0x20, s11, s16, $0xb8;
	[tilespmem:$0x1C000] =	vst v63  }
0x7c: {  	_ =	swait.ge [sflag:s3], $0x1000  }
0x7d: {  	[sflag:s3] =	ssyncset.done $0x0  }
0x7e: {  	s12 =	sor.u32 $0xD80, s7;
	[sflag:s3] =	ssyncadd.s32 $0xFFFFF000  }
0x7f: {  	[spmem:s2] =	stream.indirect.scatter.add.f32 [tilespmem:s29], [sflag:$0x3], $0x20, s12, s16, $0xb8;
	[tilespmem:$0x1C000] =	vst v63  }
0x80: {  	_ =	swait.ge [sflag:s3], $0x1000  }
0x81: {  	[sflag:s3] =	ssyncset.done $0x0  }
0x82: {  	s9 =	sor.u32 $0xE00, s7;
	[sflag:s3] =	ssyncadd.s32 $0xFFFFF000  }
0x83: {  	[spmem:s2] =	stream.indirect.scatter.add.f32 [tilespmem:s30], [sflag:$0x3], $0x20, s9, s16, $0xb8;
	[tilespmem:$0x1C000] =	vst v63  }
0x84: {  	_ =	swait.ge [sflag:s3], $0x1000  }
0x85: {  	[sflag:s3] =	ssyncset.done $0x0  }
0x86: {  	s11 =	sor.u32 $0xE80, s7;
	[sflag:s3] =	ssyncadd.s32 $0xFFFFF000  }
0x87: {  	[spmem:s2] =	stream.indirect.scatter.add.f32 [tilespmem:s31], [sflag:$0x3], $0x20, s11, s16, $0xb8;
	[tilespmem:$0x1C000] =	vst v63  }
0x88: {  	_ =	swait.ge [sflag:s3], $0x1000  }
0x89: {  	[sflag:s3] =	ssyncset.done $0x0  }
0x8a: {  	s12 =	sor.u32 $0xF00, s7;
	[sflag:s3] =	ssyncadd.s32 $0xFFFFF000  }
0x8b: {  	[spmem:s2] =	stream.indirect.scatter.add.f32 [tilespmem:s0], [sflag:$0x3], $0x20, s12, s16, $0xb8;
	[tilespmem:$0x1C000] =	vst v63  }
0x8c: {  	_ =	swait.ge [sflag:s3], $0x1000  }
0x8d: {  	[sflag:s3] =	ssyncset.done $0x0  }
0x8e: {  	s7 =	sor.u32 $0xF80, s7;
	[sflag:s3] =	ssyncadd.s32 $0xFFFFF000  }
0x8f: {  	[spmem:s2] =	stream.indirect.scatter.add.f32 [tilespmem:s1], [sflag:$0x3], $0x20, s7, s16, $0xb8;
	[tilespmem:$0x1C000] =	vst v63  }
0x90: {  	_ =	swait.ge [sflag:s14], $0x1000  }
0x91: {  	[sflag:s14] =	ssyncset.done $0x0  }
0x92: {  	[sflag:s14] =	ssyncadd.s32 $0xFFFFF000  }
0x93: {  	_ =	swait.ge [sflag:s14], $0x1000  }
0x94: {  	[sflag:s14] =	ssyncset.done $0x0  }
0x95: {  	[sflag:s14] =	ssyncadd.s32 $0xFFFFF000  }
0x96: {  	_ =	swait.ge [sflag:s14], $0x1000  }
0x97: {  	[sflag:s14] =	ssyncset.done $0x0  }
0x98: {  	[sflag:s14] =	ssyncadd.s32 $0xFFFFF000  }
0x99: {  	_ =	swait.ge [sflag:s14], $0x1000  }
0x9a: {  	[sflag:s14] =	ssyncset.done $0x0  }
0x9b: {  	[sflag:s14] =	ssyncadd.s32 $0xFFFFF000  }
0x9c: {  	_ =	swait.ge [sflag:s14], $0x1000  }
0x9d: {  	[sflag:s14] =	ssyncset.done $0x0  }
0x9e: {  	[sflag:s14] =	ssyncadd.s32 $0xFFFFF000  }
0x9f: {  	_ =	swait.ge [sflag:s14], $0x1000  }
0xa0: {  	[sflag:s14] =	ssyncset.done $0x0  }
0xa1: {  	[sflag:s14] =	ssyncadd.s32 $0xFFFFF000  }
0xa2: {  	_ =	swait.ge [sflag:s14], $0x1000  }
0xa3: {  	[sflag:s14] =	ssyncset.done $0x0  }
0xa4: {  	[sflag:s14] =	ssyncadd.s32 $0xFFFFF000  }
0xa5: {  	_ =	swait.ge [sflag:s14], $0x1000  }
0xa6: {  	[sflag:s14] =	ssyncset.done $0x0  }
0xa7: {  	[sflag:s14] =	ssyncadd.s32 $0xFFFFF000  }
0xa8: {  	_ =	swait.ge [sflag:s14], $0x1000  }
0xa9: {  	[sflag:s14] =	ssyncset.done $0x0  }
0xaa: {  	[sflag:s14] =	ssyncadd.s32 $0xFFFFF000  }
0xab: {  	_ =	swait.ge [sflag:s14], $0x1000  }
0xac: {  	[sflag:s14] =	ssyncset.done $0x0  }
0xad: {  	[sflag:s14] =	ssyncadd.s32 $0xFFFFF000  }
0xae: {  	_ =	swait.ge [sflag:s14], $0x1000  }
0xaf: {  	[sflag:s14] =	ssyncset.done $0x0  }
0xb0: {  	[sflag:s14] =	ssyncadd.s32 $0xFFFFF000  }
0xb1: {  	_ =	swait.ge [sflag:s14], $0x1000  }
0xb2: {  	[sflag:s14] =	ssyncset.done $0x0  }
0xb3: {  	[sflag:s14] =	ssyncadd.s32 $0xFFFFF000  }
0xb4: {  	_ =	swait.ge [sflag:s14], $0x1000  }
0xb5: {  	[sflag:s14] =	ssyncset.done $0x0  }
0xb6: {  	[sflag:s14] =	ssyncadd.s32 $0xFFFFF000  }
0xb7: {  	_ =	swait.ge [sflag:s14], $0x1000  }
0xb8: {  	[sflag:s14] =	ssyncset.done $0x0  }
0xb9: {  	[sflag:s14] =	ssyncadd.s32 $0xFFFFF000  }
0xba: {  	_ =	swait.ge [sflag:s14], $0x1000  }
0xbb: {  	[sflag:s14] =	ssyncset.done $0x0  }
0xbc: {  	[sflag:s14] =	ssyncadd.s32 $0xFFFFF000  }
0xbd: {  	_ =	swait.ge [sflag:s14], $0x1000  }
0xbe: {  	s8 =	sadd.s32 $0x100, s5;
	s7 =	simm.s32 $0x1;
	[sflag:s14] =	ssyncset.done $0x0  }
.LBB2_4:
0xbf: {  	[sflag:s14] =	ssyncadd.s32 $0xFFFFF000  }
0xc0: {  	s10 =	sadd.s32 $0x100, s10;
	s12 =	smov.u32 s7;
	s7 =	sadd.s32 $0x1, s7  }
0xc1: {  	_ =	swait.ge [sflag:s15], $0x800;
	p0 =	sne.s32 s7, $0xA  }
0xc2: {  	[sflag:s15] =	ssyncset.done $0x0  }
0xc3: {  	[sflag:s15] =	ssyncadd.s32 $0xFFFFF800  }
0xc4: {  	s5 =	sand.u32 $0x1, s12;
	p1 =	seq.s32 s12, $0x9;
	_ =	swait.ge [sflag:s15], $0x800  }
0xc5: {  	s12 =	sshll.u32 @!p1 s5, $0xC;
	[sflag:s15] =	ssyncset.done $0x0  }
0xc6: {  	s9 =	simm.s32 @!p1 $0x0;
	s11 =	sxor.u32 @!p1 $0x1000, s12;
	[sflag:s15] =	ssyncadd.s32 $0xFFFFF800  }
0xc7: {  	[tilespmem:s11], [sflag:$0x1] =	stream.linear.gather @!p1 [hbm4b:s8+s9], $0x800, $0x38;
	[tilespmem:$0x1C000] =	vst v63  }
0xc8: {  	s11 =	sxor.u32 @!p1 $0x1800, s12  }
0xc9: {  	[tilespmem:s11], [sflag:$0x1] =	stream.linear.gather @!p1 [hbm4b:s10+s9], $0x800, $0x38;
	[tilespmem:$0x1C000] =	vst v63  }
0xca: {  	s12 =	sshll.u32 s5, $0xC  }
0xcb: {  	[tilespmem:s17], [sflag:$0x2] =	stream.indirect.gather [hbm4b:s4+s16], $0x20, s12, s16, $0xb8;
	[tilespmem:$0x1C000] =	vst v63  }
0xcc: {  	s5 =	sor.u32 $0x80, s12  }
0xcd: {  	[tilespmem:s18], [sflag:$0x2] =	stream.indirect.gather [hbm4b:s4+s16], $0x20, s5, s16, $0xb8;
	[tilespmem:$0x1C000] =	vst v63  }
0xce: {  	s5 =	sor.u32 $0x100, s12  }
0xcf: {  	[tilespmem:s19], [sflag:$0x2] =	stream.indirect.gather [hbm4b:s4+s16], $0x20, s5, s16, $0xb8;
	[tilespmem:$0x1C000] =	vst v63  }
0xd0: {  	s5 =	sor.u32 $0x180, s12  }
0xd1: {  	[tilespmem:s20], [sflag:$0x2] =	stream.indirect.gather [hbm4b:s4+s16], $0x20, s5, s16, $0xb8;
	[tilespmem:$0x1C000] =	vst v63  }
0xd2: {  	s5 =	sor.u32 $0x200, s12  }
0xd3: {  	[tilespmem:s21], [sflag:$0x2] =	stream.indirect.gather [hbm4b:s4+s16], $0x20, s5, s16, $0xb8;
	[tilespmem:$0x1C000] =	vst v63  }
0xd4: {  	s5 =	sor.u32 $0x280, s12  }
0xd5: {  	[tilespmem:s22], [sflag:$0x2] =	stream.indirect.gather [hbm4b:s4+s16], $0x20, s5, s16, $0xb8;
	[tilespmem:$0x1C000] =	vst v63  }
0xd6: {  	s5 =	sor.u32 $0x300, s12  }
0xd7: {  	[tilespmem:s23], [sflag:$0x2] =	stream.indirect.gather [hbm4b:s4+s16], $0x20, s5, s16, $0xb8;
	[tilespmem:$0x1C000] =	vst v63  }
0xd8: {  	s5 =	sor.u32 $0x380, s12  }
0xd9: {  	[tilespmem:s24], [sflag:$0x2] =	stream.indirect.gather [hbm4b:s4+s16], $0x20, s5, s16, $0xb8;
	[tilespmem:$0x1C000] =	vst v63  }
0xda: {  	s5 =	sor.u32 $0x400, s12  }
0xdb: {  	[tilespmem:s25], [sflag:$0x2] =	stream.indirect.gather [hbm4b:s4+s16], $0x20, s5, s16, $0xb8;
	[tilespmem:$0x1C000] =	vst v63  }
0xdc: {  	s5 =	sor.u32 $0x480, s12  }
0xdd: {  	[tilespmem:s26], [sflag:$0x2] =	stream.indirect.gather [hbm4b:s4+s16], $0x20, s5, s16, $0xb8;
	[tilespmem:$0x1C000] =	vst v63  }
0xde: {  	s5 =	sor.u32 $0x500, s12  }
0xdf: {  	[tilespmem:s28], [sflag:$0x2] =	stream.indirect.gather [hbm4b:s4+s16], $0x20, s5, s16, $0xb8;
	[tilespmem:$0x1C000] =	vst v63  }
0xe0: {  	s5 =	sor.u32 $0x580, s12  }
0xe1: {  	[tilespmem:s29], [sflag:$0x2] =	stream.indirect.gather [hbm4b:s4+s16], $0x20, s5, s16, $0xb8;
	[tilespmem:$0x1C000] =	vst v63  }
0xe2: {  	s5 =	sor.u32 $0x600, s12  }
0xe3: {  	[tilespmem:s30], [sflag:$0x2] =	stream.indirect.gather [hbm4b:s4+s16], $0x20, s5, s16, $0xb8;
	[tilespmem:$0x1C000] =	vst v63  }
0xe4: {  	s5 =	sor.u32 $0x680, s12  }
0xe5: {  	[tilespmem:s31], [sflag:$0x2] =	stream.indirect.gather [hbm4b:s4+s16], $0x20, s5, s16, $0xb8;
	[tilespmem:$0x1C000] =	vst v63  }
0xe6: {  	s5 =	sor.u32 $0x700, s12  }
0xe7: {  	[tilespmem:s0], [sflag:$0x2] =	stream.indirect.gather [hbm4b:s4+s16], $0x20, s5, s16, $0xb8;
	[tilespmem:$0x1C000] =	vst v63  }
0xe8: {  	s5 =	sor.u32 $0x780, s12  }
0xe9: {  	[tilespmem:s1], [sflag:$0x2] =	stream.indirect.gather [hbm4b:s4+s16], $0x20, s5, s16, $0xb8;
	[tilespmem:$0x1C000] =	vst v63  }
0xea: {  	_ =	swait.ge [sflag:s3], $0x1000  }
0xeb: {  	[sflag:s3] =	ssyncset.done $0x0  }
0xec: {  	s5 =	sor.u32 $0x800, s12;
	[sflag:s3] =	ssyncadd.s32 $0xFFFFF000  }
0xed: {  	[spmem:s2] =	stream.indirect.scatter.add.f32 [tilespmem:s17], [sflag:$0x3], $0x20, s5, s16, $0xb8;
	[tilespmem:$0x1C000] =	vst v63  }
0xee: {  	_ =	swait.ge [sflag:s3], $0x1000  }
0xef: {  	[sflag:s3] =	ssyncset.done $0x0  }
0xf0: {  	s5 =	sor.u32 $0x880, s12;
	[sflag:s3] =	ssyncadd.s32 $0xFFFFF000  }
0xf1: {  	[spmem:s2] =	stream.indirect.scatter.add.f32 [tilespmem:s18], [sflag:$0x3], $0x20, s5, s16, $0xb8;
	[tilespmem:$0x1C000] =	vst v63  }
0xf2: {  	_ =	swait.ge [sflag:s3], $0x1000  }
0xf3: {  	[sflag:s3] =	ssyncset.done $0x0  }
0xf4: {  	s5 =	sor.u32 $0x900, s12;
	[sflag:s3] =	ssyncadd.s32 $0xFFFFF000  }
0xf5: {  	[spmem:s2] =	stream.indirect.scatter.add.f32 [tilespmem:s19], [sflag:$0x3], $0x20, s5, s16, $0xb8;
	[tilespmem:$0x1C000] =	vst v63  }
0xf6: {  	_ =	swait.ge [sflag:s3], $0x1000  }
0xf7: {  	[sflag:s3] =	ssyncset.done $0x0  }
0xf8: {  	s5 =	sor.u32 $0x980, s12;
	[sflag:s3] =	ssyncadd.s32 $0xFFFFF000  }
0xf9: {  	[spmem:s2] =	stream.indirect.scatter.add.f32 [tilespmem:s20], [sflag:$0x3], $0x20, s5, s16, $0xb8;
	[tilespmem:$0x1C000] =	vst v63  }
0xfa: {  	_ =	swait.ge [sflag:s3], $0x1000  }
0xfb: {  	[sflag:s3] =	ssyncset.done $0x0  }
0xfc: {  	s5 =	sor.u32 $0xA00, s12;
	[sflag:s3] =	ssyncadd.s32 $0xFFFFF000  }
0xfd: {  	[spmem:s2] =	stream.indirect.scatter.add.f32 [tilespmem:s21], [sflag:$0x3], $0x20, s5, s16, $0xb8;
	[tilespmem:$0x1C000] =	vst v63  }
0xfe: {  	_ =	swait.ge [sflag:s3], $0x1000  }
0xff: {  	[sflag:s3] =	ssyncset.done $0x0  }
0x100: {  	s5 =	sor.u32 $0xA80, s12;
	[sflag:s3] =	ssyncadd.s32 $0xFFFFF000  }
0x101: {  	[spmem:s2] =	stream.indirect.scatter.add.f32 [tilespmem:s22], [sflag:$0x3], $0x20, s5, s16, $0xb8;
	[tilespmem:$0x1C000] =	vst v63  }
0x102: {  	_ =	swait.ge [sflag:s3], $0x1000  }
0x103: {  	[sflag:s3] =	ssyncset.done $0x0  }
0x104: {  	s5 =	sor.u32 $0xB00, s12;
	[sflag:s3] =	ssyncadd.s32 $0xFFFFF000  }
0x105: {  	[spmem:s2] =	stream.indirect.scatter.add.f32 [tilespmem:s23], [sflag:$0x3], $0x20, s5, s16, $0xb8;
	[tilespmem:$0x1C000] =	vst v63  }
0x106: {  	_ =	swait.ge [sflag:s3], $0x1000  }
0x107: {  	[sflag:s3] =	ssyncset.done $0x0  }
0x108: {  	s5 =	sor.u32 $0xB80, s12;
	[sflag:s3] =	ssyncadd.s32 $0xFFFFF000  }
0x109: {  	[spmem:s2] =	stream.indirect.scatter.add.f32 [tilespmem:s24], [sflag:$0x3], $0x20, s5, s16, $0xb8;
	[tilespmem:$0x1C000] =	vst v63  }
0x10a: {  	_ =	swait.ge [sflag:s3], $0x1000  }
0x10b: {  	[sflag:s3] =	ssyncset.done $0x0  }
0x10c: {  	s5 =	sor.u32 $0xC00, s12;
	[sflag:s3] =	ssyncadd.s32 $0xFFFFF000  }
0x10d: {  	[spmem:s2] =	stream.indirect.scatter.add.f32 [tilespmem:s25], [sflag:$0x3], $0x20, s5, s16, $0xb8;
	[tilespmem:$0x1C000] =	vst v63  }
0x10e: {  	_ =	swait.ge [sflag:s3], $0x1000  }
0x10f: {  	[sflag:s3] =	ssyncset.done $0x0  }
0x110: {  	s5 =	sor.u32 $0xC80, s12;
	[sflag:s3] =	ssyncadd.s32 $0xFFFFF000  }
0x111: {  	[spmem:s2] =	stream.indirect.scatter.add.f32 [tilespmem:s26], [sflag:$0x3], $0x20, s5, s16, $0xb8;
	[tilespmem:$0x1C000] =	vst v63  }
0x112: {  	_ =	swait.ge [sflag:s3], $0x1000  }
0x113: {  	[sflag:s3] =	ssyncset.done $0x0  }
0x114: {  	s5 =	sor.u32 $0xD00, s12;
	[sflag:s3] =	ssyncadd.s32 $0xFFFFF000  }
0x115: {  	[spmem:s2] =	stream.indirect.scatter.add.f32 [tilespmem:s28], [sflag:$0x3], $0x20, s5, s16, $0xb8;
	[tilespmem:$0x1C000] =	vst v63  }
0x116: {  	_ =	swait.ge [sflag:s3], $0x1000  }
0x117: {  	[sflag:s3] =	ssyncset.done $0x0  }
0x118: {  	s5 =	sor.u32 $0xD80, s12;
	[sflag:s3] =	ssyncadd.s32 $0xFFFFF000  }
0x119: {  	[spmem:s2] =	stream.indirect.scatter.add.f32 [tilespmem:s29], [sflag:$0x3], $0x20, s5, s16, $0xb8;
	[tilespmem:$0x1C000] =	vst v63  }
0x11a: {  	_ =	swait.ge [sflag:s3], $0x1000  }
0x11b: {  	[sflag:s3] =	ssyncset.done $0x0  }
0x11c: {  	s5 =	sor.u32 $0xE00, s12;
	[sflag:s3] =	ssyncadd.s32 $0xFFFFF000  }
0x11d: {  	[spmem:s2] =	stream.indirect.scatter.add.f32 [tilespmem:s30], [sflag:$0x3], $0x20, s5, s16, $0xb8;
	[tilespmem:$0x1C000] =	vst v63  }
0x11e: {  	_ =	swait.ge [sflag:s3], $0x1000  }
0x11f: {  	[sflag:s3] =	ssyncset.done $0x0  }
0x120: {  	s5 =	sor.u32 $0xE80, s12;
	[sflag:s3] =	ssyncadd.s32 $0xFFFFF000  }
0x121: {  	[spmem:s2] =	stream.indirect.scatter.add.f32 [tilespmem:s31], [sflag:$0x3], $0x20, s5, s16, $0xb8;
	[tilespmem:$0x1C000] =	vst v63  }
0x122: {  	_ =	swait.ge [sflag:s3], $0x1000  }
0x123: {  	[sflag:s3] =	ssyncset.done $0x0  }
0x124: {  	s5 =	sor.u32 $0xF00, s12;
	[sflag:s3] =	ssyncadd.s32 $0xFFFFF000  }
0x125: {  	[spmem:s2] =	stream.indirect.scatter.add.f32 [tilespmem:s0], [sflag:$0x3], $0x20, s5, s16, $0xb8;
	[tilespmem:$0x1C000] =	vst v63  }
0x126: {  	_ =	swait.ge [sflag:s3], $0x1000  }
0x127: {  	[sflag:s3] =	ssyncset.done $0x0  }
0x128: {  	s5 =	sor.u32 $0xF80, s12;
	[sflag:s3] =	ssyncadd.s32 $0xFFFFF000  }
0x129: {  	[spmem:s2] =	stream.indirect.scatter.add.f32 [tilespmem:s1], [sflag:$0x3], $0x20, s5, s16, $0xb8;
	[tilespmem:$0x1C000] =	vst v63  }
0x12a: {  	_ =	swait.ge [sflag:s14], $0x1000  }
0x12b: {  	[sflag:s14] =	ssyncset.done $0x0  }
0x12c: {  	[sflag:s14] =	ssyncadd.s32 $0xFFFFF000  }
0x12d: {  	_ =	swait.ge [sflag:s14], $0x1000  }
0x12e: {  	[sflag:s14] =	ssyncset.done $0x0  }
0x12f: {  	[sflag:s14] =	ssyncadd.s32 $0xFFFFF000  }
0x130: {  	_ =	swait.ge [sflag:s14], $0x1000  }
0x131: {  	[sflag:s14] =	ssyncset.done $0x0  }
0x132: {  	[sflag:s14] =	ssyncadd.s32 $0xFFFFF000  }
0x133: {  	_ =	swait.ge [sflag:s14], $0x1000  }
0x134: {  	[sflag:s14] =	ssyncset.done $0x0  }
0x135: {  	[sflag:s14] =	ssyncadd.s32 $0xFFFFF000  }
0x136: {  	_ =	swait.ge [sflag:s14], $0x1000  }
0x137: {  	[sflag:s14] =	ssyncset.done $0x0  }
0x138: {  	[sflag:s14] =	ssyncadd.s32 $0xFFFFF000  }
0x139: {  	_ =	swait.ge [sflag:s14], $0x1000  }
0x13a: {  	[sflag:s14] =	ssyncset.done $0x0  }
0x13b: {  	[sflag:s14] =	ssyncadd.s32 $0xFFFFF000  }
0x13c: {  	_ =	swait.ge [sflag:s14], $0x1000  }
0x13d: {  	[sflag:s14] =	ssyncset.done $0x0  }
0x13e: {  	[sflag:s14] =	ssyncadd.s32 $0xFFFFF000  }
0x13f: {  	_ =	swait.ge [sflag:s14], $0x1000  }
0x140: {  	[sflag:s14] =	ssyncset.done $0x0  }
0x141: {  	[sflag:s14] =	ssyncadd.s32 $0xFFFFF000  }
0x142: {  	_ =	swait.ge [sflag:s14], $0x1000  }
0x143: {  	[sflag:s14] =	ssyncset.done $0x0  }
0x144: {  	[sflag:s14] =	ssyncadd.s32 $0xFFFFF000  }
0x145: {  	_ =	swait.ge [sflag:s14], $0x1000  }
0x146: {  	[sflag:s14] =	ssyncset.done $0x0  }
0x147: {  	[sflag:s14] =	ssyncadd.s32 $0xFFFFF000  }
0x148: {  	_ =	swait.ge [sflag:s14], $0x1000  }
0x149: {  	[sflag:s14] =	ssyncset.done $0x0  }
0x14a: {  	[sflag:s14] =	ssyncadd.s32 $0xFFFFF000  }
0x14b: {  	_ =	swait.ge [sflag:s14], $0x1000  }
0x14c: {  	[sflag:s14] =	ssyncset.done $0x0  }
0x14d: {  	[sflag:s14] =	ssyncadd.s32 $0xFFFFF000  }
0x14e: {  	_ =	swait.ge [sflag:s14], $0x1000  }
0x14f: {  	[sflag:s14] =	ssyncset.done $0x0  }
0x150: {  	[sflag:s14] =	ssyncadd.s32 $0xFFFFF000  }
0x151: {  	_ =	swait.ge [sflag:s14], $0x1000  }
0x152: {  	[sflag:s14] =	ssyncset.done $0x0  }
0x153: {  	[sflag:s14] =	ssyncadd.s32 $0xFFFFF000  }
.Ltmp1:
0x154: {  	_ =	swait.ge [sflag:s14], $0x1000;
	(pc) =	sbr.rel @p0 .LBB2_4-.Ltmp1, $4  }
0x155: {  	[sflag:s14] =	ssyncset.done $0x0  }
0x156: {  	[sflag:s14] =	ssyncadd.s32 $0xFFFFF000  }
0x157: {  	_ =	swait.ge [sflag:s14], $0x1000  }
0x158: {  	s8 =	sadd.s32 $0x100, s8;
	[sflag:s14] =	ssyncset.done $0x0  }
0x159: {  	[sflag:s14] =	ssyncadd.s32 $0xFFFFF000  }
0x15a: {  	[bflag:$0x0] =	sbarrier.arrive $0xFFFF  }
0x15b: {  	s11 =	simm.s32 $0x12000;
	s9 =	rddreg [dreg:$0x3]  }
0x15c: {  	[tilespmem:s11], [sflag:$0x4] =	stream.linear.gather [spmem:s9], $0x5000, $0x38;
	[tilespmem:$0x1C000] =	vst v63  }
0x15d: {  	_ =	swait.ge [sflag:s13], $0x5000  }
0x15e: {  	[sflag:s13] =	ssyncset.done $0x0  }
0x15f: {  	s5 =	simm.s32 $0x0;
	s7 =	rddreg [dreg:$0x6];
	[sflag:s13] =	ssyncadd.s32 $0xFFFFB000  }
0x160: {  	[hbm4b:s7+s5] =	stream.linear.scatter [tilespmem:s11], [sflag:$0x4], $0x5000, $0x38;
	[tilespmem:$0x1C000] =	vst v63  }
0x161: {  	_ =	swait.ge [sflag:s13], $0x5000  }
0x162: {  	s6 =	sadd.s32 $0x1, s6;
	s12 =	rddreg [dreg:$0x7]  }
0x163: {  	p0 =	sne.s32 s6, s12  }
.Ltmp2:
0x164: {  	_ = 	snop;
	(pc) =	sbr.rel @p0 .LBB2_1-.Ltmp2, $3  }
0x165: {  	_ =	sdelay $0x1  }
0x166: {  	[sflag:s13] =	ssyncset.done $0x0  }
0x167: {  	[sflag:s13] =	ssyncadd.s32 $0xFFFFB000  }
0x168: {  	_ =	sfence.sel $0x180000  }
0x169: {  	[bflag:$0x0] =	sbarrier.arrive $0xFFFF  }
0x16a: {  	_ =	strace $0x9000004D  }
0x16b: {  	s0 =	stileid.u32;
	[bflag:$0x2] =	sbarrier.arrive $0xFFFF  }
0x16c: {  	p0 =	sne.s32 s0, $0x0;
	s0 =	rddreg [dreg:$0x2]  }
0x16d: {  	s0 =	sadd.s32 @!p0 $0x100000, s0  }
0x16e: {  	[sflag:s0] =	ssyncadd.tile.s32 @!p0 $0x1;
	_ =	shalt  }
.Lfunc_end2:
_tile_overlayer_lowered:
.L_overlay_start_2:
0x16f: {  	(tag) =	ssettag $0x2  }
0x170: {  	s0 =	rddreg [dreg:$0x0];
	s2 =	stileid.u32  }
0x171: {  	s1 =	rddreg [dreg:$0x1];
	p0 =	sne.s32 s2, $0x0  }
0x172: {  	s3 =	rddreg [dreg:$0x2];
	[bflag:$0x3] =	sbarrier.arrive $0xFFFF;
	s2 =	simm.s32 @!p0 $0x1C04  }
0x173: {  	[timem:s3], [sflag:s2] =	dma.local @!p0 [hbm:s0], s1  }
0x174: {  	s0 =	simm.s32 @!p0 $0x4  }
0x175: {  	_ =	swait.ge @!p0 [sflag:s0], s1  }
0x176: {  	s1 =	ssub.s32 @!p0 $0x0, s1;
	[sflag:s0] =	ssyncset.done @!p0 $0x0  }
0x177: {  	[sflag:s0] =	ssyncadd.s32 @!p0 s1  }
0x178: {  	[bflag:$0x3] =	sbarrier.arrive $0xFFFF  }
0x179: {  	_ =	shalt  }

// kernel: kernel.8.cloned.1.call-start
scs
__scs_entry_jumppad:
0x0: {  	(pc) =	sbr.rel $0x88, $3  }
0x1: {  	(tag) =	ssettag $0x0;
	lr =	simm.s32 $0x1  }
0x2: {  	[smem:$0x3F98] =	sst lr;
	_ =	strace $0xD0000000  }
0x3: {  	_ = 	snop  }
0x4: {  	_ = 	snop  }
0x5: {  	_ = 	snop  }
0x6: {  	_ = 	snop  }
0x7: {  	_ = 	snop  }
__scs_overlays_trampoline_lowered:
0x8: {  	[smem:$0x3FA7] =	sst s0  }
0x9: {  	[smem:$0x3FA8] =	sst s1  }
0xa: {  	[smem:$0x3FA9] =	sst s2  }
0xb: {  	[smem:$0x3FAA] =	sst s3  }
0xc: {  	[smem:$0x3FAB] =	sst s4  }
0xd: {  	[smem:$0x3FAC] =	sst s5  }
0xe: {  	[smem:$0x3FAD] =	sst s6  }
0xf: {  	[smem:$0x3FAE] =	sst s7  }
0x10: {  	[smem:$0x3FAF] =	sst s8  }
0x11: {  	[smem:$0x3FB0] =	sst s9;
	s0 =	simm.s32 @!p0 $0x0  }
0x12: {  	s1 =	sld [smem:$0x3F96];
	s0 =	simm.s32 @p0 $0x1  }
0x13: {  	[smem:$0x3FB1] =	sst s0;
	s0 =	simm.s32 @!p1 $0x0  }
0x14: {  	s2 =	sld [smem:$0x3F95];
	s0 =	simm.s32 @p1 $0x1  }
0x15: {  	[smem:$0x3FB2] =	sst s0;
	s0 =	simm.s32 @!p2 $0x0  }
0x16: {  	s3 =	sld [smem:$0x3FDB];
	s0 =	simm.s32 @p2 $0x1  }
0x17: {  	s4 =	simm.s32 $0x1BF5;
	[smem:$0x3FB4] =	sst s0  }
0x18: {  	s0 =	sld [smem:$0x3F97];
	_ =	swait.ge [sflag:s4], $0x0  }
0x19: {  	s7 =	sld [smem:$0x3F98]  }
0x1a: {  	s8 =	sadd.s32 $0xFFFFE003, lr  }
0x1b: {  	s9 =	sadd.s32 $0xFFFFFEF7, lr;
	s5 =	simm.s32 $0xFFFFFFFF;
	p2 =	slt.u32 s8, $0xFFFFF086  }
0x1c: {  	p1 =	slt.u32 s9, $0xF7A;
	s5 =	simm.s32 @!p2 $0x0  }
0x1d: {  	s5 =	simm.s32 @p1 $0x1;
	p0 =	seq.s32 s7, s2  }
0x1e: {  	s7 =	smul.u32 @!p0 $0xF7A, s2;
	p2 =	seq.s32 @!p0 s5, $0x0  }
0x1f: {  	s9 =	smul.u32 $0xF7A, s1;
	s8 =	simm.s32 @!p0 $0x1BF5;
	p2 =	por !p2, p0  }
0x20: {  	[sflag:s8] =	ssyncset.s32 @!p0 $0xFFFFF086;
	s6 =	sadd.s32 @!p0 s3, s7;
	s7 =	simm.s32 @!p0 $0x108  }
0x21: {  	s3 =	sadd.s32 s3, s9;
	s6 =	sadd.s32 @!p0 $0x88, s6;
	s7 =	simm.s32 @p2 $0x1082  }
0x22: {  	[simem:s7], [sflag:s8] =	dma.local @!p0 [hbm:s6], $0xF7A  }
0x23: {  	s9 =	sor.u32 $0xD0000000, s2;
	s6 =	simm.s32 $0x108;
	_ =	swait.ge @!p0 [sflag:s8], $0x0  }
0x24: {  	s3 =	sadd.s32 $0x88, s3;
	s6 =	simm.s32 @!p1 $0x1082;
	[sflag:s4] =	ssyncset.s32 $0xFFFFF086  }
0x25: {  	[simem:s6], [sflag:s4] =	dma.local [hbm:s3], $0xF7A  }
0x26: {  	[smem:$0x3F98] =	sst s1;
	(tag) =	ssettag s2;
	_ =	strace s9  }
0x27: {  	s1 =	sld [smem:$0x3FA8]  }
0x28: {  	s2 =	sld [smem:$0x3FA9]  }
0x29: {  	s4 =	sld [smem:$0x3FAB]  }
0x2a: {  	p0 =	seq.s32 s5, $0x0;
	s5 =	sld [smem:$0x3FAC]  }
0x2b: {  	s6 =	sld [smem:$0x3FAD]  }
0x2c: {  	s7 =	sld [smem:$0x3FAE]  }
0x2d: {  	s3 =	simm.s32 $0x108;
	s8 =	sld [smem:$0x3FAF]  }
0x2e: {  	s3 =	simm.s32 @!p0 $0x1082;
	s9 =	sld [smem:$0x3FB0]  }
0x2f: {  	lr =	sadd.s32 s0, s3;
	s0 =	sld [smem:$0x3FA7]  }
0x30: {  	s3 =	sld [smem:$0x3FAA]  }
0x31: {  	[smem:$0x3FB3] =	sst s10  }
0x32: {  	s10 =	sld [smem:$0x3FB1];
	_ =	sdelay $0x3  }
0x33: {  	p0 =	seq.s32 s10, $0x1;
	s10 =	sld [smem:$0x3FB3];
	_ =	sdelay $0x3  }
0x34: {  	[smem:$0x3FB3] =	sst s10  }
0x35: {  	s10 =	sld [smem:$0x3FB2];
	_ =	sdelay $0x3  }
0x36: {  	p1 =	seq.s32 s10, $0x1;
	s10 =	sld [smem:$0x3FB3];
	_ =	sdelay $0x3  }
0x37: {  	[smem:$0x3FB3] =	sst s10  }
0x38: {  	s10 =	sld [smem:$0x3FB4]  }
0x39: {  	_ = 	snop;
	(pc) =	sbr.ind lr, $3  }
0x3a: {  	_ = 	snop  }
0x3b: {  	_ = 	snop  }
0x3c: {  	p2 =	seq.s32 s10, $0x1;
	s10 =	sld [smem:$0x3FB3]  }
0x3d: {  	_ =	shalt  }
0x3e: {  	_ =	shalt  }
0x3f: {  	_ =	shalt  }
0x40: {  	_ =	shalt  }
0x41: {  	_ =	shalt  }
0x42: {  	_ =	shalt  }
0x43: {  	_ =	shalt  }
0x44: {  	_ =	shalt  }
0x45: {  	_ =	shalt  }
0x46: {  	_ =	shalt  }
0x47: {  	_ =	shalt  }
0x48: {  	_ =	shalt  }
0x49: {  	_ =	shalt  }
0x4a: {  	_ =	shalt  }
0x4b: {  	_ =	shalt  }
0x4c: {  	_ =	shalt  }
0x4d: {  	_ =	shalt  }
0x4e: {  	_ =	shalt  }
0x4f: {  	_ =	shalt  }
0x50: {  	_ =	shalt  }
0x51: {  	_ =	shalt  }
0x52: {  	_ =	shalt  }
0x53: {  	_ =	shalt  }
0x54: {  	_ =	shalt  }
0x55: {  	_ =	shalt  }
0x56: {  	_ =	shalt  }
0x57: {  	_ =	shalt  }
0x58: {  	_ =	shalt  }
0x59: {  	_ =	shalt  }
0x5a: {  	_ =	shalt  }
0x5b: {  	_ =	shalt  }
0x5c: {  	_ =	shalt  }
0x5d: {  	_ =	shalt  }
0x5e: {  	_ =	shalt  }
0x5f: {  	_ =	shalt  }
0x60: {  	_ =	shalt  }
0x61: {  	_ =	shalt  }
0x62: {  	_ =	shalt  }
0x63: {  	_ =	shalt  }
0x64: {  	_ =	shalt  }
0x65: {  	_ =	shalt  }
0x66: {  	_ =	shalt  }
0x67: {  	_ =	shalt  }
0x68: {  	_ =	shalt  }
0x69: {  	_ =	shalt  }
0x6a: {  	_ =	shalt  }
0x6b: {  	_ =	shalt  }
0x6c: {  	_ =	shalt  }
0x6d: {  	_ =	shalt  }
0x6e: {  	_ =	shalt  }
0x6f: {  	_ =	shalt  }
0x70: {  	_ =	shalt  }
0x71: {  	_ =	shalt  }
0x72: {  	_ =	shalt  }
0x73: {  	_ =	shalt  }
0x74: {  	_ =	shalt  }
0x75: {  	_ =	shalt  }
0x76: {  	_ =	shalt  }
0x77: {  	_ =	shalt  }
0x78: {  	_ =	shalt  }
0x79: {  	_ =	shalt  }
0x7a: {  	_ =	shalt  }
0x7b: {  	_ =	shalt  }
0x7c: {  	_ =	shalt  }
0x7d: {  	_ =	shalt  }
0x7e: {  	_ =	shalt  }
0x7f: {  	_ =	shalt  }
0x80: {  	_ =	shalt  }
0x81: {  	_ =	shalt  }
0x82: {  	_ =	shalt  }
0x83: {  	_ =	shalt  }
0x84: {  	_ =	shalt  }
0x85: {  	_ =	shalt  }
0x86: {  	_ =	shalt  }
0x87: {  	_ =	shalt  }
.Lfunc_end0:
.L_simem_size_0:
called_computation_lowered:
.L_overlay_start_0:
0x88: {  	s2 =	sld [smem:$0x3FD9]  }
0x89: {  	s3 =	sld [smem:$0x3FFE];
	_ =	sdelay $0x1  }
0x8a: {  	s1 =	srdreg.scid  }
0x8b: {  	s0 =	sand.u32 $0x1, s1  }
0x8c: {  	s16 =	sshll.u32 s0, $0xA;
	s2 =	sadd.s32 s3, s2  }
0x8d: {  	s2 =	sadd.s32 s2, s16  }
0x8e: {  	[smem:$0x3FBF] =	sst s2  }
0x8f: {  	_ = 	snop  }
0x90: {  	(tm) =	ssettm $0x1  }
0x91: {  	s17 =	sld [smem:$0x3FFB];
	_ =	sdelay $0x3  }
0x92: {  	_ =	strace s17  }
0x93: {  	s2 =	sld [smem:$0x3FFC];
	_ =	sdelay $0x3  }
0x94: {  	_ =	strace s2  }
0x95: {  	s2 =	sld [smem:$0x3FFD];
	_ =	sdelay $0x3  }
0x96: {  	_ =	strace s2  }
0x97: {  	_ =	strace $0x8FFFFFFF  }
0x98: {  	s18 =	sld [smem:$0x3FDB];
	_ =	sdelay $0x1  }
0x99: {  	s19 =	simm.s32 $_scs_section_size  }
0x9a: {  	s4 =	simm.s32 $_size__tile_overlayer_lowered;
	s5 =	simm.s32 $_tile_overlayer_lowered  }
0x9b: {  	s22 =	simm.s32 $0x1BFF;
	s21 =	sshll.u32 s5, $0x1;
	s2 =	sadd.s32 s19, s18  }
0x9c: {  	s6 =	simm.s32 $0x0;
	s20 =	sshll.u32 s4, $0x1;
	s4 =	sadd.s32 s21, s2  }
0x9d: {  	[timem:s6], [sflag:s22] =	dma.local [hbm:s4], s20  }
0x9e: {  	_ =	swait.ge [sflag:s22], s20  }
0x9f: {  	s3 =	ssub.s32 $0x0, s20;
	[sflag:s22] =	ssyncset.done $0x0  }
0xa0: {  	[sflag:s22] =	ssyncadd.s32 s3;
	_ =	sdelay $0x1  }
0xa1: {  	s23 =	simm.s32 $0x1B8B  }
0xa2: {  	_ =	swait.ge [sflag:s23], $0x1  }
0xa3: {  	[sflag:s23] =	ssyncset.done $0x0  }
0xa4: {  	s25 =	simm.s32 $0x1B8E;
	s24 =	sld [smem:$0x3FFE];
	[sflag:s23] =	ssyncadd.s32 $0xFFFFFFFF  }
0xa5: {  	s26 =	simm.s32 $execute0_lowered;
	[smem:$0x3FD2] =	sst s25  }
0xa6: {  	s4 =	sshll.u32 s26, $0x1;
	_ =	strace $0x80000046;
	[dreg:$0x1] =	wrdreg $0xFFFFFFFF  }
0xa7: {  	s28 =	simm.s32 $_size_execute0_lowered;
	s2 =	sadd.s32 s2, s4;
	[dreg:$0x0] =	wrdreg $0x0  }
0xa8: {  	s4 =	sshll.u32 s28, $0x1;
	[dreg:$0x2] =	wrdreg s2  }
0xa9: {  	[dreg:$0x3] =	wrdreg s4  }
0xaa: {  	[dreg:$0x4] =	wrdreg $0xC0  }
0xab: {  	_ =	task [dreg:s6], $0x5FFFF  }
0xac: {  	[dreg:$0x1] =	wrdreg $0xFFFFFFFF  }
0xad: {  	[dreg:$0x0] =	wrdreg $0x60  }
0xae: {  	[dreg:$0x2] =	wrdreg s24  }
0xaf: {  	[dreg:$0x3] =	wrdreg $0x13000  }
0xb0: {  	[dreg:$0x4] =	wrdreg $0x9  }
0xb1: {  	_ =	task.clear_ibuf [dreg:s6], $0x5FFFF;
	_ =	strace $0x90000046  }
0xb2: {  	s29 =	simm.s32 $0x9;
	_ =	strace $0x80000048  }
0xb3: {  	_ =	swait.ge [sflag:s29], $0x1  }
0xb4: {  	[sflag:s29] =	ssyncadd.s32 $0xFFFFFFFF  }
0xb5: {  	_ =	strace $0x90000048  }
0xb6: {  	_ =	sfence  }
0xb7: {  	s30 =	sld [smem:$0x0];
	_ =	sdelay $0x2  }
0xb8: {  	s31 =	sshll.u32 s1, $0xD;
	s1 =	sshrl.u32 s1, $0x2  }
0xb9: {  	s3 =	sand.u32 $0x4000, s31;
	s1 =	sadd.s32 s1, s30  }
0xba: {  	s0 =	sor.u32 s3, s0;
	s1 =	sshll.u32 s1, $0x11  }
0xbb: {  	s0 =	sor.u32 s1, s0  }
0xbc: {  	s0 =	sadd.s32 $0x8F2B, s0  }
0xbd: {  	[sflag:s0] =	ssyncadd.remote.s32 $0x1  }
0xbe: {  	_ =	sfence.sel $0xFFFF  }
0xbf: {  	[dreg:$0x0] =	wrdreg $0xFFFFFFFF;
	(pc) =	sbr.abs _section_cstart, $3  }
0xc0: {  	[dreg:$0x1] =	wrdreg $0xFFFFFFFF  }
0xc1: {  	_ =	task.clear_ibuf [dreg:s6], $0x2FFFF;
	_ =	strace $0x9FFFFFFF  }
0xc2: {  	(tm) =	ssettm $0x7FFFFFFF  }
0xc3: {  	_ =	shalt  }
tec
execute0_lowered:
.L_overlay_start_1:
0x0: {  	(tag) =	ssettag $0x1  }
0x1: {  	s4 =	rddreg [dreg:$0x0]  }
0x2: {  	s2 =	rddreg [dreg:$0x1]  }
0x3: {  	s0 =	rddreg [dreg:$0x2]  }
0x4: {  	s5 =	srdreg.scid;
	s1 =	stileid.u32  }
0x5: {  	s3 =	simm.s32 $0x0;
	s12 =	simm.s32 $0x80;
	s13 =	simm.s32 $0x1000  }
0x6: {  	s14 =	simm.s32 $0x2;
	s15 =	simm.s32 $0x0;
	s6 =	smul.u32 $0x280, s1  }
0x7: {  	s5 =	sand.u32 $0x1, s5;
	[smem:$0x7FF] =	sst s3;
	s11 =	smul.u32 $0x5000, s1  }
0x8: {  	s8 =	sadd.s32 $0x2600, s4;
	s7 =	smul.u32 $0x2800, s5;
	_ =	strace $0x80000047  }
0x9: {  	s9 =	smul.u32 $0x50000, s5;
	s10 =	sshll.u32 s5, $0x4;
	s29 =	ssub.s32 $0x2, s5  }
0xa: {  	s30 =	sor.u32 s1, s10;
	s31 =	sshrl.u32 s29, $0x1;
	s7 =	sadd.s32 s6, s7  }
0xb: {  	s5 =	smul.u32 $0xA00, s30;
	s9 =	sadd.s32 s11, s9;
	s10 =	ssub.s32 s29, s31  }
0xc: {  	s11 =	simm.s32 $0x1;
	s7 =	sshrl.u32 s7, $0x3;
	s9 =	sor.u32 $0x800, s9  }
0xd: {  	s7 =	sadd.s32 s7, s4;
	s4 =	sadd.s32 s6, s2;
	s5 =	sadd.s32 s8, s5  }
0xe: {  	s9 =	sshrl.u32 s9, $0x3;
	s6 =	sadd.s32 $0x16600, s7;
	s7 =	smax.u32 s10, $0x1  }
0xf: {  	v0 =	vimm.f32 $0.0e+00;
	v1 =	vimm.f32 $1.000000000e+00;
	s8 =	sadd.s32 s9, s8;
	s9 =	simm.s32 $0x1080;
	s10 =	simm.s32 $0x3  }
.LBB2_1:
0x10: {  	[tilespmem:$0x1080] =	vst v0  }
0x11: {  	[tilespmem:$0x1090] =	vst v0  }
0x12: {  	[tilespmem:$0x10A0] =	vst v0  }
0x13: {  	[tilespmem:$0x10B0] =	vst v0  }
0x14: {  	[tilespmem:$0x10C0] =	vst v0  }
0x15: {  	[tilespmem:$0x10D0] =	vst v0  }
0x16: {  	[tilespmem:$0x10E0] =	vst v0  }
0x17: {  	[tilespmem:$0x10F0] =	vst v0  }
0x18: {  	[tilespmem:$0x1100] =	vst v0  }
0x19: {  	[tilespmem:$0x1110] =	vst v0  }
0x1a: {  	[tilespmem:$0x1120] =	vst v0  }
0x1b: {  	[tilespmem:$0x1130] =	vst v0  }
0x1c: {  	[tilespmem:$0x1140] =	vst v0  }
0x1d: {  	[tilespmem:$0x1150] =	vst v0  }
0x1e: {  	[tilespmem:$0x1160] =	vst v0  }
0x1f: {  	[tilespmem:$0x1170] =	vst v0  }
0x20: {  	[tilespmem:$0x1180] =	vst v0  }
0x21: {  	[tilespmem:$0x1190] =	vst v0  }
0x22: {  	[tilespmem:$0x11A0] =	vst v0  }
0x23: {  	[tilespmem:$0x11B0] =	vst v0  }
0x24: {  	[tilespmem:$0x11C0] =	vst v0  }
0x25: {  	[tilespmem:$0x11D0] =	vst v0  }
0x26: {  	[tilespmem:$0x11E0] =	vst v0  }
0x27: {  	[tilespmem:$0x11F0] =	vst v0  }
0x28: {  	[tilespmem:$0x1200] =	vst v0  }
0x29: {  	[tilespmem:$0x1210] =	vst v0  }
0x2a: {  	[tilespmem:$0x1220] =	vst v0  }
0x2b: {  	[tilespmem:$0x1230] =	vst v0  }
0x2c: {  	[tilespmem:$0x1240] =	vst v0  }
0x2d: {  	[tilespmem:$0x1250] =	vst v0  }
0x2e: {  	[tilespmem:$0x1260] =	vst v0  }
0x2f: {  	[tilespmem:$0x1270] =	vst v0  }
0x30: {  	[tilespmem:$0x1280] =	vst v0  }
0x31: {  	[tilespmem:$0x1290] =	vst v0  }
0x32: {  	[tilespmem:$0x12A0] =	vst v0  }
0x33: {  	[tilespmem:$0x12B0] =	vst v0  }
0x34: {  	[tilespmem:$0x12C0] =	vst v0  }
0x35: {  	[tilespmem:$0x12D0] =	vst v0  }
0x36: {  	[tilespmem:$0x12E0] =	vst v0  }
0x37: {  	[tilespmem:$0x12F0] =	vst v0  }
0x38: {  	[tilespmem:$0x1000] =	vst v1  }
0x39: {  	[tilespmem:$0x1010] =	vst v1  }
0x3a: {  	[tilespmem:$0x1020] =	vst v1  }
0x3b: {  	[tilespmem:$0x1030] =	vst v1  }
0x3c: {  	[tilespmem:$0x1040] =	vst v1  }
0x3d: {  	[tilespmem:$0x1050] =	vst v1  }
0x3e: {  	[tilespmem:$0x1060] =	vst v1  }
0x3f: {  	[tilespmem:$0x1070] =	vst v1  }
0x40: {  	[spmem:s4] =	stream.linear.scatter [tilespmem:s9], [sflag:$0x3], $0x280, $0x38;
	[tilespmem:$0x1580] =	vst v63  }
0x41: {  	_ =	swait.ge [sflag:s10], $0x280  }
0x42: {  	[sflag:s10] =	ssyncset.done $0x0  }
0x43: {  	[sflag:s10] =	ssyncadd.s32 $0xFFFFFD80  }
0x44: {  	[tilespmem:s3], [sflag:$0x1] =	stream.linear.gather [hbm4b:s5+s3], $0x800, $0x38;
	[tilespmem:$0x1580] =	vst v63  }
0x45: {  	[bflag:$0x0] =	sbarrier.arrive $0xFFFF  }
0x46: {  	s16 =	sand.u32 $0x1, s3;
	p0 =	por $0x0, $0x0;
	_ =	swait.ge [sflag:s11], $0x800  }
0x47: {  	s17 =	sshll.u32 @!p0 s16, $0xB;
	[sflag:s11] =	ssyncset.done $0x0  }
0x48: {  	s18 =	simm.s32 @!p0 $0x0;
	s17 =	sxor.u32 @!p0 $0x800, s17;
	[sflag:s11] =	ssyncadd.s32 $0xFFFFF800  }
0x49: {  	[tilespmem:s17], [sflag:$0x1] =	stream.linear.gather @!p0 [hbm4b:s8+s18], $0x800, $0x38;
	[tilespmem:$0x1580] =	vst v63  }
0x4a: {  	s16 =	sshll.u32 s16, $0xB  }
0x4b: {  	[spmem:s2] =	stream.indirect.scatter.add.f32 [tilespmem:s13], [sflag:$0x2], $0x1, s16, s12, $0xb8;
	[tilespmem:$0x1580] =	vst v63  }
0x4c: {  	s31 =	sor.u32 $0x80, s16  }
0x4d: {  	[spmem:s2] =	stream.indirect.scatter.add.f32 [tilespmem:s13], [sflag:$0x2], $0x1, s31, s12, $0xb8;
	[tilespmem:$0x1580] =	vst v63  }
0x4e: {  	s18 =	sor.u32 $0x100, s16  }
0x4f: {  	[spmem:s2] =	stream.indirect.scatter.add.f32 [tilespmem:s13], [sflag:$0x2], $0x1, s18, s12, $0xb8;
	[tilespmem:$0x1580] =	vst v63  }
0x50: {  	s19 =	sor.u32 $0x180, s16  }
0x51: {  	[spmem:s2] =	stream.indirect.scatter.add.f32 [tilespmem:s13], [sflag:$0x2], $0x1, s19, s12, $0xb8;
	[tilespmem:$0x1580] =	vst v63  }
0x52: {  	s20 =	sor.u32 $0x200, s16  }
0x53: {  	[spmem:s2] =	stream.indirect.scatter.add.f32 [tilespmem:s13], [sflag:$0x2], $0x1, s20, s12, $0xb8;
	[tilespmem:$0x1580] =	vst v63  }
0x54: {  	s21 =	sor.u32 $0x280, s16  }
0x55: {  	[spmem:s2] =	stream.indirect.scatter.add.f32 [tilespmem:s13], [sflag:$0x2], $0x1, s21, s12, $0xb8;
	[tilespmem:$0x1580] =	vst v63  }
0x56: {  	s22 =	sor.u32 $0x300, s16  }
0x57: {  	[spmem:s2] =	stream.indirect.scatter.add.f32 [tilespmem:s13], [sflag:$0x2], $0x1, s22, s12, $0xb8;
	[tilespmem:$0x1580] =	vst v63  }
0x58: {  	s23 =	sor.u32 $0x380, s16  }
0x59: {  	[spmem:s2] =	stream.indirect.scatter.add.f32 [tilespmem:s13], [sflag:$0x2], $0x1, s23, s12, $0xb8;
	[tilespmem:$0x1580] =	vst v63  }
0x5a: {  	s24 =	sor.u32 $0x400, s16  }
0x5b: {  	[spmem:s2] =	stream.indirect.scatter.add.f32 [tilespmem:s13], [sflag:$0x2], $0x1, s24, s12, $0xb8;
	[tilespmem:$0x1580] =	vst v63  }
0x5c: {  	s25 =	sor.u32 $0x480, s16  }
0x5d: {  	[spmem:s2] =	stream.indirect.scatter.add.f32 [tilespmem:s13], [sflag:$0x2], $0x1, s25, s12, $0xb8;
	[tilespmem:$0x1580] =	vst v63  }
0x5e: {  	s26 =	sor.u32 $0x500, s16  }
0x5f: {  	[spmem:s2] =	stream.indirect.scatter.add.f32 [tilespmem:s13], [sflag:$0x2], $0x1, s26, s12, $0xb8;
	[tilespmem:$0x1580] =	vst v63  }
0x60: {  	s28 =	sor.u32 $0x580, s16  }
0x61: {  	[spmem:s2] =	stream.indirect.scatter.add.f32 [tilespmem:s13], [sflag:$0x2], $0x1, s28, s12, $0xb8;
	[tilespmem:$0x1580] =	vst v63  }
0x62: {  	s29 =	sor.u32 $0x600, s16  }
0x63: {  	[spmem:s2] =	stream.indirect.scatter.add.f32 [tilespmem:s13], [sflag:$0x2], $0x1, s29, s12, $0xb8;
	[tilespmem:$0x1580] =	vst v63  }
0x64: {  	s30 =	sor.u32 $0x680, s16  }
0x65: {  	[spmem:s2] =	stream.indirect.scatter.add.f32 [tilespmem:s13], [sflag:$0x2], $0x1, s30, s12, $0xb8;
	[tilespmem:$0x1580] =	vst v63  }
0x66: {  	s31 =	sor.u32 $0x700, s16  }
0x67: {  	[spmem:s2] =	stream.indirect.scatter.add.f32 [tilespmem:s13], [sflag:$0x2], $0x1, s31, s12, $0xb8;
	[tilespmem:$0x1580] =	vst v63  }
0x68: {  	s16 =	sor.u32 $0x780, s16  }
0x69: {  	[spmem:s2] =	stream.indirect.scatter.add.f32 [tilespmem:s13], [sflag:$0x2], $0x1, s16, s12, $0xb8;
	[tilespmem:$0x1580] =	vst v63  }
0x6a: {  	_ =	swait.ge [sflag:s14], $0x80  }
0x6b: {  	[sflag:s14] =	ssyncset.done $0x0  }
0x6c: {  	[sflag:s14] =	ssyncadd.s32 $0xFFFFFF80  }
0x6d: {  	_ =	swait.ge [sflag:s14], $0x80  }
0x6e: {  	[sflag:s14] =	ssyncset.done $0x0  }
0x6f: {  	[sflag:s14] =	ssyncadd.s32 $0xFFFFFF80  }
0x70: {  	_ =	swait.ge [sflag:s14], $0x80  }
0x71: {  	[sflag:s14] =	ssyncset.done $0x0  }
0x72: {  	[sflag:s14] =	ssyncadd.s32 $0xFFFFFF80  }
0x73: {  	_ =	swait.ge [sflag:s14], $0x80  }
0x74: {  	[sflag:s14] =	ssyncset.done $0x0  }
0x75: {  	[sflag:s14] =	ssyncadd.s32 $0xFFFFFF80  }
0x76: {  	_ =	swait.ge [sflag:s14], $0x80  }
0x77: {  	[sflag:s14] =	ssyncset.done $0x0  }
0x78: {  	[sflag:s14] =	ssyncadd.s32 $0xFFFFFF80  }
0x79: {  	_ =	swait.ge [sflag:s14], $0x80  }
0x7a: {  	[sflag:s14] =	ssyncset.done $0x0  }
0x7b: {  	[sflag:s14] =	ssyncadd.s32 $0xFFFFFF80  }
0x7c: {  	_ =	swait.ge [sflag:s14], $0x80  }
0x7d: {  	[sflag:s14] =	ssyncset.done $0x0  }
0x7e: {  	[sflag:s14] =	ssyncadd.s32 $0xFFFFFF80  }
0x7f: {  	_ =	swait.ge [sflag:s14], $0x80  }
0x80: {  	[sflag:s14] =	ssyncset.done $0x0  }
0x81: {  	[sflag:s14] =	ssyncadd.s32 $0xFFFFFF80  }
0x82: {  	_ =	swait.ge [sflag:s14], $0x80  }
0x83: {  	[sflag:s14] =	ssyncset.done $0x0  }
0x84: {  	[sflag:s14] =	ssyncadd.s32 $0xFFFFFF80  }
0x85: {  	_ =	swait.ge [sflag:s14], $0x80  }
0x86: {  	[sflag:s14] =	ssyncset.done $0x0  }
0x87: {  	[sflag:s14] =	ssyncadd.s32 $0xFFFFFF80  }
0x88: {  	_ =	swait.ge [sflag:s14], $0x80  }
0x89: {  	[sflag:s14] =	ssyncset.done $0x0  }
0x8a: {  	[sflag:s14] =	ssyncadd.s32 $0xFFFFFF80  }
0x8b: {  	_ =	swait.ge [sflag:s14], $0x80  }
0x8c: {  	[sflag:s14] =	ssyncset.done $0x0  }
0x8d: {  	[sflag:s14] =	ssyncadd.s32 $0xFFFFFF80  }
0x8e: {  	_ =	swait.ge [sflag:s14], $0x80  }
0x8f: {  	[sflag:s14] =	ssyncset.done $0x0  }
0x90: {  	[sflag:s14] =	ssyncadd.s32 $0xFFFFFF80  }
0x91: {  	_ =	swait.ge [sflag:s14], $0x80  }
0x92: {  	[sflag:s14] =	ssyncset.done $0x0  }
0x93: {  	[sflag:s14] =	ssyncadd.s32 $0xFFFFFF80  }
0x94: {  	_ =	swait.ge [sflag:s14], $0x80  }
0x95: {  	[sflag:s14] =	ssyncset.done $0x0  }
0x96: {  	[sflag:s14] =	ssyncadd.s32 $0xFFFFFF80  }
0x97: {  	_ =	swait.ge [sflag:s14], $0x80  }
0x98: {  	s17 =	smov.u32 s8;
	s16 =	simm.s32 $0x1;
	[sflag:s14] =	ssyncset.done $0x0  }
.LBB2_2:
0x99: {  	[sflag:s14] =	ssyncadd.s32 $0xFFFFFF80  }
0x9a: {  	s17 =	sadd.s32 $0x100, s17;
	s18 =	smov.u32 s16;
	s16 =	sadd.s32 $0x1, s16  }
0x9b: {  	s19 =	sand.u32 $0x1, s18;
	_ =	swait.ge [sflag:s11], $0x800;
	p1 =	seq.s32 s18, $0x9  }
0x9c: {  	p0 =	sne.s32 s16, $0xA;
	[sflag:s11] =	ssyncset.done $0x0;
	s18 =	sshll.u32 @!p1 s19, $0xB  }
0x9d: {  	s20 =	simm.s32 @!p1 $0x0;
	[sflag:s11] =	ssyncadd.s32 $0xFFFFF800;
	s18 =	sxor.u32 @!p1 $0x800, s18  }
0x9e: {  	[tilespmem:s18], [sflag:$0x1] =	stream.linear.gather @!p1 [hbm4b:s17+s20], $0x800, $0x38;
	[tilespmem:$0x1580] =	vst v63  }
0x9f: {  	s18 =	sshll.u32 s19, $0xB  }
0xa0: {  	[spmem:s2] =	stream.indirect.scatter.add.f32 [tilespmem:s13], [sflag:$0x2], $0x1, s18, s12, $0xb8;
	[tilespmem:$0x1580] =	vst v63  }
0xa1: {  	s19 =	sor.u32 $0x80, s18  }
0xa2: {  	[spmem:s2] =	stream.indirect.scatter.add.f32 [tilespmem:s13], [sflag:$0x2], $0x1, s19, s12, $0xb8;
	[tilespmem:$0x1580] =	vst v63  }
0xa3: {  	s19 =	sor.u32 $0x100, s18  }
0xa4: {  	[spmem:s2] =	stream.indirect.scatter.add.f32 [tilespmem:s13], [sflag:$0x2], $0x1, s19, s12, $0xb8;
	[tilespmem:$0x1580] =	vst v63  }
0xa5: {  	s19 =	sor.u32 $0x180, s18  }
0xa6: {  	[spmem:s2] =	stream.indirect.scatter.add.f32 [tilespmem:s13], [sflag:$0x2], $0x1, s19, s12, $0xb8;
	[tilespmem:$0x1580] =	vst v63  }
0xa7: {  	s19 =	sor.u32 $0x200, s18  }
0xa8: {  	[spmem:s2] =	stream.indirect.scatter.add.f32 [tilespmem:s13], [sflag:$0x2], $0x1, s19, s12, $0xb8;
	[tilespmem:$0x1580] =	vst v63  }
0xa9: {  	s19 =	sor.u32 $0x280, s18  }
0xaa: {  	[spmem:s2] =	stream.indirect.scatter.add.f32 [tilespmem:s13], [sflag:$0x2], $0x1, s19, s12, $0xb8;
	[tilespmem:$0x1580] =	vst v63  }
0xab: {  	s19 =	sor.u32 $0x300, s18  }
0xac: {  	[spmem:s2] =	stream.indirect.scatter.add.f32 [tilespmem:s13], [sflag:$0x2], $0x1, s19, s12, $0xb8;
	[tilespmem:$0x1580] =	vst v63  }
0xad: {  	s19 =	sor.u32 $0x380, s18  }
0xae: {  	[spmem:s2] =	stream.indirect.scatter.add.f32 [tilespmem:s13], [sflag:$0x2], $0x1, s19, s12, $0xb8;
	[tilespmem:$0x1580] =	vst v63  }
0xaf: {  	s19 =	sor.u32 $0x400, s18  }
0xb0: {  	[spmem:s2] =	stream.indirect.scatter.add.f32 [tilespmem:s13], [sflag:$0x2], $0x1, s19, s12, $0xb8;
	[tilespmem:$0x1580] =	vst v63  }
0xb1: {  	s19 =	sor.u32 $0x480, s18  }
0xb2: {  	[spmem:s2] =	stream.indirect.scatter.add.f32 [tilespmem:s13], [sflag:$0x2], $0x1, s19, s12, $0xb8;
	[tilespmem:$0x1580] =	vst v63  }
0xb3: {  	s19 =	sor.u32 $0x500, s18  }
0xb4: {  	[spmem:s2] =	stream.indirect.scatter.add.f32 [tilespmem:s13], [sflag:$0x2], $0x1, s19, s12, $0xb8;
	[tilespmem:$0x1580] =	vst v63  }
0xb5: {  	s19 =	sor.u32 $0x580, s18  }
0xb6: {  	[spmem:s2] =	stream.indirect.scatter.add.f32 [tilespmem:s13], [sflag:$0x2], $0x1, s19, s12, $0xb8;
	[tilespmem:$0x1580] =	vst v63  }
0xb7: {  	s19 =	sor.u32 $0x600, s18  }
0xb8: {  	[spmem:s2] =	stream.indirect.scatter.add.f32 [tilespmem:s13], [sflag:$0x2], $0x1, s19, s12, $0xb8;
	[tilespmem:$0x1580] =	vst v63  }
0xb9: {  	s19 =	sor.u32 $0x680, s18  }
0xba: {  	[spmem:s2] =	stream.indirect.scatter.add.f32 [tilespmem:s13], [sflag:$0x2], $0x1, s19, s12, $0xb8;
	[tilespmem:$0x1580] =	vst v63  }
0xbb: {  	s19 =	sor.u32 $0x700, s18  }
0xbc: {  	[spmem:s2] =	stream.indirect.scatter.add.f32 [tilespmem:s13], [sflag:$0x2], $0x1, s19, s12, $0xb8;
	[tilespmem:$0x1580] =	vst v63  }
0xbd: {  	s18 =	sor.u32 $0x780, s18  }
0xbe: {  	[spmem:s2] =	stream.indirect.scatter.add.f32 [tilespmem:s13], [sflag:$0x2], $0x1, s18, s12, $0xb8;
	[tilespmem:$0x1580] =	vst v63  }
0xbf: {  	_ =	swait.ge [sflag:s14], $0x80  }
0xc0: {  	[sflag:s14] =	ssyncset.done $0x0  }
0xc1: {  	[sflag:s14] =	ssyncadd.s32 $0xFFFFFF80  }
0xc2: {  	_ =	swait.ge [sflag:s14], $0x80  }
0xc3: {  	[sflag:s14] =	ssyncset.done $0x0  }
0xc4: {  	[sflag:s14] =	ssyncadd.s32 $0xFFFFFF80  }
0xc5: {  	_ =	swait.ge [sflag:s14], $0x80  }
0xc6: {  	[sflag:s14] =	ssyncset.done $0x0  }
0xc7: {  	[sflag:s14] =	ssyncadd.s32 $0xFFFFFF80  }
0xc8: {  	_ =	swait.ge [sflag:s14], $0x80  }
0xc9: {  	[sflag:s14] =	ssyncset.done $0x0  }
0xca: {  	[sflag:s14] =	ssyncadd.s32 $0xFFFFFF80  }
0xcb: {  	_ =	swait.ge [sflag:s14], $0x80  }
0xcc: {  	[sflag:s14] =	ssyncset.done $0x0  }
0xcd: {  	[sflag:s14] =	ssyncadd.s32 $0xFFFFFF80  }
0xce: {  	_ =	swait.ge [sflag:s14], $0x80  }
0xcf: {  	[sflag:s14] =	ssyncset.done $0x0  }
0xd0: {  	[sflag:s14] =	ssyncadd.s32 $0xFFFFFF80  }
0xd1: {  	_ =	swait.ge [sflag:s14], $0x80  }
0xd2: {  	[sflag:s14] =	ssyncset.done $0x0  }
0xd3: {  	[sflag:s14] =	ssyncadd.s32 $0xFFFFFF80  }
0xd4: {  	_ =	swait.ge [sflag:s14], $0x80  }
0xd5: {  	[sflag:s14] =	ssyncset.done $0x0  }
0xd6: {  	[sflag:s14] =	ssyncadd.s32 $0xFFFFFF80  }
0xd7: {  	_ =	swait.ge [sflag:s14], $0x80  }
0xd8: {  	[sflag:s14] =	ssyncset.done $0x0  }
0xd9: {  	[sflag:s14] =	ssyncadd.s32 $0xFFFFFF80  }
0xda: {  	_ =	swait.ge [sflag:s14], $0x80  }
0xdb: {  	[sflag:s14] =	ssyncset.done $0x0  }
0xdc: {  	[sflag:s14] =	ssyncadd.s32 $0xFFFFFF80  }
0xdd: {  	_ =	swait.ge [sflag:s14], $0x80  }
0xde: {  	[sflag:s14] =	ssyncset.done $0x0  }
0xdf: {  	[sflag:s14] =	ssyncadd.s32 $0xFFFFFF80  }
0xe0: {  	_ =	swait.ge [sflag:s14], $0x80  }
0xe1: {  	[sflag:s14] =	ssyncset.done $0x0  }
0xe2: {  	[sflag:s14] =	ssyncadd.s32 $0xFFFFFF80  }
0xe3: {  	_ =	swait.ge [sflag:s14], $0x80  }
0xe4: {  	[sflag:s14] =	ssyncset.done $0x0  }
0xe5: {  	[sflag:s14] =	ssyncadd.s32 $0xFFFFFF80  }
0xe6: {  	_ =	swait.ge [sflag:s14], $0x80  }
0xe7: {  	[sflag:s14] =	ssyncset.done $0x0  }
0xe8: {  	[sflag:s14] =	ssyncadd.s32 $0xFFFFFF80  }
.Ltmp0:
0xe9: {  	_ =	swait.ge [sflag:s14], $0x80;
	(pc) =	sbr.rel @p0 .LBB2_2-.Ltmp0, $4  }
0xea: {  	[sflag:s14] =	ssyncset.done $0x0  }
0xeb: {  	[sflag:s14] =	ssyncadd.s32 $0xFFFFFF80  }
0xec: {  	_ =	swait.ge [sflag:s14], $0x80  }
0xed: {  	[sflag:s14] =	ssyncset.done $0x0  }
0xee: {  	[sflag:s14] =	ssyncadd.s32 $0xFFFFFF80  }
0xef: {  	[bflag:$0x0] =	sbarrier.arrive $0xFFFF  }
0xf0: {  	[tilespmem:s9], [sflag:$0x3] =	stream.linear.gather [spmem:s4], $0x280, $0x38;
	[tilespmem:$0x1580] =	vst v63  }
0xf1: {  	s15 =	sadd.s32 $0x1, s15;
	_ =	swait.ge [sflag:s10], $0x280  }
0xf2: {  	p0 =	sne.s32 s15, s7;
	[sflag:s10] =	ssyncset.done $0x0  }
.Ltmp1:
0xf3: {  	[sflag:s10] =	ssyncadd.s32 $0xFFFFFD80;
	(pc) =	sbr.rel @p0 .LBB2_1-.Ltmp1, $4  }
0xf4: {  	[hbm4b:s6+s3] =	stream.linear.scatter [tilespmem:s9], [sflag:$0x3], $0x280, $0x38;
	[tilespmem:$0x1580] =	vst v63  }
0xf5: {  	_ =	swait.ge [sflag:s10], $0x280  }
0xf6: {  	[sflag:s10] =	ssyncset.done $0x0  }
0xf7: {  	[sflag:s10] =	ssyncadd.s32 $0xFFFFFD80  }
0xf8: {  	_ =	sfence.sel $0x180000  }
0xf9: {  	[bflag:$0x0] =	sbarrier.arrive $0xFFFF  }
0xfa: {  	p0 =	sne.s32 s1, $0x0;
	_ =	strace $0x90000047  }
0xfb: {  	s0 =	sadd.s32 @!p0 $0x100000, s0;
	[bflag:$0x2] =	sbarrier.arrive $0xFFFF  }
0xfc: {  	[sflag:s0] =	ssyncadd.tile.s32 @!p0 $0x1;
	_ =	shalt  }
.Lfunc_end2:
_tile_overlayer_lowered:
.L_overlay_start_2:
0xfd: {  	(tag) =	ssettag $0x2  }
0xfe: {  	s0 =	rddreg [dreg:$0x0];
	s2 =	stileid.u32  }
0xff: {  	s1 =	rddreg [dreg:$0x1];
	p0 =	sne.s32 s2, $0x0  }
0x100: {  	s3 =	rddreg [dreg:$0x2];
	[bflag:$0x3] =	sbarrier.arrive $0xFFFF;
	s2 =	simm.s32 @!p0 $0x1C03  }
0x101: {  	[timem:s3], [sflag:s2] =	dma.local @!p0 [hbm:s0], s1  }
0x102: {  	s0 =	simm.s32 @!p0 $0x3  }
0x103: {  	_ =	swait.ge @!p0 [sflag:s0], s1  }
0x104: {  	s1 =	ssub.s32 @!p0 $0x0, s1;
	[sflag:s0] =	ssyncset.done @!p0 $0x0  }
0x105: {  	[sflag:s0] =	ssyncadd.s32 @!p0 s1  }
0x106: {  	[bflag:$0x3] =	sbarrier.arrive $0xFFFF  }
0x107: {  	_ =	shalt  }

</sc_bundles>
